<compile_context>
chip_gen: v7x
topology: tpu7x:2x2x1
jax: 0.10.2.dev20260603
libtpu: 0.0.44.dev20260713+nightly
codegen_flags: <defaults>
</compile_context>

<pallas_src>
import functools

import jax
import jax.numpy as jnp
from jax import lax
from jax.experimental import pallas as pl
from jax.experimental.pallas import tpu as pltpu
from jax.experimental.pallas import tpu_sc as plsc

N = 100000
E = 1600000
NGRAPH = 32
SLOPE = 0.01

NC, NS, LANES = 2, 16, 16
CH = 80
NCHUNK = E // CH
CPT = NCHUNK // NS
HALF = 50048
N_PAD = NC * HALF
ACC_ROWS = 50176
ZR = ACC_ROWS // NS
DR = HALF // NS

R = 4000
NB = N // R


def _leaky(v):
    return jnp.where(v >= 0, v, SLOPE * v)


@functools.lru_cache(None)
def _make_agg(G):
    mesh = plsc.VectorSubcoreMesh(core_axis_name="c", subcore_axis_name="s",
                                  num_cores=NC, num_subcores=NS)
    out_type = [jax.ShapeDtypeStruct((N_PAD, LANES), jnp.float32)
                for _ in range(G)]
    scratch = [
        pltpu.VMEM((CH,), jnp.int32),
        pltpu.VMEM((CH,), jnp.int32),
        pltpu.VMEM((CH,), jnp.int32),
        pltpu.VMEM((CH,), jnp.float32),
        pltpu.VMEM((CH, LANES), jnp.float32),
        pltpu.VMEM((ZR, LANES), jnp.float32),
        pltpu.VMEM_SHARED((ACC_ROWS, LANES), jnp.float32),
        pltpu.SemaphoreType.DMA,
    ]

    def body(*refs):
        h_refs = refs[:G]
        src2, dst2, ew2 = refs[G:G + 3]
        outs = refs[G + 3:G + 3 + G]
        src_v, dst_v, loc_v, ew_v, rows_v, zbuf, acc, gsem = refs[G + 3 + G:]

        c = lax.axis_index("c")
        s = lax.axis_index("s")
        lo = c * HALF
        chunk0 = s * CPT

        def zfill(i, _):
            zbuf[i, :] = jnp.zeros((LANES,), jnp.float32)
            return 0
        lax.fori_loop(0, ZR, zfill, 0)

        for g in range(G):
            pltpu.sync_copy(zbuf, acc.at[pl.ds(s * ZR, ZR)])
            plsc.subcore_barrier()

            h_ref = h_refs[g]
            out_ref = outs[g]

            def chunk_body(j, _):
                ch = chunk0 + j
                pltpu.sync_copy(src2.at[ch], src_v)
                pltpu.sync_copy(dst2.at[ch], dst_v)
                pltpu.sync_copy(ew2.at[ch], ew_v)
                pltpu.async_copy(h_ref.at[src_v], rows_v, gsem).wait()

                def scale(q, _):
                    sl = pl.ds(q * LANES, LANES)
                    dv = dst_v[sl] - lo
                    ok = (dv >= 0) & (dv < HALF)
                    loc_v[sl] = jnp.where(ok, dv, HALF)
                    ewv = ew_v[sl]
                    for jj in range(LANES):
                        i = q * LANES + jj
                        rows_v[i, :] = rows_v[i, :] * ewv[jj]
                    return 0
                lax.fori_loop(0, CH // LANES, scale, 0)
                pltpu.sync_copy(rows_v, acc.at[loc_v], add=True)
                return 0
            lax.fori_loop(0, CPT, chunk_body, 0)
            plsc.subcore_barrier()

            r = s * DR
            pltpu.sync_copy(acc.at[pl.ds(r, DR)], zbuf.at[pl.ds(0, DR)])
            pltpu.sync_copy(zbuf.at[pl.ds(0, DR)],
                            out_ref.at[pl.ds(lo + r, DR)])
            if g + 1 < G:
                def zfill2(i, _):
                    zbuf[i, :] = jnp.zeros((LANES,), jnp.float32)
                    return 0
                lax.fori_loop(0, DR, zfill2, 0)
                plsc.subcore_barrier()

    return pl.kernel(body, out_type=out_type, mesh=mesh,
                     scratch_types=scratch,
                     compiler_params=pltpu.CompilerParams(
                         use_tc_tiling_on_sc=False))


def _mid_body(G_in, G_out, *refs):
    p_refs = refs[:G_in]
    w_ref, b_ref = refs[G_in], refs[G_in + 1]
    out_refs = refs[G_in + 2:]
    parts = [p_refs[g][...] for g in range(G_in)]
    h = jnp.concatenate(parts, axis=-1) if G_in > 1 else parts[0]
    z = _leaky(jnp.dot(h, w_ref[...], preferred_element_type=jnp.float32)
               + b_ref[...])
    for g in range(G_out):
        out_refs[g][...] = z[:, g * 16:(g + 1) * 16]


def _mid(ps, wT, b2d, G_in, G_out):
    return pl.pallas_call(
        functools.partial(_mid_body, G_in, G_out),
        grid=(NB,),
        in_specs=(
            [pl.BlockSpec((R, 16), lambda i: (i, 0))] * G_in
            + [pl.BlockSpec((16 * G_in, 16 * G_out), lambda i: (0, 0)),
               pl.BlockSpec((1, 16 * G_out), lambda i: (0, 0))]),
        out_specs=[pl.BlockSpec((R, 16), lambda i: (i, 0))] * G_out,
        out_shape=[jax.ShapeDtypeStruct((N, 16), jnp.float32)] * G_out,
    )(*ps, wT, b2d)


def _final_body(*refs):
    (p0, p1, p2, p3, w4, b4, batch_ref,
     wf1, bf1, wf2, bf2, wf3, bf3, out_ref, acc_ref) = refs
    i = pl.program_id(0)
    h = jnp.concatenate([p[...] for p in (p0, p1, p2, p3)], axis=-1)
    conv = _leaky(jnp.dot(h, w4[...], preferred_element_type=jnp.float32)
                  + b4[...])
    bn = _leaky(conv)
    seg = batch_ref[0, 0, :]
    one = (lax.broadcasted_iota(jnp.int32, (NGRAPH, R), 0)
           == seg[None, :]).astype(jnp.float32)
    part = jnp.dot(one, bn, preferred_element_type=jnp.float32)

    @pl.when(i == 0)
    def _():
        acc_ref[...] = part

    @pl.when(i > 0)
    def _():
        acc_ref[...] = acc_ref[...] + part

    @pl.when(i == NB - 1)
    def _():
        o = _leaky(jnp.dot(acc_ref[...], wf1[...],
                           preferred_element_type=jnp.float32) + bf1[...])
        o = _leaky(jnp.dot(o, wf2[...],
                           preferred_element_type=jnp.float32) + bf2[...])
        o = _leaky(jnp.dot(o, wf3[...],
                           preferred_element_type=jnp.float32) + bf3[...])
        out_ref[...] = o


def _final(ps, w4T, b4r, batch3, wf1T, bf1r, wf2T, bf2r, wf3T, bf3r):
    return pl.pallas_call(
        _final_body,
        grid=(NB,),
        in_specs=(
            [pl.BlockSpec((R, 16), lambda i: (i, 0))] * 4
            + [pl.BlockSpec((64, 50), lambda i: (0, 0)),
               pl.BlockSpec((1, 50), lambda i: (0, 0)),
               pl.BlockSpec((1, 1, R), lambda i: (i, 0, 0)),
               pl.BlockSpec((50, 30), lambda i: (0, 0)),
               pl.BlockSpec((1, 30), lambda i: (0, 0)),
               pl.BlockSpec((30, 20), lambda i: (0, 0)),
               pl.BlockSpec((1, 20), lambda i: (0, 0)),
               pl.BlockSpec((20, 2), lambda i: (0, 0)),
               pl.BlockSpec((1, 2), lambda i: (0, 0))]),
        out_specs=pl.BlockSpec((NGRAPH, 2), lambda i: (0, 0)),
        out_shape=jax.ShapeDtypeStruct((NGRAPH, 2), jnp.float32),
        scratch_shapes=[pltpu.VMEM((NGRAPH, 50), jnp.float32)],
    )(*ps, w4T, b4r, batch3, wf1T, bf1r, wf2T, bf2r, wf3T, bf3r)


def kernel(x, edge_index, edge_weigth, batch,
           W1, b1, W2, b2, W3, b3, W4, b4,
           Wf1, bf1, Wf2, bf2, Wf3, bf3):
    src2 = edge_index[0].astype(jnp.int32).reshape(NCHUNK, CH)
    dst2 = edge_index[1].astype(jnp.int32).reshape(NCHUNK, CH)
    ew2 = edge_weigth.reshape(NCHUNK, CH)
    xpad = jnp.pad(x, ((0, 0), (0, 16 - x.shape[1])))
    batch3 = batch.astype(jnp.int32).reshape(NB, 1, R)

    w1T = jnp.zeros((16, 16), jnp.float32).at[:6, :].set(W1.T)
    agg1 = _make_agg(1)
    agg2 = _make_agg(2)
    agg4 = _make_agg(4)

    p1 = agg1(xpad, src2, dst2, ew2)
    h1 = _mid(list(p1), w1T, b1.reshape(1, 16), 1, 1)[0]
    p2 = agg1(h1, src2, dst2, ew2)
    h2g = _mid(list(p2), W2.T, b2.reshape(1, 32), 1, 2)
    p3 = agg2(*h2g, src2, dst2, ew2)
    h3g = _mid(list(p3), W3.T, b3.reshape(1, 64), 2, 4)
    p4 = agg4(*h3g, src2, dst2, ew2)

    return _final(list(p4), W4.T, b4.reshape(1, 50), batch3,
                  Wf1.T, bf1.reshape(1, 30),
                  Wf2.T, bf2.reshape(1, 20),
                  Wf3.T, bf3.reshape(1, 2))

# --- scband reference (transcript-rebuilt; emitter-appended) ---
"""Pipeline reference for scband-eeggnn-23639499997343 (READ-ONLY COPY).

The authoritative reference and input builder live on the scoring server;
editing this copy changes nothing except your own understanding.
"""

import jax, jax.numpy as jnp
import numpy as np

N_NODES = 100000
N_EDGES = 1600000
N_GRAPHS = 32

def _leaky(v, slope=0.01):
    return jnp.where(v >= 0, v, slope * v)

def setup_inputs(seed: int = 0) -> dict:
    key = jax.random.key(seed)
    ks = [jax.random.fold_in(key, i) for i in range(32)]
    inp = {}
    inp['x'] = jax.random.normal(ks[0], (N_NODES, 6), dtype=jnp.float32)
    inp['edge_index'] = jax.random.randint(ks[1], (2, N_EDGES), 0, N_NODES, dtype=jnp.int64)
    inp['edge_weigth'] = jax.random.uniform(ks[2], (N_EDGES,), dtype=jnp.float32)
    inp['batch'] = jnp.sort(jax.random.randint(ks[3], (N_NODES,), 0, N_GRAPHS, dtype=jnp.int64))
    # GCNConv params (lin is bias-free; conv has additive bias), normalize=False
    dims = [(6, 16), (16, 32), (32, 64), (64, 50)]
    for i, (din, dout) in enumerate(dims):
        inp[f'W{i+1}'] = jax.random.normal(ks[4 + 2 * i], (dout, din), dtype=jnp.float32) * (1.0 / np.sqrt(din))
        inp[f'b{i+1}'] = jax.random.normal(ks[5 + 2 * i], (dout,), dtype=jnp.float32) * 0.01
    fdims = [(50, 30), (30, 20), (20, 2)]
    for i, (din, dout) in enumerate(fdims):
        inp[f'Wf{i+1}'] = jax.random.normal(ks[12 + 2 * i], (dout, din), dtype=jnp.float32) * (1.0 / np.sqrt(din))
        inp[f'bf{i+1}'] = jax.random.normal(ks[13 + 2 * i], (dout,), dtype=jnp.float32) * 0.01
    return inp

def _gcn_conv(h, edge_index, edge_weight, W, b):
    # GCNConv with normalize=False: no gcn_norm, no added self-loops
    h = h @ W.T
    src = edge_index[0]
    dst = edge_index[1]
    msg = edge_weight[:, None] * jnp.take(h, src, axis=0)
    agg = jax.ops.segment_sum(msg, dst, num_segments=N_NODES)
    return agg + b

def reference(x, edge_index, edge_weigth, batch, W1, b1, W2, b2, W3, b3, W4, b4, Wf1, bf1, Wf2, bf2, Wf3, bf3):
    h = _leaky(_gcn_conv(x, edge_index, edge_weigth, W1, b1))
    h = _leaky(_gcn_conv(h, edge_index, edge_weigth, W2, b2))
    h = _leaky(_gcn_conv(h, edge_index, edge_weigth, W3, b3))
    conv_out = _leaky(_gcn_conv(h, edge_index, edge_weigth, W4, b4))
    bn_out = _leaky(conv_out)  # module applies leaky_relu again (batch_norm not invoked)
    pooled = jax.ops.segment_sum(bn_out, batch, num_segments=N_GRAPHS)  # global_add_pool
    out = _leaky(pooled @ Wf1.T + bf1)
    # dropout p=0.2 is identity at inference (training=False)
    out = _leaky(out @ Wf2.T + bf2)
    out = _leaky(out @ Wf3.T + bf3)
    return out

if __name__ == "__main__":
    import jax
    _d = setup_inputs()
    print(jax.jit(kernel)(*tuple(_d.values())))

</pallas_src>

<mosaic_0001>
#map = affine_map<(d0, d1) -> (0, 0)>
module attributes {stable_mosaic.version = 14 : i64} {
  func.func @body(%arg0: i32, %arg1: i32, %arg2: memref<100000x16xf32, #tpu.memory_space<hbm>>, %arg3: memref<20000x80xi32, #tpu.memory_space<hbm>>, %arg4: memref<20000x80xi32, #tpu.memory_space<hbm>>, %arg5: memref<20000x80xf32, #tpu.memory_space<hbm>>, %arg6: memref<100096x16xf32, #tpu.memory_space<hbm>>, %arg7: memref<80xi32, #tpu.memory_space<vmem>>, %arg8: memref<80xi32, #tpu.memory_space<vmem>>, %arg9: memref<80xi32, #tpu.memory_space<vmem>>, %arg10: memref<80xf32, #tpu.memory_space<vmem>>, %arg11: memref<80x16xf32, #tpu.memory_space<vmem>>, %arg12: memref<3136x16xf32, #tpu.memory_space<vmem>>, %arg13: memref<50176x16xf32, #tpu.memory_space<vmem_shared>>, %arg14: memref<!tpu.dma_semaphore, #tpu.memory_space<semaphore_mem>>) attributes {dimension_semantics = [#tpu.dimension_semantics<core_parallel>, #tpu.dimension_semantics<subcore_parallel>], iteration_bounds = array<i64: 2, 16>, scalar_prefetch = 0 : i64, scratch_operands = 8 : i64, tpu.core_type = #tpu.core_type<sc_vector_subcore>, window_params = [{transform_indices = #map}, {transform_indices = #map}, {transform_indices = #map}, {transform_indices = #map}, {transform_indices = #map}]} {
    %mul3A = arith.constant 50048 : i32
    %mul3A_0 = arith.muli %arg0, %mul3A : i32
    %mul3A_1 = arith.constant 1250 : i32
    %mul3A_2 = arith.muli %arg1, %mul3A_1 : i32
    %scan3A = arith.constant 0 : i32
    %scan3A_3 = arith.constant 0 : i32
    %scan3A_4 = arith.constant 3136 : i32
    %scan3A_5 = arith.addi %scan3A_3, %scan3A_4 : i32
    %scan3A_6 = arith.constant 1 : i32
    %scan3A_7 = scf.for %scan3A_21 = %scan3A_3 to %scan3A_5 step %scan3A_6 iter_args(%scan3A_22 = %scan3A) -> (i32)  : i32 {
      %broadcast_in_dim3A = arith.constant 0.000000e+00 : f32
      %broadcast_in_dim3A_23 = vector.broadcast %broadcast_in_dim3A : f32 to vector<16xf32>
      %swap3A = arith.index_cast %scan3A_21 : i32 to index
      %swap3A_24 = arith.constant 0 : index
      %swap3A_25 = tpu.vector_load %arg12[%swap3A, %swap3A_24] {strides = array<i32>} : memref<3136x16xf32, #tpu.memory_space<vmem>>, vector<1x16xf32>,
      %swap3A_26 = vector.shape_cast %swap3A_25 : vector<1x16xf32> to vector<16xf32>
      %swap3A_27 = vector.shape_cast %broadcast_in_dim3A_23 : vector<16xf32> to vector<1x16xf32>
      tpu.vector_store %arg12[%swap3A, %swap3A_24], %swap3A_27 {strides = array<i32>} : memref<3136x16xf32, #tpu.memory_space<vmem>>, vector<1x16xf32>,
      %scan3A_28 = arith.constant 0 : i32
      scf.yield %scan3A_28 : i32
    }
    %scan3A_8 = arith.constant 3136 : i32
    %mul3A_9 = arith.constant 3136 : i32
    %mul3A_10 = arith.muli %arg1, %mul3A_9 : i32
    "tpu.region"() ({
      %run_scoped3A = tpu.sem_alloc : memref<!tpu.dma_semaphore, #tpu.memory_space<semaphore_mem>>
      %dma_start3A = arith.constant 0 : i32
      %dma_start3A_21 = tpu.memref_slice %arg13[%mul3A_10, %dma_start3A] : memref<50176x16xf32, #tpu.memory_space<vmem_shared>> -> memref<3136x16xf32, #tpu.memory_space<vmem_shared>>
      %dma_start3A_22 = arith.constant 0 : i32
      %dma_start3A_23 = tpu.memref_slice %arg13[%mul3A_10, %dma_start3A_22] : memref<50176x16xf32, #tpu.memory_space<vmem_shared>> -> memref<3136x16xf32, #tpu.memory_space<vmem_shared>>
      tpu.enqueue_dma source(%arg12 : memref<3136x16xf32, #tpu.memory_space<vmem>>) target(%dma_start3A_23 : memref<3136x16xf32, #tpu.memory_space<vmem_shared>>) target_semaphore(%run_scoped3A : memref<!tpu.dma_semaphore, #tpu.memory_space<semaphore_mem>>)
      %dma_wait3A = arith.constant 0 : i32
      %dma_wait3A_24 = tpu.memref_slice %arg13[%mul3A_10, %dma_wait3A] : memref<50176x16xf32, #tpu.memory_space<vmem_shared>> -> memref<3136x16xf32, #tpu.memory_space<vmem_shared>>
      %dma_wait3A_25 = arith.constant 0 : i32
      %dma_wait3A_26 = tpu.memref_slice %arg13[%mul3A_10, %dma_wait3A_25] : memref<50176x16xf32, #tpu.memory_space<vmem_shared>> -> memref<3136x16xf32, #tpu.memory_space<vmem_shared>>
      tpu.wait_dma2 semaphore(%run_scoped3A : memref<!tpu.dma_semaphore, #tpu.memory_space<semaphore_mem>>) src(%arg12 : memref<3136x16xf32, #tpu.memory_space<vmem>>) dst(%dma_wait3A_26 : memref<3136x16xf32, #tpu.memory_space<vmem_shared>>)
      tpu.yield
    }) : () -> ()
    %barrier3A = arith.constant 0 : index
    tpu.barrier barrier_id(%barrier3A)
    %scan3A_11 = arith.constant 0 : i32
    %scan3A_12 = arith.constant 0 : i32
    %scan3A_13 = arith.constant 1250 : i32
    %scan3A_14 = arith.addi %scan3A_12, %scan3A_13 : i32
    %scan3A_15 = arith.constant 1 : i32
    %scan3A_16 = scf.for %scan3A_21 = %scan3A_12 to %scan3A_14 step %scan3A_15 iter_args(%scan3A_22 = %scan3A_11) -> (i32)  : i32 {
      %add3A_23 = arith.addi %mul3A_2, %scan3A_21 : i32
      "tpu.region"() ({
        %run_scoped3A = tpu.sem_alloc : memref<!tpu.dma_semaphore, #tpu.memory_space<semaphore_mem>>
        %dma_start3A_36 = arith.constant 0 : i32
        %dma_start3A_37 = tpu.memref_slice %arg3[%add3A_23, %dma_start3A_36] : memref<20000x80xi32, #tpu.memory_space<hbm>> -> memref<1x80xi32, #tpu.memory_space<hbm>>
        %dma_start3A_38 = tpu.memref_squeeze %dma_start3A_37 : memref<1x80xi32, #tpu.memory_space<hbm>> -> memref<80xi32, #tpu.memory_space<hbm>>
        %dma_start3A_39 = arith.constant 0 : i32
        %dma_start3A_40 = tpu.memref_slice %arg3[%add3A_23, %dma_start3A_39] : memref<20000x80xi32, #tpu.memory_space<hbm>> -> memref<1x80xi32, #tpu.memory_space<hbm>>
        %dma_start3A_41 = tpu.memref_squeeze %dma_start3A_40 : memref<1x80xi32, #tpu.memory_space<hbm>> -> memref<80xi32, #tpu.memory_space<hbm>>
        tpu.enqueue_dma source(%dma_start3A_41 : memref<80xi32, #tpu.memory_space<hbm>>) target(%arg7 : memref<80xi32, #tpu.memory_space<vmem>>) target_semaphore(%run_scoped3A : memref<!tpu.dma_semaphore, #tpu.memory_space<semaphore_mem>>)
        %dma_wait3A_42 = arith.constant 0 : i32
        %dma_wait3A_43 = tpu.memref_slice %arg3[%add3A_23, %dma_wait3A_42] : memref<20000x80xi32, #tpu.memory_space<hbm>> -> memref<1x80xi32, #tpu.memory_space<hbm>>
        %dma_wait3A_44 = tpu.memref_squeeze %dma_wait3A_43 : memref<1x80xi32, #tpu.memory_space<hbm>> -> memref<80xi32, #tpu.memory_space<hbm>>
        %dma_wait3A_45 = arith.constant 0 : i32
        %dma_wait3A_46 = tpu.memref_slice %arg3[%add3A_23, %dma_wait3A_45] : memref<20000x80xi32, #tpu.memory_space<hbm>> -> memref<1x80xi32, #tpu.memory_space<hbm>>
        %dma_wait3A_47 = tpu.memref_squeeze %dma_wait3A_46 : memref<1x80xi32, #tpu.memory_space<hbm>> -> memref<80xi32, #tpu.memory_space<hbm>>
        tpu.wait_dma2 semaphore(%run_scoped3A : memref<!tpu.dma_semaphore, #tpu.memory_space<semaphore_mem>>) src(%dma_wait3A_47 : memref<80xi32, #tpu.memory_space<hbm>>) dst(%arg7 : memref<80xi32, #tpu.memory_space<vmem>>)
        tpu.yield
      }) : () -> ()
      "tpu.region"() ({
        %run_scoped3A = tpu.sem_alloc : memref<!tpu.dma_semaphore, #tpu.memory_space<semaphore_mem>>
        %dma_start3A_36 = arith.constant 0 : i32
        %dma_start3A_37 = tpu.memref_slice %arg4[%add3A_23, %dma_start3A_36] : memref<20000x80xi32, #tpu.memory_space<hbm>> -> memref<1x80xi32, #tpu.memory_space<hbm>>
        %dma_start3A_38 = tpu.memref_squeeze %dma_start3A_37 : memref<1x80xi32, #tpu.memory_space<hbm>> -> memref<80xi32, #tpu.memory_space<hbm>>
        %dma_start3A_39 = arith.constant 0 : i32
        %dma_start3A_40 = tpu.memref_slice %arg4[%add3A_23, %dma_start3A_39] : memref<20000x80xi32, #tpu.memory_space<hbm>> -> memref<1x80xi32, #tpu.memory_space<hbm>>
        %dma_start3A_41 = tpu.memref_squeeze %dma_start3A_40 : memref<1x80xi32, #tpu.memory_space<hbm>> -> memref<80xi32, #tpu.memory_space<hbm>>
        tpu.enqueue_dma source(%dma_start3A_41 : memref<80xi32, #tpu.memory_space<hbm>>) target(%arg8 : memref<80xi32, #tpu.memory_space<vmem>>) target_semaphore(%run_scoped3A : memref<!tpu.dma_semaphore, #tpu.memory_space<semaphore_mem>>)
        %dma_wait3A_42 = arith.constant 0 : i32
        %dma_wait3A_43 = tpu.memref_slice %arg4[%add3A_23, %dma_wait3A_42] : memref<20000x80xi32, #tpu.memory_space<hbm>> -> memref<1x80xi32, #tpu.memory_space<hbm>>
        %dma_wait3A_44 = tpu.memref_squeeze %dma_wait3A_43 : memref<1x80xi32, #tpu.memory_space<hbm>> -> memref<80xi32, #tpu.memory_space<hbm>>
        %dma_wait3A_45 = arith.constant 0 : i32
        %dma_wait3A_46 = tpu.memref_slice %arg4[%add3A_23, %dma_wait3A_45] : memref<20000x80xi32, #tpu.memory_space<hbm>> -> memref<1x80xi32, #tpu.memory_space<hbm>>
        %dma_wait3A_47 = tpu.memref_squeeze %dma_wait3A_46 : memref<1x80xi32, #tpu.memory_space<hbm>> -> memref<80xi32, #tpu.memory_space<hbm>>
        tpu.wait_dma2 semaphore(%run_scoped3A : memref<!tpu.dma_semaphore, #tpu.memory_space<semaphore_mem>>) src(%dma_wait3A_47 : memref<80xi32, #tpu.memory_space<hbm>>) dst(%arg8 : memref<80xi32, #tpu.memory_space<vmem>>)
        tpu.yield
      }) : () -> ()
      "tpu.region"() ({
        %run_scoped3A = tpu.sem_alloc : memref<!tpu.dma_semaphore, #tpu.memory_space<semaphore_mem>>
        %dma_start3A_36 = arith.constant 0 : i32
        %dma_start3A_37 = tpu.memref_slice %arg5[%add3A_23, %dma_start3A_36] : memref<20000x80xf32, #tpu.memory_space<hbm>> -> memref<1x80xf32, #tpu.memory_space<hbm>>
        %dma_start3A_38 = tpu.memref_squeeze %dma_start3A_37 : memref<1x80xf32, #tpu.memory_space<hbm>> -> memref<80xf32, #tpu.memory_space<hbm>>
        %dma_start3A_39 = arith.constant 0 : i32
        %dma_start3A_40 = tpu.memref_slice %arg5[%add3A_23, %dma_start3A_39] : memref<20000x80xf32, #tpu.memory_space<hbm>> -> memref<1x80xf32, #tpu.memory_space<hbm>>
        %dma_start3A_41 = tpu.memref_squeeze %dma_start3A_40 : memref<1x80xf32, #tpu.memory_space<hbm>> -> memref<80xf32, #tpu.memory_space<hbm>>
        tpu.enqueue_dma source(%dma_start3A_41 : memref<80xf32, #tpu.memory_space<hbm>>) target(%arg10 : memref<80xf32, #tpu.memory_space<vmem>>) target_semaphore(%run_scoped3A : memref<!tpu.dma_semaphore, #tpu.memory_space<semaphore_mem>>)
        %dma_wait3A_42 = arith.constant 0 : i32
        %dma_wait3A_43 = tpu.memref_slice %arg5[%add3A_23, %dma_wait3A_42] : memref<20000x80xf32, #tpu.memory_space<hbm>> -> memref<1x80xf32, #tpu.memory_space<hbm>>
        %dma_wait3A_44 = tpu.memref_squeeze %dma_wait3A_43 : memref<1x80xf32, #tpu.memory_space<hbm>> -> memref<80xf32, #tpu.memory_space<hbm>>
        %dma_wait3A_45 = arith.constant 0 : i32
        %dma_wait3A_46 = tpu.memref_slice %arg5[%add3A_23, %dma_wait3A_45] : memref<20000x80xf32, #tpu.memory_space<hbm>> -> memref<1x80xf32, #tpu.memory_space<hbm>>
        %dma_wait3A_47 = tpu.memref_squeeze %dma_wait3A_46 : memref<1x80xf32, #tpu.memory_space<hbm>> -> memref<80xf32, #tpu.memory_space<hbm>>
        tpu.wait_dma2 semaphore(%run_scoped3A : memref<!tpu.dma_semaphore, #tpu.memory_space<semaphore_mem>>) src(%dma_wait3A_47 : memref<80xf32, #tpu.memory_space<hbm>>) dst(%arg10 : memref<80xf32, #tpu.memory_space<vmem>>)
        tpu.yield
      }) : () -> ()
      %dma_start3A = arith.constant 0 : i32
      %dma_start3A_24 = arith.constant 0 : i32
      %dma_start3A_25 = tpu.memref_slice %arg2[%dma_start3A, %dma_start3A_24] : memref<100000x16xf32, #tpu.memory_space<hbm>> -> memref<100000x16xf32, #tpu.memory_space<hbm>>
      tpu.enqueue_indirect_dma source(%dma_start3A_25 : memref<100000x16xf32, #tpu.memory_space<hbm>>) target(%arg11 : memref<80x16xf32, #tpu.memory_space<vmem>>) offsets(%arg7 : memref<80xi32, #tpu.memory_space<vmem>>) semaphore(%arg14 : memref<!tpu.dma_semaphore, #tpu.memory_space<semaphore_mem>>)
      %dma_wait3A = arith.constant 0 : i32
      %dma_wait3A_26 = arith.constant 0 : i32
      %dma_wait3A_27 = tpu.memref_slice %arg2[%dma_wait3A, %dma_wait3A_26] : memref<100000x16xf32, #tpu.memory_space<hbm>> -> memref<100000x16xf32, #tpu.memory_space<hbm>>
      tpu.wait_indirect_dma semaphore(%arg14 : memref<!tpu.dma_semaphore, #tpu.memory_space<semaphore_mem>>) src(%dma_wait3A_27 : memref<100000x16xf32, #tpu.memory_space<hbm>>) dst(%arg11 : memref<80x16xf32, #tpu.memory_space<vmem>>)
      %scan3A_28 = arith.constant 0 : i32
      %scan3A_29 = arith.constant 0 : i32
      %scan3A_30 = arith.constant 5 : i32
      %scan3A_31 = arith.addi %scan3A_29, %scan3A_30 : i32
      %scan3A_32 = arith.constant 1 : i32
      %scan3A_33 = scf.for %scan3A_36 = %scan3A_29 to %scan3A_31 step %scan3A_32 iter_args(%scan3A_37 = %scan3A_28) -> (i32)  : i32 {
        %mul3A_38 = arith.constant 16 : i32
        %mul3A_39 = arith.muli %scan3A_36, %mul3A_38 : i32
        %get3A = arith.index_cast %mul3A_39 : i32 to index
        %get3A_40 = tpu.vector_load %arg8[%get3A] {strides = array<i32>} : memref<80xi32, #tpu.memory_space<vmem>>, vector<16xi32>,
        %get3A_41 = vector.shape_cast %get3A_40 : vector<16xi32> to vector<16xi32>
        %sub3A = vector.broadcast %mul3A_0 : i32 to vector<16xi32>
        %sub3A_42 = arith.subi %get3A_41, %sub3A : vector<16xi32>
        %ge3A = arith.constant 0 : i32
        %ge3A_43 = vector.broadcast %ge3A : i32 to vector<16xi32>
        %ge3A_44 = arith.cmpi sge, %sub3A_42, %ge3A_43 : vector<16xi32>
        %lt3A = arith.constant 50048 : i32
        %lt3A_45 = vector.broadcast %lt3A : i32 to vector<16xi32>
        %lt3A_46 = arith.cmpi slt, %sub3A_42, %lt3A_45 : vector<16xi32>
        %and3A = arith.andi %ge3A_44, %lt3A_46 : vector<16xi1>
        %jit3A = arith.constant 50048 : i32
        %broadcast_in_dim3A = vector.broadcast %jit3A : i32 to vector<16xi32>
        %select_n3A = arith.select %and3A, %sub3A_42, %broadcast_in_dim3A : vector<16xi1>, vector<16xi32>
        %swap3A = arith.index_cast %mul3A_39 : i32 to index
        %swap3A_47 = tpu.vector_load %arg9[%swap3A] {strides = array<i32>} : memref<80xi32, #tpu.memory_space<vmem>>, vector<16xi32>,
        %swap3A_48 = vector.shape_cast %swap3A_47 : vector<16xi32> to vector<16xi32>
        %swap3A_49 = vector.shape_cast %select_n3A : vector<16xi32> to vector<16xi32>
        tpu.vector_store %arg9[%swap3A], %swap3A_49 {strides = array<i32>} : memref<80xi32, #tpu.memory_space<vmem>>, vector<16xi32>,
        %get3A_50 = arith.index_cast %mul3A_39 : i32 to index
        %get3A_51 = tpu.vector_load %arg10[%get3A_50] {strides = array<i32>} : memref<80xf32, #tpu.memory_space<vmem>>, vector<16xf32>,
        %get3A_52 = vector.shape_cast %get3A_51 : vector<16xf32> to vector<16xf32>
        %mul3A_53 = arith.constant 16 : i32
        %mul3A_54 = arith.muli %scan3A_36, %mul3A_53 : i32
        %add3A_55 = arith.constant 0 : i32
        %add3A_56 = arith.addi %mul3A_54, %add3A_55 : i32
        %get3A_57 = arith.index_cast %add3A_56 : i32 to index
        %get3A_58 = arith.constant 0 : index
        %get3A_59 = tpu.vector_load %arg11[%get3A_57, %get3A_58] {strides = array<i32>} : memref<80x16xf32, #tpu.memory_space<vmem>>, vector<1x16xf32>,
        %get3A_60 = vector.shape_cast %get3A_59 : vector<1x16xf32> to vector<16xf32>
        %slice3A = vector.extract_strided_slice %get3A_52 {offsets = [0], sizes = [1], strides = [1]} : vector<16xf32> to vector<1xf32>
        %squeeze3A = vector.extract %slice3A[0] : f32 from vector<1xf32>
        %mul3A_61 = vector.broadcast %squeeze3A : f32 to vector<16xf32>
        %mul3A_62 = arith.mulf %get3A_60, %mul3A_61 : vector<16xf32>
        %swap3A_63 = arith.index_cast %add3A_56 : i32 to index
        %swap3A_64 = arith.constant 0 : index
        %swap3A_65 = tpu.vector_load %arg11[%swap3A_63, %swap3A_64] {strides = array<i32>} : memref<80x16xf32, #tpu.memory_space<vmem>>, vector<1x16xf32>,
        %swap3A_66 = vector.shape_cast %swap3A_65 : vector<1x16xf32> to vector<16xf32>
        %swap3A_67 = vector.shape_cast %mul3A_62 : vector<16xf32> to vector<1x16xf32>
        tpu.vector_store %arg11[%swap3A_63, %swap3A_64], %swap3A_67 {strides = array<i32>} : memref<80x16xf32, #tpu.memory_space<vmem>>, vector<1x16xf32>,
        %mul3A_68 = arith.constant 16 : i32
        %mul3A_69 = arith.muli %scan3A_36, %mul3A_68 : i32
        %add3A_70 = arith.constant 1 : i32
        %add3A_71 = arith.addi %mul3A_69, %add3A_70 : i32
        %get3A_72 = arith.index_cast %add3A_71 : i32 to index
        %get3A_73 = arith.constant 0 : index
        %get3A_74 = tpu.vector_load %arg11[%get3A_72, %get3A_73] {strides = array<i32>} : memref<80x16xf32, #tpu.memory_space<vmem>>, vector<1x16xf32>,
        %get3A_75 = vector.shape_cast %get3A_74 : vector<1x16xf32> to vector<16xf32>
        %slice3A_76 = vector.extract_strided_slice %get3A_52 {offsets = [1], sizes = [1], strides = [1]} : vector<16xf32> to vector<1xf32>
        %squeeze3A_77 = vector.extract %slice3A_76[0] : f32 from vector<1xf32>
        %mul3A_78 = vector.broadcast %squeeze3A_77 : f32 to vector<16xf32>
        %mul3A_79 = arith.mulf %get3A_75, %mul3A_78 : vector<16xf32>
        %swap3A_80 = arith.index_cast %add3A_71 : i32 to index
        %swap3A_81 = arith.constant 0 : index
        %swap3A_82 = tpu.vector_load %arg11[%swap3A_80, %swap3A_81] {strides = array<i32>} : memref<80x16xf32, #tpu.memory_space<vmem>>, vector<1x16xf32>,
        %swap3A_83 = vector.shape_cast %swap3A_82 : vector<1x16xf32> to vector<16xf32>
        %swap3A_84 = vector.shape_cast %mul3A_79 : vector<16xf32> to vector<1x16xf32>
        tpu.vector_store %arg11[%swap3A_80, %swap3A_81], %swap3A_84 {strides = array<i32>} : memref<80x16xf32, #tpu.memory_space<vmem>>, vector<1x16xf32>,
        %mul3A_85 = arith.constant 16 : i32
        %mul3A_86 = arith.muli %scan3A_36, %mul3A_85 : i32
        %add3A_87 = arith.constant 2 : i32
        %add3A_88 = arith.addi %mul3A_86, %add3A_87 : i32
        %get3A_89 = arith.index_cast %add3A_88 : i32 to index
        %get3A_90 = arith.constant 0 : index
        %get3A_91 = tpu.vector_load %arg11[%get3A_89, %get3A_90] {strides = array<i32>} : memref<80x16xf32, #tpu.memory_space<vmem>>, vector<1x16xf32>,
        %get3A_92 = vector.shape_cast %get3A_91 : vector<1x16xf32> to vector<16xf32>
        %slice3A_93 = vector.extract_strided_slice %get3A_52 {offsets = [2], sizes = [1], strides = [1]} : vector<16xf32> to vector<1xf32>
        %squeeze3A_94 = vector.extract %slice3A_93[0] : f32 from vector<1xf32>
        %mul3A_95 = vector.broadcast %squeeze3A_94 : f32 to vector<16xf32>
        %mul3A_96 = arith.mulf %get3A_92, %mul3A_95 : vector<16xf32>
        %swap3A_97 = arith.index_cast %add3A_88 : i32 to index
        %swap3A_98 = arith.constant 0 : index
        %swap3A_99 = tpu.vector_load %arg11[%swap3A_97, %swap3A_98] {strides = array<i32>} : memref<80x16xf32, #tpu.memory_space<vmem>>, vector<1x16xf32>,
        %swap3A_100 = vector.shape_cast %swap3A_99 : vector<1x16xf32> to vector<16xf32>
        %swap3A_101 = vector.shape_cast %mul3A_96 : vector<16xf32> to vector<1x16xf32>
        tpu.vector_store %arg11[%swap3A_97, %swap3A_98], %swap3A_101 {strides = array<i32>} : memref<80x16xf32, #tpu.memory_space<vmem>>, vector<1x16xf32>,
        %mul3A_102 = arith.constant 16 : i32
        %mul3A_103 = arith.muli %scan3A_36, %mul3A_102 : i32
        %add3A_104 = arith.constant 3 : i32
        %add3A_105 = arith.addi %mul3A_103, %add3A_104 : i32
        %get3A_106 = arith.index_cast %add3A_105 : i32 to index
        %get3A_107 = arith.constant 0 : index
        %get3A_108 = tpu.vector_load %arg11[%get3A_106, %get3A_107] {strides = array<i32>} : memref<80x16xf32, #tpu.memory_space<vmem>>, vector<1x16xf32>,
        %get3A_109 = vector.shape_cast %get3A_108 : vector<1x16xf32> to vector<16xf32>
        %slice3A_110 = vector.extract_strided_slice %get3A_52 {offsets = [3], sizes = [1], strides = [1]} : vector<16xf32> to vector<1xf32>
        %squeeze3A_111 = vector.extract %slice3A_110[0] : f32 from vector<1xf32>
        %mul3A_112 = vector.broadcast %squeeze3A_111 : f32 to vector<16xf32>
        %mul3A_113 = arith.mulf %get3A_109, %mul3A_112 : vector<16xf32>
        %swap3A_114 = arith.index_cast %add3A_105 : i32 to index
        %swap3A_115 = arith.constant 0 : index
        %swap3A_116 = tpu.vector_load %arg11[%swap3A_114, %swap3A_115] {strides = array<i32>} : memref<80x16xf32, #tpu.memory_space<vmem>>, vector<1x16xf32>,
        %swap3A_117 = vector.shape_cast %swap3A_116 : vector<1x16xf32> to vector<16xf32>
        %swap3A_118 = vector.shape_cast %mul3A_113 : vector<16xf32> to vector<1x16xf32>
        tpu.vector_store %arg11[%swap3A_114, %swap3A_115], %swap3A_118 {strides = array<i32>} : memref<80x16xf32, #tpu.memory_space<vmem>>, vector<1x16xf32>,
        %mul3A_119 = arith.constant 16 : i32
        %mul3A_120 = arith.muli %scan3A_36, %mul3A_119 : i32
        %add3A_121 = arith.constant 4 : i32
        %add3A_122 = arith.addi %mul3A_120, %add3A_121 : i32
        %get3A_123 = arith.index_cast %add3A_122 : i32 to index
        %get3A_124 = arith.constant 0 : index
        %get3A_125 = tpu.vector_load %arg11[%get3A_123, %get3A_124] {strides = array<i32>} : memref<80x16xf32, #tpu.memory_space<vmem>>, vector<1x16xf32>,
        %get3A_126 = vector.shape_cast %get3A_125 : vector<1x16xf32> to vector<16xf32>
        %slice3A_127 = vector.extract_strided_slice %get3A_52 {offsets = [4], sizes = [1], strides = [1]} : vector<16xf32> to vector<1xf32>
        %squeeze3A_128 = vector.extract %slice3A_127[0] : f32 from vector<1xf32>
        %mul3A_129 = vector.broadcast %squeeze3A_128 : f32 to vector<16xf32>
        %mul3A_130 = arith.mulf %get3A_126, %mul3A_129 : vector<16xf32>
        %swap3A_131 = arith.index_cast %add3A_122 : i32 to index
        %swap3A_132 = arith.constant 0 : index
        %swap3A_133 = tpu.vector_load %arg11[%swap3A_131, %swap3A_132] {strides = array<i32>} : memref<80x16xf32, #tpu.memory_space<vmem>>, vector<1x16xf32>,
        %swap3A_134 = vector.shape_cast %swap3A_133 : vector<1x16xf32> to vector<16xf32>
        %swap3A_135 = vector.shape_cast %mul3A_130 : vector<16xf32> to vector<1x16xf32>
        tpu.vector_store %arg11[%swap3A_131, %swap3A_132], %swap3A_135 {strides = array<i32>} : memref<80x16xf32, #tpu.memory_space<vmem>>, vector<1x16xf32>,
        %mul3A_136 = arith.constant 16 : i32
        %mul3A_137 = arith.muli %scan3A_36, %mul3A_136 : i32
        %add3A_138 = arith.constant 5 : i32
        %add3A_139 = arith.addi %mul3A_137, %add3A_138 : i32
        %get3A_140 = arith.index_cast %add3A_139 : i32 to index
        %get3A_141 = arith.constant 0 : index
        %get3A_142 = tpu.vector_load %arg11[%get3A_140, %get3A_141] {strides = array<i32>} : memref<80x16xf32, #tpu.memory_space<vmem>>, vector<1x16xf32>,
        %get3A_143 = vector.shape_cast %get3A_142 : vector<1x16xf32> to vector<16xf32>
        %slice3A_144 = vector.extract_strided_slice %get3A_52 {offsets = [5], sizes = [1], strides = [1]} : vector<16xf32> to vector<1xf32>
        %squeeze3A_145 = vector.extract %slice3A_144[0] : f32 from vector<1xf32>
        %mul3A_146 = vector.broadcast %squeeze3A_145 : f32 to vector<16xf32>
        %mul3A_147 = arith.mulf %get3A_143, %mul3A_146 : vector<16xf32>
        %swap3A_148 = arith.index_cast %add3A_139 : i32 to index
        %swap3A_149 = arith.constant 0 : index
        %swap3A_150 = tpu.vector_load %arg11[%swap3A_148, %swap3A_149] {strides = array<i32>} : memref<80x16xf32, #tpu.memory_space<vmem>>, vector<1x16xf32>,
        %swap3A_151 = vector.shape_cast %swap3A_150 : vector<1x16xf32> to vector<16xf32>
        %swap3A_152 = vector.shape_cast %mul3A_147 : vector<16xf32> to vector<1x16xf32>
        tpu.vector_store %arg11[%swap3A_148, %swap3A_149], %swap3A_152 {strides = array<i32>} : memref<80x16xf32, #tpu.memory_space<vmem>>, vector<1x16xf32>,
        %mul3A_153 = arith.constant 16 : i32
        %mul3A_154 = arith.muli %scan3A_36, %mul3A_153 : i32
        %add3A_155 = arith.constant 6 : i32
        %add3A_156 = arith.addi %mul3A_154, %add3A_155 : i32
        %get3A_157 = arith.index_cast %add3A_156 : i32 to index
        %get3A_158 = arith.constant 0 : index
        %get3A_159 = tpu.vector_load %arg11[%get3A_157, %get3A_158] {strides = array<i32>} : memref<80x16xf32, #tpu.memory_space<vmem>>, vector<1x16xf32>,
        %get3A_160 = vector.shape_cast %get3A_159 : vector<1x16xf32> to vector<16xf32>
        %slice3A_161 = vector.extract_strided_slice %get3A_52 {offsets = [6], sizes = [1], strides = [1]} : vector<16xf32> to vector<1xf32>
        %squeeze3A_162 = vector.extract %slice3A_161[0] : f32 from vector<1xf32>
        %mul3A_163 = vector.broadcast %squeeze3A_162 : f32 to vector<16xf32>
        %mul3A_164 = arith.mulf %get3A_160, %mul3A_163 : vector<16xf32>
        %swap3A_165 = arith.index_cast %add3A_156 : i32 to index
        %swap3A_166 = arith.constant 0 : index
        %swap3A_167 = tpu.vector_load %arg11[%swap3A_165, %swap3A_166] {strides = array<i32>} : memref<80x16xf32, #tpu.memory_space<vmem>>, vector<1x16xf32>,
        %swap3A_168 = vector.shape_cast %swap3A_167 : vector<1x16xf32> to vector<16xf32>
        %swap3A_169 = vector.shape_cast %mul3A_164 : vector<16xf32> to vector<1x16xf32>
        tpu.vector_store %arg11[%swap3A_165, %swap3A_166], %swap3A_169 {strides = array<i32>} : memref<80x16xf32, #tpu.memory_space<vmem>>, vector<1x16xf32>,
        %mul3A_170 = arith.constant 16 : i32
        %mul3A_171 = arith.muli %scan3A_36, %mul3A_170 : i32
        %add3A_172 = arith.constant 7 : i32
        %add3A_173 = arith.addi %mul3A_171, %add3A_172 : i32
        %get3A_174 = arith.index_cast %add3A_173 : i32 to index
        %get3A_175 = arith.constant 0 : index
        %get3A_176 = tpu.vector_load %arg11[%get3A_174, %get3A_175] {strides = array<i32>} : memref<80x16xf32, #tpu.memory_space<vmem>>, vector<1x16xf32>,
        %get3A_177 = vector.shape_cast %get3A_176 : vector<1x16xf32> to vector<16xf32>
        %slice3A_178 = vector.extract_strided_slice %get3A_52 {offsets = [7], sizes = [1], strides = [1]} : vector<16xf32> to vector<1xf32>
        %squeeze3A_179 = vector.extract %slice3A_178[0] : f32 from vector<1xf32>
        %mul3A_180 = vector.broadcast %squeeze3A_179 : f32 to vector<16xf32>
        %mul3A_181 = arith.mulf %get3A_177, %mul3A_180 : vector<16xf32>
        %swap3A_182 = arith.index_cast %add3A_173 : i32 to index
        %swap3A_183 = arith.constant 0 : index
        %swap3A_184 = tpu.vector_load %arg11[%swap3A_182, %swap3A_183] {strides = array<i32>} : memref<80x16xf32, #tpu.memory_space<vmem>>, vector<1x16xf32>,
        %swap3A_185 = vector.shape_cast %swap3A_184 : vector<1x16xf32> to vector<16xf32>
        %swap3A_186 = vector.shape_cast %mul3A_181 : vector<16xf32> to vector<1x16xf32>
        tpu.vector_store %arg11[%swap3A_182, %swap3A_183], %swap3A_186 {strides = array<i32>} : memref<80x16xf32, #tpu.memory_space<vmem>>, vector<1x16xf32>,
        %mul3A_187 = arith.constant 16 : i32
        %mul3A_188 = arith.muli %scan3A_36, %mul3A_187 : i32
        %add3A_189 = arith.constant 8 : i32
        %add3A_190 = arith.addi %mul3A_188, %add3A_189 : i32
        %get3A_191 = arith.index_cast %add3A_190 : i32 to index
        %get3A_192 = arith.constant 0 : index
        %get3A_193 = tpu.vector_load %arg11[%get3A_191, %get3A_192] {strides = array<i32>} : memref<80x16xf32, #tpu.memory_space<vmem>>, vector<1x16xf32>,
        %get3A_194 = vector.shape_cast %get3A_193 : vector<1x16xf32> to vector<16xf32>
        %slice3A_195 = vector.extract_strided_slice %get3A_52 {offsets = [8], sizes = [1], strides = [1]} : vector<16xf32> to vector<1xf32>
        %squeeze3A_196 = vector.extract %slice3A_195[0] : f32 from vector<1xf32>
        %mul3A_197 = vector.broadcast %squeeze3A_196 : f32 to vector<16xf32>
        %mul3A_198 = arith.mulf %get3A_194, %mul3A_197 : vector<16xf32>
        %swap3A_199 = arith.index_cast %add3A_190 : i32 to index
        %swap3A_200 = arith.constant 0 : index
        %swap3A_201 = tpu.vector_load %arg11[%swap3A_199, %swap3A_200] {strides = array<i32>} : memref<80x16xf32, #tpu.memory_space<vmem>>, vector<1x16xf32>,
        %swap3A_202 = vector.shape_cast %swap3A_201 : vector<1x16xf32> to vector<16xf32>
        %swap3A_203 = vector.shape_cast %mul3A_198 : vector<16xf32> to vector<1x16xf32>
        tpu.vector_store %arg11[%swap3A_199, %swap3A_200], %swap3A_203 {strides = array<i32>} : memref<80x16xf32, #tpu.memory_space<vmem>>, vector<1x16xf32>,
        %mul3A_204 = arith.constant 16 : i32
        %mul3A_205 = arith.muli %scan3A_36, %mul3A_204 : i32
        %add3A_206 = arith.constant 9 : i32
        %add3A_207 = arith.addi %mul3A_205, %add3A_206 : i32
        %get3A_208 = arith.index_cast %add3A_207 : i32 to index
        %get3A_209 = arith.constant 0 : index
        %get3A_210 = tpu.vector_load %arg11[%get3A_208, %get3A_209] {strides = array<i32>} : memref<80x16xf32, #tpu.memory_space<vmem>>, vector<1x16xf32>,
        %get3A_211 = vector.shape_cast %get3A_210 : vector<1x16xf32> to vector<16xf32>
        %slice3A_212 = vector.extract_strided_slice %get3A_52 {offsets = [9], sizes = [1], strides = [1]} : vector<16xf32> to vector<1xf32>
        %squeeze3A_213 = vector.extract %slice3A_212[0] : f32 from vector<1xf32>
        %mul3A_214 = vector.broadcast %squeeze3A_213 : f32 to vector<16xf32>
        %mul3A_215 = arith.mulf %get3A_211, %mul3A_214 : vector<16xf32>
        %swap3A_216 = arith.index_cast %add3A_207 : i32 to index
        %swap3A_217 = arith.constant 0 : index
        %swap3A_218 = tpu.vector_load %arg11[%swap3A_216, %swap3A_217] {strides = array<i32>} : memref<80x16xf32, #tpu.memory_space<vmem>>, vector<1x16xf32>,
        %swap3A_219 = vector.shape_cast %swap3A_218 : vector<1x16xf32> to vector<16xf32>
        %swap3A_220 = vector.shape_cast %mul3A_215 : vector<16xf32> to vector<1x16xf32>
        tpu.vector_store %arg11[%swap3A_216, %swap3A_217], %swap3A_220 {strides = array<i32>} : memref<80x16xf32, #tpu.memory_space<vmem>>, vector<1x16xf32>,
        %mul3A_221 = arith.constant 16 : i32
        %mul3A_222 = arith.muli %scan3A_36, %mul3A_221 : i32
        %add3A_223 = arith.constant 10 : i32
        %add3A_224 = arith.addi %mul3A_222, %add3A_223 : i32
        %get3A_225 = arith.index_cast %add3A_224 : i32 to index
        %get3A_226 = arith.constant 0 : index
        %get3A_227 = tpu.vector_load %arg11[%get3A_225, %get3A_226] {strides = array<i32>} : memref<80x16xf32, #tpu.memory_space<vmem>>, vector<1x16xf32>,
        %get3A_228 = vector.shape_cast %get3A_227 : vector<1x16xf32> to vector<16xf32>
        %slice3A_229 = vector.extract_strided_slice %get3A_52 {offsets = [10], sizes = [1], strides = [1]} : vector<16xf32> to vector<1xf32>
        %squeeze3A_230 = vector.extract %slice3A_229[0] : f32 from vector<1xf32>
        %mul3A_231 = vector.broadcast %squeeze3A_230 : f32 to vector<16xf32>
        %mul3A_232 = arith.mulf %get3A_228, %mul3A_231 : vector<16xf32>
        %swap3A_233 = arith.index_cast %add3A_224 : i32 to index
        %swap3A_234 = arith.constant 0 : index
        %swap3A_235 = tpu.vector_load %arg11[%swap3A_233, %swap3A_234] {strides = array<i32>} : memref<80x16xf32, #tpu.memory_space<vmem>>, vector<1x16xf32>,
        %swap3A_236 = vector.shape_cast %swap3A_235 : vector<1x16xf32> to vector<16xf32>
        %swap3A_237 = vector.shape_cast %mul3A_232 : vector<16xf32> to vector<1x16xf32>
        tpu.vector_store %arg11[%swap3A_233, %swap3A_234], %swap3A_237 {strides = array<i32>} : memref<80x16xf32, #tpu.memory_space<vmem>>, vector<1x16xf32>,
        %mul3A_238 = arith.constant 16 : i32
        %mul3A_239 = arith.muli %scan3A_36, %mul3A_238 : i32
        %add3A_240 = arith.constant 11 : i32
        %add3A_241 = arith.addi %mul3A_239, %add3A_240 : i32
        %get3A_242 = arith.index_cast %add3A_241 : i32 to index
        %get3A_243 = arith.constant 0 : index
        %get3A_244 = tpu.vector_load %arg11[%get3A_242, %get3A_243] {strides = array<i32>} : memref<80x16xf32, #tpu.memory_space<vmem>>, vector<1x16xf32>,
        %get3A_245 = vector.shape_cast %get3A_244 : vector<1x16xf32> to vector<16xf32>
        %slice3A_246 = vector.extract_strided_slice %get3A_52 {offsets = [11], sizes = [1], strides = [1]} : vector<16xf32> to vector<1xf32>
        %squeeze3A_247 = vector.extract %slice3A_246[0] : f32 from vector<1xf32>
        %mul3A_248 = vector.broadcast %squeeze3A_247 : f32 to vector<16xf32>
        %mul3A_249 = arith.mulf %get3A_245, %mul3A_248 : vector<16xf32>
        %swap3A_250 = arith.index_cast %add3A_241 : i32 to index
        %swap3A_251 = arith.constant 0 : index
        %swap3A_252 = tpu.vector_load %arg11[%swap3A_250, %swap3A_251] {strides = array<i32>} : memref<80x16xf32, #tpu.memory_space<vmem>>, vector<1x16xf32>,
        %swap3A_253 = vector.shape_cast %swap3A_252 : vector<1x16xf32> to vector<16xf32>
        %swap3A_254 = vector.shape_cast %mul3A_249 : vector<16xf32> to vector<1x16xf32>
        tpu.vector_store %arg11[%swap3A_250, %swap3A_251], %swap3A_254 {strides = array<i32>} : memref<80x16xf32, #tpu.memory_space<vmem>>, vector<1x16xf32>,
        %mul3A_255 = arith.constant 16 : i32
        %mul3A_256 = arith.muli %scan3A_36, %mul3A_255 : i32
        %add3A_257 = arith.constant 12 : i32
        %add3A_258 = arith.addi %mul3A_256, %add3A_257 : i32
        %get3A_259 = arith.index_cast %add3A_258 : i32 to index
        %get3A_260 = arith.constant 0 : index
        %get3A_261 = tpu.vector_load %arg11[%get3A_259, %get3A_260] {strides = array<i32>} : memref<80x16xf32, #tpu.memory_space<vmem>>, vector<1x16xf32>,
        %get3A_262 = vector.shape_cast %get3A_261 : vector<1x16xf32> to vector<16xf32>
        %slice3A_263 = vector.extract_strided_slice %get3A_52 {offsets = [12], sizes = [1], strides = [1]} : vector<16xf32> to vector<1xf32>
        %squeeze3A_264 = vector.extract %slice3A_263[0] : f32 from vector<1xf32>
        %mul3A_265 = vector.broadcast %squeeze3A_264 : f32 to vector<16xf32>
        %mul3A_266 = arith.mulf %get3A_262, %mul3A_265 : vector<16xf32>
        %swap3A_267 = arith.index_cast %add3A_258 : i32 to index
        %swap3A_268 = arith.constant 0 : index
        %swap3A_269 = tpu.vector_load %arg11[%swap3A_267, %swap3A_268] {strides = array<i32>} : memref<80x16xf32, #tpu.memory_space<vmem>>, vector<1x16xf32>,
        %swap3A_270 = vector.shape_cast %swap3A_269 : vector<1x16xf32> to vector<16xf32>
        %swap3A_271 = vector.shape_cast %mul3A_266 : vector<16xf32> to vector<1x16xf32>
        tpu.vector_store %arg11[%swap3A_267, %swap3A_268], %swap3A_271 {strides = array<i32>} : memref<80x16xf32, #tpu.memory_space<vmem>>, vector<1x16xf32>,
        %mul3A_272 = arith.constant 16 : i32
        %mul3A_273 = arith.muli %scan3A_36, %mul3A_272 : i32
        %add3A_274 = arith.constant 13 : i32
        %add3A_275 = arith.addi %mul3A_273, %add3A_274 : i32
        %get3A_276 = arith.index_cast %add3A_275 : i32 to index
        %get3A_277 = arith.constant 0 : index
        %get3A_278 = tpu.vector_load %arg11[%get3A_276, %get3A_277] {strides = array<i32>} : memref<80x16xf32, #tpu.memory_space<vmem>>, vector<1x16xf32>,
        %get3A_279 = vector.shape_cast %get3A_278 : vector<1x16xf32> to vector<16xf32>
        %slice3A_280 = vector.extract_strided_slice %get3A_52 {offsets = [13], sizes = [1], strides = [1]} : vector<16xf32> to vector<1xf32>
        %squeeze3A_281 = vector.extract %slice3A_280[0] : f32 from vector<1xf32>
        %mul3A_282 = vector.broadcast %squeeze3A_281 : f32 to vector<16xf32>
        %mul3A_283 = arith.mulf %get3A_279, %mul3A_282 : vector<16xf32>
        %swap3A_284 = arith.index_cast %add3A_275 : i32 to index
        %swap3A_285 = arith.constant 0 : index
        %swap3A_286 = tpu.vector_load %arg11[%swap3A_284, %swap3A_285] {strides = array<i32>} : memref<80x16xf32, #tpu.memory_space<vmem>>, vector<1x16xf32>,
        %swap3A_287 = vector.shape_cast %swap3A_286 : vector<1x16xf32> to vector<16xf32>
        %swap3A_288 = vector.shape_cast %mul3A_283 : vector<16xf32> to vector<1x16xf32>
        tpu.vector_store %arg11[%swap3A_284, %swap3A_285], %swap3A_288 {strides = array<i32>} : memref<80x16xf32, #tpu.memory_space<vmem>>, vector<1x16xf32>,
        %mul3A_289 = arith.constant 16 : i32
        %mul3A_290 = arith.muli %scan3A_36, %mul3A_289 : i32
        %add3A_291 = arith.constant 14 : i32
        %add3A_292 = arith.addi %mul3A_290, %add3A_291 : i32
        %get3A_293 = arith.index_cast %add3A_292 : i32 to index
        %get3A_294 = arith.constant 0 : index
        %get3A_295 = tpu.vector_load %arg11[%get3A_293, %get3A_294] {strides = array<i32>} : memref<80x16xf32, #tpu.memory_space<vmem>>, vector<1x16xf32>,
        %get3A_296 = vector.shape_cast %get3A_295 : vector<1x16xf32> to vector<16xf32>
        %slice3A_297 = vector.extract_strided_slice %get3A_52 {offsets = [14], sizes = [1], strides = [1]} : vector<16xf32> to vector<1xf32>
        %squeeze3A_298 = vector.extract %slice3A_297[0] : f32 from vector<1xf32>
        %mul3A_299 = vector.broadcast %squeeze3A_298 : f32 to vector<16xf32>
        %mul3A_300 = arith.mulf %get3A_296, %mul3A_299 : vector<16xf32>
        %swap3A_301 = arith.index_cast %add3A_292 : i32 to index
        %swap3A_302 = arith.constant 0 : index
        %swap3A_303 = tpu.vector_load %arg11[%swap3A_301, %swap3A_302] {strides = array<i32>} : memref<80x16xf32, #tpu.memory_space<vmem>>, vector<1x16xf32>,
        %swap3A_304 = vector.shape_cast %swap3A_303 : vector<1x16xf32> to vector<16xf32>
        %swap3A_305 = vector.shape_cast %mul3A_300 : vector<16xf32> to vector<1x16xf32>
        tpu.vector_store %arg11[%swap3A_301, %swap3A_302], %swap3A_305 {strides = array<i32>} : memref<80x16xf32, #tpu.memory_space<vmem>>, vector<1x16xf32>,
        %mul3A_306 = arith.constant 16 : i32
        %mul3A_307 = arith.muli %scan3A_36, %mul3A_306 : i32
        %add3A_308 = arith.constant 15 : i32
        %add3A_309 = arith.addi %mul3A_307, %add3A_308 : i32
        %get3A_310 = arith.index_cast %add3A_309 : i32 to index
        %get3A_311 = arith.constant 0 : index
        %get3A_312 = tpu.vector_load %arg11[%get3A_310, %get3A_311] {strides = array<i32>} : memref<80x16xf32, #tpu.memory_space<vmem>>, vector<1x16xf32>,
        %get3A_313 = vector.shape_cast %get3A_312 : vector<1x16xf32> to vector<16xf32>
        %slice3A_314 = vector.extract_strided_slice %get3A_52 {offsets = [15], sizes = [1], strides = [1]} : vector<16xf32> to vector<1xf32>
        %squeeze3A_315 = vector.extract %slice3A_314[0] : f32 from vector<1xf32>
        %mul3A_316 = vector.broadcast %squeeze3A_315 : f32 to vector<16xf32>
        %mul3A_317 = arith.mulf %get3A_313, %mul3A_316 : vector<16xf32>
        %swap3A_318 = arith.index_cast %add3A_309 : i32 to index
        %swap3A_319 = arith.constant 0 : index
        %swap3A_320 = tpu.vector_load %arg11[%swap3A_318, %swap3A_319] {strides = array<i32>} : memref<80x16xf32, #tpu.memory_space<vmem>>, vector<1x16xf32>,
        %swap3A_321 = vector.shape_cast %swap3A_320 : vector<1x16xf32> to vector<16xf32>
        %swap3A_322 = vector.shape_cast %mul3A_317 : vector<16xf32> to vector<1x16xf32>
        tpu.vector_store %arg11[%swap3A_318, %swap3A_319], %swap3A_322 {strides = array<i32>} : memref<80x16xf32, #tpu.memory_space<vmem>>, vector<1x16xf32>,
        %scan3A_323 = arith.constant 0 : i32
        scf.yield %scan3A_323 : i32
      }
      %scan3A_34 = arith.constant 5 : i32
      "tpu.region"() ({
        %run_scoped3A = tpu.sem_alloc : memref<!tpu.dma_semaphore, #tpu.memory_space<semaphore_mem>>
        %dma_start3A_36 = arith.constant 0 : i32
        %dma_start3A_37 = arith.constant 0 : i32
        %dma_start3A_38 = tpu.memref_slice %arg13[%dma_start3A_36, %dma_start3A_37] : memref<50176x16xf32, #tpu.memory_space<vmem_shared>> -> memref<50176x16xf32, #tpu.memory_space<vmem_shared>>
        tpu.enqueue_indirect_dma source(%arg11 : memref<80x16xf32, #tpu.memory_space<vmem>>) target(%dma_start3A_38 : memref<50176x16xf32, #tpu.memory_space<vmem_shared>>) offsets(%arg9 : memref<80xi32, #tpu.memory_space<vmem>>) semaphore(%run_scoped3A : memref<!tpu.dma_semaphore, #tpu.memory_space<semaphore_mem>>) {add = true}
        %dma_wait3A_39 = arith.constant 0 : i32
        %dma_wait3A_40 = arith.constant 0 : i32
        %dma_wait3A_41 = tpu.memref_slice %arg13[%dma_wait3A_39, %dma_wait3A_40] : memref<50176x16xf32, #tpu.memory_space<vmem_shared>> -> memref<50176x16xf32, #tpu.memory_space<vmem_shared>>
        tpu.wait_indirect_dma semaphore(%run_scoped3A : memref<!tpu.dma_semaphore, #tpu.memory_space<semaphore_mem>>) src(%arg11 : memref<80x16xf32, #tpu.memory_space<vmem>>) dst(%dma_wait3A_41 : memref<50176x16xf32, #tpu.memory_space<vmem_shared>>)
        tpu.yield
      }) : () -> ()
      %scan3A_35 = arith.constant 0 : i32
      scf.yield %scan3A_35 : i32
    }
    %scan3A_17 = arith.constant 1250 : i32
    %barrier3A_18 = arith.constant 0 : index
    tpu.barrier barrier_id(%barrier3A_18)
    %mul3A_19 = arith.constant 3128 : i32
    %mul3A_20 = arith.muli %arg1, %mul3A_19 : i32
    "tpu.region"() ({
      %run_scoped3A = tpu.sem_alloc : memref<!tpu.dma_semaphore, #tpu.memory_space<semaphore_mem>>
      %dma_start3A = arith.constant 0 : i32
      %dma_start3A_21 = arith.constant 0 : i32
      %dma_start3A_22 = tpu.memref_slice %arg12[%dma_start3A, %dma_start3A_21] : memref<3136x16xf32, #tpu.memory_space<vmem>> -> memref<3128x16xf32, #tpu.memory_space<vmem>>
      %dma_start3A_23 = arith.constant 0 : i32
      %dma_start3A_24 = tpu.memref_slice %arg13[%mul3A_20, %dma_start3A_23] : memref<50176x16xf32, #tpu.memory_space<vmem_shared>> -> memref<3128x16xf32, #tpu.memory_space<vmem_shared>>
      %dma_start3A_25 = arith.constant 0 : i32
      %dma_start3A_26 = arith.constant 0 : i32
      %dma_start3A_27 = tpu.memref_slice %arg12[%dma_start3A_25, %dma_start3A_26] : memref<3136x16xf32, #tpu.memory_space<vmem>> -> memref<3128x16xf32, #tpu.memory_space<vmem>>
      %dma_start3A_28 = arith.constant 0 : i32
      %dma_start3A_29 = tpu.memref_slice %arg13[%mul3A_20, %dma_start3A_28] : memref<50176x16xf32, #tpu.memory_space<vmem_shared>> -> memref<3128x16xf32, #tpu.memory_space<vmem_shared>>
      tpu.enqueue_dma source(%dma_start3A_29 : memref<3128x16xf32, #tpu.memory_space<vmem_shared>>) target(%dma_start3A_27 : memref<3128x16xf32, #tpu.memory_space<vmem>>) target_semaphore(%run_scoped3A : memref<!tpu.dma_semaphore, #tpu.memory_space<semaphore_mem>>)
      %dma_wait3A = arith.constant 0 : i32
      %dma_wait3A_30 = arith.constant 0 : i32
      %dma_wait3A_31 = tpu.memref_slice %arg12[%dma_wait3A, %dma_wait3A_30] : memref<3136x16xf32, #tpu.memory_space<vmem>> -> memref<3128x16xf32, #tpu.memory_space<vmem>>
      %dma_wait3A_32 = arith.constant 0 : i32
      %dma_wait3A_33 = tpu.memref_slice %arg13[%mul3A_20, %dma_wait3A_32] : memref<50176x16xf32, #tpu.memory_space<vmem_shared>> -> memref<3128x16xf32, #tpu.memory_space<vmem_shared>>
      %dma_wait3A_34 = arith.constant 0 : i32
      %dma_wait3A_35 = arith.constant 0 : i32
      %dma_wait3A_36 = tpu.memref_slice %arg12[%dma_wait3A_34, %dma_wait3A_35] : memref<3136x16xf32, #tpu.memory_space<vmem>> -> memref<3128x16xf32, #tpu.memory_space<vmem>>
      %dma_wait3A_37 = arith.constant 0 : i32
      %dma_wait3A_38 = tpu.memref_slice %arg13[%mul3A_20, %dma_wait3A_37] : memref<50176x16xf32, #tpu.memory_space<vmem_shared>> -> memref<3128x16xf32, #tpu.memory_space<vmem_shared>>
      tpu.wait_dma2 semaphore(%run_scoped3A : memref<!tpu.dma_semaphore, #tpu.memory_space<semaphore_mem>>) src(%dma_wait3A_38 : memref<3128x16xf32, #tpu.memory_space<vmem_shared>>) dst(%dma_wait3A_36 : memref<3128x16xf32, #tpu.memory_space<vmem>>)
      tpu.yield
    }) : () -> ()
    %add3A = arith.addi %mul3A_0, %mul3A_20 : i32
    "tpu.region"() ({
      %run_scoped3A = tpu.sem_alloc : memref<!tpu.dma_semaphore, #tpu.memory_space<semaphore_mem>>
      %dma_start3A = arith.constant 0 : i32
      %dma_start3A_21 = arith.constant 0 : i32
      %dma_start3A_22 = tpu.memref_slice %arg12[%dma_start3A, %dma_start3A_21] : memref<3136x16xf32, #tpu.memory_space<vmem>> -> memref<3128x16xf32, #tpu.memory_space<vmem>>
      %dma_start3A_23 = arith.constant 0 : i32
      %dma_start3A_24 = tpu.memref_slice %arg6[%add3A, %dma_start3A_23] : memref<100096x16xf32, #tpu.memory_space<hbm>> -> memref<3128x16xf32, #tpu.memory_space<hbm>>
      %dma_start3A_25 = arith.constant 0 : i32
      %dma_start3A_26 = tpu.memref_slice %arg6[%add3A, %dma_start3A_25] : memref<100096x16xf32, #tpu.memory_space<hbm>> -> memref<3128x16xf32, #tpu.memory_space<hbm>>
      %dma_start3A_27 = arith.constant 0 : i32
      %dma_start3A_28 = arith.constant 0 : i32
      %dma_start3A_29 = tpu.memref_slice %arg12[%dma_start3A_27, %dma_start3A_28] : memref<3136x16xf32, #tpu.memory_space<vmem>> -> memref<3128x16xf32, #tpu.memory_space<vmem>>
      tpu.enqueue_dma source(%dma_start3A_29 : memref<3128x16xf32, #tpu.memory_space<vmem>>) target(%dma_start3A_26 : memref<3128x16xf32, #tpu.memory_space<hbm>>) target_semaphore(%run_scoped3A : memref<!tpu.dma_semaphore, #tpu.memory_space<semaphore_mem>>)
      %dma_wait3A = arith.constant 0 : i32
      %dma_wait3A_30 = arith.constant 0 : i32
      %dma_wait3A_31 = tpu.memref_slice %arg12[%dma_wait3A, %dma_wait3A_30] : memref<3136x16xf32, #tpu.memory_space<vmem>> -> memref<3128x16xf32, #tpu.memory_space<vmem>>
      %dma_wait3A_32 = arith.constant 0 : i32
      %dma_wait3A_33 = tpu.memref_slice %arg6[%add3A, %dma_wait3A_32] : memref<100096x16xf32, #tpu.memory_space<hbm>> -> memref<3128x16xf32, #tpu.memory_space<hbm>>
      %dma_wait3A_34 = arith.constant 0 : i32
      %dma_wait3A_35 = tpu.memref_slice %arg6[%add3A, %dma_wait3A_34] : memref<100096x16xf32, #tpu.memory_space<hbm>> -> memref<3128x16xf32, #tpu.memory_space<hbm>>
      %dma_wait3A_36 = arith.constant 0 : i32
      %dma_wait3A_37 = arith.constant 0 : i32
      %dma_wait3A_38 = tpu.memref_slice %arg12[%dma_wait3A_36, %dma_wait3A_37] : memref<3136x16xf32, #tpu.memory_space<vmem>> -> memref<3128x16xf32, #tpu.memory_space<vmem>>
      tpu.wait_dma2 semaphore(%run_scoped3A : memref<!tpu.dma_semaphore, #tpu.memory_space<semaphore_mem>>) src(%dma_wait3A_38 : memref<3128x16xf32, #tpu.memory_space<vmem>>) dst(%dma_wait3A_35 : memref<3128x16xf32, #tpu.memory_space<hbm>>)
      tpu.yield
    }) : () -> ()
    return
  }
}

#map = affine_map<(d0, d1) -> (0, 0)>
module attributes {stable_mosaic.version = 14 : i64} {
  func.func @body(%arg0: i32, %arg1: i32, %arg2: memref<100000x16xf32, #tpu.memory_space<hbm>>, %arg3: memref<100000x16xf32, #tpu.memory_space<hbm>>, %arg4: memref<20000x80xi32, #tpu.memory_space<hbm>>, %arg5: memref<20000x80xi32, #tpu.memory_space<hbm>>, %arg6: memref<20000x80xf32, #tpu.memory_space<hbm>>, %arg7: memref<100096x16xf32, #tpu.memory_space<hbm>>, %arg8: memref<100096x16xf32, #tpu.memory_space<hbm>>, %arg9: memref<80xi32, #tpu.memory_space<vmem>>, %arg10: memref<80xi32, #tpu.memory_space<vmem>>, %arg11: memref<80xi32, #tpu.memory_space<vmem>>, %arg12: memref<80xf32, #tpu.memory_space<vmem>>, %arg13: memref<80x16xf32, #tpu.memory_space<vmem>>, %arg14: memref<3136x16xf32, #tpu.memory_space<vmem>>, %arg15: memref<50176x16xf32, #tpu.memory_space<vmem_shared>>, %arg16: memref<!tpu.dma_semaphore, #tpu.memory_space<semaphore_mem>>) attributes {dimension_semantics = [#tpu.dimension_semantics<core_parallel>, #tpu.dimension_semantics<subcore_parallel>], iteration_bounds = array<i64: 2, 16>, scalar_prefetch = 0 : i64, scratch_operands = 8 : i64, tpu.core_type = #tpu.core_type<sc_vector_subcore>, window_params = [{transform_indices = #map}, {transform_indices = #map}, {transform_indices = #map}, {transform_indices = #map}, {transform_indices = #map}, {transform_indices = #map}, {transform_indices = #map}]} {
    %mul3A = arith.constant 50048 : i32
    %mul3A_0 = arith.muli %arg0, %mul3A : i32
    %mul3A_1 = arith.constant 1250 : i32
    %mul3A_2 = arith.muli %arg1, %mul3A_1 : i32
    %scan3A = arith.constant 0 : i32
    %scan3A_3 = arith.constant 0 : i32
    %scan3A_4 = arith.constant 3136 : i32
    %scan3A_5 = arith.addi %scan3A_3, %scan3A_4 : i32
    %scan3A_6 = arith.constant 1 : i32
    %scan3A_7 = scf.for %scan3A_43 = %scan3A_3 to %scan3A_5 step %scan3A_6 iter_args(%scan3A_44 = %scan3A) -> (i32)  : i32 {
      %broadcast_in_dim3A = arith.constant 0.000000e+00 : f32
      %broadcast_in_dim3A_45 = vector.broadcast %broadcast_in_dim3A : f32 to vector<16xf32>
      %swap3A = arith.index_cast %scan3A_43 : i32 to index
      %swap3A_46 = arith.constant 0 : index
      %swap3A_47 = tpu.vector_load %arg14[%swap3A, %swap3A_46] {strides = array<i32>} : memref<3136x16xf32, #tpu.memory_space<vmem>>, vector<1x16xf32>,
      %swap3A_48 = vector.shape_cast %swap3A_47 : vector<1x16xf32> to vector<16xf32>
      %swap3A_49 = vector.shape_cast %broadcast_in_dim3A_45 : vector<16xf32> to vector<1x16xf32>
      tpu.vector_store %arg14[%swap3A, %swap3A_46], %swap3A_49 {strides = array<i32>} : memref<3136x16xf32, #tpu.memory_space<vmem>>, vector<1x16xf32>,
      %scan3A_50 = arith.constant 0 : i32
      scf.yield %scan3A_50 : i32
    }
    %scan3A_8 = arith.constant 3136 : i32
    %mul3A_9 = arith.constant 3136 : i32
    %mul3A_10 = arith.muli %arg1, %mul3A_9 : i32
    "tpu.region"() ({
      %run_scoped3A = tpu.sem_alloc : memref<!tpu.dma_semaphore, #tpu.memory_space<semaphore_mem>>
      %dma_start3A = arith.constant 0 : i32
      %dma_start3A_43 = tpu.memref_slice %arg15[%mul3A_10, %dma_start3A] : memref<50176x16xf32, #tpu.memory_space<vmem_shared>> -> memref<3136x16xf32, #tpu.memory_space<vmem_shared>>
      %dma_start3A_44 = arith.constant 0 : i32
      %dma_start3A_45 = tpu.memref_slice %arg15[%mul3A_10, %dma_start3A_44] : memref<50176x16xf32, #tpu.memory_space<vmem_shared>> -> memref<3136x16xf32, #tpu.memory_space<vmem_shared>>
      tpu.enqueue_dma source(%arg14 : memref<3136x16xf32, #tpu.memory_space<vmem>>) target(%dma_start3A_45 : memref<3136x16xf32, #tpu.memory_space<vmem_shared>>) target_semaphore(%run_scoped3A : memref<!tpu.dma_semaphore, #tpu.memory_space<semaphore_mem>>)
      %dma_wait3A = arith.constant 0 : i32
      %dma_wait3A_46 = tpu.memref_slice %arg15[%mul3A_10, %dma_wait3A] : memref<50176x16xf32, #tpu.memory_space<vmem_shared>> -> memref<3136x16xf32, #tpu.memory_space<vmem_shared>>
      %dma_wait3A_47 = arith.constant 0 : i32
      %dma_wait3A_48 = tpu.memref_slice %arg15[%mul3A_10, %dma_wait3A_47] : memref<50176x16xf32, #tpu.memory_space<vmem_shared>> -> memref<3136x16xf32, #tpu.memory_space<vmem_shared>>
      tpu.wait_dma2 semaphore(%run_scoped3A : memref<!tpu.dma_semaphore, #tpu.memory_space<semaphore_mem>>) src(%arg14 : memref<3136x16xf32, #tpu.memory_space<vmem>>) dst(%dma_wait3A_48 : memref<3136x16xf32, #tpu.memory_space<vmem_shared>>)
      tpu.yield
    }) : () -> ()
    %barrier3A = arith.constant 0 : index
    tpu.barrier barrier_id(%barrier3A)
    %scan3A_11 = arith.constant 0 : i32
    %scan3A_12 = arith.constant 0 : i32
    %scan3A_13 = arith.constant 1250 : i32
    %scan3A_14 = arith.addi %scan3A_12, %scan3A_13 : i32
    %scan3A_15 = arith.constant 1 : i32
    %scan3A_16 = scf.for %scan3A_43 = %scan3A_12 to %scan3A_14 step %scan3A_15 iter_args(%scan3A_44 = %scan3A_11) -> (i32)  : i32 {
      %add3A_45 = arith.addi %mul3A_2, %scan3A_43 : i32
      "tpu.region"() ({
        %run_scoped3A = tpu.sem_alloc : memref<!tpu.dma_semaphore, #tpu.memory_space<semaphore_mem>>
        %dma_start3A_58 = arith.constant 0 : i32
        %dma_start3A_59 = tpu.memref_slice %arg4[%add3A_45, %dma_start3A_58] : memref<20000x80xi32, #tpu.memory_space<hbm>> -> memref<1x80xi32, #tpu.memory_space<hbm>>
        %dma_start3A_60 = tpu.memref_squeeze %dma_start3A_59 : memref<1x80xi32, #tpu.memory_space<hbm>> -> memref<80xi32, #tpu.memory_space<hbm>>
        %dma_start3A_61 = arith.constant 0 : i32
        %dma_start3A_62 = tpu.memref_slice %arg4[%add3A_45, %dma_start3A_61] : memref<20000x80xi32, #tpu.memory_space<hbm>> -> memref<1x80xi32, #tpu.memory_space<hbm>>
        %dma_start3A_63 = tpu.memref_squeeze %dma_start3A_62 : memref<1x80xi32, #tpu.memory_space<hbm>> -> memref<80xi32, #tpu.memory_space<hbm>>
        tpu.enqueue_dma source(%dma_start3A_63 : memref<80xi32, #tpu.memory_space<hbm>>) target(%arg9 : memref<80xi32, #tpu.memory_space<vmem>>) target_semaphore(%run_scoped3A : memref<!tpu.dma_semaphore, #tpu.memory_space<semaphore_mem>>)
        %dma_wait3A_64 = arith.constant 0 : i32
        %dma_wait3A_65 = tpu.memref_slice %arg4[%add3A_45, %dma_wait3A_64] : memref<20000x80xi32, #tpu.memory_space<hbm>> -> memref<1x80xi32, #tpu.memory_space<hbm>>
        %dma_wait3A_66 = tpu.memref_squeeze %dma_wait3A_65 : memref<1x80xi32, #tpu.memory_space<hbm>> -> memref<80xi32, #tpu.memory_space<hbm>>
        %dma_wait3A_67 = arith.constant 0 : i32
        %dma_wait3A_68 = tpu.memref_slice %arg4[%add3A_45, %dma_wait3A_67] : memref<20000x80xi32, #tpu.memory_space<hbm>> -> memref<1x80xi32, #tpu.memory_space<hbm>>
        %dma_wait3A_69 = tpu.memref_squeeze %dma_wait3A_68 : memref<1x80xi32, #tpu.memory_space<hbm>> -> memref<80xi32, #tpu.memory_space<hbm>>
        tpu.wait_dma2 semaphore(%run_scoped3A : memref<!tpu.dma_semaphore, #tpu.memory_space<semaphore_mem>>) src(%dma_wait3A_69 : memref<80xi32, #tpu.memory_space<hbm>>) dst(%arg9 : memref<80xi32, #tpu.memory_space<vmem>>)
        tpu.yield
      }) : () -> ()
      "tpu.region"() ({
        %run_scoped3A = tpu.sem_alloc : memref<!tpu.dma_semaphore, #tpu.memory_space<semaphore_mem>>
        %dma_start3A_58 = arith.constant 0 : i32
        %dma_start3A_59 = tpu.memref_slice %arg5[%add3A_45, %dma_start3A_58] : memref<20000x80xi32, #tpu.memory_space<hbm>> -> memref<1x80xi32, #tpu.memory_space<hbm>>
        %dma_start3A_60 = tpu.memref_squeeze %dma_start3A_59 : memref<1x80xi32, #tpu.memory_space<hbm>> -> memref<80xi32, #tpu.memory_space<hbm>>
        %dma_start3A_61 = arith.constant 0 : i32
        %dma_start3A_62 = tpu.memref_slice %arg5[%add3A_45, %dma_start3A_61] : memref<20000x80xi32, #tpu.memory_space<hbm>> -> memref<1x80xi32, #tpu.memory_space<hbm>>
        %dma_start3A_63 = tpu.memref_squeeze %dma_start3A_62 : memref<1x80xi32, #tpu.memory_space<hbm>> -> memref<80xi32, #tpu.memory_space<hbm>>
        tpu.enqueue_dma source(%dma_start3A_63 : memref<80xi32, #tpu.memory_space<hbm>>) target(%arg10 : memref<80xi32, #tpu.memory_space<vmem>>) target_semaphore(%run_scoped3A : memref<!tpu.dma_semaphore, #tpu.memory_space<semaphore_mem>>)
        %dma_wait3A_64 = arith.constant 0 : i32
        %dma_wait3A_65 = tpu.memref_slice %arg5[%add3A_45, %dma_wait3A_64] : memref<20000x80xi32, #tpu.memory_space<hbm>> -> memref<1x80xi32, #tpu.memory_space<hbm>>
        %dma_wait3A_66 = tpu.memref_squeeze %dma_wait3A_65 : memref<1x80xi32, #tpu.memory_space<hbm>> -> memref<80xi32, #tpu.memory_space<hbm>>
        %dma_wait3A_67 = arith.constant 0 : i32
        %dma_wait3A_68 = tpu.memref_slice %arg5[%add3A_45, %dma_wait3A_67] : memref<20000x80xi32, #tpu.memory_space<hbm>> -> memref<1x80xi32, #tpu.memory_space<hbm>>
        %dma_wait3A_69 = tpu.memref_squeeze %dma_wait3A_68 : memref<1x80xi32, #tpu.memory_space<hbm>> -> memref<80xi32, #tpu.memory_space<hbm>>
        tpu.wait_dma2 semaphore(%run_scoped3A : memref<!tpu.dma_semaphore, #tpu.memory_space<semaphore_mem>>) src(%dma_wait3A_69 : memref<80xi32, #tpu.memory_space<hbm>>) dst(%arg10 : memref<80xi32, #tpu.memory_space<vmem>>)
        tpu.yield
      }) : () -> ()
      "tpu.region"() ({
        %run_scoped3A = tpu.sem_alloc : memref<!tpu.dma_semaphore, #tpu.memory_space<semaphore_mem>>
        %dma_start3A_58 = arith.constant 0 : i32
        %dma_start3A_59 = tpu.memref_slice %arg6[%add3A_45, %dma_start3A_58] : memref<20000x80xf32, #tpu.memory_space<hbm>> -> memref<1x80xf32, #tpu.memory_space<hbm>>
        %dma_start3A_60 = tpu.memref_squeeze %dma_start3A_59 : memref<1x80xf32, #tpu.memory_space<hbm>> -> memref<80xf32, #tpu.memory_space<hbm>>
        %dma_start3A_61 = arith.constant 0 : i32
        %dma_start3A_62 = tpu.memref_slice %arg6[%add3A_45, %dma_start3A_61] : memref<20000x80xf32, #tpu.memory_space<hbm>> -> memref<1x80xf32, #tpu.memory_space<hbm>>
        %dma_start3A_63 = tpu.memref_squeeze %dma_start3A_62 : memref<1x80xf32, #tpu.memory_space<hbm>> -> memref<80xf32, #tpu.memory_space<hbm>>
        tpu.enqueue_dma source(%dma_start3A_63 : memref<80xf32, #tpu.memory_space<hbm>>) target(%arg12 : memref<80xf32, #tpu.memory_space<vmem>>) target_semaphore(%run_scoped3A : memref<!tpu.dma_semaphore, #tpu.memory_space<semaphore_mem>>)
        %dma_wait3A_64 = arith.constant 0 : i32
        %dma_wait3A_65 = tpu.memref_slice %arg6[%add3A_45, %dma_wait3A_64] : memref<20000x80xf32, #tpu.memory_space<hbm>> -> memref<1x80xf32, #tpu.memory_space<hbm>>
        %dma_wait3A_66 = tpu.memref_squeeze %dma_wait3A_65 : memref<1x80xf32, #tpu.memory_space<hbm>> -> memref<80xf32, #tpu.memory_space<hbm>>
        %dma_wait3A_67 = arith.constant 0 : i32
        %dma_wait3A_68 = tpu.memref_slice %arg6[%add3A_45, %dma_wait3A_67] : memref<20000x80xf32, #tpu.memory_space<hbm>> -> memref<1x80xf32, #tpu.memory_space<hbm>>
        %dma_wait3A_69 = tpu.memref_squeeze %dma_wait3A_68 : memref<1x80xf32, #tpu.memory_space<hbm>> -> memref<80xf32, #tpu.memory_space<hbm>>
        tpu.wait_dma2 semaphore(%run_scoped3A : memref<!tpu.dma_semaphore, #tpu.memory_space<semaphore_mem>>) src(%dma_wait3A_69 : memref<80xf32, #tpu.memory_space<hbm>>) dst(%arg12 : memref<80xf32, #tpu.memory_space<vmem>>)
        tpu.yield
      }) : () -> ()
      %dma_start3A = arith.constant 0 : i32
      %dma_start3A_46 = arith.constant 0 : i32
      %dma_start3A_47 = tpu.memref_slice %arg2[%dma_start3A, %dma_start3A_46] : memref<100000x16xf32, #tpu.memory_space<hbm>> -> memref<100000x16xf32, #tpu.memory_space<hbm>>
      tpu.enqueue_indirect_dma source(%dma_start3A_47 : memref<100000x16xf32, #tpu.memory_space<hbm>>) target(%arg13 : memref<80x16xf32, #tpu.memory_space<vmem>>) offsets(%arg9 : memref<80xi32, #tpu.memory_space<vmem>>) semaphore(%arg16 : memref<!tpu.dma_semaphore, #tpu.memory_space<semaphore_mem>>)
      %dma_wait3A = arith.constant 0 : i32
      %dma_wait3A_48 = arith.constant 0 : i32
      %dma_wait3A_49 = tpu.memref_slice %arg2[%dma_wait3A, %dma_wait3A_48] : memref<100000x16xf32, #tpu.memory_space<hbm>> -> memref<100000x16xf32, #tpu.memory_space<hbm>>
      tpu.wait_indirect_dma semaphore(%arg16 : memref<!tpu.dma_semaphore, #tpu.memory_space<semaphore_mem>>) src(%dma_wait3A_49 : memref<100000x16xf32, #tpu.memory_space<hbm>>) dst(%arg13 : memref<80x16xf32, #tpu.memory_space<vmem>>)
      %scan3A_50 = arith.constant 0 : i32
      %scan3A_51 = arith.constant 0 : i32
      %scan3A_52 = arith.constant 5 : i32
      %scan3A_53 = arith.addi %scan3A_51, %scan3A_52 : i32
      %scan3A_54 = arith.constant 1 : i32
      %scan3A_55 = scf.for %scan3A_58 = %scan3A_51 to %scan3A_53 step %scan3A_54 iter_args(%scan3A_59 = %scan3A_50) -> (i32)  : i32 {
        %mul3A_60 = arith.constant 16 : i32
        %mul3A_61 = arith.muli %scan3A_58, %mul3A_60 : i32
        %get3A = arith.index_cast %mul3A_61 : i32 to index
        %get3A_62 = tpu.vector_load %arg10[%get3A] {strides = array<i32>} : memref<80xi32, #tpu.memory_space<vmem>>, vector<16xi32>,
        %get3A_63 = vector.shape_cast %get3A_62 : vector<16xi32> to vector<16xi32>
        %sub3A = vector.broadcast %mul3A_0 : i32 to vector<16xi32>
        %sub3A_64 = arith.subi %get3A_63, %sub3A : vector<16xi32>
        %ge3A = arith.constant 0 : i32
        %ge3A_65 = vector.broadcast %ge3A : i32 to vector<16xi32>
        %ge3A_66 = arith.cmpi sge, %sub3A_64, %ge3A_65 : vector<16xi32>
        %lt3A = arith.constant 50048 : i32
        %lt3A_67 = vector.broadcast %lt3A : i32 to vector<16xi32>
        %lt3A_68 = arith.cmpi slt, %sub3A_64, %lt3A_67 : vector<16xi32>
        %and3A = arith.andi %ge3A_66, %lt3A_68 : vector<16xi1>
        %jit3A = arith.constant 50048 : i32
        %broadcast_in_dim3A = vector.broadcast %jit3A : i32 to vector<16xi32>
        %select_n3A = arith.select %and3A, %sub3A_64, %broadcast_in_dim3A : vector<16xi1>, vector<16xi32>
        %swap3A = arith.index_cast %mul3A_61 : i32 to index
        %swap3A_69 = tpu.vector_load %arg11[%swap3A] {strides = array<i32>} : memref<80xi32, #tpu.memory_space<vmem>>, vector<16xi32>,
        %swap3A_70 = vector.shape_cast %swap3A_69 : vector<16xi32> to vector<16xi32>
        %swap3A_71 = vector.shape_cast %select_n3A : vector<16xi32> to vector<16xi32>
        tpu.vector_store %arg11[%swap3A], %swap3A_71 {strides = array<i32>} : memref<80xi32, #tpu.memory_space<vmem>>, vector<16xi32>,
        %get3A_72 = arith.index_cast %mul3A_61 : i32 to index
        %get3A_73 = tpu.vector_load %arg12[%get3A_72] {strides = array<i32>} : memref<80xf32, #tpu.memory_space<vmem>>, vector<16xf32>,
        %get3A_74 = vector.shape_cast %get3A_73 : vector<16xf32> to vector<16xf32>
        %mul3A_75 = arith.constant 16 : i32
        %mul3A_76 = arith.muli %scan3A_58, %mul3A_75 : i32
        %add3A_77 = arith.constant 0 : i32
        %add3A_78 = arith.addi %mul3A_76, %add3A_77 : i32
        %get3A_79 = arith.index_cast %add3A_78 : i32 to index
        %get3A_80 = arith.constant 0 : index
        %get3A_81 = tpu.vector_load %arg13[%get3A_79, %get3A_80] {strides = array<i32>} : memref<80x16xf32, #tpu.memory_space<vmem>>, vector<1x16xf32>,
        %get3A_82 = vector.shape_cast %get3A_81 : vector<1x16xf32> to vector<16xf32>
        %slice3A = vector.extract_strided_slice %get3A_74 {offsets = [0], sizes = [1], strides = [1]} : vector<16xf32> to vector<1xf32>
        %squeeze3A = vector.extract %slice3A[0] : f32 from vector<1xf32>
        %mul3A_83 = vector.broadcast %squeeze3A : f32 to vector<16xf32>
        %mul3A_84 = arith.mulf %get3A_82, %mul3A_83 : vector<16xf32>
        %swap3A_85 = arith.index_cast %add3A_78 : i32 to index
        %swap3A_86 = arith.constant 0 : index
        %swap3A_87 = tpu.vector_load %arg13[%swap3A_85, %swap3A_86] {strides = array<i32>} : memref<80x16xf32, #tpu.memory_space<vmem>>, vector<1x16xf32>,
        %swap3A_88 = vector.shape_cast %swap3A_87 : vector<1x16xf32> to vector<16xf32>
        %swap3A_89 = vector.shape_cast %mul3A_84 : vector<16xf32> to vector<1x16xf32>
        tpu.vector_store %arg13[%swap3A_85, %swap3A_86], %swap3A_89 {strides = array<i32>} : memref<80x16xf32, #tpu.memory_space<vmem>>, vector<1x16xf32>,
        %mul3A_90 = arith.constant 16 : i32
        %mul3A_91 = arith.muli %scan3A_58, %mul3A_90 : i32
        %add3A_92 = arith.constant 1 : i32
        %add3A_93 = arith.addi %mul3A_91, %add3A_92 : i32
        %get3A_94 = arith.index_cast %add3A_93 : i32 to index
        %get3A_95 = arith.constant 0 : index
        %get3A_96 = tpu.vector_load %arg13[%get3A_94, %get3A_95] {strides = array<i32>} : memref<80x16xf32, #tpu.memory_space<vmem>>, vector<1x16xf32>,
        %get3A_97 = vector.shape_cast %get3A_96 : vector<1x16xf32> to vector<16xf32>
        %slice3A_98 = vector.extract_strided_slice %get3A_74 {offsets = [1], sizes = [1], strides = [1]} : vector<16xf32> to vector<1xf32>
        %squeeze3A_99 = vector.extract %slice3A_98[0] : f32 from vector<1xf32>
        %mul3A_100 = vector.broadcast %squeeze3A_99 : f32 to vector<16xf32>
        %mul3A_101 = arith.mulf %get3A_97, %mul3A_100 : vector<16xf32>
        %swap3A_102 = arith.index_cast %add3A_93 : i32 to index
        %swap3A_103 = arith.constant 0 : index
        %swap3A_104 = tpu.vector_load %arg13[%swap3A_102, %swap3A_103] {strides = array<i32>} : memref<80x16xf32, #tpu.memory_space<vmem>>, vector<1x16xf32>,
        %swap3A_105 = vector.shape_cast %swap3A_104 : vector<1x16xf32> to vector<16xf32>
        %swap3A_106 = vector.shape_cast %mul3A_101 : vector<16xf32> to vector<1x16xf32>
        tpu.vector_store %arg13[%swap3A_102, %swap3A_103], %swap3A_106 {strides = array<i32>} : memref<80x16xf32, #tpu.memory_space<vmem>>, vector<1x16xf32>,
        %mul3A_107 = arith.constant 16 : i32
        %mul3A_108 = arith.muli %scan3A_58, %mul3A_107 : i32
        %add3A_109 = arith.constant 2 : i32
        %add3A_110 = arith.addi %mul3A_108, %add3A_109 : i32
        %get3A_111 = arith.index_cast %add3A_110 : i32 to index
        %get3A_112 = arith.constant 0 : index
        %get3A_113 = tpu.vector_load %arg13[%get3A_111, %get3A_112] {strides = array<i32>} : memref<80x16xf32, #tpu.memory_space<vmem>>, vector<1x16xf32>,
        %get3A_114 = vector.shape_cast %get3A_113 : vector<1x16xf32> to vector<16xf32>
        %slice3A_115 = vector.extract_strided_slice %get3A_74 {offsets = [2], sizes = [1], strides = [1]} : vector<16xf32> to vector<1xf32>
        %squeeze3A_116 = vector.extract %slice3A_115[0] : f32 from vector<1xf32>
        %mul3A_117 = vector.broadcast %squeeze3A_116 : f32 to vector<16xf32>
        %mul3A_118 = arith.mulf %get3A_114, %mul3A_117 : vector<16xf32>
        %swap3A_119 = arith.index_cast %add3A_110 : i32 to index
        %swap3A_120 = arith.constant 0 : index
        %swap3A_121 = tpu.vector_load %arg13[%swap3A_119, %swap3A_120] {strides = array<i32>} : memref<80x16xf32, #tpu.memory_space<vmem>>, vector<1x16xf32>,
        %swap3A_122 = vector.shape_cast %swap3A_121 : vector<1x16xf32> to vector<16xf32>
        %swap3A_123 = vector.shape_cast %mul3A_118 : vector<16xf32> to vector<1x16xf32>
        tpu.vector_store %arg13[%swap3A_119, %swap3A_120], %swap3A_123 {strides = array<i32>} : memref<80x16xf32, #tpu.memory_space<vmem>>, vector<1x16xf32>,
        %mul3A_124 = arith.constant 16 : i32
        %mul3A_125 = arith.muli %scan3A_58, %mul3A_124 : i32
        %add3A_126 = arith.constant 3 : i32
        %add3A_127 = arith.addi %mul3A_125, %add3A_126 : i32
        %get3A_128 = arith.index_cast %add3A_127 : i32 to index
        %get3A_129 = arith.constant 0 : index
        %get3A_130 = tpu.vector_load %arg13[%get3A_128, %get3A_129] {strides = array<i32>} : memref<80x16xf32, #tpu.memory_space<vmem>>, vector<1x16xf32>,
        %get3A_131 = vector.shape_cast %get3A_130 : vector<1x16xf32> to vector<16xf32>
        %slice3A_132 = vector.extract_strided_slice %get3A_74 {offsets = [3], sizes = [1], strides = [1]} : vector<16xf32> to vector<1xf32>
        %squeeze3A_133 = vector.extract %slice3A_132[0] : f32 from vector<1xf32>
        %mul3A_134 = vector.broadcast %squeeze3A_133 : f32 to vector<16xf32>
        %mul3A_135 = arith.mulf %get3A_131, %mul3A_134 : vector<16xf32>
        %swap3A_136 = arith.index_cast %add3A_127 : i32 to index
        %swap3A_137 = arith.constant 0 : index
        %swap3A_138 = tpu.vector_load %arg13[%swap3A_136, %swap3A_137] {strides = array<i32>} : memref<80x16xf32, #tpu.memory_space<vmem>>, vector<1x16xf32>,
        %swap3A_139 = vector.shape_cast %swap3A_138 : vector<1x16xf32> to vector<16xf32>
        %swap3A_140 = vector.shape_cast %mul3A_135 : vector<16xf32> to vector<1x16xf32>
        tpu.vector_store %arg13[%swap3A_136, %swap3A_137], %swap3A_140 {strides = array<i32>} : memref<80x16xf32, #tpu.memory_space<vmem>>, vector<1x16xf32>,
        %mul3A_141 = arith.constant 16 : i32
        %mul3A_142 = arith.muli %scan3A_58, %mul3A_141 : i32
        %add3A_143 = arith.constant 4 : i32
        %add3A_144 = arith.addi %mul3A_142, %add3A_143 : i32
        %get3A_145 = arith.index_cast %add3A_144 : i32 to index
        %get3A_146 = arith.constant 0 : index
        %get3A_147 = tpu.vector_load %arg13[%get3A_145, %get3A_146] {strides = array<i32>} : memref<80x16xf32, #tpu.memory_space<vmem>>, vector<1x16xf32>,
        %get3A_148 = vector.shape_cast %get3A_147 : vector<1x16xf32> to vector<16xf32>
        %slice3A_149 = vector.extract_strided_slice %get3A_74 {offsets = [4], sizes = [1], strides = [1]} : vector<16xf32> to vector<1xf32>
        %squeeze3A_150 = vector.extract %slice3A_149[0] : f32 from vector<1xf32>
        %mul3A_151 = vector.broadcast %squeeze3A_150 : f32 to vector<16xf32>
        %mul3A_152 = arith.mulf %get3A_148, %mul3A_151 : vector<16xf32>
        %swap3A_153 = arith.index_cast %add3A_144 : i32 to index
        %swap3A_154 = arith.constant 0 : index
        %swap3A_155 = tpu.vector_load %arg13[%swap3A_153, %swap3A_154] {strides = array<i32>} : memref<80x16xf32, #tpu.memory_space<vmem>>, vector<1x16xf32>,
        %swap3A_156 = vector.shape_cast %swap3A_155 : vector<1x16xf32> to vector<16xf32>
        %swap3A_157 = vector.shape_cast %mul3A_152 : vector<16xf32> to vector<1x16xf32>
        tpu.vector_store %arg13[%swap3A_153, %swap3A_154], %swap3A_157 {strides = array<i32>} : memref<80x16xf32, #tpu.memory_space<vmem>>, vector<1x16xf32>,
        %mul3A_158 = arith.constant 16 : i32
        %mul3A_159 = arith.muli %scan3A_58, %mul3A_158 : i32
        %add3A_160 = arith.constant 5 : i32
        %add3A_161 = arith.addi %mul3A_159, %add3A_160 : i32
        %get3A_162 = arith.index_cast %add3A_161 : i32 to index
        %get3A_163 = arith.constant 0 : index
        %get3A_164 = tpu.vector_load %arg13[%get3A_162, %get3A_163] {strides = array<i32>} : memref<80x16xf32, #tpu.memory_space<vmem>>, vector<1x16xf32>,
        %get3A_165 = vector.shape_cast %get3A_164 : vector<1x16xf32> to vector<16xf32>
        %slice3A_166 = vector.extract_strided_slice %get3A_74 {offsets = [5], sizes = [1], strides = [1]} : vector<16xf32> to vector<1xf32>
        %squeeze3A_167 = vector.extract %slice3A_166[0] : f32 from vector<1xf32>
        %mul3A_168 = vector.broadcast %squeeze3A_167 : f32 to vector<16xf32>
        %mul3A_169 = arith.mulf %get3A_165, %mul3A_168 : vector<16xf32>
        %swap3A_170 = arith.index_cast %add3A_161 : i32 to index
        %swap3A_171 = arith.constant 0 : index
        %swap3A_172 = tpu.vector_load %arg13[%swap3A_170, %swap3A_171] {strides = array<i32>} : memref<80x16xf32, #tpu.memory_space<vmem>>, vector<1x16xf32>,
        %swap3A_173 = vector.shape_cast %swap3A_172 : vector<1x16xf32> to vector<16xf32>
        %swap3A_174 = vector.shape_cast %mul3A_169 : vector<16xf32> to vector<1x16xf32>
        tpu.vector_store %arg13[%swap3A_170, %swap3A_171], %swap3A_174 {strides = array<i32>} : memref<80x16xf32, #tpu.memory_space<vmem>>, vector<1x16xf32>,
        %mul3A_175 = arith.constant 16 : i32
        %mul3A_176 = arith.muli %scan3A_58, %mul3A_175 : i32
        %add3A_177 = arith.constant 6 : i32
        %add3A_178 = arith.addi %mul3A_176, %add3A_177 : i32
        %get3A_179 = arith.index_cast %add3A_178 : i32 to index
        %get3A_180 = arith.constant 0 : index
        %get3A_181 = tpu.vector_load %arg13[%get3A_179, %get3A_180] {strides = array<i32>} : memref<80x16xf32, #tpu.memory_space<vmem>>, vector<1x16xf32>,
        %get3A_182 = vector.shape_cast %get3A_181 : vector<1x16xf32> to vector<16xf32>
        %slice3A_183 = vector.extract_strided_slice %get3A_74 {offsets = [6], sizes = [1], strides = [1]} : vector<16xf32> to vector<1xf32>
        %squeeze3A_184 = vector.extract %slice3A_183[0] : f32 from vector<1xf32>
        %mul3A_185 = vector.broadcast %squeeze3A_184 : f32 to vector<16xf32>
        %mul3A_186 = arith.mulf %get3A_182, %mul3A_185 : vector<16xf32>
        %swap3A_187 = arith.index_cast %add3A_178 : i32 to index
        %swap3A_188 = arith.constant 0 : index
        %swap3A_189 = tpu.vector_load %arg13[%swap3A_187, %swap3A_188] {strides = array<i32>} : memref<80x16xf32, #tpu.memory_space<vmem>>, vector<1x16xf32>,
        %swap3A_190 = vector.shape_cast %swap3A_189 : vector<1x16xf32> to vector<16xf32>
        %swap3A_191 = vector.shape_cast %mul3A_186 : vector<16xf32> to vector<1x16xf32>
        tpu.vector_store %arg13[%swap3A_187, %swap3A_188], %swap3A_191 {strides = array<i32>} : memref<80x16xf32, #tpu.memory_space<vmem>>, vector<1x16xf32>,
        %mul3A_192 = arith.constant 16 : i32
        %mul3A_193 = arith.muli %scan3A_58, %mul3A_192 : i32
        %add3A_194 = arith.constant 7 : i32
        %add3A_195 = arith.addi %mul3A_193, %add3A_194 : i32
        %get3A_196 = arith.index_cast %add3A_195 : i32 to index
        %get3A_197 = arith.constant 0 : index
        %get3A_198 = tpu.vector_load %arg13[%get3A_196, %get3A_197] {strides = array<i32>} : memref<80x16xf32, #tpu.memory_space<vmem>>, vector<1x16xf32>,
        %get3A_199 = vector.shape_cast %get3A_198 : vector<1x16xf32> to vector<16xf32>
        %slice3A_200 = vector.extract_strided_slice %get3A_74 {offsets = [7], sizes = [1], strides = [1]} : vector<16xf32> to vector<1xf32>
        %squeeze3A_201 = vector.extract %slice3A_200[0] : f32 from vector<1xf32>
        %mul3A_202 = vector.broadcast %squeeze3A_201 : f32 to vector<16xf32>
        %mul3A_203 = arith.mulf %get3A_199, %mul3A_202 : vector<16xf32>
        %swap3A_204 = arith.index_cast %add3A_195 : i32 to index
        %swap3A_205 = arith.constant 0 : index
        %swap3A_206 = tpu.vector_load %arg13[%swap3A_204, %swap3A_205] {strides = array<i32>} : memref<80x16xf32, #tpu.memory_space<vmem>>, vector<1x16xf32>,
        %swap3A_207 = vector.shape_cast %swap3A_206 : vector<1x16xf32> to vector<16xf32>
        %swap3A_208 = vector.shape_cast %mul3A_203 : vector<16xf32> to vector<1x16xf32>
        tpu.vector_store %arg13[%swap3A_204, %swap3A_205], %swap3A_208 {strides = array<i32>} : memref<80x16xf32, #tpu.memory_space<vmem>>, vector<1x16xf32>,
        %mul3A_209 = arith.constant 16 : i32
        %mul3A_210 = arith.muli %scan3A_58, %mul3A_209 : i32
        %add3A_211 = arith.constant 8 : i32
        %add3A_212 = arith.addi %mul3A_210, %add3A_211 : i32
        %get3A_213 = arith.index_cast %add3A_212 : i32 to index
        %get3A_214 = arith.constant 0 : index
        %get3A_215 = tpu.vector_load %arg13[%get3A_213, %get3A_214] {strides = array<i32>} : memref<80x16xf32, #tpu.memory_space<vmem>>, vector<1x16xf32>,
        %get3A_216 = vector.shape_cast %get3A_215 : vector<1x16xf32> to vector<16xf32>
        %slice3A_217 = vector.extract_strided_slice %get3A_74 {offsets = [8], sizes = [1], strides = [1]} : vector<16xf32> to vector<1xf32>
        %squeeze3A_218 = vector.extract %slice3A_217[0] : f32 from vector<1xf32>
        %mul3A_219 = vector.broadcast %squeeze3A_218 : f32 to vector<16xf32>
        %mul3A_220 = arith.mulf %get3A_216, %mul3A_219 : vector<16xf32>
        %swap3A_221 = arith.index_cast %add3A_212 : i32 to index
        %swap3A_222 = arith.constant 0 : index
        %swap3A_223 = tpu.vector_load %arg13[%swap3A_221, %swap3A_222] {strides = array<i32>} : memref<80x16xf32, #tpu.memory_space<vmem>>, vector<1x16xf32>,
        %swap3A_224 = vector.shape_cast %swap3A_223 : vector<1x16xf32> to vector<16xf32>
        %swap3A_225 = vector.shape_cast %mul3A_220 : vector<16xf32> to vector<1x16xf32>
        tpu.vector_store %arg13[%swap3A_221, %swap3A_222], %swap3A_225 {strides = array<i32>} : memref<80x16xf32, #tpu.memory_space<vmem>>, vector<1x16xf32>,
        %mul3A_226 = arith.constant 16 : i32
        %mul3A_227 = arith.muli %scan3A_58, %mul3A_226 : i32
        %add3A_228 = arith.constant 9 : i32
        %add3A_229 = arith.addi %mul3A_227, %add3A_228 : i32
        %get3A_230 = arith.index_cast %add3A_229 : i32 to index
        %get3A_231 = arith.constant 0 : index
        %get3A_232 = tpu.vector_load %arg13[%get3A_230, %get3A_231] {strides = array<i32>} : memref<80x16xf32, #tpu.memory_space<vmem>>, vector<1x16xf32>,
        %get3A_233 = vector.shape_cast %get3A_232 : vector<1x16xf32> to vector<16xf32>
        %slice3A_234 = vector.extract_strided_slice %get3A_74 {offsets = [9], sizes = [1], strides = [1]} : vector<16xf32> to vector<1xf32>
        %squeeze3A_235 = vector.extract %slice3A_234[0] : f32 from vector<1xf32>
        %mul3A_236 = vector.broadcast %squeeze3A_235 : f32 to vector<16xf32>
        %mul3A_237 = arith.mulf %get3A_233, %mul3A_236 : vector<16xf32>
        %swap3A_238 = arith.index_cast %add3A_229 : i32 to index
        %swap3A_239 = arith.constant 0 : index
        %swap3A_240 = tpu.vector_load %arg13[%swap3A_238, %swap3A_239] {strides = array<i32>} : memref<80x16xf32, #tpu.memory_space<vmem>>, vector<1x16xf32>,
        %swap3A_241 = vector.shape_cast %swap3A_240 : vector<1x16xf32> to vector<16xf32>
        %swap3A_242 = vector.shape_cast %mul3A_237 : vector<16xf32> to vector<1x16xf32>
        tpu.vector_store %arg13[%swap3A_238, %swap3A_239], %swap3A_242 {strides = array<i32>} : memref<80x16xf32, #tpu.memory_space<vmem>>, vector<1x16xf32>,
        %mul3A_243 = arith.constant 16 : i32
        %mul3A_244 = arith.muli %scan3A_58, %mul3A_243 : i32
        %add3A_245 = arith.constant 10 : i32
        %add3A_246 = arith.addi %mul3A_244, %add3A_245 : i32
        %get3A_247 = arith.index_cast %add3A_246 : i32 to index
        %get3A_248 = arith.constant 0 : index
        %get3A_249 = tpu.vector_load %arg13[%get3A_247, %get3A_248] {strides = array<i32>} : memref<80x16xf32, #tpu.memory_space<vmem>>, vector<1x16xf32>,
        %get3A_250 = vector.shape_cast %get3A_249 : vector<1x16xf32> to vector<16xf32>
        %slice3A_251 = vector.extract_strided_slice %get3A_74 {offsets = [10], sizes = [1], strides = [1]} : vector<16xf32> to vector<1xf32>
        %squeeze3A_252 = vector.extract %slice3A_251[0] : f32 from vector<1xf32>
        %mul3A_253 = vector.broadcast %squeeze3A_252 : f32 to vector<16xf32>
        %mul3A_254 = arith.mulf %get3A_250, %mul3A_253 : vector<16xf32>
        %swap3A_255 = arith.index_cast %add3A_246 : i32 to index
        %swap3A_256 = arith.constant 0 : index
        %swap3A_257 = tpu.vector_load %arg13[%swap3A_255, %swap3A_256] {strides = array<i32>} : memref<80x16xf32, #tpu.memory_space<vmem>>, vector<1x16xf32>,
        %swap3A_258 = vector.shape_cast %swap3A_257 : vector<1x16xf32> to vector<16xf32>
        %swap3A_259 = vector.shape_cast %mul3A_254 : vector<16xf32> to vector<1x16xf32>
        tpu.vector_store %arg13[%swap3A_255, %swap3A_256], %swap3A_259 {strides = array<i32>} : memref<80x16xf32, #tpu.memory_space<vmem>>, vector<1x16xf32>,
        %mul3A_260 = arith.constant 16 : i32
        %mul3A_261 = arith.muli %scan3A_58, %mul3A_260 : i32
        %add3A_262 = arith.constant 11 : i32
        %add3A_263 = arith.addi %mul3A_261, %add3A_262 : i32
        %get3A_264 = arith.index_cast %add3A_263 : i32 to index
        %get3A_265 = arith.constant 0 : index
        %get3A_266 = tpu.vector_load %arg13[%get3A_264, %get3A_265] {strides = array<i32>} : memref<80x16xf32, #tpu.memory_space<vmem>>, vector<1x16xf32>,
        %get3A_267 = vector.shape_cast %get3A_266 : vector<1x16xf32> to vector<16xf32>
        %slice3A_268 = vector.extract_strided_slice %get3A_74 {offsets = [11], sizes = [1], strides = [1]} : vector<16xf32> to vector<1xf32>
        %squeeze3A_269 = vector.extract %slice3A_268[0] : f32 from vector<1xf32>
        %mul3A_270 = vector.broadcast %squeeze3A_269 : f32 to vector<16xf32>
        %mul3A_271 = arith.mulf %get3A_267, %mul3A_270 : vector<16xf32>
        %swap3A_272 = arith.index_cast %add3A_263 : i32 to index
        %swap3A_273 = arith.constant 0 : index
        %swap3A_274 = tpu.vector_load %arg13[%swap3A_272, %swap3A_273] {strides = array<i32>} : memref<80x16xf32, #tpu.memory_space<vmem>>, vector<1x16xf32>,
        %swap3A_275 = vector.shape_cast %swap3A_274 : vector<1x16xf32> to vector<16xf32>
        %swap3A_276 = vector.shape_cast %mul3A_271 : vector<16xf32> to vector<1x16xf32>
        tpu.vector_store %arg13[%swap3A_272, %swap3A_273], %swap3A_276 {strides = array<i32>} : memref<80x16xf32, #tpu.memory_space<vmem>>, vector<1x16xf32>,
        %mul3A_277 = arith.constant 16 : i32
        %mul3A_278 = arith.muli %scan3A_58, %mul3A_277 : i32
        %add3A_279 = arith.constant 12 : i32
        %add3A_280 = arith.addi %mul3A_278, %add3A_279 : i32
        %get3A_281 = arith.index_cast %add3A_280 : i32 to index
        %get3A_282 = arith.constant 0 : index
        %get3A_283 = tpu.vector_load %arg13[%get3A_281, %get3A_282] {strides = array<i32>} : memref<80x16xf32, #tpu.memory_space<vmem>>, vector<1x16xf32>,
        %get3A_284 = vector.shape_cast %get3A_283 : vector<1x16xf32> to vector<16xf32>
        %slice3A_285 = vector.extract_strided_slice %get3A_74 {offsets = [12], sizes = [1], strides = [1]} : vector<16xf32> to vector<1xf32>
        %squeeze3A_286 = vector.extract %slice3A_285[0] : f32 from vector<1xf32>
        %mul3A_287 = vector.broadcast %squeeze3A_286 : f32 to vector<16xf32>
        %mul3A_288 = arith.mulf %get3A_284, %mul3A_287 : vector<16xf32>
        %swap3A_289 = arith.index_cast %add3A_280 : i32 to index
        %swap3A_290 = arith.constant 0 : index
        %swap3A_291 = tpu.vector_load %arg13[%swap3A_289, %swap3A_290] {strides = array<i32>} : memref<80x16xf32, #tpu.memory_space<vmem>>, vector<1x16xf32>,
        %swap3A_292 = vector.shape_cast %swap3A_291 : vector<1x16xf32> to vector<16xf32>
        %swap3A_293 = vector.shape_cast %mul3A_288 : vector<16xf32> to vector<1x16xf32>
        tpu.vector_store %arg13[%swap3A_289, %swap3A_290], %swap3A_293 {strides = array<i32>} : memref<80x16xf32, #tpu.memory_space<vmem>>, vector<1x16xf32>,
        %mul3A_294 = arith.constant 16 : i32
        %mul3A_295 = arith.muli %scan3A_58, %mul3A_294 : i32
        %add3A_296 = arith.constant 13 : i32
        %add3A_297 = arith.addi %mul3A_295, %add3A_296 : i32
        %get3A_298 = arith.index_cast %add3A_297 : i32 to index
        %get3A_299 = arith.constant 0 : index
        %get3A_300 = tpu.vector_load %arg13[%get3A_298, %get3A_299] {strides = array<i32>} : memref<80x16xf32, #tpu.memory_space<vmem>>, vector<1x16xf32>,
        %get3A_301 = vector.shape_cast %get3A_300 : vector<1x16xf32> to vector<16xf32>
        %slice3A_302 = vector.extract_strided_slice %get3A_74 {offsets = [13], sizes = [1], strides = [1]} : vector<16xf32> to vector<1xf32>
        %squeeze3A_303 = vector.extract %slice3A_302[0] : f32 from vector<1xf32>
        %mul3A_304 = vector.broadcast %squeeze3A_303 : f32 to vector<16xf32>
        %mul3A_305 = arith.mulf %get3A_301, %mul3A_304 : vector<16xf32>
        %swap3A_306 = arith.index_cast %add3A_297 : i32 to index
        %swap3A_307 = arith.constant 0 : index
        %swap3A_308 = tpu.vector_load %arg13[%swap3A_306, %swap3A_307] {strides = array<i32>} : memref<80x16xf32, #tpu.memory_space<vmem>>, vector<1x16xf32>,
        %swap3A_309 = vector.shape_cast %swap3A_308 : vector<1x16xf32> to vector<16xf32>
        %swap3A_310 = vector.shape_cast %mul3A_305 : vector<16xf32> to vector<1x16xf32>
        tpu.vector_store %arg13[%swap3A_306, %swap3A_307], %swap3A_310 {strides = array<i32>} : memref<80x16xf32, #tpu.memory_space<vmem>>, vector<1x16xf32>,
        %mul3A_311 = arith.constant 16 : i32
        %mul3A_312 = arith.muli %scan3A_58, %mul3A_311 : i32
        %add3A_313 = arith.constant 14 : i32
        %add3A_314 = arith.addi %mul3A_312, %add3A_313 : i32
        %get3A_315 = arith.index_cast %add3A_314 : i32 to index
        %get3A_316 = arith.constant 0 : index
        %get3A_317 = tpu.vector_load %arg13[%get3A_315, %get3A_316] {strides = array<i32>} : memref<80x16xf32, #tpu.memory_space<vmem>>, vector<1x16xf32>,
        %get3A_318 = vector.shape_cast %get3A_317 : vector<1x16xf32> to vector<16xf32>
        %slice3A_319 = vector.extract_strided_slice %get3A_74 {offsets = [14], sizes = [1], strides = [1]} : vector<16xf32> to vector<1xf32>
        %squeeze3A_320 = vector.extract %slice3A_319[0] : f32 from vector<1xf32>
        %mul3A_321 = vector.broadcast %squeeze3A_320 : f32 to vector<16xf32>
        %mul3A_322 = arith.mulf %get3A_318, %mul3A_321 : vector<16xf32>
        %swap3A_323 = arith.index_cast %add3A_314 : i32 to index
        %swap3A_324 = arith.constant 0 : index
        %swap3A_325 = tpu.vector_load %arg13[%swap3A_323, %swap3A_324] {strides = array<i32>} : memref<80x16xf32, #tpu.memory_space<vmem>>, vector<1x16xf32>,
        %swap3A_326 = vector.shape_cast %swap3A_325 : vector<1x16xf32> to vector<16xf32>
        %swap3A_327 = vector.shape_cast %mul3A_322 : vector<16xf32> to vector<1x16xf32>
        tpu.vector_store %arg13[%swap3A_323, %swap3A_324], %swap3A_327 {strides = array<i32>} : memref<80x16xf32, #tpu.memory_space<vmem>>, vector<1x16xf32>,
        %mul3A_328 = arith.constant 16 : i32
        %mul3A_329 = arith.muli %scan3A_58, %mul3A_328 : i32
        %add3A_330 = arith.constant 15 : i32
        %add3A_331 = arith.addi %mul3A_329, %add3A_330 : i32
        %get3A_332 = arith.index_cast %add3A_331 : i32 to index
        %get3A_333 = arith.constant 0 : index
        %get3A_334 = tpu.vector_load %arg13[%get3A_332, %get3A_333] {strides = array<i32>} : memref<80x16xf32, #tpu.memory_space<vmem>>, vector<1x16xf32>,
        %get3A_335 = vector.shape_cast %get3A_334 : vector<1x16xf32> to vector<16xf32>
        %slice3A_336 = vector.extract_strided_slice %get3A_74 {offsets = [15], sizes = [1], strides = [1]} : vector<16xf32> to vector<1xf32>
        %squeeze3A_337 = vector.extract %slice3A_336[0] : f32 from vector<1xf32>
        %mul3A_338 = vector.broadcast %squeeze3A_337 : f32 to vector<16xf32>
        %mul3A_339 = arith.mulf %get3A_335, %mul3A_338 : vector<16xf32>
        %swap3A_340 = arith.index_cast %add3A_331 : i32 to index
        %swap3A_341 = arith.constant 0 : index
        %swap3A_342 = tpu.vector_load %arg13[%swap3A_340, %swap3A_341] {strides = array<i32>} : memref<80x16xf32, #tpu.memory_space<vmem>>, vector<1x16xf32>,
        %swap3A_343 = vector.shape_cast %swap3A_342 : vector<1x16xf32> to vector<16xf32>
        %swap3A_344 = vector.shape_cast %mul3A_339 : vector<16xf32> to vector<1x16xf32>
        tpu.vector_store %arg13[%swap3A_340, %swap3A_341], %swap3A_344 {strides = array<i32>} : memref<80x16xf32, #tpu.memory_space<vmem>>, vector<1x16xf32>,
        %scan3A_345 = arith.constant 0 : i32
        scf.yield %scan3A_345 : i32
      }
      %scan3A_56 = arith.constant 5 : i32
      "tpu.region"() ({
        %run_scoped3A = tpu.sem_alloc : memref<!tpu.dma_semaphore, #tpu.memory_space<semaphore_mem>>
        %dma_start3A_58 = arith.constant 0 : i32
        %dma_start3A_59 = arith.constant 0 : i32
        %dma_start3A_60 = tpu.memref_slice %arg15[%dma_start3A_58, %dma_start3A_59] : memref<50176x16xf32, #tpu.memory_space<vmem_shared>> -> memref<50176x16xf32, #tpu.memory_space<vmem_shared>>
        tpu.enqueue_indirect_dma source(%arg13 : memref<80x16xf32, #tpu.memory_space<vmem>>) target(%dma_start3A_60 : memref<50176x16xf32, #tpu.memory_space<vmem_shared>>) offsets(%arg11 : memref<80xi32, #tpu.memory_space<vmem>>) semaphore(%run_scoped3A : memref<!tpu.dma_semaphore, #tpu.memory_space<semaphore_mem>>) {add = true}
        %dma_wait3A_61 = arith.constant 0 : i32
        %dma_wait3A_62 = arith.constant 0 : i32
        %dma_wait3A_63 = tpu.memref_slice %arg15[%dma_wait3A_61, %dma_wait3A_62] : memref<50176x16xf32, #tpu.memory_space<vmem_shared>> -> memref<50176x16xf32, #tpu.memory_space<vmem_shared>>
        tpu.wait_indirect_dma semaphore(%run_scoped3A : memref<!tpu.dma_semaphore, #tpu.memory_space<semaphore_mem>>) src(%arg13 : memref<80x16xf32, #tpu.memory_space<vmem>>) dst(%dma_wait3A_63 : memref<50176x16xf32, #tpu.memory_space<vmem_shared>>)
        tpu.yield
      }) : () -> ()
      %scan3A_57 = arith.constant 0 : i32
      scf.yield %scan3A_57 : i32
    }
    %scan3A_17 = arith.constant 1250 : i32
    %barrier3A_18 = arith.constant 0 : index
    tpu.barrier barrier_id(%barrier3A_18)
    %mul3A_19 = arith.constant 3128 : i32
    %mul3A_20 = arith.muli %arg1, %mul3A_19 : i32
    "tpu.region"() ({
      %run_scoped3A = tpu.sem_alloc : memref<!tpu.dma_semaphore, #tpu.memory_space<semaphore_mem>>
      %dma_start3A = arith.constant 0 : i32
      %dma_start3A_43 = arith.constant 0 : i32
      %dma_start3A_44 = tpu.memref_slice %arg14[%dma_start3A, %dma_start3A_43] : memref<3136x16xf32, #tpu.memory_space<vmem>> -> memref<3128x16xf32, #tpu.memory_space<vmem>>
      %dma_start3A_45 = arith.constant 0 : i32
      %dma_start3A_46 = tpu.memref_slice %arg15[%mul3A_20, %dma_start3A_45] : memref<50176x16xf32, #tpu.memory_space<vmem_shared>> -> memref<3128x16xf32, #tpu.memory_space<vmem_shared>>
      %dma_start3A_47 = arith.constant 0 : i32
      %dma_start3A_48 = arith.constant 0 : i32
      %dma_start3A_49 = tpu.memref_slice %arg14[%dma_start3A_47, %dma_start3A_48] : memref<3136x16xf32, #tpu.memory_space<vmem>> -> memref<3128x16xf32, #tpu.memory_space<vmem>>
      %dma_start3A_50 = arith.constant 0 : i32
      %dma_start3A_51 = tpu.memref_slice %arg15[%mul3A_20, %dma_start3A_50] : memref<50176x16xf32, #tpu.memory_space<vmem_shared>> -> memref<3128x16xf32, #tpu.memory_space<vmem_shared>>
      tpu.enqueue_dma source(%dma_start3A_51 : memref<3128x16xf32, #tpu.memory_space<vmem_shared>>) target(%dma_start3A_49 : memref<3128x16xf32, #tpu.memory_space<vmem>>) target_semaphore(%run_scoped3A : memref<!tpu.dma_semaphore, #tpu.memory_space<semaphore_mem>>)
      %dma_wait3A = arith.constant 0 : i32
      %dma_wait3A_52 = arith.constant 0 : i32
      %dma_wait3A_53 = tpu.memref_slice %arg14[%dma_wait3A, %dma_wait3A_52] : memref<3136x16xf32, #tpu.memory_space<vmem>> -> memref<3128x16xf32, #tpu.memory_space<vmem>>
      %dma_wait3A_54 = arith.constant 0 : i32
      %dma_wait3A_55 = tpu.memref_slice %arg15[%mul3A_20, %dma_wait3A_54] : memref<50176x16xf32, #tpu.memory_space<vmem_shared>> -> memref<3128x16xf32, #tpu.memory_space<vmem_shared>>
      %dma_wait3A_56 = arith.constant 0 : i32
      %dma_wait3A_57 = arith.constant 0 : i32
      %dma_wait3A_58 = tpu.memref_slice %arg14[%dma_wait3A_56, %dma_wait3A_57] : memref<3136x16xf32, #tpu.memory_space<vmem>> -> memref<3128x16xf32, #tpu.memory_space<vmem>>
      %dma_wait3A_59 = arith.constant 0 : i32
      %dma_wait3A_60 = tpu.memref_slice %arg15[%mul3A_20, %dma_wait3A_59] : memref<50176x16xf32, #tpu.memory_space<vmem_shared>> -> memref<3128x16xf32, #tpu.memory_space<vmem_shared>>
      tpu.wait_dma2 semaphore(%run_scoped3A : memref<!tpu.dma_semaphore, #tpu.memory_space<semaphore_mem>>) src(%dma_wait3A_60 : memref<3128x16xf32, #tpu.memory_space<vmem_shared>>) dst(%dma_wait3A_58 : memref<3128x16xf32, #tpu.memory_space<vmem>>)
      tpu.yield
    }) : () -> ()
    %add3A = arith.addi %mul3A_0, %mul3A_20 : i32
    "tpu.region"() ({
      %run_scoped3A = tpu.sem_alloc : memref<!tpu.dma_semaphore, #tpu.memory_space<semaphore_mem>>
      %dma_start3A = arith.constant 0 : i32
      %dma_start3A_43 = arith.constant 0 : i32
      %dma_start3A_44 = tpu.memref_slice %arg14[%dma_start3A, %dma_start3A_43] : memref<3136x16xf32, #tpu.memory_space<vmem>> -> memref<3128x16xf32, #tpu.memory_space<vmem>>
      %dma_start3A_45 = arith.constant 0 : i32
      %dma_start3A_46 = tpu.memref_slice %arg7[%add3A, %dma_start3A_45] : memref<100096x16xf32, #tpu.memory_space<hbm>> -> memref<3128x16xf32, #tpu.memory_space<hbm>>
      %dma_start3A_47 = arith.constant 0 : i32
      %dma_start3A_48 = tpu.memref_slice %arg7[%add3A, %dma_start3A_47] : memref<100096x16xf32, #tpu.memory_space<hbm>> -> memref<3128x16xf32, #tpu.memory_space<hbm>>
      %dma_start3A_49 = arith.constant 0 : i32
      %dma_start3A_50 = arith.constant 0 : i32
      %dma_start3A_51 = tpu.memref_slice %arg14[%dma_start3A_49, %dma_start3A_50] : memref<3136x16xf32, #tpu.memory_space<vmem>> -> memref<3128x16xf32, #tpu.memory_space<vmem>>
      tpu.enqueue_dma source(%dma_start3A_51 : memref<3128x16xf32, #tpu.memory_space<vmem>>) target(%dma_start3A_48 : memref<3128x16xf32, #tpu.memory_space<hbm>>) target_semaphore(%run_scoped3A : memref<!tpu.dma_semaphore, #tpu.memory_space<semaphore_mem>>)
      %dma_wait3A = arith.constant 0 : i32
      %dma_wait3A_52 = arith.constant 0 : i32
      %dma_wait3A_53 = tpu.memref_slice %arg14[%dma_wait3A, %dma_wait3A_52] : memref<3136x16xf32, #tpu.memory_space<vmem>> -> memref<3128x16xf32, #tpu.memory_space<vmem>>
      %dma_wait3A_54 = arith.constant 0 : i32
      %dma_wait3A_55 = tpu.memref_slice %arg7[%add3A, %dma_wait3A_54] : memref<100096x16xf32, #tpu.memory_space<hbm>> -> memref<3128x16xf32, #tpu.memory_space<hbm>>
      %dma_wait3A_56 = arith.constant 0 : i32
      %dma_wait3A_57 = tpu.memref_slice %arg7[%add3A, %dma_wait3A_56] : memref<100096x16xf32, #tpu.memory_space<hbm>> -> memref<3128x16xf32, #tpu.memory_space<hbm>>
      %dma_wait3A_58 = arith.constant 0 : i32
      %dma_wait3A_59 = arith.constant 0 : i32
      %dma_wait3A_60 = tpu.memref_slice %arg14[%dma_wait3A_58, %dma_wait3A_59] : memref<3136x16xf32, #tpu.memory_space<vmem>> -> memref<3128x16xf32, #tpu.memory_space<vmem>>
      tpu.wait_dma2 semaphore(%run_scoped3A : memref<!tpu.dma_semaphore, #tpu.memory_space<semaphore_mem>>) src(%dma_wait3A_60 : memref<3128x16xf32, #tpu.memory_space<vmem>>) dst(%dma_wait3A_57 : memref<3128x16xf32, #tpu.memory_space<hbm>>)
      tpu.yield
    }) : () -> ()
    %scan3A_21 = arith.constant 0 : i32
    %scan3A_22 = arith.constant 0 : i32
    %scan3A_23 = arith.constant 3128 : i32
    %scan3A_24 = arith.addi %scan3A_22, %scan3A_23 : i32
    %scan3A_25 = arith.constant 1 : i32
    %scan3A_26 = scf.for %scan3A_43 = %scan3A_22 to %scan3A_24 step %scan3A_25 iter_args(%scan3A_44 = %scan3A_21) -> (i32)  : i32 {
      %broadcast_in_dim3A = arith.constant 0.000000e+00 : f32
      %broadcast_in_dim3A_45 = vector.broadcast %broadcast_in_dim3A : f32 to vector<16xf32>
      %swap3A = arith.index_cast %scan3A_43 : i32 to index
      %swap3A_46 = arith.constant 0 : index
      %swap3A_47 = tpu.vector_load %arg14[%swap3A, %swap3A_46] {strides = array<i32>} : memref<3136x16xf32, #tpu.memory_space<vmem>>, vector<1x16xf32>,
      %swap3A_48 = vector.shape_cast %swap3A_47 : vector<1x16xf32> to vector<16xf32>
      %swap3A_49 = vector.shape_cast %broadcast_in_dim3A_45 : vector<16xf32> to vector<1x16xf32>
      tpu.vector_store %arg14[%swap3A, %swap3A_46], %swap3A_49 {strides = array<i32>} : memref<3136x16xf32, #tpu.memory_space<vmem>>, vector<1x16xf32>,
      %scan3A_50 = arith.constant 0 : i32
      scf.yield %scan3A_50 : i32
    }
    %scan3A_27 = arith.constant 3128 : i32
    %barrier3A_28 = arith.constant 0 : index
    tpu.barrier barrier_id(%barrier3A_28)
    %mul3A_29 = arith.constant 3136 : i32
    %mul3A_30 = arith.muli %arg1, %mul3A_29 : i32
    "tpu.region"() ({
      %run_scoped3A = tpu.sem_alloc : memref<!tpu.dma_semaphore, #tpu.memory_space<semaphore_mem>>
      %dma_start3A = arith.constant 0 : i32
      %dma_start3A_43 = tpu.memref_slice %arg15[%mul3A_30, %dma_start3A] : memref<50176x16xf32, #tpu.memory_space<vmem_shared>> -> memref<3136x16xf32, #tpu.memory_space<vmem_shared>>
      %dma_start3A_44 = arith.constant 0 : i32
      %dma_start3A_45 = tpu.memref_slice %arg15[%mul3A_30, %dma_start3A_44] : memref<50176x16xf32, #tpu.memory_space<vmem_shared>> -> memref<3136x16xf32, #tpu.memory_space<vmem_shared>>
      tpu.enqueue_dma source(%arg14 : memref<3136x16xf32, #tpu.memory_space<vmem>>) target(%dma_start3A_45 : memref<3136x16xf32, #tpu.memory_space<vmem_shared>>) target_semaphore(%run_scoped3A : memref<!tpu.dma_semaphore, #tpu.memory_space<semaphore_mem>>)
      %dma_wait3A = arith.constant 0 : i32
      %dma_wait3A_46 = tpu.memref_slice %arg15[%mul3A_30, %dma_wait3A] : memref<50176x16xf32, #tpu.memory_space<vmem_shared>> -> memref<3136x16xf32, #tpu.memory_space<vmem_shared>>
      %dma_wait3A_47 = arith.constant 0 : i32
      %dma_wait3A_48 = tpu.memref_slice %arg15[%mul3A_30, %dma_wait3A_47] : memref<50176x16xf32, #tpu.memory_space<vmem_shared>> -> memref<3136x16xf32, #tpu.memory_space<vmem_shared>>
      tpu.wait_dma2 semaphore(%run_scoped3A : memref<!tpu.dma_semaphore, #tpu.memory_space<semaphore_mem>>) src(%arg14 : memref<3136x16xf32, #tpu.memory_space<vmem>>) dst(%dma_wait3A_48 : memref<3136x16xf32, #tpu.memory_space<vmem_shared>>)
      tpu.yield
    }) : () -> ()
    %barrier3A_31 = arith.constant 0 : index
    tpu.barrier barrier_id(%barrier3A_31)
    %scan3A_32 = arith.constant 0 : i32
    %scan3A_33 = arith.constant 0 : i32
    %scan3A_34 = arith.constant 1250 : i32
    %scan3A_35 = arith.addi %scan3A_33, %scan3A_34 : i32
    %scan3A_36 = arith.constant 1 : i32
    %scan3A_37 = scf.for %scan3A_43 = %scan3A_33 to %scan3A_35 step %scan3A_36 iter_args(%scan3A_44 = %scan3A_32) -> (i32)  : i32 {
      %add3A_45 = arith.addi %mul3A_2, %scan3A_43 : i32
      "tpu.region"() ({
        %run_scoped3A = tpu.sem_alloc : memref<!tpu.dma_semaphore, #tpu.memory_space<semaphore_mem>>
        %dma_start3A_58 = arith.constant 0 : i32
        %dma_start3A_59 = tpu.memref_slice %arg4[%add3A_45, %dma_start3A_58] : memref<20000x80xi32, #tpu.memory_space<hbm>> -> memref<1x80xi32, #tpu.memory_space<hbm>>
        %dma_start3A_60 = tpu.memref_squeeze %dma_start3A_59 : memref<1x80xi32, #tpu.memory_space<hbm>> -> memref<80xi32, #tpu.memory_space<hbm>>
        %dma_start3A_61 = arith.constant 0 : i32
        %dma_start3A_62 = tpu.memref_slice %arg4[%add3A_45, %dma_start3A_61] : memref<20000x80xi32, #tpu.memory_space<hbm>> -> memref<1x80xi32, #tpu.memory_space<hbm>>
        %dma_start3A_63 = tpu.memref_squeeze %dma_start3A_62 : memref<1x80xi32, #tpu.memory_space<hbm>> -> memref<80xi32, #tpu.memory_space<hbm>>
        tpu.enqueue_dma source(%dma_start3A_63 : memref<80xi32, #tpu.memory_space<hbm>>) target(%arg9 : memref<80xi32, #tpu.memory_space<vmem>>) target_semaphore(%run_scoped3A : memref<!tpu.dma_semaphore, #tpu.memory_space<semaphore_mem>>)
        %dma_wait3A_64 = arith.constant 0 : i32
        %dma_wait3A_65 = tpu.memref_slice %arg4[%add3A_45, %dma_wait3A_64] : memref<20000x80xi32, #tpu.memory_space<hbm>> -> memref<1x80xi32, #tpu.memory_space<hbm>>
        %dma_wait3A_66 = tpu.memref_squeeze %dma_wait3A_65 : memref<1x80xi32, #tpu.memory_space<hbm>> -> memref<80xi32, #tpu.memory_space<hbm>>
        %dma_wait3A_67 = arith.constant 0 : i32
        %dma_wait3A_68 = tpu.memref_slice %arg4[%add3A_45, %dma_wait3A_67] : memref<20000x80xi32, #tpu.memory_space<hbm>> -> memref<1x80xi32, #tpu.memory_space<hbm>>
        %dma_wait3A_69 = tpu.memref_squeeze %dma_wait3A_68 : memref<1x80xi32, #tpu.memory_space<hbm>> -> memref<80xi32, #tpu.memory_space<hbm>>
        tpu.wait_dma2 semaphore(%run_scoped3A : memref<!tpu.dma_semaphore, #tpu.memory_space<semaphore_mem>>) src(%dma_wait3A_69 : memref<80xi32, #tpu.memory_space<hbm>>) dst(%arg9 : memref<80xi32, #tpu.memory_space<vmem>>)
        tpu.yield
      }) : () -> ()
      "tpu.region"() ({
        %run_scoped3A = tpu.sem_alloc : memref<!tpu.dma_semaphore, #tpu.memory_space<semaphore_mem>>
        %dma_start3A_58 = arith.constant 0 : i32
        %dma_start3A_59 = tpu.memref_slice %arg5[%add3A_45, %dma_start3A_58] : memref<20000x80xi32, #tpu.memory_space<hbm>> -> memref<1x80xi32, #tpu.memory_space<hbm>>
        %dma_start3A_60 = tpu.memref_squeeze %dma_start3A_59 : memref<1x80xi32, #tpu.memory_space<hbm>> -> memref<80xi32, #tpu.memory_space<hbm>>
        %dma_start3A_61 = arith.constant 0 : i32
        %dma_start3A_62 = tpu.memref_slice %arg5[%add3A_45, %dma_start3A_61] : memref<20000x80xi32, #tpu.memory_space<hbm>> -> memref<1x80xi32, #tpu.memory_space<hbm>>
        %dma_start3A_63 = tpu.memref_squeeze %dma_start3A_62 : memref<1x80xi32, #tpu.memory_space<hbm>> -> memref<80xi32, #tpu.memory_space<hbm>>
        tpu.enqueue_dma source(%dma_start3A_63 : memref<80xi32, #tpu.memory_space<hbm>>) target(%arg10 : memref<80xi32, #tpu.memory_space<vmem>>) target_semaphore(%run_scoped3A : memref<!tpu.dma_semaphore, #tpu.memory_space<semaphore_mem>>)
        %dma_wait3A_64 = arith.constant 0 : i32
        %dma_wait3A_65 = tpu.memref_slice %arg5[%add3A_45, %dma_wait3A_64] : memref<20000x80xi32, #tpu.memory_space<hbm>> -> memref<1x80xi32, #tpu.memory_space<hbm>>
        %dma_wait3A_66 = tpu.memref_squeeze %dma_wait3A_65 : memref<1x80xi32, #tpu.memory_space<hbm>> -> memref<80xi32, #tpu.memory_space<hbm>>
        %dma_wait3A_67 = arith.constant 0 : i32
        %dma_wait3A_68 = tpu.memref_slice %arg5[%add3A_45, %dma_wait3A_67] : memref<20000x80xi32, #tpu.memory_space<hbm>> -> memref<1x80xi32, #tpu.memory_space<hbm>>
        %dma_wait3A_69 = tpu.memref_squeeze %dma_wait3A_68 : memref<1x80xi32, #tpu.memory_space<hbm>> -> memref<80xi32, #tpu.memory_space<hbm>>
        tpu.wait_dma2 semaphore(%run_scoped3A : memref<!tpu.dma_semaphore, #tpu.memory_space<semaphore_mem>>) src(%dma_wait3A_69 : memref<80xi32, #tpu.memory_space<hbm>>) dst(%arg10 : memref<80xi32, #tpu.memory_space<vmem>>)
        tpu.yield
      }) : () -> ()
      "tpu.region"() ({
        %run_scoped3A = tpu.sem_alloc : memref<!tpu.dma_semaphore, #tpu.memory_space<semaphore_mem>>
        %dma_start3A_58 = arith.constant 0 : i32
        %dma_start3A_59 = tpu.memref_slice %arg6[%add3A_45, %dma_start3A_58] : memref<20000x80xf32, #tpu.memory_space<hbm>> -> memref<1x80xf32, #tpu.memory_space<hbm>>
        %dma_start3A_60 = tpu.memref_squeeze %dma_start3A_59 : memref<1x80xf32, #tpu.memory_space<hbm>> -> memref<80xf32, #tpu.memory_space<hbm>>
        %dma_start3A_61 = arith.constant 0 : i32
        %dma_start3A_62 = tpu.memref_slice %arg6[%add3A_45, %dma_start3A_61] : memref<20000x80xf32, #tpu.memory_space<hbm>> -> memref<1x80xf32, #tpu.memory_space<hbm>>
        %dma_start3A_63 = tpu.memref_squeeze %dma_start3A_62 : memref<1x80xf32, #tpu.memory_space<hbm>> -> memref<80xf32, #tpu.memory_space<hbm>>
        tpu.enqueue_dma source(%dma_start3A_63 : memref<80xf32, #tpu.memory_space<hbm>>) target(%arg12 : memref<80xf32, #tpu.memory_space<vmem>>) target_semaphore(%run_scoped3A : memref<!tpu.dma_semaphore, #tpu.memory_space<semaphore_mem>>)
        %dma_wait3A_64 = arith.constant 0 : i32
        %dma_wait3A_65 = tpu.memref_slice %arg6[%add3A_45, %dma_wait3A_64] : memref<20000x80xf32, #tpu.memory_space<hbm>> -> memref<1x80xf32, #tpu.memory_space<hbm>>
        %dma_wait3A_66 = tpu.memref_squeeze %dma_wait3A_65 : memref<1x80xf32, #tpu.memory_space<hbm>> -> memref<80xf32, #tpu.memory_space<hbm>>
        %dma_wait3A_67 = arith.constant 0 : i32
        %dma_wait3A_68 = tpu.memref_slice %arg6[%add3A_45, %dma_wait3A_67] : memref<20000x80xf32, #tpu.memory_space<hbm>> -> memref<1x80xf32, #tpu.memory_space<hbm>>
        %dma_wait3A_69 = tpu.memref_squeeze %dma_wait3A_68 : memref<1x80xf32, #tpu.memory_space<hbm>> -> memref<80xf32, #tpu.memory_space<hbm>>
        tpu.wait_dma2 semaphore(%run_scoped3A : memref<!tpu.dma_semaphore, #tpu.memory_space<semaphore_mem>>) src(%dma_wait3A_69 : memref<80xf32, #tpu.memory_space<hbm>>) dst(%arg12 : memref<80xf32, #tpu.memory_space<vmem>>)
        tpu.yield
      }) : () -> ()
      %dma_start3A = arith.constant 0 : i32
      %dma_start3A_46 = arith.constant 0 : i32
      %dma_start3A_47 = tpu.memref_slice %arg3[%dma_start3A, %dma_start3A_46] : memref<100000x16xf32, #tpu.memory_space<hbm>> -> memref<100000x16xf32, #tpu.memory_space<hbm>>
      tpu.enqueue_indirect_dma source(%dma_start3A_47 : memref<100000x16xf32, #tpu.memory_space<hbm>>) target(%arg13 : memref<80x16xf32, #tpu.memory_space<vmem>>) offsets(%arg9 : memref<80xi32, #tpu.memory_space<vmem>>) semaphore(%arg16 : memref<!tpu.dma_semaphore, #tpu.memory_space<semaphore_mem>>)
      %dma_wait3A = arith.constant 0 : i32
      %dma_wait3A_48 = arith.constant 0 : i32
      %dma_wait3A_49 = tpu.memref_slice %arg3[%dma_wait3A, %dma_wait3A_48] : memref<100000x16xf32, #tpu.memory_space<hbm>> -> memref<100000x16xf32, #tpu.memory_space<hbm>>
      tpu.wait_indirect_dma semaphore(%arg16 : memref<!tpu.dma_semaphore, #tpu.memory_space<semaphore_mem>>) src(%dma_wait3A_49 : memref<100000x16xf32, #tpu.memory_space<hbm>>) dst(%arg13 : memref<80x16xf32, #tpu.memory_space<vmem>>)
      %scan3A_50 = arith.constant 0 : i32
      %scan3A_51 = arith.constant 0 : i32
      %scan3A_52 = arith.constant 5 : i32
      %scan3A_53 = arith.addi %scan3A_51, %scan3A_52 : i32
      %scan3A_54 = arith.constant 1 : i32
      %scan3A_55 = scf.for %scan3A_58 = %scan3A_51 to %scan3A_53 step %scan3A_54 iter_args(%scan3A_59 = %scan3A_50) -> (i32)  : i32 {
        %mul3A_60 = arith.constant 16 : i32
        %mul3A_61 = arith.muli %scan3A_58, %mul3A_60 : i32
        %get3A = arith.index_cast %mul3A_61 : i32 to index
        %get3A_62 = tpu.vector_load %arg10[%get3A] {strides = array<i32>} : memref<80xi32, #tpu.memory_space<vmem>>, vector<16xi32>,
        %get3A_63 = vector.shape_cast %get3A_62 : vector<16xi32> to vector<16xi32>
        %sub3A = vector.broadcast %mul3A_0 : i32 to vector<16xi32>
        %sub3A_64 = arith.subi %get3A_63, %sub3A : vector<16xi32>
        %ge3A = arith.constant 0 : i32
        %ge3A_65 = vector.broadcast %ge3A : i32 to vector<16xi32>
        %ge3A_66 = arith.cmpi sge, %sub3A_64, %ge3A_65 : vector<16xi32>
        %lt3A = arith.constant 50048 : i32
        %lt3A_67 = vector.broadcast %lt3A : i32 to vector<16xi32>
        %lt3A_68 = arith.cmpi slt, %sub3A_64, %lt3A_67 : vector<16xi32>
        %and3A = arith.andi %ge3A_66, %lt3A_68 : vector<16xi1>
        %jit3A = arith.constant 50048 : i32
        %broadcast_in_dim3A = vector.broadcast %jit3A : i32 to vector<16xi32>
        %select_n3A = arith.select %and3A, %sub3A_64, %broadcast_in_dim3A : vector<16xi1>, vector<16xi32>
        %swap3A = arith.index_cast %mul3A_61 : i32 to index
        %swap3A_69 = tpu.vector_load %arg11[%swap3A] {strides = array<i32>} : memref<80xi32, #tpu.memory_space<vmem>>, vector<16xi32>,
        %swap3A_70 = vector.shape_cast %swap3A_69 : vector<16xi32> to vector<16xi32>
        %swap3A_71 = vector.shape_cast %select_n3A : vector<16xi32> to vector<16xi32>
        tpu.vector_store %arg11[%swap3A], %swap3A_71 {strides = array<i32>} : memref<80xi32, #tpu.memory_space<vmem>>, vector<16xi32>,
        %get3A_72 = arith.index_cast %mul3A_61 : i32 to index
        %get3A_73 = tpu.vector_load %arg12[%get3A_72] {strides = array<i32>} : memref<80xf32, #tpu.memory_space<vmem>>, vector<16xf32>,
        %get3A_74 = vector.shape_cast %get3A_73 : vector<16xf32> to vector<16xf32>
        %mul3A_75 = arith.constant 16 : i32
        %mul3A_76 = arith.muli %scan3A_58, %mul3A_75 : i32
        %add3A_77 = arith.constant 0 : i32
        %add3A_78 = arith.addi %mul3A_76, %add3A_77 : i32
        %get3A_79 = arith.index_cast %add3A_78 : i32 to index
        %get3A_80 = arith.constant 0 : index
        %get3A_81 = tpu.vector_load %arg13[%get3A_79, %get3A_80] {strides = array<i32>} : memref<80x16xf32, #tpu.memory_space<vmem>>, vector<1x16xf32>,
        %get3A_82 = vector.shape_cast %get3A_81 : vector<1x16xf32> to vector<16xf32>
        %slice3A = vector.extract_strided_slice %get3A_74 {offsets = [0], sizes = [1], strides = [1]} : vector<16xf32> to vector<1xf32>
        %squeeze3A = vector.extract %slice3A[0] : f32 from vector<1xf32>
        %mul3A_83 = vector.broadcast %squeeze3A : f32 to vector<16xf32>
        %mul3A_84 = arith.mulf %get3A_82, %mul3A_83 : vector<16xf32>
        %swap3A_85 = arith.index_cast %add3A_78 : i32 to index
        %swap3A_86 = arith.constant 0 : index
        %swap3A_87 = tpu.vector_load %arg13[%swap3A_85, %swap3A_86] {strides = array<i32>} : memref<80x16xf32, #tpu.memory_space<vmem>>, vector<1x16xf32>,
        %swap3A_88 = vector.shape_cast %swap3A_87 : vector<1x16xf32> to vector<16xf32>
        %swap3A_89 = vector.shape_cast %mul3A_84 : vector<16xf32> to vector<1x16xf32>
        tpu.vector_store %arg13[%swap3A_85, %swap3A_86], %swap3A_89 {strides = array<i32>} : memref<80x16xf32, #tpu.memory_space<vmem>>, vector<1x16xf32>,
        %mul3A_90 = arith.constant 16 : i32
        %mul3A_91 = arith.muli %scan3A_58, %mul3A_90 : i32
        %add3A_92 = arith.constant 1 : i32
        %add3A_93 = arith.addi %mul3A_91, %add3A_92 : i32
        %get3A_94 = arith.index_cast %add3A_93 : i32 to index
        %get3A_95 = arith.constant 0 : index
        %get3A_96 = tpu.vector_load %arg13[%get3A_94, %get3A_95] {strides = array<i32>} : memref<80x16xf32, #tpu.memory_space<vmem>>, vector<1x16xf32>,
        %get3A_97 = vector.shape_cast %get3A_96 : vector<1x16xf32> to vector<16xf32>
        %slice3A_98 = vector.extract_strided_slice %get3A_74 {offsets = [1], sizes = [1], strides = [1]} : vector<16xf32> to vector<1xf32>
        %squeeze3A_99 = vector.extract %slice3A_98[0] : f32 from vector<1xf32>
        %mul3A_100 = vector.broadcast %squeeze3A_99 : f32 to vector<16xf32>
        %mul3A_101 = arith.mulf %get3A_97, %mul3A_100 : vector<16xf32>
        %swap3A_102 = arith.index_cast %add3A_93 : i32 to index
        %swap3A_103 = arith.constant 0 : index
        %swap3A_104 = tpu.vector_load %arg13[%swap3A_102, %swap3A_103] {strides = array<i32>} : memref<80x16xf32, #tpu.memory_space<vmem>>, vector<1x16xf32>,
        %swap3A_105 = vector.shape_cast %swap3A_104 : vector<1x16xf32> to vector<16xf32>
        %swap3A_106 = vector.shape_cast %mul3A_101 : vector<16xf32> to vector<1x16xf32>
        tpu.vector_store %arg13[%swap3A_102, %swap3A_103], %swap3A_106 {strides = array<i32>} : memref<80x16xf32, #tpu.memory_space<vmem>>, vector<1x16xf32>,
        %mul3A_107 = arith.constant 16 : i32
        %mul3A_108 = arith.muli %scan3A_58, %mul3A_107 : i32
        %add3A_109 = arith.constant 2 : i32
        %add3A_110 = arith.addi %mul3A_108, %add3A_109 : i32
        %get3A_111 = arith.index_cast %add3A_110 : i32 to index
        %get3A_112 = arith.constant 0 : index
        %get3A_113 = tpu.vector_load %arg13[%get3A_111, %get3A_112] {strides = array<i32>} : memref<80x16xf32, #tpu.memory_space<vmem>>, vector<1x16xf32>,
        %get3A_114 = vector.shape_cast %get3A_113 : vector<1x16xf32> to vector<16xf32>
        %slice3A_115 = vector.extract_strided_slice %get3A_74 {offsets = [2], sizes = [1], strides = [1]} : vector<16xf32> to vector<1xf32>
        %squeeze3A_116 = vector.extract %slice3A_115[0] : f32 from vector<1xf32>
        %mul3A_117 = vector.broadcast %squeeze3A_116 : f32 to vector<16xf32>
        %mul3A_118 = arith.mulf %get3A_114, %mul3A_117 : vector<16xf32>
        %swap3A_119 = arith.index_cast %add3A_110 : i32 to index
        %swap3A_120 = arith.constant 0 : index
        %swap3A_121 = tpu.vector_load %arg13[%swap3A_119, %swap3A_120] {strides = array<i32>} : memref<80x16xf32, #tpu.memory_space<vmem>>, vector<1x16xf32>,
        %swap3A_122 = vector.shape_cast %swap3A_121 : vector<1x16xf32> to vector<16xf32>
        %swap3A_123 = vector.shape_cast %mul3A_118 : vector<16xf32> to vector<1x16xf32>
        tpu.vector_store %arg13[%swap3A_119, %swap3A_120], %swap3A_123 {strides = array<i32>} : memref<80x16xf32, #tpu.memory_space<vmem>>, vector<1x16xf32>,
        %mul3A_124 = arith.constant 16 : i32
        %mul3A_125 = arith.muli %scan3A_58, %mul3A_124 : i32
        %add3A_126 = arith.constant 3 : i32
        %add3A_127 = arith.addi %mul3A_125, %add3A_126 : i32
        %get3A_128 = arith.index_cast %add3A_127 : i32 to index
        %get3A_129 = arith.constant 0 : index
        %get3A_130 = tpu.vector_load %arg13[%get3A_128, %get3A_129] {strides = array<i32>} : memref<80x16xf32, #tpu.memory_space<vmem>>, vector<1x16xf32>,
        %get3A_131 = vector.shape_cast %get3A_130 : vector<1x16xf32> to vector<16xf32>
        %slice3A_132 = vector.extract_strided_slice %get3A_74 {offsets = [3], sizes = [1], strides = [1]} : vector<16xf32> to vector<1xf32>
        %squeeze3A_133 = vector.extract %slice3A_132[0] : f32 from vector<1xf32>
        %mul3A_134 = vector.broadcast %squeeze3A_133 : f32 to vector<16xf32>
        %mul3A_135 = arith.mulf %get3A_131, %mul3A_134 : vector<16xf32>
        %swap3A_136 = arith.index_cast %add3A_127 : i32 to index
        %swap3A_137 = arith.constant 0 : index
        %swap3A_138 = tpu.vector_load %arg13[%swap3A_136, %swap3A_137] {strides = array<i32>} : memref<80x16xf32, #tpu.memory_space<vmem>>, vector<1x16xf32>,
        %swap3A_139 = vector.shape_cast %swap3A_138 : vector<1x16xf32> to vector<16xf32>
        %swap3A_140 = vector.shape_cast %mul3A_135 : vector<16xf32> to vector<1x16xf32>
        tpu.vector_store %arg13[%swap3A_136, %swap3A_137], %swap3A_140 {strides = array<i32>} : memref<80x16xf32, #tpu.memory_space<vmem>>, vector<1x16xf32>,
        %mul3A_141 = arith.constant 16 : i32
        %mul3A_142 = arith.muli %scan3A_58, %mul3A_141 : i32
        %add3A_143 = arith.constant 4 : i32
        %add3A_144 = arith.addi %mul3A_142, %add3A_143 : i32
        %get3A_145 = arith.index_cast %add3A_144 : i32 to index
        %get3A_146 = arith.constant 0 : index
        %get3A_147 = tpu.vector_load %arg13[%get3A_145, %get3A_146] {strides = array<i32>} : memref<80x16xf32, #tpu.memory_space<vmem>>, vector<1x16xf32>,
        %get3A_148 = vector.shape_cast %get3A_147 : vector<1x16xf32> to vector<16xf32>
        %slice3A_149 = vector.extract_strided_slice %get3A_74 {offsets = [4], sizes = [1], strides = [1]} : vector<16xf32> to vector<1xf32>
        %squeeze3A_150 = vector.extract %slice3A_149[0] : f32 from vector<1xf32>
        %mul3A_151 = vector.broadcast %squeeze3A_150 : f32 to vector<16xf32>
        %mul3A_152 = arith.mulf %get3A_148, %mul3A_151 : vector<16xf32>
        %swap3A_153 = arith.index_cast %add3A_144 : i32 to index
        %swap3A_154 = arith.constant 0 : index
        %swap3A_155 = tpu.vector_load %arg13[%swap3A_153, %swap3A_154] {strides = array<i32>} : memref<80x16xf32, #tpu.memory_space<vmem>>, vector<1x16xf32>,
        %swap3A_156 = vector.shape_cast %swap3A_155 : vector<1x16xf32> to vector<16xf32>
        %swap3A_157 = vector.shape_cast %mul3A_152 : vector<16xf32> to vector<1x16xf32>
        tpu.vector_store %arg13[%swap3A_153, %swap3A_154], %swap3A_157 {strides = array<i32>} : memref<80x16xf32, #tpu.memory_space<vmem>>, vector<1x16xf32>,
        %mul3A_158 = arith.constant 16 : i32
        %mul3A_159 = arith.muli %scan3A_58, %mul3A_158 : i32
        %add3A_160 = arith.constant 5 : i32
        %add3A_161 = arith.addi %mul3A_159, %add3A_160 : i32
        %get3A_162 = arith.index_cast %add3A_161 : i32 to index
        %get3A_163 = arith.constant 0 : index
        %get3A_164 = tpu.vector_load %arg13[%get3A_162, %get3A_163] {strides = array<i32>} : memref<80x16xf32, #tpu.memory_space<vmem>>, vector<1x16xf32>,
        %get3A_165 = vector.shape_cast %get3A_164 : vector<1x16xf32> to vector<16xf32>
        %slice3A_166 = vector.extract_strided_slice %get3A_74 {offsets = [5], sizes = [1], strides = [1]} : vector<16xf32> to vector<1xf32>
        %squeeze3A_167 = vector.extract %slice3A_166[0] : f32 from vector<1xf32>
        %mul3A_168 = vector.broadcast %squeeze3A_167 : f32 to vector<16xf32>
        %mul3A_169 = arith.mulf %get3A_165, %mul3A_168 : vector<16xf32>
        %swap3A_170 = arith.index_cast %add3A_161 : i32 to index
        %swap3A_171 = arith.constant 0 : index
        %swap3A_172 = tpu.vector_load %arg13[%swap3A_170, %swap3A_171] {strides = array<i32>} : memref<80x16xf32, #tpu.memory_space<vmem>>, vector<1x16xf32>,
        %swap3A_173 = vector.shape_cast %swap3A_172 : vector<1x16xf32> to vector<16xf32>
        %swap3A_174 = vector.shape_cast %mul3A_169 : vector<16xf32> to vector<1x16xf32>
        tpu.vector_store %arg13[%swap3A_170, %swap3A_171], %swap3A_174 {strides = array<i32>} : memref<80x16xf32, #tpu.memory_space<vmem>>, vector<1x16xf32>,
        %mul3A_175 = arith.constant 16 : i32
        %mul3A_176 = arith.muli %scan3A_58, %mul3A_175 : i32
        %add3A_177 = arith.constant 6 : i32
        %add3A_178 = arith.addi %mul3A_176, %add3A_177 : i32
        %get3A_179 = arith.index_cast %add3A_178 : i32 to index
        %get3A_180 = arith.constant 0 : index
        %get3A_181 = tpu.vector_load %arg13[%get3A_179, %get3A_180] {strides = array<i32>} : memref<80x16xf32, #tpu.memory_space<vmem>>, vector<1x16xf32>,
        %get3A_182 = vector.shape_cast %get3A_181 : vector<1x16xf32> to vector<16xf32>
        %slice3A_183 = vector.extract_strided_slice %get3A_74 {offsets = [6], sizes = [1], strides = [1]} : vector<16xf32> to vector<1xf32>
        %squeeze3A_184 = vector.extract %slice3A_183[0] : f32 from vector<1xf32>
        %mul3A_185 = vector.broadcast %squeeze3A_184 : f32 to vector<16xf32>
        %mul3A_186 = arith.mulf %get3A_182, %mul3A_185 : vector<16xf32>
        %swap3A_187 = arith.index_cast %add3A_178 : i32 to index
        %swap3A_188 = arith.constant 0 : index
        %swap3A_189 = tpu.vector_load %arg13[%swap3A_187, %swap3A_188] {strides = array<i32>} : memref<80x16xf32, #tpu.memory_space<vmem>>, vector<1x16xf32>,
        %swap3A_190 = vector.shape_cast %swap3A_189 : vector<1x16xf32> to vector<16xf32>
        %swap3A_191 = vector.shape_cast %mul3A_186 : vector<16xf32> to vector<1x16xf32>
        tpu.vector_store %arg13[%swap3A_187, %swap3A_188], %swap3A_191 {strides = array<i32>} : memref<80x16xf32, #tpu.memory_space<vmem>>, vector<1x16xf32>,
        %mul3A_192 = arith.constant 16 : i32
        %mul3A_193 = arith.muli %scan3A_58, %mul3A_192 : i32
        %add3A_194 = arith.constant 7 : i32
        %add3A_195 = arith.addi %mul3A_193, %add3A_194 : i32
        %get3A_196 = arith.index_cast %add3A_195 : i32 to index
        %get3A_197 = arith.constant 0 : index
        %get3A_198 = tpu.vector_load %arg13[%get3A_196, %get3A_197] {strides = array<i32>} : memref<80x16xf32, #tpu.memory_space<vmem>>, vector<1x16xf32>,
        %get3A_199 = vector.shape_cast %get3A_198 : vector<1x16xf32> to vector<16xf32>
        %slice3A_200 = vector.extract_strided_slice %get3A_74 {offsets = [7], sizes = [1], strides = [1]} : vector<16xf32> to vector<1xf32>
        %squeeze3A_201 = vector.extract %slice3A_200[0] : f32 from vector<1xf32>
        %mul3A_202 = vector.broadcast %squeeze3A_201 : f32 to vector<16xf32>
        %mul3A_203 = arith.mulf %get3A_199, %mul3A_202 : vector<16xf32>
        %swap3A_204 = arith.index_cast %add3A_195 : i32 to index
        %swap3A_205 = arith.constant 0 : index
        %swap3A_206 = tpu.vector_load %arg13[%swap3A_204, %swap3A_205] {strides = array<i32>} : memref<80x16xf32, #tpu.memory_space<vmem>>, vector<1x16xf32>,
        %swap3A_207 = vector.shape_cast %swap3A_206 : vector<1x16xf32> to vector<16xf32>
        %swap3A_208 = vector.shape_cast %mul3A_203 : vector<16xf32> to vector<1x16xf32>
        tpu.vector_store %arg13[%swap3A_204, %swap3A_205], %swap3A_208 {strides = array<i32>} : memref<80x16xf32, #tpu.memory_space<vmem>>, vector<1x16xf32>,
        %mul3A_209 = arith.constant 16 : i32
        %mul3A_210 = arith.muli %scan3A_58, %mul3A_209 : i32
        %add3A_211 = arith.constant 8 : i32
        %add3A_212 = arith.addi %mul3A_210, %add3A_211 : i32
        %get3A_213 = arith.index_cast %add3A_212 : i32 to index
        %get3A_214 = arith.constant 0 : index
        %get3A_215 = tpu.vector_load %arg13[%get3A_213, %get3A_214] {strides = array<i32>} : memref<80x16xf32, #tpu.memory_space<vmem>>, vector<1x16xf32>,
        %get3A_216 = vector.shape_cast %get3A_215 : vector<1x16xf32> to vector<16xf32>
        %slice3A_217 = vector.extract_strided_slice %get3A_74 {offsets = [8], sizes = [1], strides = [1]} : vector<16xf32> to vector<1xf32>
        %squeeze3A_218 = vector.extract %slice3A_217[0] : f32 from vector<1xf32>
        %mul3A_219 = vector.broadcast %squeeze3A_218 : f32 to vector<16xf32>
        %mul3A_220 = arith.mulf %get3A_216, %mul3A_219 : vector<16xf32>
        %swap3A_221 = arith.index_cast %add3A_212 : i32 to index
        %swap3A_222 = arith.constant 0 : index
        %swap3A_223 = tpu.vector_load %arg13[%swap3A_221, %swap3A_222] {strides = array<i32>} : memref<80x16xf32, #tpu.memory_space<vmem>>, vector<1x16xf32>,
        %swap3A_224 = vector.shape_cast %swap3A_223 : vector<1x16xf32> to vector<16xf32>
        %swap3A_225 = vector.shape_cast %mul3A_220 : vector<16xf32> to vector<1x16xf32>
        tpu.vector_store %arg13[%swap3A_221, %swap3A_222], %swap3A_225 {strides = array<i32>} : memref<80x16xf32, #tpu.memory_space<vmem>>, vector<1x16xf32>,
        %mul3A_226 = arith.constant 16 : i32
        %mul3A_227 = arith.muli %scan3A_58, %mul3A_226 : i32
        %add3A_228 = arith.constant 9 : i32
        %add3A_229 = arith.addi %mul3A_227, %add3A_228 : i32
        %get3A_230 = arith.index_cast %add3A_229 : i32 to index
        %get3A_231 = arith.constant 0 : index
        %get3A_232 = tpu.vector_load %arg13[%get3A_230, %get3A_231] {strides = array<i32>} : memref<80x16xf32, #tpu.memory_space<vmem>>, vector<1x16xf32>,
        %get3A_233 = vector.shape_cast %get3A_232 : vector<1x16xf32> to vector<16xf32>
        %slice3A_234 = vector.extract_strided_slice %get3A_74 {offsets = [9], sizes = [1], strides = [1]} : vector<16xf32> to vector<1xf32>
        %squeeze3A_235 = vector.extract %slice3A_234[0] : f32 from vector<1xf32>
        %mul3A_236 = vector.broadcast %squeeze3A_235 : f32 to vector<16xf32>
        %mul3A_237 = arith.mulf %get3A_233, %mul3A_236 : vector<16xf32>
        %swap3A_238 = arith.index_cast %add3A_229 : i32 to index
        %swap3A_239 = arith.constant 0 : index
        %swap3A_240 = tpu.vector_load %arg13[%swap3A_238, %swap3A_239] {strides = array<i32>} : memref<80x16xf32, #tpu.memory_space<vmem>>, vector<1x16xf32>,
        %swap3A_241 = vector.shape_cast %swap3A_240 : vector<1x16xf32> to vector<16xf32>
        %swap3A_242 = vector.shape_cast %mul3A_237 : vector<16xf32> to vector<1x16xf32>
        tpu.vector_store %arg13[%swap3A_238, %swap3A_239], %swap3A_242 {strides = array<i32>} : memref<80x16xf32, #tpu.memory_space<vmem>>, vector<1x16xf32>,
        %mul3A_243 = arith.constant 16 : i32
        %mul3A_244 = arith.muli %scan3A_58, %mul3A_243 : i32
        %add3A_245 = arith.constant 10 : i32
        %add3A_246 = arith.addi %mul3A_244, %add3A_245 : i32
        %get3A_247 = arith.index_cast %add3A_246 : i32 to index
        %get3A_248 = arith.constant 0 : index
        %get3A_249 = tpu.vector_load %arg13[%get3A_247, %get3A_248] {strides = array<i32>} : memref<80x16xf32, #tpu.memory_space<vmem>>, vector<1x16xf32>,
        %get3A_250 = vector.shape_cast %get3A_249 : vector<1x16xf32> to vector<16xf32>
        %slice3A_251 = vector.extract_strided_slice %get3A_74 {offsets = [10], sizes = [1], strides = [1]} : vector<16xf32> to vector<1xf32>
        %squeeze3A_252 = vector.extract %slice3A_251[0] : f32 from vector<1xf32>
        %mul3A_253 = vector.broadcast %squeeze3A_252 : f32 to vector<16xf32>
        %mul3A_254 = arith.mulf %get3A_250, %mul3A_253 : vector<16xf32>
        %swap3A_255 = arith.index_cast %add3A_246 : i32 to index
        %swap3A_256 = arith.constant 0 : index
        %swap3A_257 = tpu.vector_load %arg13[%swap3A_255, %swap3A_256] {strides = array<i32>} : memref<80x16xf32, #tpu.memory_space<vmem>>, vector<1x16xf32>,
        %swap3A_258 = vector.shape_cast %swap3A_257 : vector<1x16xf32> to vector<16xf32>
        %swap3A_259 = vector.shape_cast %mul3A_254 : vector<16xf32> to vector<1x16xf32>
        tpu.vector_store %arg13[%swap3A_255, %swap3A_256], %swap3A_259 {strides = array<i32>} : memref<80x16xf32, #tpu.memory_space<vmem>>, vector<1x16xf32>,
        %mul3A_260 = arith.constant 16 : i32
        %mul3A_261 = arith.muli %scan3A_58, %mul3A_260 : i32
        %add3A_262 = arith.constant 11 : i32
        %add3A_263 = arith.addi %mul3A_261, %add3A_262 : i32
        %get3A_264 = arith.index_cast %add3A_263 : i32 to index
        %get3A_265 = arith.constant 0 : index
        %get3A_266 = tpu.vector_load %arg13[%get3A_264, %get3A_265] {strides = array<i32>} : memref<80x16xf32, #tpu.memory_space<vmem>>, vector<1x16xf32>,
        %get3A_267 = vector.shape_cast %get3A_266 : vector<1x16xf32> to vector<16xf32>
        %slice3A_268 = vector.extract_strided_slice %get3A_74 {offsets = [11], sizes = [1], strides = [1]} : vector<16xf32> to vector<1xf32>
        %squeeze3A_269 = vector.extract %slice3A_268[0] : f32 from vector<1xf32>
        %mul3A_270 = vector.broadcast %squeeze3A_269 : f32 to vector<16xf32>
        %mul3A_271 = arith.mulf %get3A_267, %mul3A_270 : vector<16xf32>
        %swap3A_272 = arith.index_cast %add3A_263 : i32 to index
        %swap3A_273 = arith.constant 0 : index
        %swap3A_274 = tpu.vector_load %arg13[%swap3A_272, %swap3A_273] {strides = array<i32>} : memref<80x16xf32, #tpu.memory_space<vmem>>, vector<1x16xf32>,
        %swap3A_275 = vector.shape_cast %swap3A_274 : vector<1x16xf32> to vector<16xf32>
        %swap3A_276 = vector.shape_cast %mul3A_271 : vector<16xf32> to vector<1x16xf32>
        tpu.vector_store %arg13[%swap3A_272, %swap3A_273], %swap3A_276 {strides = array<i32>} : memref<80x16xf32, #tpu.memory_space<vmem>>, vector<1x16xf32>,
        %mul3A_277 = arith.constant 16 : i32
        %mul3A_278 = arith.muli %scan3A_58, %mul3A_277 : i32
        %add3A_279 = arith.constant 12 : i32
        %add3A_280 = arith.addi %mul3A_278, %add3A_279 : i32
        %get3A_281 = arith.index_cast %add3A_280 : i32 to index
        %get3A_282 = arith.constant 0 : index
        %get3A_283 = tpu.vector_load %arg13[%get3A_281, %get3A_282] {strides = array<i32>} : memref<80x16xf32, #tpu.memory_space<vmem>>, vector<1x16xf32>,
        %get3A_284 = vector.shape_cast %get3A_283 : vector<1x16xf32> to vector<16xf32>
        %slice3A_285 = vector.extract_strided_slice %get3A_74 {offsets = [12], sizes = [1], strides = [1]} : vector<16xf32> to vector<1xf32>
        %squeeze3A_286 = vector.extract %slice3A_285[0] : f32 from vector<1xf32>
        %mul3A_287 = vector.broadcast %squeeze3A_286 : f32 to vector<16xf32>
        %mul3A_288 = arith.mulf %get3A_284, %mul3A_287 : vector<16xf32>
        %swap3A_289 = arith.index_cast %add3A_280 : i32 to index
        %swap3A_290 = arith.constant 0 : index
        %swap3A_291 = tpu.vector_load %arg13[%swap3A_289, %swap3A_290] {strides = array<i32>} : memref<80x16xf32, #tpu.memory_space<vmem>>, vector<1x16xf32>,
        %swap3A_292 = vector.shape_cast %swap3A_291 : vector<1x16xf32> to vector<16xf32>
        %swap3A_293 = vector.shape_cast %mul3A_288 : vector<16xf32> to vector<1x16xf32>
        tpu.vector_store %arg13[%swap3A_289, %swap3A_290], %swap3A_293 {strides = array<i32>} : memref<80x16xf32, #tpu.memory_space<vmem>>, vector<1x16xf32>,
        %mul3A_294 = arith.constant 16 : i32
        %mul3A_295 = arith.muli %scan3A_58, %mul3A_294 : i32
        %add3A_296 = arith.constant 13 : i32
        %add3A_297 = arith.addi %mul3A_295, %add3A_296 : i32
        %get3A_298 = arith.index_cast %add3A_297 : i32 to index
        %get3A_299 = arith.constant 0 : index
        %get3A_300 = tpu.vector_load %arg13[%get3A_298, %get3A_299] {strides = array<i32>} : memref<80x16xf32, #tpu.memory_space<vmem>>, vector<1x16xf32>,
        %get3A_301 = vector.shape_cast %get3A_300 : vector<1x16xf32> to vector<16xf32>
        %slice3A_302 = vector.extract_strided_slice %get3A_74 {offsets = [13], sizes = [1], strides = [1]} : vector<16xf32> to vector<1xf32>
        %squeeze3A_303 = vector.extract %slice3A_302[0] : f32 from vector<1xf32>
        %mul3A_304 = vector.broadcast %squeeze3A_303 : f32 to vector<16xf32>
        %mul3A_305 = arith.mulf %get3A_301, %mul3A_304 : vector<16xf32>
        %swap3A_306 = arith.index_cast %add3A_297 : i32 to index
        %swap3A_307 = arith.constant 0 : index
        %swap3A_308 = tpu.vector_load %arg13[%swap3A_306, %swap3A_307] {strides = array<i32>} : memref<80x16xf32, #tpu.memory_space<vmem>>, vector<1x16xf32>,
        %swap3A_309 = vector.shape_cast %swap3A_308 : vector<1x16xf32> to vector<16xf32>
        %swap3A_310 = vector.shape_cast %mul3A_305 : vector<16xf32> to vector<1x16xf32>
        tpu.vector_store %arg13[%swap3A_306, %swap3A_307], %swap3A_310 {strides = array<i32>} : memref<80x16xf32, #tpu.memory_space<vmem>>, vector<1x16xf32>,
        %mul3A_311 = arith.constant 16 : i32
        %mul3A_312 = arith.muli %scan3A_58, %mul3A_311 : i32
        %add3A_313 = arith.constant 14 : i32
        %add3A_314 = arith.addi %mul3A_312, %add3A_313 : i32
        %get3A_315 = arith.index_cast %add3A_314 : i32 to index
        %get3A_316 = arith.constant 0 : index
        %get3A_317 = tpu.vector_load %arg13[%get3A_315, %get3A_316] {strides = array<i32>} : memref<80x16xf32, #tpu.memory_space<vmem>>, vector<1x16xf32>,
        %get3A_318 = vector.shape_cast %get3A_317 : vector<1x16xf32> to vector<16xf32>
        %slice3A_319 = vector.extract_strided_slice %get3A_74 {offsets = [14], sizes = [1], strides = [1]} : vector<16xf32> to vector<1xf32>
        %squeeze3A_320 = vector.extract %slice3A_319[0] : f32 from vector<1xf32>
        %mul3A_321 = vector.broadcast %squeeze3A_320 : f32 to vector<16xf32>
        %mul3A_322 = arith.mulf %get3A_318, %mul3A_321 : vector<16xf32>
        %swap3A_323 = arith.index_cast %add3A_314 : i32 to index
        %swap3A_324 = arith.constant 0 : index
        %swap3A_325 = tpu.vector_load %arg13[%swap3A_323, %swap3A_324] {strides = array<i32>} : memref<80x16xf32, #tpu.memory_space<vmem>>, vector<1x16xf32>,
        %swap3A_326 = vector.shape_cast %swap3A_325 : vector<1x16xf32> to vector<16xf32>
        %swap3A_327 = vector.shape_cast %mul3A_322 : vector<16xf32> to vector<1x16xf32>
        tpu.vector_store %arg13[%swap3A_323, %swap3A_324], %swap3A_327 {strides = array<i32>} : memref<80x16xf32, #tpu.memory_space<vmem>>, vector<1x16xf32>,
        %mul3A_328 = arith.constant 16 : i32
        %mul3A_329 = arith.muli %scan3A_58, %mul3A_328 : i32
        %add3A_330 = arith.constant 15 : i32
        %add3A_331 = arith.addi %mul3A_329, %add3A_330 : i32
        %get3A_332 = arith.index_cast %add3A_331 : i32 to index
        %get3A_333 = arith.constant 0 : index
        %get3A_334 = tpu.vector_load %arg13[%get3A_332, %get3A_333] {strides = array<i32>} : memref<80x16xf32, #tpu.memory_space<vmem>>, vector<1x16xf32>,
        %get3A_335 = vector.shape_cast %get3A_334 : vector<1x16xf32> to vector<16xf32>
        %slice3A_336 = vector.extract_strided_slice %get3A_74 {offsets = [15], sizes = [1], strides = [1]} : vector<16xf32> to vector<1xf32>
        %squeeze3A_337 = vector.extract %slice3A_336[0] : f32 from vector<1xf32>
        %mul3A_338 = vector.broadcast %squeeze3A_337 : f32 to vector<16xf32>
        %mul3A_339 = arith.mulf %get3A_335, %mul3A_338 : vector<16xf32>
        %swap3A_340 = arith.index_cast %add3A_331 : i32 to index
        %swap3A_341 = arith.constant 0 : index
        %swap3A_342 = tpu.vector_load %arg13[%swap3A_340, %swap3A_341] {strides = array<i32>} : memref<80x16xf32, #tpu.memory_space<vmem>>, vector<1x16xf32>,
        %swap3A_343 = vector.shape_cast %swap3A_342 : vector<1x16xf32> to vector<16xf32>
        %swap3A_344 = vector.shape_cast %mul3A_339 : vector<16xf32> to vector<1x16xf32>
        tpu.vector_store %arg13[%swap3A_340, %swap3A_341], %swap3A_344 {strides = array<i32>} : memref<80x16xf32, #tpu.memory_space<vmem>>, vector<1x16xf32>,
        %scan3A_345 = arith.constant 0 : i32
        scf.yield %scan3A_345 : i32
      }
      %scan3A_56 = arith.constant 5 : i32
      "tpu.region"() ({
        %run_scoped3A = tpu.sem_alloc : memref<!tpu.dma_semaphore, #tpu.memory_space<semaphore_mem>>
        %dma_start3A_58 = arith.constant 0 : i32
        %dma_start3A_59 = arith.constant 0 : i32
        %dma_start3A_60 = tpu.memref_slice %arg15[%dma_start3A_58, %dma_start3A_59] : memref<50176x16xf32, #tpu.memory_space<vmem_shared>> -> memref<50176x16xf32, #tpu.memory_space<vmem_shared>>
        tpu.enqueue_indirect_dma source(%arg13 : memref<80x16xf32, #tpu.memory_space<vmem>>) target(%dma_start3A_60 : memref<50176x16xf32, #tpu.memory_space<vmem_shared>>) offsets(%arg11 : memref<80xi32, #tpu.memory_space<vmem>>) semaphore(%run_scoped3A : memref<!tpu.dma_semaphore, #tpu.memory_space<semaphore_mem>>) {add = true}
        %dma_wait3A_61 = arith.constant 0 : i32
        %dma_wait3A_62 = arith.constant 0 : i32
        %dma_wait3A_63 = tpu.memref_slice %arg15[%dma_wait3A_61, %dma_wait3A_62] : memref<50176x16xf32, #tpu.memory_space<vmem_shared>> -> memref<50176x16xf32, #tpu.memory_space<vmem_shared>>
        tpu.wait_indirect_dma semaphore(%run_scoped3A : memref<!tpu.dma_semaphore, #tpu.memory_space<semaphore_mem>>) src(%arg13 : memref<80x16xf32, #tpu.memory_space<vmem>>) dst(%dma_wait3A_63 : memref<50176x16xf32, #tpu.memory_space<vmem_shared>>)
        tpu.yield
      }) : () -> ()
      %scan3A_57 = arith.constant 0 : i32
      scf.yield %scan3A_57 : i32
    }
    %scan3A_38 = arith.constant 1250 : i32
    %barrier3A_39 = arith.constant 0 : index
    tpu.barrier barrier_id(%barrier3A_39)
    %mul3A_40 = arith.constant 3128 : i32
    %mul3A_41 = arith.muli %arg1, %mul3A_40 : i32
    "tpu.region"() ({
      %run_scoped3A = tpu.sem_alloc : memref<!tpu.dma_semaphore, #tpu.memory_space<semaphore_mem>>
      %dma_start3A = arith.constant 0 : i32
      %dma_start3A_43 = arith.constant 0 : i32
      %dma_start3A_44 = tpu.memref_slice %arg14[%dma_start3A, %dma_start3A_43] : memref<3136x16xf32, #tpu.memory_space<vmem>> -> memref<3128x16xf32, #tpu.memory_space<vmem>>
      %dma_start3A_45 = arith.constant 0 : i32
      %dma_start3A_46 = tpu.memref_slice %arg15[%mul3A_41, %dma_start3A_45] : memref<50176x16xf32, #tpu.memory_space<vmem_shared>> -> memref<3128x16xf32, #tpu.memory_space<vmem_shared>>
      %dma_start3A_47 = arith.constant 0 : i32
      %dma_start3A_48 = arith.constant 0 : i32
      %dma_start3A_49 = tpu.memref_slice %arg14[%dma_start3A_47, %dma_start3A_48] : memref<3136x16xf32, #tpu.memory_space<vmem>> -> memref<3128x16xf32, #tpu.memory_space<vmem>>
      %dma_start3A_50 = arith.constant 0 : i32
      %dma_start3A_51 = tpu.memref_slice %arg15[%mul3A_41, %dma_start3A_50] : memref<50176x16xf32, #tpu.memory_space<vmem_shared>> -> memref<3128x16xf32, #tpu.memory_space<vmem_shared>>
      tpu.enqueue_dma source(%dma_start3A_51 : memref<3128x16xf32, #tpu.memory_space<vmem_shared>>) target(%dma_start3A_49 : memref<3128x16xf32, #tpu.memory_space<vmem>>) target_semaphore(%run_scoped3A : memref<!tpu.dma_semaphore, #tpu.memory_space<semaphore_mem>>)
      %dma_wait3A = arith.constant 0 : i32
      %dma_wait3A_52 = arith.constant 0 : i32
      %dma_wait3A_53 = tpu.memref_slice %arg14[%dma_wait3A, %dma_wait3A_52] : memref<3136x16xf32, #tpu.memory_space<vmem>> -> memref<3128x16xf32, #tpu.memory_space<vmem>>
      %dma_wait3A_54 = arith.constant 0 : i32
      %dma_wait3A_55 = tpu.memref_slice %arg15[%mul3A_41, %dma_wait3A_54] : memref<50176x16xf32, #tpu.memory_space<vmem_shared>> -> memref<3128x16xf32, #tpu.memory_space<vmem_shared>>
      %dma_wait3A_56 = arith.constant 0 : i32
      %dma_wait3A_57 = arith.constant 0 : i32
      %dma_wait3A_58 = tpu.memref_slice %arg14[%dma_wait3A_56, %dma_wait3A_57] : memref<3136x16xf32, #tpu.memory_space<vmem>> -> memref<3128x16xf32, #tpu.memory_space<vmem>>
      %dma_wait3A_59 = arith.constant 0 : i32
      %dma_wait3A_60 = tpu.memref_slice %arg15[%mul3A_41, %dma_wait3A_59] : memref<50176x16xf32, #tpu.memory_space<vmem_shared>> -> memref<3128x16xf32, #tpu.memory_space<vmem_shared>>
      tpu.wait_dma2 semaphore(%run_scoped3A : memref<!tpu.dma_semaphore, #tpu.memory_space<semaphore_mem>>) src(%dma_wait3A_60 : memref<3128x16xf32, #tpu.memory_space<vmem_shared>>) dst(%dma_wait3A_58 : memref<3128x16xf32, #tpu.memory_space<vmem>>)
      tpu.yield
    }) : () -> ()
    %add3A_42 = arith.addi %mul3A_0, %mul3A_41 : i32
    "tpu.region"() ({
      %run_scoped3A = tpu.sem_alloc : memref<!tpu.dma_semaphore, #tpu.memory_space<semaphore_mem>>
      %dma_start3A = arith.constant 0 : i32
      %dma_start3A_43 = arith.constant 0 : i32
      %dma_start3A_44 = tpu.memref_slice %arg14[%dma_start3A, %dma_start3A_43] : memref<3136x16xf32, #tpu.memory_space<vmem>> -> memref<3128x16xf32, #tpu.memory_space<vmem>>
      %dma_start3A_45 = arith.constant 0 : i32
      %dma_start3A_46 = tpu.memref_slice %arg8[%add3A_42, %dma_start3A_45] : memref<100096x16xf32, #tpu.memory_space<hbm>> -> memref<3128x16xf32, #tpu.memory_space<hbm>>
      %dma_start3A_47 = arith.constant 0 : i32
      %dma_start3A_48 = tpu.memref_slice %arg8[%add3A_42, %dma_start3A_47] : memref<100096x16xf32, #tpu.memory_space<hbm>> -> memref<3128x16xf32, #tpu.memory_space<hbm>>
      %dma_start3A_49 = arith.constant 0 : i32
      %dma_start3A_50 = arith.constant 0 : i32
      %dma_start3A_51 = tpu.memref_slice %arg14[%dma_start3A_49, %dma_start3A_50] : memref<3136x16xf32, #tpu.memory_space<vmem>> -> memref<3128x16xf32, #tpu.memory_space<vmem>>
      tpu.enqueue_dma source(%dma_start3A_51 : memref<3128x16xf32, #tpu.memory_space<vmem>>) target(%dma_start3A_48 : memref<3128x16xf32, #tpu.memory_space<hbm>>) target_semaphore(%run_scoped3A : memref<!tpu.dma_semaphore, #tpu.memory_space<semaphore_mem>>)
      %dma_wait3A = arith.constant 0 : i32
      %dma_wait3A_52 = arith.constant 0 : i32
      %dma_wait3A_53 = tpu.memref_slice %arg14[%dma_wait3A, %dma_wait3A_52] : memref<3136x16xf32, #tpu.memory_space<vmem>> -> memref<3128x16xf32, #tpu.memory_space<vmem>>
      %dma_wait3A_54 = arith.constant 0 : i32
      %dma_wait3A_55 = tpu.memref_slice %arg8[%add3A_42, %dma_wait3A_54] : memref<100096x16xf32, #tpu.memory_space<hbm>> -> memref<3128x16xf32, #tpu.memory_space<hbm>>
      %dma_wait3A_56 = arith.constant 0 : i32
      %dma_wait3A_57 = tpu.memref_slice %arg8[%add3A_42, %dma_wait3A_56] : memref<100096x16xf32, #tpu.memory_space<hbm>> -> memref<3128x16xf32, #tpu.memory_space<hbm>>
      %dma_wait3A_58 = arith.constant 0 : i32
      %dma_wait3A_59 = arith.constant 0 : i32
      %dma_wait3A_60 = tpu.memref_slice %arg14[%dma_wait3A_58, %dma_wait3A_59] : memref<3136x16xf32, #tpu.memory_space<vmem>> -> memref<3128x16xf32, #tpu.memory_space<vmem>>
      tpu.wait_dma2 semaphore(%run_scoped3A : memref<!tpu.dma_semaphore, #tpu.memory_space<semaphore_mem>>) src(%dma_wait3A_60 : memref<3128x16xf32, #tpu.memory_space<vmem>>) dst(%dma_wait3A_57 : memref<3128x16xf32, #tpu.memory_space<hbm>>)
      tpu.yield
    }) : () -> ()
    return
  }
}

#map = affine_map<(d0, d1) -> (0, 0)>
module attributes {stable_mosaic.version = 14 : i64} {
  func.func @body(%arg0: i32, %arg1: i32, %arg2: memref<100000x16xf32, #tpu.memory_space<hbm>>, %arg3: memref<20000x80xi32, #tpu.memory_space<hbm>>, %arg4: memref<20000x80xi32, #tpu.memory_space<hbm>>, %arg5: memref<20000x80xf32, #tpu.memory_space<hbm>>, %arg6: memref<100096x16xf32, #tpu.memory_space<hbm>>, %arg7: memref<80xi32, #tpu.memory_space<vmem>>, %arg8: memref<80xi32, #tpu.memory_space<vmem>>, %arg9: memref<80xi32, #tpu.memory_space<vmem>>, %arg10: memref<80xf32, #tpu.memory_space<vmem>>, %arg11: memref<80x16xf32, #tpu.memory_space<vmem>>, %arg12: memref<3136x16xf32, #tpu.memory_space<vmem>>, %arg13: memref<50176x16xf32, #tpu.memory_space<vmem_shared>>, %arg14: memref<!tpu.dma_semaphore, #tpu.memory_space<semaphore_mem>>) attributes {dimension_semantics = [#tpu.dimension_semantics<core_parallel>, #tpu.dimension_semantics<subcore_parallel>], iteration_bounds = array<i64: 2, 16>, scalar_prefetch = 0 : i64, scratch_operands = 8 : i64, tpu.core_type = #tpu.core_type<sc_vector_subcore>, window_params = [{transform_indices = #map}, {transform_indices = #map}, {transform_indices = #map}, {transform_indices = #map}, {transform_indices = #map}]} {
    %mul3A = arith.constant 50048 : i32
    %mul3A_0 = arith.muli %arg0, %mul3A : i32
    %mul3A_1 = arith.constant 1250 : i32
    %mul3A_2 = arith.muli %arg1, %mul3A_1 : i32
    %scan3A = arith.constant 0 : i32
    %scan3A_3 = arith.constant 0 : i32
    %scan3A_4 = arith.constant 3136 : i32
    %scan3A_5 = arith.addi %scan3A_3, %scan3A_4 : i32
    %scan3A_6 = arith.constant 1 : i32
    %scan3A_7 = scf.for %scan3A_21 = %scan3A_3 to %scan3A_5 step %scan3A_6 iter_args(%scan3A_22 = %scan3A) -> (i32)  : i32 {
      %broadcast_in_dim3A = arith.constant 0.000000e+00 : f32
      %broadcast_in_dim3A_23 = vector.broadcast %broadcast_in_dim3A : f32 to vector<16xf32>
      %swap3A = arith.index_cast %scan3A_21 : i32 to index
      %swap3A_24 = arith.constant 0 : index
      %swap3A_25 = tpu.vector_load %arg12[%swap3A, %swap3A_24] {strides = array<i32>} : memref<3136x16xf32, #tpu.memory_space<vmem>>, vector<1x16xf32>,
      %swap3A_26 = vector.shape_cast %swap3A_25 : vector<1x16xf32> to vector<16xf32>
      %swap3A_27 = vector.shape_cast %broadcast_in_dim3A_23 : vector<16xf32> to vector<1x16xf32>
      tpu.vector_store %arg12[%swap3A, %swap3A_24], %swap3A_27 {strides = array<i32>} : memref<3136x16xf32, #tpu.memory_space<vmem>>, vector<1x16xf32>,
      %scan3A_28 = arith.constant 0 : i32
      scf.yield %scan3A_28 : i32
    }
    %scan3A_8 = arith.constant 3136 : i32
    %mul3A_9 = arith.constant 3136 : i32
    %mul3A_10 = arith.muli %arg1, %mul3A_9 : i32
    "tpu.region"() ({
      %run_scoped3A = tpu.sem_alloc : memref<!tpu.dma_semaphore, #tpu.memory_space<semaphore_mem>>
      %dma_start3A = arith.constant 0 : i32
      %dma_start3A_21 = tpu.memref_slice %arg13[%mul3A_10, %dma_start3A] : memref<50176x16xf32, #tpu.memory_space<vmem_shared>> -> memref<3136x16xf32, #tpu.memory_space<vmem_shared>>
      %dma_start3A_22 = arith.constant 0 : i32
      %dma_start3A_23 = tpu.memref_slice %arg13[%mul3A_10, %dma_start3A_22] : memref<50176x16xf32, #tpu.memory_space<vmem_shared>> -> memref<3136x16xf32, #tpu.memory_space<vmem_shared>>
      tpu.enqueue_dma source(%arg12 : memref<3136x16xf32, #tpu.memory_space<vmem>>) target(%dma_start3A_23 : memref<3136x16xf32, #tpu.memory_space<vmem_shared>>) target_semaphore(%run_scoped3A : memref<!tpu.dma_semaphore, #tpu.memory_space<semaphore_mem>>)
      %dma_wait3A = arith.constant 0 : i32
      %dma_wait3A_24 = tpu.memref_slice %arg13[%mul3A_10, %dma_wait3A] : memref<50176x16xf32, #tpu.memory_space<vmem_shared>> -> memref<3136x16xf32, #tpu.memory_space<vmem_shared>>
      %dma_wait3A_25 = arith.constant 0 : i32
      %dma_wait3A_26 = tpu.memref_slice %arg13[%mul3A_10, %dma_wait3A_25] : memref<50176x16xf32, #tpu.memory_space<vmem_shared>> -> memref<3136x16xf32, #tpu.memory_space<vmem_shared>>
      tpu.wait_dma2 semaphore(%run_scoped3A : memref<!tpu.dma_semaphore, #tpu.memory_space<semaphore_mem>>) src(%arg12 : memref<3136x16xf32, #tpu.memory_space<vmem>>) dst(%dma_wait3A_26 : memref<3136x16xf32, #tpu.memory_space<vmem_shared>>)
      tpu.yield
    }) : () -> ()
    %barrier3A = arith.constant 0 : index
    tpu.barrier barrier_id(%barrier3A)
    %scan3A_11 = arith.constant 0 : i32
    %scan3A_12 = arith.constant 0 : i32
    %scan3A_13 = arith.constant 1250 : i32
    %scan3A_14 = arith.addi %scan3A_12, %scan3A_13 : i32
    %scan3A_15 = arith.constant 1 : i32
    %scan3A_16 = scf.for %scan3A_21 = %scan3A_12 to %scan3A_14 step %scan3A_15 iter_args(%scan3A_22 = %scan3A_11) -> (i32)  : i32 {
      %add3A_23 = arith.addi %mul3A_2, %scan3A_21 : i32
      "tpu.region"() ({
        %run_scoped3A = tpu.sem_alloc : memref<!tpu.dma_semaphore, #tpu.memory_space<semaphore_mem>>
        %dma_start3A_36 = arith.constant 0 : i32
        %dma_start3A_37 = tpu.memref_slice %arg3[%add3A_23, %dma_start3A_36] : memref<20000x80xi32, #tpu.memory_space<hbm>> -> memref<1x80xi32, #tpu.memory_space<hbm>>
        %dma_start3A_38 = tpu.memref_squeeze %dma_start3A_37 : memref<1x80xi32, #tpu.memory_space<hbm>> -> memref<80xi32, #tpu.memory_space<hbm>>
        %dma_start3A_39 = arith.constant 0 : i32
        %dma_start3A_40 = tpu.memref_slice %arg3[%add3A_23, %dma_start3A_39] : memref<20000x80xi32, #tpu.memory_space<hbm>> -> memref<1x80xi32, #tpu.memory_space<hbm>>
        %dma_start3A_41 = tpu.memref_squeeze %dma_start3A_40 : memref<1x80xi32, #tpu.memory_space<hbm>> -> memref<80xi32, #tpu.memory_space<hbm>>
        tpu.enqueue_dma source(%dma_start3A_41 : memref<80xi32, #tpu.memory_space<hbm>>) target(%arg7 : memref<80xi32, #tpu.memory_space<vmem>>) target_semaphore(%run_scoped3A : memref<!tpu.dma_semaphore, #tpu.memory_space<semaphore_mem>>)
        %dma_wait3A_42 = arith.constant 0 : i32
        %dma_wait3A_43 = tpu.memref_slice %arg3[%add3A_23, %dma_wait3A_42] : memref<20000x80xi32, #tpu.memory_space<hbm>> -> memref<1x80xi32, #tpu.memory_space<hbm>>
        %dma_wait3A_44 = tpu.memref_squeeze %dma_wait3A_43 : memref<1x80xi32, #tpu.memory_space<hbm>> -> memref<80xi32, #tpu.memory_space<hbm>>
        %dma_wait3A_45 = arith.constant 0 : i32
        %dma_wait3A_46 = tpu.memref_slice %arg3[%add3A_23, %dma_wait3A_45] : memref<20000x80xi32, #tpu.memory_space<hbm>> -> memref<1x80xi32, #tpu.memory_space<hbm>>
        %dma_wait3A_47 = tpu.memref_squeeze %dma_wait3A_46 : memref<1x80xi32, #tpu.memory_space<hbm>> -> memref<80xi32, #tpu.memory_space<hbm>>
        tpu.wait_dma2 semaphore(%run_scoped3A : memref<!tpu.dma_semaphore, #tpu.memory_space<semaphore_mem>>) src(%dma_wait3A_47 : memref<80xi32, #tpu.memory_space<hbm>>) dst(%arg7 : memref<80xi32, #tpu.memory_space<vmem>>)
        tpu.yield
      }) : () -> ()
      "tpu.region"() ({
        %run_scoped3A = tpu.sem_alloc : memref<!tpu.dma_semaphore, #tpu.memory_space<semaphore_mem>>
        %dma_start3A_36 = arith.constant 0 : i32
        %dma_start3A_37 = tpu.memref_slice %arg4[%add3A_23, %dma_start3A_36] : memref<20000x80xi32, #tpu.memory_space<hbm>> -> memref<1x80xi32, #tpu.memory_space<hbm>>
        %dma_start3A_38 = tpu.memref_squeeze %dma_start3A_37 : memref<1x80xi32, #tpu.memory_space<hbm>> -> memref<80xi32, #tpu.memory_space<hbm>>
        %dma_start3A_39 = arith.constant 0 : i32
        %dma_start3A_40 = tpu.memref_slice %arg4[%add3A_23, %dma_start3A_39] : memref<20000x80xi32, #tpu.memory_space<hbm>> -> memref<1x80xi32, #tpu.memory_space<hbm>>
        %dma_start3A_41 = tpu.memref_squeeze %dma_start3A_40 : memref<1x80xi32, #tpu.memory_space<hbm>> -> memref<80xi32, #tpu.memory_space<hbm>>
        tpu.enqueue_dma source(%dma_start3A_41 : memref<80xi32, #tpu.memory_space<hbm>>) target(%arg8 : memref<80xi32, #tpu.memory_space<vmem>>) target_semaphore(%run_scoped3A : memref<!tpu.dma_semaphore, #tpu.memory_space<semaphore_mem>>)
        %dma_wait3A_42 = arith.constant 0 : i32
        %dma_wait3A_43 = tpu.memref_slice %arg4[%add3A_23, %dma_wait3A_42] : memref<20000x80xi32, #tpu.memory_space<hbm>> -> memref<1x80xi32, #tpu.memory_space<hbm>>
        %dma_wait3A_44 = tpu.memref_squeeze %dma_wait3A_43 : memref<1x80xi32, #tpu.memory_space<hbm>> -> memref<80xi32, #tpu.memory_space<hbm>>
        %dma_wait3A_45 = arith.constant 0 : i32
        %dma_wait3A_46 = tpu.memref_slice %arg4[%add3A_23, %dma_wait3A_45] : memref<20000x80xi32, #tpu.memory_space<hbm>> -> memref<1x80xi32, #tpu.memory_space<hbm>>
        %dma_wait3A_47 = tpu.memref_squeeze %dma_wait3A_46 : memref<1x80xi32, #tpu.memory_space<hbm>> -> memref<80xi32, #tpu.memory_space<hbm>>
        tpu.wait_dma2 semaphore(%run_scoped3A : memref<!tpu.dma_semaphore, #tpu.memory_space<semaphore_mem>>) src(%dma_wait3A_47 : memref<80xi32, #tpu.memory_space<hbm>>) dst(%arg8 : memref<80xi32, #tpu.memory_space<vmem>>)
        tpu.yield
      }) : () -> ()
      "tpu.region"() ({
        %run_scoped3A = tpu.sem_alloc : memref<!tpu.dma_semaphore, #tpu.memory_space<semaphore_mem>>
        %dma_start3A_36 = arith.constant 0 : i32
        %dma_start3A_37 = tpu.memref_slice %arg5[%add3A_23, %dma_start3A_36] : memref<20000x80xf32, #tpu.memory_space<hbm>> -> memref<1x80xf32, #tpu.memory_space<hbm>>
        %dma_start3A_38 = tpu.memref_squeeze %dma_start3A_37 : memref<1x80xf32, #tpu.memory_space<hbm>> -> memref<80xf32, #tpu.memory_space<hbm>>
        %dma_start3A_39 = arith.constant 0 : i32
        %dma_start3A_40 = tpu.memref_slice %arg5[%add3A_23, %dma_start3A_39] : memref<20000x80xf32, #tpu.memory_space<hbm>> -> memref<1x80xf32, #tpu.memory_space<hbm>>
        %dma_start3A_41 = tpu.memref_squeeze %dma_start3A_40 : memref<1x80xf32, #tpu.memory_space<hbm>> -> memref<80xf32, #tpu.memory_space<hbm>>
        tpu.enqueue_dma source(%dma_start3A_41 : memref<80xf32, #tpu.memory_space<hbm>>) target(%arg10 : memref<80xf32, #tpu.memory_space<vmem>>) target_semaphore(%run_scoped3A : memref<!tpu.dma_semaphore, #tpu.memory_space<semaphore_mem>>)
        %dma_wait3A_42 = arith.constant 0 : i32
        %dma_wait3A_43 = tpu.memref_slice %arg5[%add3A_23, %dma_wait3A_42] : memref<20000x80xf32, #tpu.memory_space<hbm>> -> memref<1x80xf32, #tpu.memory_space<hbm>>
        %dma_wait3A_44 = tpu.memref_squeeze %dma_wait3A_43 : memref<1x80xf32, #tpu.memory_space<hbm>> -> memref<80xf32, #tpu.memory_space<hbm>>
        %dma_wait3A_45 = arith.constant 0 : i32
        %dma_wait3A_46 = tpu.memref_slice %arg5[%add3A_23, %dma_wait3A_45] : memref<20000x80xf32, #tpu.memory_space<hbm>> -> memref<1x80xf32, #tpu.memory_space<hbm>>
        %dma_wait3A_47 = tpu.memref_squeeze %dma_wait3A_46 : memref<1x80xf32, #tpu.memory_space<hbm>> -> memref<80xf32, #tpu.memory_space<hbm>>
        tpu.wait_dma2 semaphore(%run_scoped3A : memref<!tpu.dma_semaphore, #tpu.memory_space<semaphore_mem>>) src(%dma_wait3A_47 : memref<80xf32, #tpu.memory_space<hbm>>) dst(%arg10 : memref<80xf32, #tpu.memory_space<vmem>>)
        tpu.yield
      }) : () -> ()
      %dma_start3A = arith.constant 0 : i32
      %dma_start3A_24 = arith.constant 0 : i32
      %dma_start3A_25 = tpu.memref_slice %arg2[%dma_start3A, %dma_start3A_24] : memref<100000x16xf32, #tpu.memory_space<hbm>> -> memref<100000x16xf32, #tpu.memory_space<hbm>>
      tpu.enqueue_indirect_dma source(%dma_start3A_25 : memref<100000x16xf32, #tpu.memory_space<hbm>>) target(%arg11 : memref<80x16xf32, #tpu.memory_space<vmem>>) offsets(%arg7 : memref<80xi32, #tpu.memory_space<vmem>>) semaphore(%arg14 : memref<!tpu.dma_semaphore, #tpu.memory_space<semaphore_mem>>)
      %dma_wait3A = arith.constant 0 : i32
      %dma_wait3A_26 = arith.constant 0 : i32
      %dma_wait3A_27 = tpu.memref_slice %arg2[%dma_wait3A, %dma_wait3A_26] : memref<100000x16xf32, #tpu.memory_space<hbm>> -> memref<100000x16xf32, #tpu.memory_space<hbm>>
      tpu.wait_indirect_dma semaphore(%arg14 : memref<!tpu.dma_semaphore, #tpu.memory_space<semaphore_mem>>) src(%dma_wait3A_27 : memref<100000x16xf32, #tpu.memory_space<hbm>>) dst(%arg11 : memref<80x16xf32, #tpu.memory_space<vmem>>)
      %scan3A_28 = arith.constant 0 : i32
      %scan3A_29 = arith.constant 0 : i32
      %scan3A_30 = arith.constant 5 : i32
      %scan3A_31 = arith.addi %scan3A_29, %scan3A_30 : i32
      %scan3A_32 = arith.constant 1 : i32
      %scan3A_33 = scf.for %scan3A_36 = %scan3A_29 to %scan3A_31 step %scan3A_32 iter_args(%scan3A_37 = %scan3A_28) -> (i32)  : i32 {
        %mul3A_38 = arith.constant 16 : i32
        %mul3A_39 = arith.muli %scan3A_36, %mul3A_38 : i32
        %get3A = arith.index_cast %mul3A_39 : i32 to index
        %get3A_40 = tpu.vector_load %arg8[%get3A] {strides = array<i32>} : memref<80xi32, #tpu.memory_space<vmem>>, vector<16xi32>,
        %get3A_41 = vector.shape_cast %get3A_40 : vector<16xi32> to vector<16xi32>
        %sub3A = vector.broadcast %mul3A_0 : i32 to vector<16xi32>
        %sub3A_42 = arith.subi %get3A_41, %sub3A : vector<16xi32>
        %ge3A = arith.constant 0 : i32
        %ge3A_43 = vector.broadcast %ge3A : i32 to vector<16xi32>
        %ge3A_44 = arith.cmpi sge, %sub3A_42, %ge3A_43 : vector<16xi32>
        %lt3A = arith.constant 50048 : i32
        %lt3A_45 = vector.broadcast %lt3A : i32 to vector<16xi32>
        %lt3A_46 = arith.cmpi slt, %sub3A_42, %lt3A_45 : vector<16xi32>
        %and3A = arith.andi %ge3A_44, %lt3A_46 : vector<16xi1>
        %jit3A = arith.constant 50048 : i32
        %broadcast_in_dim3A = vector.broadcast %jit3A : i32 to vector<16xi32>
        %select_n3A = arith.select %and3A, %sub3A_42, %broadcast_in_dim3A : vector<16xi1>, vector<16xi32>
        %swap3A = arith.index_cast %mul3A_39 : i32 to index
        %swap3A_47 = tpu.vector_load %arg9[%swap3A] {strides = array<i32>} : memref<80xi32, #tpu.memory_space<vmem>>, vector<16xi32>,
        %swap3A_48 = vector.shape_cast %swap3A_47 : vector<16xi32> to vector<16xi32>
        %swap3A_49 = vector.shape_cast %select_n3A : vector<16xi32> to vector<16xi32>
        tpu.vector_store %arg9[%swap3A], %swap3A_49 {strides = array<i32>} : memref<80xi32, #tpu.memory_space<vmem>>, vector<16xi32>,
        %get3A_50 = arith.index_cast %mul3A_39 : i32 to index
        %get3A_51 = tpu.vector_load %arg10[%get3A_50] {strides = array<i32>} : memref<80xf32, #tpu.memory_space<vmem>>, vector<16xf32>,
        %get3A_52 = vector.shape_cast %get3A_51 : vector<16xf32> to vector<16xf32>
        %mul3A_53 = arith.constant 16 : i32
        %mul3A_54 = arith.muli %scan3A_36, %mul3A_53 : i32
        %add3A_55 = arith.constant 0 : i32
        %add3A_56 = arith.addi %mul3A_54, %add3A_55 : i32
        %get3A_57 = arith.index_cast %add3A_56 : i32 to index
        %get3A_58 = arith.constant 0 : index
        %get3A_59 = tpu.vector_load %arg11[%get3A_57, %get3A_58] {strides = array<i32>} : memref<80x16xf32, #tpu.memory_space<vmem>>, vector<1x16xf32>,
        %get3A_60 = vector.shape_cast %get3A_59 : vector<1x16xf32> to vector<16xf32>
        %slice3A = vector.extract_strided_slice %get3A_52 {offsets = [0], sizes = [1], strides = [1]} : vector<16xf32> to vector<1xf32>
        %squeeze3A = vector.extract %slice3A[0] : f32 from vector<1xf32>
        %mul3A_61 = vector.broadcast %squeeze3A : f32 to vector<16xf32>
        %mul3A_62 = arith.mulf %get3A_60, %mul3A_61 : vector<16xf32>
        %swap3A_63 = arith.index_cast %add3A_56 : i32 to index
        %swap3A_64 = arith.constant 0 : index
        %swap3A_65 = tpu.vector_load %arg11[%swap3A_63, %swap3A_64] {strides = array<i32>} : memref<80x16xf32, #tpu.memory_space<vmem>>, vector<1x16xf32>,
        %swap3A_66 = vector.shape_cast %swap3A_65 : vector<1x16xf32> to vector<16xf32>
        %swap3A_67 = vector.shape_cast %mul3A_62 : vector<16xf32> to vector<1x16xf32>
        tpu.vector_store %arg11[%swap3A_63, %swap3A_64], %swap3A_67 {strides = array<i32>} : memref<80x16xf32, #tpu.memory_space<vmem>>, vector<1x16xf32>,
        %mul3A_68 = arith.constant 16 : i32
        %mul3A_69 = arith.muli %scan3A_36, %mul3A_68 : i32
        %add3A_70 = arith.constant 1 : i32
        %add3A_71 = arith.addi %mul3A_69, %add3A_70 : i32
        %get3A_72 = arith.index_cast %add3A_71 : i32 to index
        %get3A_73 = arith.constant 0 : index
        %get3A_74 = tpu.vector_load %arg11[%get3A_72, %get3A_73] {strides = array<i32>} : memref<80x16xf32, #tpu.memory_space<vmem>>, vector<1x16xf32>,
        %get3A_75 = vector.shape_cast %get3A_74 : vector<1x16xf32> to vector<16xf32>
        %slice3A_76 = vector.extract_strided_slice %get3A_52 {offsets = [1], sizes = [1], strides = [1]} : vector<16xf32> to vector<1xf32>
        %squeeze3A_77 = vector.extract %slice3A_76[0] : f32 from vector<1xf32>
        %mul3A_78 = vector.broadcast %squeeze3A_77 : f32 to vector<16xf32>
        %mul3A_79 = arith.mulf %get3A_75, %mul3A_78 : vector<16xf32>
        %swap3A_80 = arith.index_cast %add3A_71 : i32 to index
        %swap3A_81 = arith.constant 0 : index
        %swap3A_82 = tpu.vector_load %arg11[%swap3A_80, %swap3A_81] {strides = array<i32>} : memref<80x16xf32, #tpu.memory_space<vmem>>, vector<1x16xf32>,
        %swap3A_83 = vector.shape_cast %swap3A_82 : vector<1x16xf32> to vector<16xf32>
        %swap3A_84 = vector.shape_cast %mul3A_79 : vector<16xf32> to vector<1x16xf32>
        tpu.vector_store %arg11[%swap3A_80, %swap3A_81], %swap3A_84 {strides = array<i32>} : memref<80x16xf32, #tpu.memory_space<vmem>>, vector<1x16xf32>,
        %mul3A_85 = arith.constant 16 : i32
        %mul3A_86 = arith.muli %scan3A_36, %mul3A_85 : i32
        %add3A_87 = arith.constant 2 : i32
        %add3A_88 = arith.addi %mul3A_86, %add3A_87 : i32
        %get3A_89 = arith.index_cast %add3A_88 : i32 to index
        %get3A_90 = arith.constant 0 : index
        %get3A_91 = tpu.vector_load %arg11[%get3A_89, %get3A_90] {strides = array<i32>} : memref<80x16xf32, #tpu.memory_space<vmem>>, vector<1x16xf32>,
        %get3A_92 = vector.shape_cast %get3A_91 : vector<1x16xf32> to vector<16xf32>
        %slice3A_93 = vector.extract_strided_slice %get3A_52 {offsets = [2], sizes = [1], strides = [1]} : vector<16xf32> to vector<1xf32>
        %squeeze3A_94 = vector.extract %slice3A_93[0] : f32 from vector<1xf32>
        %mul3A_95 = vector.broadcast %squeeze3A_94 : f32 to vector<16xf32>
        %mul3A_96 = arith.mulf %get3A_92, %mul3A_95 : vector<16xf32>
        %swap3A_97 = arith.index_cast %add3A_88 : i32 to index
        %swap3A_98 = arith.constant 0 : index
        %swap3A_99 = tpu.vector_load %arg11[%swap3A_97, %swap3A_98] {strides = array<i32>} : memref<80x16xf32, #tpu.memory_space<vmem>>, vector<1x16xf32>,
        %swap3A_100 = vector.shape_cast %swap3A_99 : vector<1x16xf32> to vector<16xf32>
        %swap3A_101 = vector.shape_cast %mul3A_96 : vector<16xf32> to vector<1x16xf32>
        tpu.vector_store %arg11[%swap3A_97, %swap3A_98], %swap3A_101 {strides = array<i32>} : memref<80x16xf32, #tpu.memory_space<vmem>>, vector<1x16xf32>,
        %mul3A_102 = arith.constant 16 : i32
        %mul3A_103 = arith.muli %scan3A_36, %mul3A_102 : i32
        %add3A_104 = arith.constant 3 : i32
        %add3A_105 = arith.addi %mul3A_103, %add3A_104 : i32
        %get3A_106 = arith.index_cast %add3A_105 : i32 to index
        %get3A_107 = arith.constant 0 : index
        %get3A_108 = tpu.vector_load %arg11[%get3A_106, %get3A_107] {strides = array<i32>} : memref<80x16xf32, #tpu.memory_space<vmem>>, vector<1x16xf32>,
        %get3A_109 = vector.shape_cast %get3A_108 : vector<1x16xf32> to vector<16xf32>
        %slice3A_110 = vector.extract_strided_slice %get3A_52 {offsets = [3], sizes = [1], strides = [1]} : vector<16xf32> to vector<1xf32>
        %squeeze3A_111 = vector.extract %slice3A_110[0] : f32 from vector<1xf32>
        %mul3A_112 = vector.broadcast %squeeze3A_111 : f32 to vector<16xf32>
        %mul3A_113 = arith.mulf %get3A_109, %mul3A_112 : vector<16xf32>
        %swap3A_114 = arith.index_cast %add3A_105 : i32 to index
        %swap3A_115 = arith.constant 0 : index
        %swap3A_116 = tpu.vector_load %arg11[%swap3A_114, %swap3A_115] {strides = array<i32>} : memref<80x16xf32, #tpu.memory_space<vmem>>, vector<1x16xf32>,
        %swap3A_117 = vector.shape_cast %swap3A_116 : vector<1x16xf32> to vector<16xf32>
        %swap3A_118 = vector.shape_cast %mul3A_113 : vector<16xf32> to vector<1x16xf32>
        tpu.vector_store %arg11[%swap3A_114, %swap3A_115], %swap3A_118 {strides = array<i32>} : memref<80x16xf32, #tpu.memory_space<vmem>>, vector<1x16xf32>,
        %mul3A_119 = arith.constant 16 : i32
        %mul3A_120 = arith.muli %scan3A_36, %mul3A_119 : i32
        %add3A_121 = arith.constant 4 : i32
        %add3A_122 = arith.addi %mul3A_120, %add3A_121 : i32
        %get3A_123 = arith.index_cast %add3A_122 : i32 to index
        %get3A_124 = arith.constant 0 : index
        %get3A_125 = tpu.vector_load %arg11[%get3A_123, %get3A_124] {strides = array<i32>} : memref<80x16xf32, #tpu.memory_space<vmem>>, vector<1x16xf32>,
        %get3A_126 = vector.shape_cast %get3A_125 : vector<1x16xf32> to vector<16xf32>
        %slice3A_127 = vector.extract_strided_slice %get3A_52 {offsets = [4], sizes = [1], strides = [1]} : vector<16xf32> to vector<1xf32>
        %squeeze3A_128 = vector.extract %slice3A_127[0] : f32 from vector<1xf32>
        %mul3A_129 = vector.broadcast %squeeze3A_128 : f32 to vector<16xf32>
        %mul3A_130 = arith.mulf %get3A_126, %mul3A_129 : vector<16xf32>
        %swap3A_131 = arith.index_cast %add3A_122 : i32 to index
        %swap3A_132 = arith.constant 0 : index
        %swap3A_133 = tpu.vector_load %arg11[%swap3A_131, %swap3A_132] {strides = array<i32>} : memref<80x16xf32, #tpu.memory_space<vmem>>, vector<1x16xf32>,
        %swap3A_134 = vector.shape_cast %swap3A_133 : vector<1x16xf32> to vector<16xf32>
        %swap3A_135 = vector.shape_cast %mul3A_130 : vector<16xf32> to vector<1x16xf32>
        tpu.vector_store %arg11[%swap3A_131, %swap3A_132], %swap3A_135 {strides = array<i32>} : memref<80x16xf32, #tpu.memory_space<vmem>>, vector<1x16xf32>,
        %mul3A_136 = arith.constant 16 : i32
        %mul3A_137 = arith.muli %scan3A_36, %mul3A_136 : i32
        %add3A_138 = arith.constant 5 : i32
        %add3A_139 = arith.addi %mul3A_137, %add3A_138 : i32
        %get3A_140 = arith.index_cast %add3A_139 : i32 to index
        %get3A_141 = arith.constant 0 : index
        %get3A_142 = tpu.vector_load %arg11[%get3A_140, %get3A_141] {strides = array<i32>} : memref<80x16xf32, #tpu.memory_space<vmem>>, vector<1x16xf32>,
        %get3A_143 = vector.shape_cast %get3A_142 : vector<1x16xf32> to vector<16xf32>
        %slice3A_144 = vector.extract_strided_slice %get3A_52 {offsets = [5], sizes = [1], strides = [1]} : vector<16xf32> to vector<1xf32>
        %squeeze3A_145 = vector.extract %slice3A_144[0] : f32 from vector<1xf32>
        %mul3A_146 = vector.broadcast %squeeze3A_145 : f32 to vector<16xf32>
        %mul3A_147 = arith.mulf %get3A_143, %mul3A_146 : vector<16xf32>
        %swap3A_148 = arith.index_cast %add3A_139 : i32 to index
        %swap3A_149 = arith.constant 0 : index
        %swap3A_150 = tpu.vector_load %arg11[%swap3A_148, %swap3A_149] {strides = array<i32>} : memref<80x16xf32, #tpu.memory_space<vmem>>, vector<1x16xf32>,
        %swap3A_151 = vector.shape_cast %swap3A_150 : vector<1x16xf32> to vector<16xf32>
        %swap3A_152 = vector.shape_cast %mul3A_147 : vector<16xf32> to vector<1x16xf32>
        tpu.vector_store %arg11[%swap3A_148, %swap3A_149], %swap3A_152 {strides = array<i32>} : memref<80x16xf32, #tpu.memory_space<vmem>>, vector<1x16xf32>,
        %mul3A_153 = arith.constant 16 : i32
        %mul3A_154 = arith.muli %scan3A_36, %mul3A_153 : i32
        %add3A_155 = arith.constant 6 : i32
        %add3A_156 = arith.addi %mul3A_154, %add3A_155 : i32
        %get3A_157 = arith.index_cast %add3A_156 : i32 to index
        %get3A_158 = arith.constant 0 : index
        %get3A_159 = tpu.vector_load %arg11[%get3A_157, %get3A_158] {strides = array<i32>} : memref<80x16xf32, #tpu.memory_space<vmem>>, vector<1x16xf32>,
        %get3A_160 = vector.shape_cast %get3A_159 : vector<1x16xf32> to vector<16xf32>
        %slice3A_161 = vector.extract_strided_slice %get3A_52 {offsets = [6], sizes = [1], strides = [1]} : vector<16xf32> to vector<1xf32>
        %squeeze3A_162 = vector.extract %slice3A_161[0] : f32 from vector<1xf32>
        %mul3A_163 = vector.broadcast %squeeze3A_162 : f32 to vector<16xf32>
        %mul3A_164 = arith.mulf %get3A_160, %mul3A_163 : vector<16xf32>
        %swap3A_165 = arith.index_cast %add3A_156 : i32 to index
        %swap3A_166 = arith.constant 0 : index
        %swap3A_167 = tpu.vector_load %arg11[%swap3A_165, %swap3A_166] {strides = array<i32>} : memref<80x16xf32, #tpu.memory_space<vmem>>, vector<1x16xf32>,
        %swap3A_168 = vector.shape_cast %swap3A_167 : vector<1x16xf32> to vector<16xf32>
        %swap3A_169 = vector.shape_cast %mul3A_164 : vector<16xf32> to vector<1x16xf32>
        tpu.vector_store %arg11[%swap3A_165, %swap3A_166], %swap3A_169 {strides = array<i32>} : memref<80x16xf32, #tpu.memory_space<vmem>>, vector<1x16xf32>,
        %mul3A_170 = arith.constant 16 : i32
        %mul3A_171 = arith.muli %scan3A_36, %mul3A_170 : i32
        %add3A_172 = arith.constant 7 : i32
        %add3A_173 = arith.addi %mul3A_171, %add3A_172 : i32
        %get3A_174 = arith.index_cast %add3A_173 : i32 to index
        %get3A_175 = arith.constant 0 : index
        %get3A_176 = tpu.vector_load %arg11[%get3A_174, %get3A_175] {strides = array<i32>} : memref<80x16xf32, #tpu.memory_space<vmem>>, vector<1x16xf32>,
        %get3A_177 = vector.shape_cast %get3A_176 : vector<1x16xf32> to vector<16xf32>
        %slice3A_178 = vector.extract_strided_slice %get3A_52 {offsets = [7], sizes = [1], strides = [1]} : vector<16xf32> to vector<1xf32>
        %squeeze3A_179 = vector.extract %slice3A_178[0] : f32 from vector<1xf32>
        %mul3A_180 = vector.broadcast %squeeze3A_179 : f32 to vector<16xf32>
        %mul3A_181 = arith.mulf %get3A_177, %mul3A_180 : vector<16xf32>
        %swap3A_182 = arith.index_cast %add3A_173 : i32 to index
        %swap3A_183 = arith.constant 0 : index
        %swap3A_184 = tpu.vector_load %arg11[%swap3A_182, %swap3A_183] {strides = array<i32>} : memref<80x16xf32, #tpu.memory_space<vmem>>, vector<1x16xf32>,
        %swap3A_185 = vector.shape_cast %swap3A_184 : vector<1x16xf32> to vector<16xf32>
        %swap3A_186 = vector.shape_cast %mul3A_181 : vector<16xf32> to vector<1x16xf32>
        tpu.vector_store %arg11[%swap3A_182, %swap3A_183], %swap3A_186 {strides = array<i32>} : memref<80x16xf32, #tpu.memory_space<vmem>>, vector<1x16xf32>,
        %mul3A_187 = arith.constant 16 : i32
        %mul3A_188 = arith.muli %scan3A_36, %mul3A_187 : i32
        %add3A_189 = arith.constant 8 : i32
        %add3A_190 = arith.addi %mul3A_188, %add3A_189 : i32
        %get3A_191 = arith.index_cast %add3A_190 : i32 to index
        %get3A_192 = arith.constant 0 : index
        %get3A_193 = tpu.vector_load %arg11[%get3A_191, %get3A_192] {strides = array<i32>} : memref<80x16xf32, #tpu.memory_space<vmem>>, vector<1x16xf32>,
        %get3A_194 = vector.shape_cast %get3A_193 : vector<1x16xf32> to vector<16xf32>
        %slice3A_195 = vector.extract_strided_slice %get3A_52 {offsets = [8], sizes = [1], strides = [1]} : vector<16xf32> to vector<1xf32>
        %squeeze3A_196 = vector.extract %slice3A_195[0] : f32 from vector<1xf32>
        %mul3A_197 = vector.broadcast %squeeze3A_196 : f32 to vector<16xf32>
        %mul3A_198 = arith.mulf %get3A_194, %mul3A_197 : vector<16xf32>
        %swap3A_199 = arith.index_cast %add3A_190 : i32 to index
        %swap3A_200 = arith.constant 0 : index
        %swap3A_201 = tpu.vector_load %arg11[%swap3A_199, %swap3A_200] {strides = array<i32>} : memref<80x16xf32, #tpu.memory_space<vmem>>, vector<1x16xf32>,
        %swap3A_202 = vector.shape_cast %swap3A_201 : vector<1x16xf32> to vector<16xf32>
        %swap3A_203 = vector.shape_cast %mul3A_198 : vector<16xf32> to vector<1x16xf32>
        tpu.vector_store %arg11[%swap3A_199, %swap3A_200], %swap3A_203 {strides = array<i32>} : memref<80x16xf32, #tpu.memory_space<vmem>>, vector<1x16xf32>,
        %mul3A_204 = arith.constant 16 : i32
        %mul3A_205 = arith.muli %scan3A_36, %mul3A_204 : i32
        %add3A_206 = arith.constant 9 : i32
        %add3A_207 = arith.addi %mul3A_205, %add3A_206 : i32
        %get3A_208 = arith.index_cast %add3A_207 : i32 to index
        %get3A_209 = arith.constant 0 : index
        %get3A_210 = tpu.vector_load %arg11[%get3A_208, %get3A_209] {strides = array<i32>} : memref<80x16xf32, #tpu.memory_space<vmem>>, vector<1x16xf32>,
        %get3A_211 = vector.shape_cast %get3A_210 : vector<1x16xf32> to vector<16xf32>
        %slice3A_212 = vector.extract_strided_slice %get3A_52 {offsets = [9], sizes = [1], strides = [1]} : vector<16xf32> to vector<1xf32>
        %squeeze3A_213 = vector.extract %slice3A_212[0] : f32 from vector<1xf32>
        %mul3A_214 = vector.broadcast %squeeze3A_213 : f32 to vector<16xf32>
        %mul3A_215 = arith.mulf %get3A_211, %mul3A_214 : vector<16xf32>
        %swap3A_216 = arith.index_cast %add3A_207 : i32 to index
        %swap3A_217 = arith.constant 0 : index
        %swap3A_218 = tpu.vector_load %arg11[%swap3A_216, %swap3A_217] {strides = array<i32>} : memref<80x16xf32, #tpu.memory_space<vmem>>, vector<1x16xf32>,
        %swap3A_219 = vector.shape_cast %swap3A_218 : vector<1x16xf32> to vector<16xf32>
        %swap3A_220 = vector.shape_cast %mul3A_215 : vector<16xf32> to vector<1x16xf32>
        tpu.vector_store %arg11[%swap3A_216, %swap3A_217], %swap3A_220 {strides = array<i32>} : memref<80x16xf32, #tpu.memory_space<vmem>>, vector<1x16xf32>,
        %mul3A_221 = arith.constant 16 : i32
        %mul3A_222 = arith.muli %scan3A_36, %mul3A_221 : i32
        %add3A_223 = arith.constant 10 : i32
        %add3A_224 = arith.addi %mul3A_222, %add3A_223 : i32
        %get3A_225 = arith.index_cast %add3A_224 : i32 to index
        %get3A_226 = arith.constant 0 : index
        %get3A_227 = tpu.vector_load %arg11[%get3A_225, %get3A_226] {strides = array<i32>} : memref<80x16xf32, #tpu.memory_space<vmem>>, vector<1x16xf32>,
        %get3A_228 = vector.shape_cast %get3A_227 : vector<1x16xf32> to vector<16xf32>
        %slice3A_229 = vector.extract_strided_slice %get3A_52 {offsets = [10], sizes = [1], strides = [1]} : vector<16xf32> to vector<1xf32>
        %squeeze3A_230 = vector.extract %slice3A_229[0] : f32 from vector<1xf32>
        %mul3A_231 = vector.broadcast %squeeze3A_230 : f32 to vector<16xf32>
        %mul3A_232 = arith.mulf %get3A_228, %mul3A_231 : vector<16xf32>
        %swap3A_233 = arith.index_cast %add3A_224 : i32 to index
        %swap3A_234 = arith.constant 0 : index
        %swap3A_235 = tpu.vector_load %arg11[%swap3A_233, %swap3A_234] {strides = array<i32>} : memref<80x16xf32, #tpu.memory_space<vmem>>, vector<1x16xf32>,
        %swap3A_236 = vector.shape_cast %swap3A_235 : vector<1x16xf32> to vector<16xf32>
        %swap3A_237 = vector.shape_cast %mul3A_232 : vector<16xf32> to vector<1x16xf32>
        tpu.vector_store %arg11[%swap3A_233, %swap3A_234], %swap3A_237 {strides = array<i32>} : memref<80x16xf32, #tpu.memory_space<vmem>>, vector<1x16xf32>,
        %mul3A_238 = arith.constant 16 : i32
        %mul3A_239 = arith.muli %scan3A_36, %mul3A_238 : i32
        %add3A_240 = arith.constant 11 : i32
        %add3A_241 = arith.addi %mul3A_239, %add3A_240 : i32
        %get3A_242 = arith.index_cast %add3A_241 : i32 to index
        %get3A_243 = arith.constant 0 : index
        %get3A_244 = tpu.vector_load %arg11[%get3A_242, %get3A_243] {strides = array<i32>} : memref<80x16xf32, #tpu.memory_space<vmem>>, vector<1x16xf32>,
        %get3A_245 = vector.shape_cast %get3A_244 : vector<1x16xf32> to vector<16xf32>
        %slice3A_246 = vector.extract_strided_slice %get3A_52 {offsets = [11], sizes = [1], strides = [1]} : vector<16xf32> to vector<1xf32>
        %squeeze3A_247 = vector.extract %slice3A_246[0] : f32 from vector<1xf32>
        %mul3A_248 = vector.broadcast %squeeze3A_247 : f32 to vector<16xf32>
        %mul3A_249 = arith.mulf %get3A_245, %mul3A_248 : vector<16xf32>
        %swap3A_250 = arith.index_cast %add3A_241 : i32 to index
        %swap3A_251 = arith.constant 0 : index
        %swap3A_252 = tpu.vector_load %arg11[%swap3A_250, %swap3A_251] {strides = array<i32>} : memref<80x16xf32, #tpu.memory_space<vmem>>, vector<1x16xf32>,
        %swap3A_253 = vector.shape_cast %swap3A_252 : vector<1x16xf32> to vector<16xf32>
        %swap3A_254 = vector.shape_cast %mul3A_249 : vector<16xf32> to vector<1x16xf32>
        tpu.vector_store %arg11[%swap3A_250, %swap3A_251], %swap3A_254 {strides = array<i32>} : memref<80x16xf32, #tpu.memory_space<vmem>>, vector<1x16xf32>,
        %mul3A_255 = arith.constant 16 : i32
        %mul3A_256 = arith.muli %scan3A_36, %mul3A_255 : i32
        %add3A_257 = arith.constant 12 : i32
        %add3A_258 = arith.addi %mul3A_256, %add3A_257 : i32
        %get3A_259 = arith.index_cast %add3A_258 : i32 to index
        %get3A_260 = arith.constant 0 : index
        %get3A_261 = tpu.vector_load %arg11[%get3A_259, %get3A_260] {strides = array<i32>} : memref<80x16xf32, #tpu.memory_space<vmem>>, vector<1x16xf32>,
        %get3A_262 = vector.shape_cast %get3A_261 : vector<1x16xf32> to vector<16xf32>
        %slice3A_263 = vector.extract_strided_slice %get3A_52 {offsets = [12], sizes = [1], strides = [1]} : vector<16xf32> to vector<1xf32>
        %squeeze3A_264 = vector.extract %slice3A_263[0] : f32 from vector<1xf32>
        %mul3A_265 = vector.broadcast %squeeze3A_264 : f32 to vector<16xf32>
        %mul3A_266 = arith.mulf %get3A_262, %mul3A_265 : vector<16xf32>
        %swap3A_267 = arith.index_cast %add3A_258 : i32 to index
        %swap3A_268 = arith.constant 0 : index
        %swap3A_269 = tpu.vector_load %arg11[%swap3A_267, %swap3A_268] {strides = array<i32>} : memref<80x16xf32, #tpu.memory_space<vmem>>, vector<1x16xf32>,
        %swap3A_270 = vector.shape_cast %swap3A_269 : vector<1x16xf32> to vector<16xf32>
        %swap3A_271 = vector.shape_cast %mul3A_266 : vector<16xf32> to vector<1x16xf32>
        tpu.vector_store %arg11[%swap3A_267, %swap3A_268], %swap3A_271 {strides = array<i32>} : memref<80x16xf32, #tpu.memory_space<vmem>>, vector<1x16xf32>,
        %mul3A_272 = arith.constant 16 : i32
        %mul3A_273 = arith.muli %scan3A_36, %mul3A_272 : i32
        %add3A_274 = arith.constant 13 : i32
        %add3A_275 = arith.addi %mul3A_273, %add3A_274 : i32
        %get3A_276 = arith.index_cast %add3A_275 : i32 to index
        %get3A_277 = arith.constant 0 : index
        %get3A_278 = tpu.vector_load %arg11[%get3A_276, %get3A_277] {strides = array<i32>} : memref<80x16xf32, #tpu.memory_space<vmem>>, vector<1x16xf32>,
        %get3A_279 = vector.shape_cast %get3A_278 : vector<1x16xf32> to vector<16xf32>
        %slice3A_280 = vector.extract_strided_slice %get3A_52 {offsets = [13], sizes = [1], strides = [1]} : vector<16xf32> to vector<1xf32>
        %squeeze3A_281 = vector.extract %slice3A_280[0] : f32 from vector<1xf32>
        %mul3A_282 = vector.broadcast %squeeze3A_281 : f32 to vector<16xf32>
        %mul3A_283 = arith.mulf %get3A_279, %mul3A_282 : vector<16xf32>
        %swap3A_284 = arith.index_cast %add3A_275 : i32 to index
        %swap3A_285 = arith.constant 0 : index
        %swap3A_286 = tpu.vector_load %arg11[%swap3A_284, %swap3A_285] {strides = array<i32>} : memref<80x16xf32, #tpu.memory_space<vmem>>, vector<1x16xf32>,
        %swap3A_287 = vector.shape_cast %swap3A_286 : vector<1x16xf32> to vector<16xf32>
        %swap3A_288 = vector.shape_cast %mul3A_283 : vector<16xf32> to vector<1x16xf32>
        tpu.vector_store %arg11[%swap3A_284, %swap3A_285], %swap3A_288 {strides = array<i32>} : memref<80x16xf32, #tpu.memory_space<vmem>>, vector<1x16xf32>,
        %mul3A_289 = arith.constant 16 : i32
        %mul3A_290 = arith.muli %scan3A_36, %mul3A_289 : i32
        %add3A_291 = arith.constant 14 : i32
        %add3A_292 = arith.addi %mul3A_290, %add3A_291 : i32
        %get3A_293 = arith.index_cast %add3A_292 : i32 to index
        %get3A_294 = arith.constant 0 : index
        %get3A_295 = tpu.vector_load %arg11[%get3A_293, %get3A_294] {strides = array<i32>} : memref<80x16xf32, #tpu.memory_space<vmem>>, vector<1x16xf32>,
        %get3A_296 = vector.shape_cast %get3A_295 : vector<1x16xf32> to vector<16xf32>
        %slice3A_297 = vector.extract_strided_slice %get3A_52 {offsets = [14], sizes = [1], strides = [1]} : vector<16xf32> to vector<1xf32>
        %squeeze3A_298 = vector.extract %slice3A_297[0] : f32 from vector<1xf32>
        %mul3A_299 = vector.broadcast %squeeze3A_298 : f32 to vector<16xf32>
        %mul3A_300 = arith.mulf %get3A_296, %mul3A_299 : vector<16xf32>
        %swap3A_301 = arith.index_cast %add3A_292 : i32 to index
        %swap3A_302 = arith.constant 0 : index
        %swap3A_303 = tpu.vector_load %arg11[%swap3A_301, %swap3A_302] {strides = array<i32>} : memref<80x16xf32, #tpu.memory_space<vmem>>, vector<1x16xf32>,
        %swap3A_304 = vector.shape_cast %swap3A_303 : vector<1x16xf32> to vector<16xf32>
        %swap3A_305 = vector.shape_cast %mul3A_300 : vector<16xf32> to vector<1x16xf32>
        tpu.vector_store %arg11[%swap3A_301, %swap3A_302], %swap3A_305 {strides = array<i32>} : memref<80x16xf32, #tpu.memory_space<vmem>>, vector<1x16xf32>,
        %mul3A_306 = arith.constant 16 : i32
        %mul3A_307 = arith.muli %scan3A_36, %mul3A_306 : i32
        %add3A_308 = arith.constant 15 : i32
        %add3A_309 = arith.addi %mul3A_307, %add3A_308 : i32
        %get3A_310 = arith.index_cast %add3A_309 : i32 to index
        %get3A_311 = arith.constant 0 : index
        %get3A_312 = tpu.vector_load %arg11[%get3A_310, %get3A_311] {strides = array<i32>} : memref<80x16xf32, #tpu.memory_space<vmem>>, vector<1x16xf32>,
        %get3A_313 = vector.shape_cast %get3A_312 : vector<1x16xf32> to vector<16xf32>
        %slice3A_314 = vector.extract_strided_slice %get3A_52 {offsets = [15], sizes = [1], strides = [1]} : vector<16xf32> to vector<1xf32>
        %squeeze3A_315 = vector.extract %slice3A_314[0] : f32 from vector<1xf32>
        %mul3A_316 = vector.broadcast %squeeze3A_315 : f32 to vector<16xf32>
        %mul3A_317 = arith.mulf %get3A_313, %mul3A_316 : vector<16xf32>
        %swap3A_318 = arith.index_cast %add3A_309 : i32 to index
        %swap3A_319 = arith.constant 0 : index
        %swap3A_320 = tpu.vector_load %arg11[%swap3A_318, %swap3A_319] {strides = array<i32>} : memref<80x16xf32, #tpu.memory_space<vmem>>, vector<1x16xf32>,
        %swap3A_321 = vector.shape_cast %swap3A_320 : vector<1x16xf32> to vector<16xf32>
        %swap3A_322 = vector.shape_cast %mul3A_317 : vector<16xf32> to vector<1x16xf32>
        tpu.vector_store %arg11[%swap3A_318, %swap3A_319], %swap3A_322 {strides = array<i32>} : memref<80x16xf32, #tpu.memory_space<vmem>>, vector<1x16xf32>,
        %scan3A_323 = arith.constant 0 : i32
        scf.yield %scan3A_323 : i32
      }
      %scan3A_34 = arith.constant 5 : i32
      "tpu.region"() ({
        %run_scoped3A = tpu.sem_alloc : memref<!tpu.dma_semaphore, #tpu.memory_space<semaphore_mem>>
        %dma_start3A_36 = arith.constant 0 : i32
        %dma_start3A_37 = arith.constant 0 : i32
        %dma_start3A_38 = tpu.memref_slice %arg13[%dma_start3A_36, %dma_start3A_37] : memref<50176x16xf32, #tpu.memory_space<vmem_shared>> -> memref<50176x16xf32, #tpu.memory_space<vmem_shared>>
        tpu.enqueue_indirect_dma source(%arg11 : memref<80x16xf32, #tpu.memory_space<vmem>>) target(%dma_start3A_38 : memref<50176x16xf32, #tpu.memory_space<vmem_shared>>) offsets(%arg9 : memref<80xi32, #tpu.memory_space<vmem>>) semaphore(%run_scoped3A : memref<!tpu.dma_semaphore, #tpu.memory_space<semaphore_mem>>) {add = true}
        %dma_wait3A_39 = arith.constant 0 : i32
        %dma_wait3A_40 = arith.constant 0 : i32
        %dma_wait3A_41 = tpu.memref_slice %arg13[%dma_wait3A_39, %dma_wait3A_40] : memref<50176x16xf32, #tpu.memory_space<vmem_shared>> -> memref<50176x16xf32, #tpu.memory_space<vmem_shared>>
        tpu.wait_indirect_dma semaphore(%run_scoped3A : memref<!tpu.dma_semaphore, #tpu.memory_space<semaphore_mem>>) src(%arg11 : memref<80x16xf32, #tpu.memory_space<vmem>>) dst(%dma_wait3A_41 : memref<50176x16xf32, #tpu.memory_space<vmem_shared>>)
        tpu.yield
      }) : () -> ()
      %scan3A_35 = arith.constant 0 : i32
      scf.yield %scan3A_35 : i32
    }
    %scan3A_17 = arith.constant 1250 : i32
    %barrier3A_18 = arith.constant 0 : index
    tpu.barrier barrier_id(%barrier3A_18)
    %mul3A_19 = arith.constant 3128 : i32
    %mul3A_20 = arith.muli %arg1, %mul3A_19 : i32
    "tpu.region"() ({
      %run_scoped3A = tpu.sem_alloc : memref<!tpu.dma_semaphore, #tpu.memory_space<semaphore_mem>>
      %dma_start3A = arith.constant 0 : i32
      %dma_start3A_21 = arith.constant 0 : i32
      %dma_start3A_22 = tpu.memref_slice %arg12[%dma_start3A, %dma_start3A_21] : memref<3136x16xf32, #tpu.memory_space<vmem>> -> memref<3128x16xf32, #tpu.memory_space<vmem>>
      %dma_start3A_23 = arith.constant 0 : i32
      %dma_start3A_24 = tpu.memref_slice %arg13[%mul3A_20, %dma_start3A_23] : memref<50176x16xf32, #tpu.memory_space<vmem_shared>> -> memref<3128x16xf32, #tpu.memory_space<vmem_shared>>
      %dma_start3A_25 = arith.constant 0 : i32
      %dma_start3A_26 = arith.constant 0 : i32
      %dma_start3A_27 = tpu.memref_slice %arg12[%dma_start3A_25, %dma_start3A_26] : memref<3136x16xf32, #tpu.memory_space<vmem>> -> memref<3128x16xf32, #tpu.memory_space<vmem>>
      %dma_start3A_28 = arith.constant 0 : i32
      %dma_start3A_29 = tpu.memref_slice %arg13[%mul3A_20, %dma_start3A_28] : memref<50176x16xf32, #tpu.memory_space<vmem_shared>> -> memref<3128x16xf32, #tpu.memory_space<vmem_shared>>
      tpu.enqueue_dma source(%dma_start3A_29 : memref<3128x16xf32, #tpu.memory_space<vmem_shared>>) target(%dma_start3A_27 : memref<3128x16xf32, #tpu.memory_space<vmem>>) target_semaphore(%run_scoped3A : memref<!tpu.dma_semaphore, #tpu.memory_space<semaphore_mem>>)
      %dma_wait3A = arith.constant 0 : i32
      %dma_wait3A_30 = arith.constant 0 : i32
      %dma_wait3A_31 = tpu.memref_slice %arg12[%dma_wait3A, %dma_wait3A_30] : memref<3136x16xf32, #tpu.memory_space<vmem>> -> memref<3128x16xf32, #tpu.memory_space<vmem>>
      %dma_wait3A_32 = arith.constant 0 : i32
      %dma_wait3A_33 = tpu.memref_slice %arg13[%mul3A_20, %dma_wait3A_32] : memref<50176x16xf32, #tpu.memory_space<vmem_shared>> -> memref<3128x16xf32, #tpu.memory_space<vmem_shared>>
      %dma_wait3A_34 = arith.constant 0 : i32
      %dma_wait3A_35 = arith.constant 0 : i32
      %dma_wait3A_36 = tpu.memref_slice %arg12[%dma_wait3A_34, %dma_wait3A_35] : memref<3136x16xf32, #tpu.memory_space<vmem>> -> memref<3128x16xf32, #tpu.memory_space<vmem>>
      %dma_wait3A_37 = arith.constant 0 : i32
      %dma_wait3A_38 = tpu.memref_slice %arg13[%mul3A_20, %dma_wait3A_37] : memref<50176x16xf32, #tpu.memory_space<vmem_shared>> -> memref<3128x16xf32, #tpu.memory_space<vmem_shared>>
      tpu.wait_dma2 semaphore(%run_scoped3A : memref<!tpu.dma_semaphore, #tpu.memory_space<semaphore_mem>>) src(%dma_wait3A_38 : memref<3128x16xf32, #tpu.memory_space<vmem_shared>>) dst(%dma_wait3A_36 : memref<3128x16xf32, #tpu.memory_space<vmem>>)
      tpu.yield
    }) : () -> ()
    %add3A = arith.addi %mul3A_0, %mul3A_20 : i32
    "tpu.region"() ({
      %run_scoped3A = tpu.sem_alloc : memref<!tpu.dma_semaphore, #tpu.memory_space<semaphore_mem>>
      %dma_start3A = arith.constant 0 : i32
      %dma_start3A_21 = arith.constant 0 : i32
      %dma_start3A_22 = tpu.memref_slice %arg12[%dma_start3A, %dma_start3A_21] : memref<3136x16xf32, #tpu.memory_space<vmem>> -> memref<3128x16xf32, #tpu.memory_space<vmem>>
      %dma_start3A_23 = arith.constant 0 : i32
      %dma_start3A_24 = tpu.memref_slice %arg6[%add3A, %dma_start3A_23] : memref<100096x16xf32, #tpu.memory_space<hbm>> -> memref<3128x16xf32, #tpu.memory_space<hbm>>
      %dma_start3A_25 = arith.constant 0 : i32
      %dma_start3A_26 = tpu.memref_slice %arg6[%add3A, %dma_start3A_25] : memref<100096x16xf32, #tpu.memory_space<hbm>> -> memref<3128x16xf32, #tpu.memory_space<hbm>>
      %dma_start3A_27 = arith.constant 0 : i32
      %dma_start3A_28 = arith.constant 0 : i32
      %dma_start3A_29 = tpu.memref_slice %arg12[%dma_start3A_27, %dma_start3A_28] : memref<3136x16xf32, #tpu.memory_space<vmem>> -> memref<3128x16xf32, #tpu.memory_space<vmem>>
      tpu.enqueue_dma source(%dma_start3A_29 : memref<3128x16xf32, #tpu.memory_space<vmem>>) target(%dma_start3A_26 : memref<3128x16xf32, #tpu.memory_space<hbm>>) target_semaphore(%run_scoped3A : memref<!tpu.dma_semaphore, #tpu.memory_space<semaphore_mem>>)
      %dma_wait3A = arith.constant 0 : i32
      %dma_wait3A_30 = arith.constant 0 : i32
      %dma_wait3A_31 = tpu.memref_slice %arg12[%dma_wait3A, %dma_wait3A_30] : memref<3136x16xf32, #tpu.memory_space<vmem>> -> memref<3128x16xf32, #tpu.memory_space<vmem>>
      %dma_wait3A_32 = arith.constant 0 : i32
      %dma_wait3A_33 = tpu.memref_slice %arg6[%add3A, %dma_wait3A_32] : memref<100096x16xf32, #tpu.memory_space<hbm>> -> memref<3128x16xf32, #tpu.memory_space<hbm>>
      %dma_wait3A_34 = arith.constant 0 : i32
      %dma_wait3A_35 = tpu.memref_slice %arg6[%add3A, %dma_wait3A_34] : memref<100096x16xf32, #tpu.memory_space<hbm>> -> memref<3128x16xf32, #tpu.memory_space<hbm>>
      %dma_wait3A_36 = arith.constant 0 : i32
      %dma_wait3A_37 = arith.constant 0 : i32
      %dma_wait3A_38 = tpu.memref_slice %arg12[%dma_wait3A_36, %dma_wait3A_37] : memref<3136x16xf32, #tpu.memory_space<vmem>> -> memref<3128x16xf32, #tpu.memory_space<vmem>>
      tpu.wait_dma2 semaphore(%run_scoped3A : memref<!tpu.dma_semaphore, #tpu.memory_space<semaphore_mem>>) src(%dma_wait3A_38 : memref<3128x16xf32, #tpu.memory_space<vmem>>) dst(%dma_wait3A_35 : memref<3128x16xf32, #tpu.memory_space<hbm>>)
      tpu.yield
    }) : () -> ()
    return
  }
}

#map = affine_map<(d0, d1) -> (0, 0)>
module attributes {stable_mosaic.version = 14 : i64} {
  func.func @body(%arg0: i32, %arg1: i32, %arg2: memref<100000x16xf32, #tpu.memory_space<hbm>>, %arg3: memref<100000x16xf32, #tpu.memory_space<hbm>>, %arg4: memref<100000x16xf32, #tpu.memory_space<hbm>>, %arg5: memref<100000x16xf32, #tpu.memory_space<hbm>>, %arg6: memref<20000x80xi32, #tpu.memory_space<hbm>>, %arg7: memref<20000x80xi32, #tpu.memory_space<hbm>>, %arg8: memref<20000x80xf32, #tpu.memory_space<hbm>>, %arg9: memref<100096x16xf32, #tpu.memory_space<hbm>>, %arg10: memref<100096x16xf32, #tpu.memory_space<hbm>>, %arg11: memref<100096x16xf32, #tpu.memory_space<hbm>>, %arg12: memref<100096x16xf32, #tpu.memory_space<hbm>>, %arg13: memref<80xi32, #tpu.memory_space<vmem>>, %arg14: memref<80xi32, #tpu.memory_space<vmem>>, %arg15: memref<80xi32, #tpu.memory_space<vmem>>, %arg16: memref<80xf32, #tpu.memory_space<vmem>>, %arg17: memref<80x16xf32, #tpu.memory_space<vmem>>, %arg18: memref<3136x16xf32, #tpu.memory_space<vmem>>, %arg19: memref<50176x16xf32, #tpu.memory_space<vmem_shared>>, %arg20: memref<!tpu.dma_semaphore, #tpu.memory_space<semaphore_mem>>) attributes {dimension_semantics = [#tpu.dimension_semantics<core_parallel>, #tpu.dimension_semantics<subcore_parallel>], iteration_bounds = array<i64: 2, 16>, scalar_prefetch = 0 : i64, scratch_operands = 8 : i64, tpu.core_type = #tpu.core_type<sc_vector_subcore>, window_params = [{transform_indices = #map}, {transform_indices = #map}, {transform_indices = #map}, {transform_indices = #map}, {transform_indices = #map}, {transform_indices = #map}, {transform_indices = #map}, {transform_indices = #map}, {transform_indices = #map}, {transform_indices = #map}, {transform_indices = #map}]} {
    %mul3A = arith.constant 50048 : i32
    %mul3A_0 = arith.muli %arg0, %mul3A : i32
    %mul3A_1 = arith.constant 1250 : i32
    %mul3A_2 = arith.muli %arg1, %mul3A_1 : i32
    %scan3A = arith.constant 0 : i32
    %scan3A_3 = arith.constant 0 : i32
    %scan3A_4 = arith.constant 3136 : i32
    %scan3A_5 = arith.addi %scan3A_3, %scan3A_4 : i32
    %scan3A_6 = arith.constant 1 : i32
    %scan3A_7 = scf.for %scan3A_87 = %scan3A_3 to %scan3A_5 step %scan3A_6 iter_args(%scan3A_88 = %scan3A) -> (i32)  : i32 {
      %broadcast_in_dim3A = arith.constant 0.000000e+00 : f32
      %broadcast_in_dim3A_89 = vector.broadcast %broadcast_in_dim3A : f32 to vector<16xf32>
      %swap3A = arith.index_cast %scan3A_87 : i32 to index
      %swap3A_90 = arith.constant 0 : index
      %swap3A_91 = tpu.vector_load %arg18[%swap3A, %swap3A_90] {strides = array<i32>} : memref<3136x16xf32, #tpu.memory_space<vmem>>, vector<1x16xf32>,
      %swap3A_92 = vector.shape_cast %swap3A_91 : vector<1x16xf32> to vector<16xf32>
      %swap3A_93 = vector.shape_cast %broadcast_in_dim3A_89 : vector<16xf32> to vector<1x16xf32>
      tpu.vector_store %arg18[%swap3A, %swap3A_90], %swap3A_93 {strides = array<i32>} : memref<3136x16xf32, #tpu.memory_space<vmem>>, vector<1x16xf32>,
      %scan3A_94 = arith.constant 0 : i32
      scf.yield %scan3A_94 : i32
    }
    %scan3A_8 = arith.constant 3136 : i32
    %mul3A_9 = arith.constant 3136 : i32
    %mul3A_10 = arith.muli %arg1, %mul3A_9 : i32
    "tpu.region"() ({
      %run_scoped3A = tpu.sem_alloc : memref<!tpu.dma_semaphore, #tpu.memory_space<semaphore_mem>>
      %dma_start3A = arith.constant 0 : i32
      %dma_start3A_87 = tpu.memref_slice %arg19[%mul3A_10, %dma_start3A] : memref<50176x16xf32, #tpu.memory_space<vmem_shared>> -> memref<3136x16xf32, #tpu.memory_space<vmem_shared>>
      %dma_start3A_88 = arith.constant 0 : i32
      %dma_start3A_89 = tpu.memref_slice %arg19[%mul3A_10, %dma_start3A_88] : memref<50176x16xf32, #tpu.memory_space<vmem_shared>> -> memref<3136x16xf32, #tpu.memory_space<vmem_shared>>
      tpu.enqueue_dma source(%arg18 : memref<3136x16xf32, #tpu.memory_space<vmem>>) target(%dma_start3A_89 : memref<3136x16xf32, #tpu.memory_space<vmem_shared>>) target_semaphore(%run_scoped3A : memref<!tpu.dma_semaphore, #tpu.memory_space<semaphore_mem>>)
      %dma_wait3A = arith.constant 0 : i32
      %dma_wait3A_90 = tpu.memref_slice %arg19[%mul3A_10, %dma_wait3A] : memref<50176x16xf32, #tpu.memory_space<vmem_shared>> -> memref<3136x16xf32, #tpu.memory_space<vmem_shared>>
      %dma_wait3A_91 = arith.constant 0 : i32
      %dma_wait3A_92 = tpu.memref_slice %arg19[%mul3A_10, %dma_wait3A_91] : memref<50176x16xf32, #tpu.memory_space<vmem_shared>> -> memref<3136x16xf32, #tpu.memory_space<vmem_shared>>
      tpu.wait_dma2 semaphore(%run_scoped3A : memref<!tpu.dma_semaphore, #tpu.memory_space<semaphore_mem>>) src(%arg18 : memref<3136x16xf32, #tpu.memory_space<vmem>>) dst(%dma_wait3A_92 : memref<3136x16xf32, #tpu.memory_space<vmem_shared>>)
      tpu.yield
    }) : () -> ()
    %barrier3A = arith.constant 0 : index
    tpu.barrier barrier_id(%barrier3A)
    %scan3A_11 = arith.constant 0 : i32
    %scan3A_12 = arith.constant 0 : i32
    %scan3A_13 = arith.constant 1250 : i32
    %scan3A_14 = arith.addi %scan3A_12, %scan3A_13 : i32
    %scan3A_15 = arith.constant 1 : i32
    %scan3A_16 = scf.for %scan3A_87 = %scan3A_12 to %scan3A_14 step %scan3A_15 iter_args(%scan3A_88 = %scan3A_11) -> (i32)  : i32 {
      %add3A_89 = arith.addi %mul3A_2, %scan3A_87 : i32
      "tpu.region"() ({
        %run_scoped3A = tpu.sem_alloc : memref<!tpu.dma_semaphore, #tpu.memory_space<semaphore_mem>>
        %dma_start3A_102 = arith.constant 0 : i32
        %dma_start3A_103 = tpu.memref_slice %arg6[%add3A_89, %dma_start3A_102] : memref<20000x80xi32, #tpu.memory_space<hbm>> -> memref<1x80xi32, #tpu.memory_space<hbm>>
        %dma_start3A_104 = tpu.memref_squeeze %dma_start3A_103 : memref<1x80xi32, #tpu.memory_space<hbm>> -> memref<80xi32, #tpu.memory_space<hbm>>
        %dma_start3A_105 = arith.constant 0 : i32
        %dma_start3A_106 = tpu.memref_slice %arg6[%add3A_89, %dma_start3A_105] : memref<20000x80xi32, #tpu.memory_space<hbm>> -> memref<1x80xi32, #tpu.memory_space<hbm>>
        %dma_start3A_107 = tpu.memref_squeeze %dma_start3A_106 : memref<1x80xi32, #tpu.memory_space<hbm>> -> memref<80xi32, #tpu.memory_space<hbm>>
        tpu.enqueue_dma source(%dma_start3A_107 : memref<80xi32, #tpu.memory_space<hbm>>) target(%arg13 : memref<80xi32, #tpu.memory_space<vmem>>) target_semaphore(%run_scoped3A : memref<!tpu.dma_semaphore, #tpu.memory_space<semaphore_mem>>)
        %dma_wait3A_108 = arith.constant 0 : i32
        %dma_wait3A_109 = tpu.memref_slice %arg6[%add3A_89, %dma_wait3A_108] : memref<20000x80xi32, #tpu.memory_space<hbm>> -> memref<1x80xi32, #tpu.memory_space<hbm>>
        %dma_wait3A_110 = tpu.memref_squeeze %dma_wait3A_109 : memref<1x80xi32, #tpu.memory_space<hbm>> -> memref<80xi32, #tpu.memory_space<hbm>>
        %dma_wait3A_111 = arith.constant 0 : i32
        %dma_wait3A_112 = tpu.memref_slice %arg6[%add3A_89, %dma_wait3A_111] : memref<20000x80xi32, #tpu.memory_space<hbm>> -> memref<1x80xi32, #tpu.memory_space<hbm>>
        %dma_wait3A_113 = tpu.memref_squeeze %dma_wait3A_112 : memref<1x80xi32, #tpu.memory_space<hbm>> -> memref<80xi32, #tpu.memory_space<hbm>>
        tpu.wait_dma2 semaphore(%run_scoped3A : memref<!tpu.dma_semaphore, #tpu.memory_space<semaphore_mem>>) src(%dma_wait3A_113 : memref<80xi32, #tpu.memory_space<hbm>>) dst(%arg13 : memref<80xi32, #tpu.memory_space<vmem>>)
        tpu.yield
      }) : () -> ()
      "tpu.region"() ({
        %run_scoped3A = tpu.sem_alloc : memref<!tpu.dma_semaphore, #tpu.memory_space<semaphore_mem>>
        %dma_start3A_102 = arith.constant 0 : i32
        %dma_start3A_103 = tpu.memref_slice %arg7[%add3A_89, %dma_start3A_102] : memref<20000x80xi32, #tpu.memory_space<hbm>> -> memref<1x80xi32, #tpu.memory_space<hbm>>
        %dma_start3A_104 = tpu.memref_squeeze %dma_start3A_103 : memref<1x80xi32, #tpu.memory_space<hbm>> -> memref<80xi32, #tpu.memory_space<hbm>>
        %dma_start3A_105 = arith.constant 0 : i32
        %dma_start3A_106 = tpu.memref_slice %arg7[%add3A_89, %dma_start3A_105] : memref<20000x80xi32, #tpu.memory_space<hbm>> -> memref<1x80xi32, #tpu.memory_space<hbm>>
        %dma_start3A_107 = tpu.memref_squeeze %dma_start3A_106 : memref<1x80xi32, #tpu.memory_space<hbm>> -> memref<80xi32, #tpu.memory_space<hbm>>
        tpu.enqueue_dma source(%dma_start3A_107 : memref<80xi32, #tpu.memory_space<hbm>>) target(%arg14 : memref<80xi32, #tpu.memory_space<vmem>>) target_semaphore(%run_scoped3A : memref<!tpu.dma_semaphore, #tpu.memory_space<semaphore_mem>>)
        %dma_wait3A_108 = arith.constant 0 : i32
        %dma_wait3A_109 = tpu.memref_slice %arg7[%add3A_89, %dma_wait3A_108] : memref<20000x80xi32, #tpu.memory_space<hbm>> -> memref<1x80xi32, #tpu.memory_space<hbm>>
        %dma_wait3A_110 = tpu.memref_squeeze %dma_wait3A_109 : memref<1x80xi32, #tpu.memory_space<hbm>> -> memref<80xi32, #tpu.memory_space<hbm>>
        %dma_wait3A_111 = arith.constant 0 : i32
        %dma_wait3A_112 = tpu.memref_slice %arg7[%add3A_89, %dma_wait3A_111] : memref<20000x80xi32, #tpu.memory_space<hbm>> -> memref<1x80xi32, #tpu.memory_space<hbm>>
        %dma_wait3A_113 = tpu.memref_squeeze %dma_wait3A_112 : memref<1x80xi32, #tpu.memory_space<hbm>> -> memref<80xi32, #tpu.memory_space<hbm>>
        tpu.wait_dma2 semaphore(%run_scoped3A : memref<!tpu.dma_semaphore, #tpu.memory_space<semaphore_mem>>) src(%dma_wait3A_113 : memref<80xi32, #tpu.memory_space<hbm>>) dst(%arg14 : memref<80xi32, #tpu.memory_space<vmem>>)
        tpu.yield
      }) : () -> ()
      "tpu.region"() ({
        %run_scoped3A = tpu.sem_alloc : memref<!tpu.dma_semaphore, #tpu.memory_space<semaphore_mem>>
        %dma_start3A_102 = arith.constant 0 : i32
        %dma_start3A_103 = tpu.memref_slice %arg8[%add3A_89, %dma_start3A_102] : memref<20000x80xf32, #tpu.memory_space<hbm>> -> memref<1x80xf32, #tpu.memory_space<hbm>>
        %dma_start3A_104 = tpu.memref_squeeze %dma_start3A_103 : memref<1x80xf32, #tpu.memory_space<hbm>> -> memref<80xf32, #tpu.memory_space<hbm>>
        %dma_start3A_105 = arith.constant 0 : i32
        %dma_start3A_106 = tpu.memref_slice %arg8[%add3A_89, %dma_start3A_105] : memref<20000x80xf32, #tpu.memory_space<hbm>> -> memref<1x80xf32, #tpu.memory_space<hbm>>
        %dma_start3A_107 = tpu.memref_squeeze %dma_start3A_106 : memref<1x80xf32, #tpu.memory_space<hbm>> -> memref<80xf32, #tpu.memory_space<hbm>>
        tpu.enqueue_dma source(%dma_start3A_107 : memref<80xf32, #tpu.memory_space<hbm>>) target(%arg16 : memref<80xf32, #tpu.memory_space<vmem>>) target_semaphore(%run_scoped3A : memref<!tpu.dma_semaphore, #tpu.memory_space<semaphore_mem>>)
        %dma_wait3A_108 = arith.constant 0 : i32
        %dma_wait3A_109 = tpu.memref_slice %arg8[%add3A_89, %dma_wait3A_108] : memref<20000x80xf32, #tpu.memory_space<hbm>> -> memref<1x80xf32, #tpu.memory_space<hbm>>
        %dma_wait3A_110 = tpu.memref_squeeze %dma_wait3A_109 : memref<1x80xf32, #tpu.memory_space<hbm>> -> memref<80xf32, #tpu.memory_space<hbm>>
        %dma_wait3A_111 = arith.constant 0 : i32
        %dma_wait3A_112 = tpu.memref_slice %arg8[%add3A_89, %dma_wait3A_111] : memref<20000x80xf32, #tpu.memory_space<hbm>> -> memref<1x80xf32, #tpu.memory_space<hbm>>
        %dma_wait3A_113 = tpu.memref_squeeze %dma_wait3A_112 : memref<1x80xf32, #tpu.memory_space<hbm>> -> memref<80xf32, #tpu.memory_space<hbm>>
        tpu.wait_dma2 semaphore(%run_scoped3A : memref<!tpu.dma_semaphore, #tpu.memory_space<semaphore_mem>>) src(%dma_wait3A_113 : memref<80xf32, #tpu.memory_space<hbm>>) dst(%arg16 : memref<80xf32, #tpu.memory_space<vmem>>)
        tpu.yield
      }) : () -> ()
      %dma_start3A = arith.constant 0 : i32
      %dma_start3A_90 = arith.constant 0 : i32
      %dma_start3A_91 = tpu.memref_slice %arg2[%dma_start3A, %dma_start3A_90] : memref<100000x16xf32, #tpu.memory_space<hbm>> -> memref<100000x16xf32, #tpu.memory_space<hbm>>
      tpu.enqueue_indirect_dma source(%dma_start3A_91 : memref<100000x16xf32, #tpu.memory_space<hbm>>) target(%arg17 : memref<80x16xf32, #tpu.memory_space<vmem>>) offsets(%arg13 : memref<80xi32, #tpu.memory_space<vmem>>) semaphore(%arg20 : memref<!tpu.dma_semaphore, #tpu.memory_space<semaphore_mem>>)
      %dma_wait3A = arith.constant 0 : i32
      %dma_wait3A_92 = arith.constant 0 : i32
      %dma_wait3A_93 = tpu.memref_slice %arg2[%dma_wait3A, %dma_wait3A_92] : memref<100000x16xf32, #tpu.memory_space<hbm>> -> memref<100000x16xf32, #tpu.memory_space<hbm>>
      tpu.wait_indirect_dma semaphore(%arg20 : memref<!tpu.dma_semaphore, #tpu.memory_space<semaphore_mem>>) src(%dma_wait3A_93 : memref<100000x16xf32, #tpu.memory_space<hbm>>) dst(%arg17 : memref<80x16xf32, #tpu.memory_space<vmem>>)
      %scan3A_94 = arith.constant 0 : i32
      %scan3A_95 = arith.constant 0 : i32
      %scan3A_96 = arith.constant 5 : i32
      %scan3A_97 = arith.addi %scan3A_95, %scan3A_96 : i32
      %scan3A_98 = arith.constant 1 : i32
      %scan3A_99 = scf.for %scan3A_102 = %scan3A_95 to %scan3A_97 step %scan3A_98 iter_args(%scan3A_103 = %scan3A_94) -> (i32)  : i32 {
        %mul3A_104 = arith.constant 16 : i32
        %mul3A_105 = arith.muli %scan3A_102, %mul3A_104 : i32
        %get3A = arith.index_cast %mul3A_105 : i32 to index
        %get3A_106 = tpu.vector_load %arg14[%get3A] {strides = array<i32>} : memref<80xi32, #tpu.memory_space<vmem>>, vector<16xi32>,
        %get3A_107 = vector.shape_cast %get3A_106 : vector<16xi32> to vector<16xi32>
        %sub3A = vector.broadcast %mul3A_0 : i32 to vector<16xi32>
        %sub3A_108 = arith.subi %get3A_107, %sub3A : vector<16xi32>
        %ge3A = arith.constant 0 : i32
        %ge3A_109 = vector.broadcast %ge3A : i32 to vector<16xi32>
        %ge3A_110 = arith.cmpi sge, %sub3A_108, %ge3A_109 : vector<16xi32>
        %lt3A = arith.constant 50048 : i32
        %lt3A_111 = vector.broadcast %lt3A : i32 to vector<16xi32>
        %lt3A_112 = arith.cmpi slt, %sub3A_108, %lt3A_111 : vector<16xi32>
        %and3A = arith.andi %ge3A_110, %lt3A_112 : vector<16xi1>
        %jit3A = arith.constant 50048 : i32
        %broadcast_in_dim3A = vector.broadcast %jit3A : i32 to vector<16xi32>
        %select_n3A = arith.select %and3A, %sub3A_108, %broadcast_in_dim3A : vector<16xi1>, vector<16xi32>
        %swap3A = arith.index_cast %mul3A_105 : i32 to index
        %swap3A_113 = tpu.vector_load %arg15[%swap3A] {strides = array<i32>} : memref<80xi32, #tpu.memory_space<vmem>>, vector<16xi32>,
        %swap3A_114 = vector.shape_cast %swap3A_113 : vector<16xi32> to vector<16xi32>
        %swap3A_115 = vector.shape_cast %select_n3A : vector<16xi32> to vector<16xi32>
        tpu.vector_store %arg15[%swap3A], %swap3A_115 {strides = array<i32>} : memref<80xi32, #tpu.memory_space<vmem>>, vector<16xi32>,
        %get3A_116 = arith.index_cast %mul3A_105 : i32 to index
        %get3A_117 = tpu.vector_load %arg16[%get3A_116] {strides = array<i32>} : memref<80xf32, #tpu.memory_space<vmem>>, vector<16xf32>,
        %get3A_118 = vector.shape_cast %get3A_117 : vector<16xf32> to vector<16xf32>
        %mul3A_119 = arith.constant 16 : i32
        %mul3A_120 = arith.muli %scan3A_102, %mul3A_119 : i32
        %add3A_121 = arith.constant 0 : i32
        %add3A_122 = arith.addi %mul3A_120, %add3A_121 : i32
        %get3A_123 = arith.index_cast %add3A_122 : i32 to index
        %get3A_124 = arith.constant 0 : index
        %get3A_125 = tpu.vector_load %arg17[%get3A_123, %get3A_124] {strides = array<i32>} : memref<80x16xf32, #tpu.memory_space<vmem>>, vector<1x16xf32>,
        %get3A_126 = vector.shape_cast %get3A_125 : vector<1x16xf32> to vector<16xf32>
        %slice3A = vector.extract_strided_slice %get3A_118 {offsets = [0], sizes = [1], strides = [1]} : vector<16xf32> to vector<1xf32>
        %squeeze3A = vector.extract %slice3A[0] : f32 from vector<1xf32>
        %mul3A_127 = vector.broadcast %squeeze3A : f32 to vector<16xf32>
        %mul3A_128 = arith.mulf %get3A_126, %mul3A_127 : vector<16xf32>
        %swap3A_129 = arith.index_cast %add3A_122 : i32 to index
        %swap3A_130 = arith.constant 0 : index
        %swap3A_131 = tpu.vector_load %arg17[%swap3A_129, %swap3A_130] {strides = array<i32>} : memref<80x16xf32, #tpu.memory_space<vmem>>, vector<1x16xf32>,
        %swap3A_132 = vector.shape_cast %swap3A_131 : vector<1x16xf32> to vector<16xf32>
        %swap3A_133 = vector.shape_cast %mul3A_128 : vector<16xf32> to vector<1x16xf32>
        tpu.vector_store %arg17[%swap3A_129, %swap3A_130], %swap3A_133 {strides = array<i32>} : memref<80x16xf32, #tpu.memory_space<vmem>>, vector<1x16xf32>,
        %mul3A_134 = arith.constant 16 : i32
        %mul3A_135 = arith.muli %scan3A_102, %mul3A_134 : i32
        %add3A_136 = arith.constant 1 : i32
        %add3A_137 = arith.addi %mul3A_135, %add3A_136 : i32
        %get3A_138 = arith.index_cast %add3A_137 : i32 to index
        %get3A_139 = arith.constant 0 : index
        %get3A_140 = tpu.vector_load %arg17[%get3A_138, %get3A_139] {strides = array<i32>} : memref<80x16xf32, #tpu.memory_space<vmem>>, vector<1x16xf32>,
        %get3A_141 = vector.shape_cast %get3A_140 : vector<1x16xf32> to vector<16xf32>
        %slice3A_142 = vector.extract_strided_slice %get3A_118 {offsets = [1], sizes = [1], strides = [1]} : vector<16xf32> to vector<1xf32>
        %squeeze3A_143 = vector.extract %slice3A_142[0] : f32 from vector<1xf32>
        %mul3A_144 = vector.broadcast %squeeze3A_143 : f32 to vector<16xf32>
        %mul3A_145 = arith.mulf %get3A_141, %mul3A_144 : vector<16xf32>
        %swap3A_146 = arith.index_cast %add3A_137 : i32 to index
        %swap3A_147 = arith.constant 0 : index
        %swap3A_148 = tpu.vector_load %arg17[%swap3A_146, %swap3A_147] {strides = array<i32>} : memref<80x16xf32, #tpu.memory_space<vmem>>, vector<1x16xf32>,
        %swap3A_149 = vector.shape_cast %swap3A_148 : vector<1x16xf32> to vector<16xf32>
        %swap3A_150 = vector.shape_cast %mul3A_145 : vector<16xf32> to vector<1x16xf32>
        tpu.vector_store %arg17[%swap3A_146, %swap3A_147], %swap3A_150 {strides = array<i32>} : memref<80x16xf32, #tpu.memory_space<vmem>>, vector<1x16xf32>,
        %mul3A_151 = arith.constant 16 : i32
        %mul3A_152 = arith.muli %scan3A_102, %mul3A_151 : i32
        %add3A_153 = arith.constant 2 : i32
        %add3A_154 = arith.addi %mul3A_152, %add3A_153 : i32
        %get3A_155 = arith.index_cast %add3A_154 : i32 to index
        %get3A_156 = arith.constant 0 : index
        %get3A_157 = tpu.vector_load %arg17[%get3A_155, %get3A_156] {strides = array<i32>} : memref<80x16xf32, #tpu.memory_space<vmem>>, vector<1x16xf32>,
        %get3A_158 = vector.shape_cast %get3A_157 : vector<1x16xf32> to vector<16xf32>
        %slice3A_159 = vector.extract_strided_slice %get3A_118 {offsets = [2], sizes = [1], strides = [1]} : vector<16xf32> to vector<1xf32>
        %squeeze3A_160 = vector.extract %slice3A_159[0] : f32 from vector<1xf32>
        %mul3A_161 = vector.broadcast %squeeze3A_160 : f32 to vector<16xf32>
        %mul3A_162 = arith.mulf %get3A_158, %mul3A_161 : vector<16xf32>
        %swap3A_163 = arith.index_cast %add3A_154 : i32 to index
        %swap3A_164 = arith.constant 0 : index
        %swap3A_165 = tpu.vector_load %arg17[%swap3A_163, %swap3A_164] {strides = array<i32>} : memref<80x16xf32, #tpu.memory_space<vmem>>, vector<1x16xf32>,
        %swap3A_166 = vector.shape_cast %swap3A_165 : vector<1x16xf32> to vector<16xf32>
        %swap3A_167 = vector.shape_cast %mul3A_162 : vector<16xf32> to vector<1x16xf32>
        tpu.vector_store %arg17[%swap3A_163, %swap3A_164], %swap3A_167 {strides = array<i32>} : memref<80x16xf32, #tpu.memory_space<vmem>>, vector<1x16xf32>,
        %mul3A_168 = arith.constant 16 : i32
        %mul3A_169 = arith.muli %scan3A_102, %mul3A_168 : i32
        %add3A_170 = arith.constant 3 : i32
        %add3A_171 = arith.addi %mul3A_169, %add3A_170 : i32
        %get3A_172 = arith.index_cast %add3A_171 : i32 to index
        %get3A_173 = arith.constant 0 : index
        %get3A_174 = tpu.vector_load %arg17[%get3A_172, %get3A_173] {strides = array<i32>} : memref<80x16xf32, #tpu.memory_space<vmem>>, vector<1x16xf32>,
        %get3A_175 = vector.shape_cast %get3A_174 : vector<1x16xf32> to vector<16xf32>
        %slice3A_176 = vector.extract_strided_slice %get3A_118 {offsets = [3], sizes = [1], strides = [1]} : vector<16xf32> to vector<1xf32>
        %squeeze3A_177 = vector.extract %slice3A_176[0] : f32 from vector<1xf32>
        %mul3A_178 = vector.broadcast %squeeze3A_177 : f32 to vector<16xf32>
        %mul3A_179 = arith.mulf %get3A_175, %mul3A_178 : vector<16xf32>
        %swap3A_180 = arith.index_cast %add3A_171 : i32 to index
        %swap3A_181 = arith.constant 0 : index
        %swap3A_182 = tpu.vector_load %arg17[%swap3A_180, %swap3A_181] {strides = array<i32>} : memref<80x16xf32, #tpu.memory_space<vmem>>, vector<1x16xf32>,
        %swap3A_183 = vector.shape_cast %swap3A_182 : vector<1x16xf32> to vector<16xf32>
        %swap3A_184 = vector.shape_cast %mul3A_179 : vector<16xf32> to vector<1x16xf32>
        tpu.vector_store %arg17[%swap3A_180, %swap3A_181], %swap3A_184 {strides = array<i32>} : memref<80x16xf32, #tpu.memory_space<vmem>>, vector<1x16xf32>,
        %mul3A_185 = arith.constant 16 : i32
        %mul3A_186 = arith.muli %scan3A_102, %mul3A_185 : i32
        %add3A_187 = arith.constant 4 : i32
        %add3A_188 = arith.addi %mul3A_186, %add3A_187 : i32
        %get3A_189 = arith.index_cast %add3A_188 : i32 to index
        %get3A_190 = arith.constant 0 : index
        %get3A_191 = tpu.vector_load %arg17[%get3A_189, %get3A_190] {strides = array<i32>} : memref<80x16xf32, #tpu.memory_space<vmem>>, vector<1x16xf32>,
        %get3A_192 = vector.shape_cast %get3A_191 : vector<1x16xf32> to vector<16xf32>
        %slice3A_193 = vector.extract_strided_slice %get3A_118 {offsets = [4], sizes = [1], strides = [1]} : vector<16xf32> to vector<1xf32>
        %squeeze3A_194 = vector.extract %slice3A_193[0] : f32 from vector<1xf32>
        %mul3A_195 = vector.broadcast %squeeze3A_194 : f32 to vector<16xf32>
        %mul3A_196 = arith.mulf %get3A_192, %mul3A_195 : vector<16xf32>
        %swap3A_197 = arith.index_cast %add3A_188 : i32 to index
        %swap3A_198 = arith.constant 0 : index
        %swap3A_199 = tpu.vector_load %arg17[%swap3A_197, %swap3A_198] {strides = array<i32>} : memref<80x16xf32, #tpu.memory_space<vmem>>, vector<1x16xf32>,
        %swap3A_200 = vector.shape_cast %swap3A_199 : vector<1x16xf32> to vector<16xf32>
        %swap3A_201 = vector.shape_cast %mul3A_196 : vector<16xf32> to vector<1x16xf32>
        tpu.vector_store %arg17[%swap3A_197, %swap3A_198], %swap3A_201 {strides = array<i32>} : memref<80x16xf32, #tpu.memory_space<vmem>>, vector<1x16xf32>,
        %mul3A_202 = arith.constant 16 : i32
        %mul3A_203 = arith.muli %scan3A_102, %mul3A_202 : i32
        %add3A_204 = arith.constant 5 : i32
        %add3A_205 = arith.addi %mul3A_203, %add3A_204 : i32
        %get3A_206 = arith.index_cast %add3A_205 : i32 to index
        %get3A_207 = arith.constant 0 : index
        %get3A_208 = tpu.vector_load %arg17[%get3A_206, %get3A_207] {strides = array<i32>} : memref<80x16xf32, #tpu.memory_space<vmem>>, vector<1x16xf32>,
        %get3A_209 = vector.shape_cast %get3A_208 : vector<1x16xf32> to vector<16xf32>
        %slice3A_210 = vector.extract_strided_slice %get3A_118 {offsets = [5], sizes = [1], strides = [1]} : vector<16xf32> to vector<1xf32>
        %squeeze3A_211 = vector.extract %slice3A_210[0] : f32 from vector<1xf32>
        %mul3A_212 = vector.broadcast %squeeze3A_211 : f32 to vector<16xf32>
        %mul3A_213 = arith.mulf %get3A_209, %mul3A_212 : vector<16xf32>
        %swap3A_214 = arith.index_cast %add3A_205 : i32 to index
        %swap3A_215 = arith.constant 0 : index
        %swap3A_216 = tpu.vector_load %arg17[%swap3A_214, %swap3A_215] {strides = array<i32>} : memref<80x16xf32, #tpu.memory_space<vmem>>, vector<1x16xf32>,
        %swap3A_217 = vector.shape_cast %swap3A_216 : vector<1x16xf32> to vector<16xf32>
        %swap3A_218 = vector.shape_cast %mul3A_213 : vector<16xf32> to vector<1x16xf32>
        tpu.vector_store %arg17[%swap3A_214, %swap3A_215], %swap3A_218 {strides = array<i32>} : memref<80x16xf32, #tpu.memory_space<vmem>>, vector<1x16xf32>,
        %mul3A_219 = arith.constant 16 : i32
        %mul3A_220 = arith.muli %scan3A_102, %mul3A_219 : i32
        %add3A_221 = arith.constant 6 : i32
        %add3A_222 = arith.addi %mul3A_220, %add3A_221 : i32
        %get3A_223 = arith.index_cast %add3A_222 : i32 to index
        %get3A_224 = arith.constant 0 : index
        %get3A_225 = tpu.vector_load %arg17[%get3A_223, %get3A_224] {strides = array<i32>} : memref<80x16xf32, #tpu.memory_space<vmem>>, vector<1x16xf32>,
        %get3A_226 = vector.shape_cast %get3A_225 : vector<1x16xf32> to vector<16xf32>
        %slice3A_227 = vector.extract_strided_slice %get3A_118 {offsets = [6], sizes = [1], strides = [1]} : vector<16xf32> to vector<1xf32>
        %squeeze3A_228 = vector.extract %slice3A_227[0] : f32 from vector<1xf32>
        %mul3A_229 = vector.broadcast %squeeze3A_228 : f32 to vector<16xf32>
        %mul3A_230 = arith.mulf %get3A_226, %mul3A_229 : vector<16xf32>
        %swap3A_231 = arith.index_cast %add3A_222 : i32 to index
        %swap3A_232 = arith.constant 0 : index
        %swap3A_233 = tpu.vector_load %arg17[%swap3A_231, %swap3A_232] {strides = array<i32>} : memref<80x16xf32, #tpu.memory_space<vmem>>, vector<1x16xf32>,
        %swap3A_234 = vector.shape_cast %swap3A_233 : vector<1x16xf32> to vector<16xf32>
        %swap3A_235 = vector.shape_cast %mul3A_230 : vector<16xf32> to vector<1x16xf32>
        tpu.vector_store %arg17[%swap3A_231, %swap3A_232], %swap3A_235 {strides = array<i32>} : memref<80x16xf32, #tpu.memory_space<vmem>>, vector<1x16xf32>,
        %mul3A_236 = arith.constant 16 : i32
        %mul3A_237 = arith.muli %scan3A_102, %mul3A_236 : i32
        %add3A_238 = arith.constant 7 : i32
        %add3A_239 = arith.addi %mul3A_237, %add3A_238 : i32
        %get3A_240 = arith.index_cast %add3A_239 : i32 to index
        %get3A_241 = arith.constant 0 : index
        %get3A_242 = tpu.vector_load %arg17[%get3A_240, %get3A_241] {strides = array<i32>} : memref<80x16xf32, #tpu.memory_space<vmem>>, vector<1x16xf32>,
        %get3A_243 = vector.shape_cast %get3A_242 : vector<1x16xf32> to vector<16xf32>
        %slice3A_244 = vector.extract_strided_slice %get3A_118 {offsets = [7], sizes = [1], strides = [1]} : vector<16xf32> to vector<1xf32>
        %squeeze3A_245 = vector.extract %slice3A_244[0] : f32 from vector<1xf32>
        %mul3A_246 = vector.broadcast %squeeze3A_245 : f32 to vector<16xf32>
        %mul3A_247 = arith.mulf %get3A_243, %mul3A_246 : vector<16xf32>
        %swap3A_248 = arith.index_cast %add3A_239 : i32 to index
        %swap3A_249 = arith.constant 0 : index
        %swap3A_250 = tpu.vector_load %arg17[%swap3A_248, %swap3A_249] {strides = array<i32>} : memref<80x16xf32, #tpu.memory_space<vmem>>, vector<1x16xf32>,
        %swap3A_251 = vector.shape_cast %swap3A_250 : vector<1x16xf32> to vector<16xf32>
        %swap3A_252 = vector.shape_cast %mul3A_247 : vector<16xf32> to vector<1x16xf32>
        tpu.vector_store %arg17[%swap3A_248, %swap3A_249], %swap3A_252 {strides = array<i32>} : memref<80x16xf32, #tpu.memory_space<vmem>>, vector<1x16xf32>,
        %mul3A_253 = arith.constant 16 : i32
        %mul3A_254 = arith.muli %scan3A_102, %mul3A_253 : i32
        %add3A_255 = arith.constant 8 : i32
        %add3A_256 = arith.addi %mul3A_254, %add3A_255 : i32
        %get3A_257 = arith.index_cast %add3A_256 : i32 to index
        %get3A_258 = arith.constant 0 : index
        %get3A_259 = tpu.vector_load %arg17[%get3A_257, %get3A_258] {strides = array<i32>} : memref<80x16xf32, #tpu.memory_space<vmem>>, vector<1x16xf32>,
        %get3A_260 = vector.shape_cast %get3A_259 : vector<1x16xf32> to vector<16xf32>
        %slice3A_261 = vector.extract_strided_slice %get3A_118 {offsets = [8], sizes = [1], strides = [1]} : vector<16xf32> to vector<1xf32>
        %squeeze3A_262 = vector.extract %slice3A_261[0] : f32 from vector<1xf32>
        %mul3A_263 = vector.broadcast %squeeze3A_262 : f32 to vector<16xf32>
        %mul3A_264 = arith.mulf %get3A_260, %mul3A_263 : vector<16xf32>
        %swap3A_265 = arith.index_cast %add3A_256 : i32 to index
        %swap3A_266 = arith.constant 0 : index
        %swap3A_267 = tpu.vector_load %arg17[%swap3A_265, %swap3A_266] {strides = array<i32>} : memref<80x16xf32, #tpu.memory_space<vmem>>, vector<1x16xf32>,
        %swap3A_268 = vector.shape_cast %swap3A_267 : vector<1x16xf32> to vector<16xf32>
        %swap3A_269 = vector.shape_cast %mul3A_264 : vector<16xf32> to vector<1x16xf32>
        tpu.vector_store %arg17[%swap3A_265, %swap3A_266], %swap3A_269 {strides = array<i32>} : memref<80x16xf32, #tpu.memory_space<vmem>>, vector<1x16xf32>,
        %mul3A_270 = arith.constant 16 : i32
        %mul3A_271 = arith.muli %scan3A_102, %mul3A_270 : i32
        %add3A_272 = arith.constant 9 : i32
        %add3A_273 = arith.addi %mul3A_271, %add3A_272 : i32
        %get3A_274 = arith.index_cast %add3A_273 : i32 to index
        %get3A_275 = arith.constant 0 : index
        %get3A_276 = tpu.vector_load %arg17[%get3A_274, %get3A_275] {strides = array<i32>} : memref<80x16xf32, #tpu.memory_space<vmem>>, vector<1x16xf32>,
        %get3A_277 = vector.shape_cast %get3A_276 : vector<1x16xf32> to vector<16xf32>
        %slice3A_278 = vector.extract_strided_slice %get3A_118 {offsets = [9], sizes = [1], strides = [1]} : vector<16xf32> to vector<1xf32>
        %squeeze3A_279 = vector.extract %slice3A_278[0] : f32 from vector<1xf32>
        %mul3A_280 = vector.broadcast %squeeze3A_279 : f32 to vector<16xf32>
        %mul3A_281 = arith.mulf %get3A_277, %mul3A_280 : vector<16xf32>
        %swap3A_282 = arith.index_cast %add3A_273 : i32 to index
        %swap3A_283 = arith.constant 0 : index
        %swap3A_284 = tpu.vector_load %arg17[%swap3A_282, %swap3A_283] {strides = array<i32>} : memref<80x16xf32, #tpu.memory_space<vmem>>, vector<1x16xf32>,
        %swap3A_285 = vector.shape_cast %swap3A_284 : vector<1x16xf32> to vector<16xf32>
        %swap3A_286 = vector.shape_cast %mul3A_281 : vector<16xf32> to vector<1x16xf32>
        tpu.vector_store %arg17[%swap3A_282, %swap3A_283], %swap3A_286 {strides = array<i32>} : memref<80x16xf32, #tpu.memory_space<vmem>>, vector<1x16xf32>,
        %mul3A_287 = arith.constant 16 : i32
        %mul3A_288 = arith.muli %scan3A_102, %mul3A_287 : i32
        %add3A_289 = arith.constant 10 : i32
        %add3A_290 = arith.addi %mul3A_288, %add3A_289 : i32
        %get3A_291 = arith.index_cast %add3A_290 : i32 to index
        %get3A_292 = arith.constant 0 : index
        %get3A_293 = tpu.vector_load %arg17[%get3A_291, %get3A_292] {strides = array<i32>} : memref<80x16xf32, #tpu.memory_space<vmem>>, vector<1x16xf32>,
        %get3A_294 = vector.shape_cast %get3A_293 : vector<1x16xf32> to vector<16xf32>
        %slice3A_295 = vector.extract_strided_slice %get3A_118 {offsets = [10], sizes = [1], strides = [1]} : vector<16xf32> to vector<1xf32>
        %squeeze3A_296 = vector.extract %slice3A_295[0] : f32 from vector<1xf32>
        %mul3A_297 = vector.broadcast %squeeze3A_296 : f32 to vector<16xf32>
        %mul3A_298 = arith.mulf %get3A_294, %mul3A_297 : vector<16xf32>
        %swap3A_299 = arith.index_cast %add3A_290 : i32 to index
        %swap3A_300 = arith.constant 0 : index
        %swap3A_301 = tpu.vector_load %arg17[%swap3A_299, %swap3A_300] {strides = array<i32>} : memref<80x16xf32, #tpu.memory_space<vmem>>, vector<1x16xf32>,
        %swap3A_302 = vector.shape_cast %swap3A_301 : vector<1x16xf32> to vector<16xf32>
        %swap3A_303 = vector.shape_cast %mul3A_298 : vector<16xf32> to vector<1x16xf32>
        tpu.vector_store %arg17[%swap3A_299, %swap3A_300], %swap3A_303 {strides = array<i32>} : memref<80x16xf32, #tpu.memory_space<vmem>>, vector<1x16xf32>,
        %mul3A_304 = arith.constant 16 : i32
        %mul3A_305 = arith.muli %scan3A_102, %mul3A_304 : i32
        %add3A_306 = arith.constant 11 : i32
        %add3A_307 = arith.addi %mul3A_305, %add3A_306 : i32
        %get3A_308 = arith.index_cast %add3A_307 : i32 to index
        %get3A_309 = arith.constant 0 : index
        %get3A_310 = tpu.vector_load %arg17[%get3A_308, %get3A_309] {strides = array<i32>} : memref<80x16xf32, #tpu.memory_space<vmem>>, vector<1x16xf32>,
        %get3A_311 = vector.shape_cast %get3A_310 : vector<1x16xf32> to vector<16xf32>
        %slice3A_312 = vector.extract_strided_slice %get3A_118 {offsets = [11], sizes = [1], strides = [1]} : vector<16xf32> to vector<1xf32>
        %squeeze3A_313 = vector.extract %slice3A_312[0] : f32 from vector<1xf32>
        %mul3A_314 = vector.broadcast %squeeze3A_313 : f32 to vector<16xf32>
        %mul3A_315 = arith.mulf %get3A_311, %mul3A_314 : vector<16xf32>
        %swap3A_316 = arith.index_cast %add3A_307 : i32 to index
        %swap3A_317 = arith.constant 0 : index
        %swap3A_318 = tpu.vector_load %arg17[%swap3A_316, %swap3A_317] {strides = array<i32>} : memref<80x16xf32, #tpu.memory_space<vmem>>, vector<1x16xf32>,
        %swap3A_319 = vector.shape_cast %swap3A_318 : vector<1x16xf32> to vector<16xf32>
        %swap3A_320 = vector.shape_cast %mul3A_315 : vector<16xf32> to vector<1x16xf32>
        tpu.vector_store %arg17[%swap3A_316, %swap3A_317], %swap3A_320 {strides = array<i32>} : memref<80x16xf32, #tpu.memory_space<vmem>>, vector<1x16xf32>,
        %mul3A_321 = arith.constant 16 : i32
        %mul3A_322 = arith.muli %scan3A_102, %mul3A_321 : i32
        %add3A_323 = arith.constant 12 : i32
        %add3A_324 = arith.addi %mul3A_322, %add3A_323 : i32
        %get3A_325 = arith.index_cast %add3A_324 : i32 to index
        %get3A_326 = arith.constant 0 : index
        %get3A_327 = tpu.vector_load %arg17[%get3A_325, %get3A_326] {strides = array<i32>} : memref<80x16xf32, #tpu.memory_space<vmem>>, vector<1x16xf32>,
        %get3A_328 = vector.shape_cast %get3A_327 : vector<1x16xf32> to vector<16xf32>
        %slice3A_329 = vector.extract_strided_slice %get3A_118 {offsets = [12], sizes = [1], strides = [1]} : vector<16xf32> to vector<1xf32>
        %squeeze3A_330 = vector.extract %slice3A_329[0] : f32 from vector<1xf32>
        %mul3A_331 = vector.broadcast %squeeze3A_330 : f32 to vector<16xf32>
        %mul3A_332 = arith.mulf %get3A_328, %mul3A_331 : vector<16xf32>
        %swap3A_333 = arith.index_cast %add3A_324 : i32 to index
        %swap3A_334 = arith.constant 0 : index
        %swap3A_335 = tpu.vector_load %arg17[%swap3A_333, %swap3A_334] {strides = array<i32>} : memref<80x16xf32, #tpu.memory_space<vmem>>, vector<1x16xf32>,
        %swap3A_336 = vector.shape_cast %swap3A_335 : vector<1x16xf32> to vector<16xf32>
        %swap3A_337 = vector.shape_cast %mul3A_332 : vector<16xf32> to vector<1x16xf32>
        tpu.vector_store %arg17[%swap3A_333, %swap3A_334], %swap3A_337 {strides = array<i32>} : memref<80x16xf32, #tpu.memory_space<vmem>>, vector<1x16xf32>,
        %mul3A_338 = arith.constant 16 : i32
        %mul3A_339 = arith.muli %scan3A_102, %mul3A_338 : i32
        %add3A_340 = arith.constant 13 : i32
        %add3A_341 = arith.addi %mul3A_339, %add3A_340 : i32
        %get3A_342 = arith.index_cast %add3A_341 : i32 to index
        %get3A_343 = arith.constant 0 : index
        %get3A_344 = tpu.vector_load %arg17[%get3A_342, %get3A_343] {strides = array<i32>} : memref<80x16xf32, #tpu.memory_space<vmem>>, vector<1x16xf32>,
        %get3A_345 = vector.shape_cast %get3A_344 : vector<1x16xf32> to vector<16xf32>
        %slice3A_346 = vector.extract_strided_slice %get3A_118 {offsets = [13], sizes = [1], strides = [1]} : vector<16xf32> to vector<1xf32>
        %squeeze3A_347 = vector.extract %slice3A_346[0] : f32 from vector<1xf32>
        %mul3A_348 = vector.broadcast %squeeze3A_347 : f32 to vector<16xf32>
        %mul3A_349 = arith.mulf %get3A_345, %mul3A_348 : vector<16xf32>
        %swap3A_350 = arith.index_cast %add3A_341 : i32 to index
        %swap3A_351 = arith.constant 0 : index
        %swap3A_352 = tpu.vector_load %arg17[%swap3A_350, %swap3A_351] {strides = array<i32>} : memref<80x16xf32, #tpu.memory_space<vmem>>, vector<1x16xf32>,
        %swap3A_353 = vector.shape_cast %swap3A_352 : vector<1x16xf32> to vector<16xf32>
        %swap3A_354 = vector.shape_cast %mul3A_349 : vector<16xf32> to vector<1x16xf32>
        tpu.vector_store %arg17[%swap3A_350, %swap3A_351], %swap3A_354 {strides = array<i32>} : memref<80x16xf32, #tpu.memory_space<vmem>>, vector<1x16xf32>,
        %mul3A_355 = arith.constant 16 : i32
        %mul3A_356 = arith.muli %scan3A_102, %mul3A_355 : i32
        %add3A_357 = arith.constant 14 : i32
        %add3A_358 = arith.addi %mul3A_356, %add3A_357 : i32
        %get3A_359 = arith.index_cast %add3A_358 : i32 to index
        %get3A_360 = arith.constant 0 : index
        %get3A_361 = tpu.vector_load %arg17[%get3A_359, %get3A_360] {strides = array<i32>} : memref<80x16xf32, #tpu.memory_space<vmem>>, vector<1x16xf32>,
        %get3A_362 = vector.shape_cast %get3A_361 : vector<1x16xf32> to vector<16xf32>
        %slice3A_363 = vector.extract_strided_slice %get3A_118 {offsets = [14], sizes = [1], strides = [1]} : vector<16xf32> to vector<1xf32>
        %squeeze3A_364 = vector.extract %slice3A_363[0] : f32 from vector<1xf32>
        %mul3A_365 = vector.broadcast %squeeze3A_364 : f32 to vector<16xf32>
        %mul3A_366 = arith.mulf %get3A_362, %mul3A_365 : vector<16xf32>
        %swap3A_367 = arith.index_cast %add3A_358 : i32 to index
        %swap3A_368 = arith.constant 0 : index
        %swap3A_369 = tpu.vector_load %arg17[%swap3A_367, %swap3A_368] {strides = array<i32>} : memref<80x16xf32, #tpu.memory_space<vmem>>, vector<1x16xf32>,
        %swap3A_370 = vector.shape_cast %swap3A_369 : vector<1x16xf32> to vector<16xf32>
        %swap3A_371 = vector.shape_cast %mul3A_366 : vector<16xf32> to vector<1x16xf32>
        tpu.vector_store %arg17[%swap3A_367, %swap3A_368], %swap3A_371 {strides = array<i32>} : memref<80x16xf32, #tpu.memory_space<vmem>>, vector<1x16xf32>,
        %mul3A_372 = arith.constant 16 : i32
        %mul3A_373 = arith.muli %scan3A_102, %mul3A_372 : i32
        %add3A_374 = arith.constant 15 : i32
        %add3A_375 = arith.addi %mul3A_373, %add3A_374 : i32
        %get3A_376 = arith.index_cast %add3A_375 : i32 to index
        %get3A_377 = arith.constant 0 : index
        %get3A_378 = tpu.vector_load %arg17[%get3A_376, %get3A_377] {strides = array<i32>} : memref<80x16xf32, #tpu.memory_space<vmem>>, vector<1x16xf32>,
        %get3A_379 = vector.shape_cast %get3A_378 : vector<1x16xf32> to vector<16xf32>
        %slice3A_380 = vector.extract_strided_slice %get3A_118 {offsets = [15], sizes = [1], strides = [1]} : vector<16xf32> to vector<1xf32>
        %squeeze3A_381 = vector.extract %slice3A_380[0] : f32 from vector<1xf32>
        %mul3A_382 = vector.broadcast %squeeze3A_381 : f32 to vector<16xf32>
        %mul3A_383 = arith.mulf %get3A_379, %mul3A_382 : vector<16xf32>
        %swap3A_384 = arith.index_cast %add3A_375 : i32 to index
        %swap3A_385 = arith.constant 0 : index
        %swap3A_386 = tpu.vector_load %arg17[%swap3A_384, %swap3A_385] {strides = array<i32>} : memref<80x16xf32, #tpu.memory_space<vmem>>, vector<1x16xf32>,
        %swap3A_387 = vector.shape_cast %swap3A_386 : vector<1x16xf32> to vector<16xf32>
        %swap3A_388 = vector.shape_cast %mul3A_383 : vector<16xf32> to vector<1x16xf32>
        tpu.vector_store %arg17[%swap3A_384, %swap3A_385], %swap3A_388 {strides = array<i32>} : memref<80x16xf32, #tpu.memory_space<vmem>>, vector<1x16xf32>,
        %scan3A_389 = arith.constant 0 : i32
        scf.yield %scan3A_389 : i32
      }
      %scan3A_100 = arith.constant 5 : i32
      "tpu.region"() ({
        %run_scoped3A = tpu.sem_alloc : memref<!tpu.dma_semaphore, #tpu.memory_space<semaphore_mem>>
        %dma_start3A_102 = arith.constant 0 : i32
        %dma_start3A_103 = arith.constant 0 : i32
        %dma_start3A_104 = tpu.memref_slice %arg19[%dma_start3A_102, %dma_start3A_103] : memref<50176x16xf32, #tpu.memory_space<vmem_shared>> -> memref<50176x16xf32, #tpu.memory_space<vmem_shared>>
        tpu.enqueue_indirect_dma source(%arg17 : memref<80x16xf32, #tpu.memory_space<vmem>>) target(%dma_start3A_104 : memref<50176x16xf32, #tpu.memory_space<vmem_shared>>) offsets(%arg15 : memref<80xi32, #tpu.memory_space<vmem>>) semaphore(%run_scoped3A : memref<!tpu.dma_semaphore, #tpu.memory_space<semaphore_mem>>) {add = true}
        %dma_wait3A_105 = arith.constant 0 : i32
        %dma_wait3A_106 = arith.constant 0 : i32
        %dma_wait3A_107 = tpu.memref_slice %arg19[%dma_wait3A_105, %dma_wait3A_106] : memref<50176x16xf32, #tpu.memory_space<vmem_shared>> -> memref<50176x16xf32, #tpu.memory_space<vmem_shared>>
        tpu.wait_indirect_dma semaphore(%run_scoped3A : memref<!tpu.dma_semaphore, #tpu.memory_space<semaphore_mem>>) src(%arg17 : memref<80x16xf32, #tpu.memory_space<vmem>>) dst(%dma_wait3A_107 : memref<50176x16xf32, #tpu.memory_space<vmem_shared>>)
        tpu.yield
      }) : () -> ()
      %scan3A_101 = arith.constant 0 : i32
      scf.yield %scan3A_101 : i32
    }
    %scan3A_17 = arith.constant 1250 : i32
    %barrier3A_18 = arith.constant 0 : index
    tpu.barrier barrier_id(%barrier3A_18)
    %mul3A_19 = arith.constant 3128 : i32
    %mul3A_20 = arith.muli %arg1, %mul3A_19 : i32
    "tpu.region"() ({
      %run_scoped3A = tpu.sem_alloc : memref<!tpu.dma_semaphore, #tpu.memory_space<semaphore_mem>>
      %dma_start3A = arith.constant 0 : i32
      %dma_start3A_87 = arith.constant 0 : i32
      %dma_start3A_88 = tpu.memref_slice %arg18[%dma_start3A, %dma_start3A_87] : memref<3136x16xf32, #tpu.memory_space<vmem>> -> memref<3128x16xf32, #tpu.memory_space<vmem>>
      %dma_start3A_89 = arith.constant 0 : i32
      %dma_start3A_90 = tpu.memref_slice %arg19[%mul3A_20, %dma_start3A_89] : memref<50176x16xf32, #tpu.memory_space<vmem_shared>> -> memref<3128x16xf32, #tpu.memory_space<vmem_shared>>
      %dma_start3A_91 = arith.constant 0 : i32
      %dma_start3A_92 = arith.constant 0 : i32
      %dma_start3A_93 = tpu.memref_slice %arg18[%dma_start3A_91, %dma_start3A_92] : memref<3136x16xf32, #tpu.memory_space<vmem>> -> memref<3128x16xf32, #tpu.memory_space<vmem>>
      %dma_start3A_94 = arith.constant 0 : i32
      %dma_start3A_95 = tpu.memref_slice %arg19[%mul3A_20, %dma_start3A_94] : memref<50176x16xf32, #tpu.memory_space<vmem_shared>> -> memref<3128x16xf32, #tpu.memory_space<vmem_shared>>
      tpu.enqueue_dma source(%dma_start3A_95 : memref<3128x16xf32, #tpu.memory_space<vmem_shared>>) target(%dma_start3A_93 : memref<3128x16xf32, #tpu.memory_space<vmem>>) target_semaphore(%run_scoped3A : memref<!tpu.dma_semaphore, #tpu.memory_space<semaphore_mem>>)
      %dma_wait3A = arith.constant 0 : i32
      %dma_wait3A_96 = arith.constant 0 : i32
      %dma_wait3A_97 = tpu.memref_slice %arg18[%dma_wait3A, %dma_wait3A_96] : memref<3136x16xf32, #tpu.memory_space<vmem>> -> memref<3128x16xf32, #tpu.memory_space<vmem>>
      %dma_wait3A_98 = arith.constant 0 : i32
      %dma_wait3A_99 = tpu.memref_slice %arg19[%mul3A_20, %dma_wait3A_98] : memref<50176x16xf32, #tpu.memory_space<vmem_shared>> -> memref<3128x16xf32, #tpu.memory_space<vmem_shared>>
      %dma_wait3A_100 = arith.constant 0 : i32
      %dma_wait3A_101 = arith.constant 0 : i32
      %dma_wait3A_102 = tpu.memref_slice %arg18[%dma_wait3A_100, %dma_wait3A_101] : memref<3136x16xf32, #tpu.memory_space<vmem>> -> memref<3128x16xf32, #tpu.memory_space<vmem>>
      %dma_wait3A_103 = arith.constant 0 : i32
      %dma_wait3A_104 = tpu.memref_slice %arg19[%mul3A_20, %dma_wait3A_103] : memref<50176x16xf32, #tpu.memory_space<vmem_shared>> -> memref<3128x16xf32, #tpu.memory_space<vmem_shared>>
      tpu.wait_dma2 semaphore(%run_scoped3A : memref<!tpu.dma_semaphore, #tpu.memory_space<semaphore_mem>>) src(%dma_wait3A_104 : memref<3128x16xf32, #tpu.memory_space<vmem_shared>>) dst(%dma_wait3A_102 : memref<3128x16xf32, #tpu.memory_space<vmem>>)
      tpu.yield
    }) : () -> ()
    %add3A = arith.addi %mul3A_0, %mul3A_20 : i32
    "tpu.region"() ({
      %run_scoped3A = tpu.sem_alloc : memref<!tpu.dma_semaphore, #tpu.memory_space<semaphore_mem>>
      %dma_start3A = arith.constant 0 : i32
      %dma_start3A_87 = arith.constant 0 : i32
      %dma_start3A_88 = tpu.memref_slice %arg18[%dma_start3A, %dma_start3A_87] : memref<3136x16xf32, #tpu.memory_space<vmem>> -> memref<3128x16xf32, #tpu.memory_space<vmem>>
      %dma_start3A_89 = arith.constant 0 : i32
      %dma_start3A_90 = tpu.memref_slice %arg9[%add3A, %dma_start3A_89] : memref<100096x16xf32, #tpu.memory_space<hbm>> -> memref<3128x16xf32, #tpu.memory_space<hbm>>
      %dma_start3A_91 = arith.constant 0 : i32
      %dma_start3A_92 = tpu.memref_slice %arg9[%add3A, %dma_start3A_91] : memref<100096x16xf32, #tpu.memory_space<hbm>> -> memref<3128x16xf32, #tpu.memory_space<hbm>>
      %dma_start3A_93 = arith.constant 0 : i32
      %dma_start3A_94 = arith.constant 0 : i32
      %dma_start3A_95 = tpu.memref_slice %arg18[%dma_start3A_93, %dma_start3A_94] : memref<3136x16xf32, #tpu.memory_space<vmem>> -> memref<3128x16xf32, #tpu.memory_space<vmem>>
      tpu.enqueue_dma source(%dma_start3A_95 : memref<3128x16xf32, #tpu.memory_space<vmem>>) target(%dma_start3A_92 : memref<3128x16xf32, #tpu.memory_space<hbm>>) target_semaphore(%run_scoped3A : memref<!tpu.dma_semaphore, #tpu.memory_space<semaphore_mem>>)
      %dma_wait3A = arith.constant 0 : i32
      %dma_wait3A_96 = arith.constant 0 : i32
      %dma_wait3A_97 = tpu.memref_slice %arg18[%dma_wait3A, %dma_wait3A_96] : memref<3136x16xf32, #tpu.memory_space<vmem>> -> memref<3128x16xf32, #tpu.memory_space<vmem>>
      %dma_wait3A_98 = arith.constant 0 : i32
      %dma_wait3A_99 = tpu.memref_slice %arg9[%add3A, %dma_wait3A_98] : memref<100096x16xf32, #tpu.memory_space<hbm>> -> memref<3128x16xf32, #tpu.memory_space<hbm>>
      %dma_wait3A_100 = arith.constant 0 : i32
      %dma_wait3A_101 = tpu.memref_slice %arg9[%add3A, %dma_wait3A_100] : memref<100096x16xf32, #tpu.memory_space<hbm>> -> memref<3128x16xf32, #tpu.memory_space<hbm>>
      %dma_wait3A_102 = arith.constant 0 : i32
      %dma_wait3A_103 = arith.constant 0 : i32
      %dma_wait3A_104 = tpu.memref_slice %arg18[%dma_wait3A_102, %dma_wait3A_103] : memref<3136x16xf32, #tpu.memory_space<vmem>> -> memref<3128x16xf32, #tpu.memory_space<vmem>>
      tpu.wait_dma2 semaphore(%run_scoped3A : memref<!tpu.dma_semaphore, #tpu.memory_space<semaphore_mem>>) src(%dma_wait3A_104 : memref<3128x16xf32, #tpu.memory_space<vmem>>) dst(%dma_wait3A_101 : memref<3128x16xf32, #tpu.memory_space<hbm>>)
      tpu.yield
    }) : () -> ()
    %scan3A_21 = arith.constant 0 : i32
    %scan3A_22 = arith.constant 0 : i32
    %scan3A_23 = arith.constant 3128 : i32
    %scan3A_24 = arith.addi %scan3A_22, %scan3A_23 : i32
    %scan3A_25 = arith.constant 1 : i32
    %scan3A_26 = scf.for %scan3A_87 = %scan3A_22 to %scan3A_24 step %scan3A_25 iter_args(%scan3A_88 = %scan3A_21) -> (i32)  : i32 {
      %broadcast_in_dim3A = arith.constant 0.000000e+00 : f32
      %broadcast_in_dim3A_89 = vector.broadcast %broadcast_in_dim3A : f32 to vector<16xf32>
      %swap3A = arith.index_cast %scan3A_87 : i32 to index
      %swap3A_90 = arith.constant 0 : index
      %swap3A_91 = tpu.vector_load %arg18[%swap3A, %swap3A_90] {strides = array<i32>} : memref<3136x16xf32, #tpu.memory_space<vmem>>, vector<1x16xf32>,
      %swap3A_92 = vector.shape_cast %swap3A_91 : vector<1x16xf32> to vector<16xf32>
      %swap3A_93 = vector.shape_cast %broadcast_in_dim3A_89 : vector<16xf32> to vector<1x16xf32>
      tpu.vector_store %arg18[%swap3A, %swap3A_90], %swap3A_93 {strides = array<i32>} : memref<3136x16xf32, #tpu.memory_space<vmem>>, vector<1x16xf32>,
      %scan3A_94 = arith.constant 0 : i32
      scf.yield %scan3A_94 : i32
    }
    %scan3A_27 = arith.constant 3128 : i32
    %barrier3A_28 = arith.constant 0 : index
    tpu.barrier barrier_id(%barrier3A_28)
    %mul3A_29 = arith.constant 3136 : i32
    %mul3A_30 = arith.muli %arg1, %mul3A_29 : i32
    "tpu.region"() ({
      %run_scoped3A = tpu.sem_alloc : memref<!tpu.dma_semaphore, #tpu.memory_space<semaphore_mem>>
      %dma_start3A = arith.constant 0 : i32
      %dma_start3A_87 = tpu.memref_slice %arg19[%mul3A_30, %dma_start3A] : memref<50176x16xf32, #tpu.memory_space<vmem_shared>> -> memref<3136x16xf32, #tpu.memory_space<vmem_shared>>
      %dma_start3A_88 = arith.constant 0 : i32
      %dma_start3A_89 = tpu.memref_slice %arg19[%mul3A_30, %dma_start3A_88] : memref<50176x16xf32, #tpu.memory_space<vmem_shared>> -> memref<3136x16xf32, #tpu.memory_space<vmem_shared>>
      tpu.enqueue_dma source(%arg18 : memref<3136x16xf32, #tpu.memory_space<vmem>>) target(%dma_start3A_89 : memref<3136x16xf32, #tpu.memory_space<vmem_shared>>) target_semaphore(%run_scoped3A : memref<!tpu.dma_semaphore, #tpu.memory_space<semaphore_mem>>)
      %dma_wait3A = arith.constant 0 : i32
      %dma_wait3A_90 = tpu.memref_slice %arg19[%mul3A_30, %dma_wait3A] : memref<50176x16xf32, #tpu.memory_space<vmem_shared>> -> memref<3136x16xf32, #tpu.memory_space<vmem_shared>>
      %dma_wait3A_91 = arith.constant 0 : i32
      %dma_wait3A_92 = tpu.memref_slice %arg19[%mul3A_30, %dma_wait3A_91] : memref<50176x16xf32, #tpu.memory_space<vmem_shared>> -> memref<3136x16xf32, #tpu.memory_space<vmem_shared>>
      tpu.wait_dma2 semaphore(%run_scoped3A : memref<!tpu.dma_semaphore, #tpu.memory_space<semaphore_mem>>) src(%arg18 : memref<3136x16xf32, #tpu.memory_space<vmem>>) dst(%dma_wait3A_92 : memref<3136x16xf32, #tpu.memory_space<vmem_shared>>)
      tpu.yield
    }) : () -> ()
    %barrier3A_31 = arith.constant 0 : index
    tpu.barrier barrier_id(%barrier3A_31)
    %scan3A_32 = arith.constant 0 : i32
    %scan3A_33 = arith.constant 0 : i32
    %scan3A_34 = arith.constant 1250 : i32
    %scan3A_35 = arith.addi %scan3A_33, %scan3A_34 : i32
    %scan3A_36 = arith.constant 1 : i32
    %scan3A_37 = scf.for %scan3A_87 = %scan3A_33 to %scan3A_35 step %scan3A_36 iter_args(%scan3A_88 = %scan3A_32) -> (i32)  : i32 {
      %add3A_89 = arith.addi %mul3A_2, %scan3A_87 : i32
      "tpu.region"() ({
        %run_scoped3A = tpu.sem_alloc : memref<!tpu.dma_semaphore, #tpu.memory_space<semaphore_mem>>
        %dma_start3A_102 = arith.constant 0 : i32
        %dma_start3A_103 = tpu.memref_slice %arg6[%add3A_89, %dma_start3A_102] : memref<20000x80xi32, #tpu.memory_space<hbm>> -> memref<1x80xi32, #tpu.memory_space<hbm>>
        %dma_start3A_104 = tpu.memref_squeeze %dma_start3A_103 : memref<1x80xi32, #tpu.memory_space<hbm>> -> memref<80xi32, #tpu.memory_space<hbm>>
        %dma_start3A_105 = arith.constant 0 : i32
        %dma_start3A_106 = tpu.memref_slice %arg6[%add3A_89, %dma_start3A_105] : memref<20000x80xi32, #tpu.memory_space<hbm>> -> memref<1x80xi32, #tpu.memory_space<hbm>>
        %dma_start3A_107 = tpu.memref_squeeze %dma_start3A_106 : memref<1x80xi32, #tpu.memory_space<hbm>> -> memref<80xi32, #tpu.memory_space<hbm>>
        tpu.enqueue_dma source(%dma_start3A_107 : memref<80xi32, #tpu.memory_space<hbm>>) target(%arg13 : memref<80xi32, #tpu.memory_space<vmem>>) target_semaphore(%run_scoped3A : memref<!tpu.dma_semaphore, #tpu.memory_space<semaphore_mem>>)
        %dma_wait3A_108 = arith.constant 0 : i32
        %dma_wait3A_109 = tpu.memref_slice %arg6[%add3A_89, %dma_wait3A_108] : memref<20000x80xi32, #tpu.memory_space<hbm>> -> memref<1x80xi32, #tpu.memory_space<hbm>>
        %dma_wait3A_110 = tpu.memref_squeeze %dma_wait3A_109 : memref<1x80xi32, #tpu.memory_space<hbm>> -> memref<80xi32, #tpu.memory_space<hbm>>
        %dma_wait3A_111 = arith.constant 0 : i32
        %dma_wait3A_112 = tpu.memref_slice %arg6[%add3A_89, %dma_wait3A_111] : memref<20000x80xi32, #tpu.memory_space<hbm>> -> memref<1x80xi32, #tpu.memory_space<hbm>>
        %dma_wait3A_113 = tpu.memref_squeeze %dma_wait3A_112 : memref<1x80xi32, #tpu.memory_space<hbm>> -> memref<80xi32, #tpu.memory_space<hbm>>
        tpu.wait_dma2 semaphore(%run_scoped3A : memref<!tpu.dma_semaphore, #tpu.memory_space<semaphore_mem>>) src(%dma_wait3A_113 : memref<80xi32, #tpu.memory_space<hbm>>) dst(%arg13 : memref<80xi32, #tpu.memory_space<vmem>>)
        tpu.yield
      }) : () -> ()
      "tpu.region"() ({
        %run_scoped3A = tpu.sem_alloc : memref<!tpu.dma_semaphore, #tpu.memory_space<semaphore_mem>>
        %dma_start3A_102 = arith.constant 0 : i32
        %dma_start3A_103 = tpu.memref_slice %arg7[%add3A_89, %dma_start3A_102] : memref<20000x80xi32, #tpu.memory_space<hbm>> -> memref<1x80xi32, #tpu.memory_space<hbm>>
        %dma_start3A_104 = tpu.memref_squeeze %dma_start3A_103 : memref<1x80xi32, #tpu.memory_space<hbm>> -> memref<80xi32, #tpu.memory_space<hbm>>
        %dma_start3A_105 = arith.constant 0 : i32
        %dma_start3A_106 = tpu.memref_slice %arg7[%add3A_89, %dma_start3A_105] : memref<20000x80xi32, #tpu.memory_space<hbm>> -> memref<1x80xi32, #tpu.memory_space<hbm>>
        %dma_start3A_107 = tpu.memref_squeeze %dma_start3A_106 : memref<1x80xi32, #tpu.memory_space<hbm>> -> memref<80xi32, #tpu.memory_space<hbm>>
        tpu.enqueue_dma source(%dma_start3A_107 : memref<80xi32, #tpu.memory_space<hbm>>) target(%arg14 : memref<80xi32, #tpu.memory_space<vmem>>) target_semaphore(%run_scoped3A : memref<!tpu.dma_semaphore, #tpu.memory_space<semaphore_mem>>)
        %dma_wait3A_108 = arith.constant 0 : i32
        %dma_wait3A_109 = tpu.memref_slice %arg7[%add3A_89, %dma_wait3A_108] : memref<20000x80xi32, #tpu.memory_space<hbm>> -> memref<1x80xi32, #tpu.memory_space<hbm>>
        %dma_wait3A_110 = tpu.memref_squeeze %dma_wait3A_109 : memref<1x80xi32, #tpu.memory_space<hbm>> -> memref<80xi32, #tpu.memory_space<hbm>>
        %dma_wait3A_111 = arith.constant 0 : i32
        %dma_wait3A_112 = tpu.memref_slice %arg7[%add3A_89, %dma_wait3A_111] : memref<20000x80xi32, #tpu.memory_space<hbm>> -> memref<1x80xi32, #tpu.memory_space<hbm>>
        %dma_wait3A_113 = tpu.memref_squeeze %dma_wait3A_112 : memref<1x80xi32, #tpu.memory_space<hbm>> -> memref<80xi32, #tpu.memory_space<hbm>>
        tpu.wait_dma2 semaphore(%run_scoped3A : memref<!tpu.dma_semaphore, #tpu.memory_space<semaphore_mem>>) src(%dma_wait3A_113 : memref<80xi32, #tpu.memory_space<hbm>>) dst(%arg14 : memref<80xi32, #tpu.memory_space<vmem>>)
        tpu.yield
      }) : () -> ()
      "tpu.region"() ({
        %run_scoped3A = tpu.sem_alloc : memref<!tpu.dma_semaphore, #tpu.memory_space<semaphore_mem>>
        %dma_start3A_102 = arith.constant 0 : i32
        %dma_start3A_103 = tpu.memref_slice %arg8[%add3A_89, %dma_start3A_102] : memref<20000x80xf32, #tpu.memory_space<hbm>> -> memref<1x80xf32, #tpu.memory_space<hbm>>
        %dma_start3A_104 = tpu.memref_squeeze %dma_start3A_103 : memref<1x80xf32, #tpu.memory_space<hbm>> -> memref<80xf32, #tpu.memory_space<hbm>>
        %dma_start3A_105 = arith.constant 0 : i32
        %dma_start3A_106 = tpu.memref_slice %arg8[%add3A_89, %dma_start3A_105] : memref<20000x80xf32, #tpu.memory_space<hbm>> -> memref<1x80xf32, #tpu.memory_space<hbm>>
        %dma_start3A_107 = tpu.memref_squeeze %dma_start3A_106 : memref<1x80xf32, #tpu.memory_space<hbm>> -> memref<80xf32, #tpu.memory_space<hbm>>
        tpu.enqueue_dma source(%dma_start3A_107 : memref<80xf32, #tpu.memory_space<hbm>>) target(%arg16 : memref<80xf32, #tpu.memory_space<vmem>>) target_semaphore(%run_scoped3A : memref<!tpu.dma_semaphore, #tpu.memory_space<semaphore_mem>>)
        %dma_wait3A_108 = arith.constant 0 : i32
        %dma_wait3A_109 = tpu.memref_slice %arg8[%add3A_89, %dma_wait3A_108] : memref<20000x80xf32, #tpu.memory_space<hbm>> -> memref<1x80xf32, #tpu.memory_space<hbm>>
        %dma_wait3A_110 = tpu.memref_squeeze %dma_wait3A_109 : memref<1x80xf32, #tpu.memory_space<hbm>> -> memref<80xf32, #tpu.memory_space<hbm>>
        %dma_wait3A_111 = arith.constant 0 : i32
        %dma_wait3A_112 = tpu.memref_slice %arg8[%add3A_89, %dma_wait3A_111] : memref<20000x80xf32, #tpu.memory_space<hbm>> -> memref<1x80xf32, #tpu.memory_space<hbm>>
        %dma_wait3A_113 = tpu.memref_squeeze %dma_wait3A_112 : memref<1x80xf32, #tpu.memory_space<hbm>> -> memref<80xf32, #tpu.memory_space<hbm>>
        tpu.wait_dma2 semaphore(%run_scoped3A : memref<!tpu.dma_semaphore, #tpu.memory_space<semaphore_mem>>) src(%dma_wait3A_113 : memref<80xf32, #tpu.memory_space<hbm>>) dst(%arg16 : memref<80xf32, #tpu.memory_space<vmem>>)
        tpu.yield
      }) : () -> ()
      %dma_start3A = arith.constant 0 : i32
      %dma_start3A_90 = arith.constant 0 : i32
      %dma_start3A_91 = tpu.memref_slice %arg3[%dma_start3A, %dma_start3A_90] : memref<100000x16xf32, #tpu.memory_space<hbm>> -> memref<100000x16xf32, #tpu.memory_space<hbm>>
      tpu.enqueue_indirect_dma source(%dma_start3A_91 : memref<100000x16xf32, #tpu.memory_space<hbm>>) target(%arg17 : memref<80x16xf32, #tpu.memory_space<vmem>>) offsets(%arg13 : memref<80xi32, #tpu.memory_space<vmem>>) semaphore(%arg20 : memref<!tpu.dma_semaphore, #tpu.memory_space<semaphore_mem>>)
      %dma_wait3A = arith.constant 0 : i32
      %dma_wait3A_92 = arith.constant 0 : i32
      %dma_wait3A_93 = tpu.memref_slice %arg3[%dma_wait3A, %dma_wait3A_92] : memref<100000x16xf32, #tpu.memory_space<hbm>> -> memref<100000x16xf32, #tpu.memory_space<hbm>>
      tpu.wait_indirect_dma semaphore(%arg20 : memref<!tpu.dma_semaphore, #tpu.memory_space<semaphore_mem>>) src(%dma_wait3A_93 : memref<100000x16xf32, #tpu.memory_space<hbm>>) dst(%arg17 : memref<80x16xf32, #tpu.memory_space<vmem>>)
      %scan3A_94 = arith.constant 0 : i32
      %scan3A_95 = arith.constant 0 : i32
      %scan3A_96 = arith.constant 5 : i32
      %scan3A_97 = arith.addi %scan3A_95, %scan3A_96 : i32
      %scan3A_98 = arith.constant 1 : i32
      %scan3A_99 = scf.for %scan3A_102 = %scan3A_95 to %scan3A_97 step %scan3A_98 iter_args(%scan3A_103 = %scan3A_94) -> (i32)  : i32 {
        %mul3A_104 = arith.constant 16 : i32
        %mul3A_105 = arith.muli %scan3A_102, %mul3A_104 : i32
        %get3A = arith.index_cast %mul3A_105 : i32 to index
        %get3A_106 = tpu.vector_load %arg14[%get3A] {strides = array<i32>} : memref<80xi32, #tpu.memory_space<vmem>>, vector<16xi32>,
        %get3A_107 = vector.shape_cast %get3A_106 : vector<16xi32> to vector<16xi32>
        %sub3A = vector.broadcast %mul3A_0 : i32 to vector<16xi32>
        %sub3A_108 = arith.subi %get3A_107, %sub3A : vector<16xi32>
        %ge3A = arith.constant 0 : i32
        %ge3A_109 = vector.broadcast %ge3A : i32 to vector<16xi32>
        %ge3A_110 = arith.cmpi sge, %sub3A_108, %ge3A_109 : vector<16xi32>
        %lt3A = arith.constant 50048 : i32
        %lt3A_111 = vector.broadcast %lt3A : i32 to vector<16xi32>
        %lt3A_112 = arith.cmpi slt, %sub3A_108, %lt3A_111 : vector<16xi32>
        %and3A = arith.andi %ge3A_110, %lt3A_112 : vector<16xi1>
        %jit3A = arith.constant 50048 : i32
        %broadcast_in_dim3A = vector.broadcast %jit3A : i32 to vector<16xi32>
        %select_n3A = arith.select %and3A, %sub3A_108, %broadcast_in_dim3A : vector<16xi1>, vector<16xi32>
        %swap3A = arith.index_cast %mul3A_105 : i32 to index
        %swap3A_113 = tpu.vector_load %arg15[%swap3A] {strides = array<i32>} : memref<80xi32, #tpu.memory_space<vmem>>, vector<16xi32>,
        %swap3A_114 = vector.shape_cast %swap3A_113 : vector<16xi32> to vector<16xi32>
        %swap3A_115 = vector.shape_cast %select_n3A : vector<16xi32> to vector<16xi32>
        tpu.vector_store %arg15[%swap3A], %swap3A_115 {strides = array<i32>} : memref<80xi32, #tpu.memory_space<vmem>>, vector<16xi32>,
        %get3A_116 = arith.index_cast %mul3A_105 : i32 to index
        %get3A_117 = tpu.vector_load %arg16[%get3A_116] {strides = array<i32>} : memref<80xf32, #tpu.memory_space<vmem>>, vector<16xf32>,
        %get3A_118 = vector.shape_cast %get3A_117 : vector<16xf32> to vector<16xf32>
        %mul3A_119 = arith.constant 16 : i32
        %mul3A_120 = arith.muli %scan3A_102, %mul3A_119 : i32
        %add3A_121 = arith.constant 0 : i32
        %add3A_122 = arith.addi %mul3A_120, %add3A_121 : i32
        %get3A_123 = arith.index_cast %add3A_122 : i32 to index
        %get3A_124 = arith.constant 0 : index
        %get3A_125 = tpu.vector_load %arg17[%get3A_123, %get3A_124] {strides = array<i32>} : memref<80x16xf32, #tpu.memory_space<vmem>>, vector<1x16xf32>,
        %get3A_126 = vector.shape_cast %get3A_125 : vector<1x16xf32> to vector<16xf32>
        %slice3A = vector.extract_strided_slice %get3A_118 {offsets = [0], sizes = [1], strides = [1]} : vector<16xf32> to vector<1xf32>
        %squeeze3A = vector.extract %slice3A[0] : f32 from vector<1xf32>
        %mul3A_127 = vector.broadcast %squeeze3A : f32 to vector<16xf32>
        %mul3A_128 = arith.mulf %get3A_126, %mul3A_127 : vector<16xf32>
        %swap3A_129 = arith.index_cast %add3A_122 : i32 to index
        %swap3A_130 = arith.constant 0 : index
        %swap3A_131 = tpu.vector_load %arg17[%swap3A_129, %swap3A_130] {strides = array<i32>} : memref<80x16xf32, #tpu.memory_space<vmem>>, vector<1x16xf32>,
        %swap3A_132 = vector.shape_cast %swap3A_131 : vector<1x16xf32> to vector<16xf32>
        %swap3A_133 = vector.shape_cast %mul3A_128 : vector<16xf32> to vector<1x16xf32>
        tpu.vector_store %arg17[%swap3A_129, %swap3A_130], %swap3A_133 {strides = array<i32>} : memref<80x16xf32, #tpu.memory_space<vmem>>, vector<1x16xf32>,
        %mul3A_134 = arith.constant 16 : i32
        %mul3A_135 = arith.muli %scan3A_102, %mul3A_134 : i32
        %add3A_136 = arith.constant 1 : i32
        %add3A_137 = arith.addi %mul3A_135, %add3A_136 : i32
        %get3A_138 = arith.index_cast %add3A_137 : i32 to index
        %get3A_139 = arith.constant 0 : index
        %get3A_140 = tpu.vector_load %arg17[%get3A_138, %get3A_139] {strides = array<i32>} : memref<80x16xf32, #tpu.memory_space<vmem>>, vector<1x16xf32>,
        %get3A_141 = vector.shape_cast %get3A_140 : vector<1x16xf32> to vector<16xf32>
        %slice3A_142 = vector.extract_strided_slice %get3A_118 {offsets = [1], sizes = [1], strides = [1]} : vector<16xf32> to vector<1xf32>
        %squeeze3A_143 = vector.extract %slice3A_142[0] : f32 from vector<1xf32>
        %mul3A_144 = vector.broadcast %squeeze3A_143 : f32 to vector<16xf32>
        %mul3A_145 = arith.mulf %get3A_141, %mul3A_144 : vector<16xf32>
        %swap3A_146 = arith.index_cast %add3A_137 : i32 to index
        %swap3A_147 = arith.constant 0 : index
        %swap3A_148 = tpu.vector_load %arg17[%swap3A_146, %swap3A_147] {strides = array<i32>} : memref<80x16xf32, #tpu.memory_space<vmem>>, vector<1x16xf32>,
        %swap3A_149 = vector.shape_cast %swap3A_148 : vector<1x16xf32> to vector<16xf32>
        %swap3A_150 = vector.shape_cast %mul3A_145 : vector<16xf32> to vector<1x16xf32>
        tpu.vector_store %arg17[%swap3A_146, %swap3A_147], %swap3A_150 {strides = array<i32>} : memref<80x16xf32, #tpu.memory_space<vmem>>, vector<1x16xf32>,
        %mul3A_151 = arith.constant 16 : i32
        %mul3A_152 = arith.muli %scan3A_102, %mul3A_151 : i32
        %add3A_153 = arith.constant 2 : i32
        %add3A_154 = arith.addi %mul3A_152, %add3A_153 : i32
        %get3A_155 = arith.index_cast %add3A_154 : i32 to index
        %get3A_156 = arith.constant 0 : index
        %get3A_157 = tpu.vector_load %arg17[%get3A_155, %get3A_156] {strides = array<i32>} : memref<80x16xf32, #tpu.memory_space<vmem>>, vector<1x16xf32>,
        %get3A_158 = vector.shape_cast %get3A_157 : vector<1x16xf32> to vector<16xf32>
        %slice3A_159 = vector.extract_strided_slice %get3A_118 {offsets = [2], sizes = [1], strides = [1]} : vector<16xf32> to vector<1xf32>
        %squeeze3A_160 = vector.extract %slice3A_159[0] : f32 from vector<1xf32>
        %mul3A_161 = vector.broadcast %squeeze3A_160 : f32 to vector<16xf32>
        %mul3A_162 = arith.mulf %get3A_158, %mul3A_161 : vector<16xf32>
        %swap3A_163 = arith.index_cast %add3A_154 : i32 to index
        %swap3A_164 = arith.constant 0 : index
        %swap3A_165 = tpu.vector_load %arg17[%swap3A_163, %swap3A_164] {strides = array<i32>} : memref<80x16xf32, #tpu.memory_space<vmem>>, vector<1x16xf32>,
        %swap3A_166 = vector.shape_cast %swap3A_165 : vector<1x16xf32> to vector<16xf32>
        %swap3A_167 = vector.shape_cast %mul3A_162 : vector<16xf32> to vector<1x16xf32>
        tpu.vector_store %arg17[%swap3A_163, %swap3A_164], %swap3A_167 {strides = array<i32>} : memref<80x16xf32, #tpu.memory_space<vmem>>, vector<1x16xf32>,
        %mul3A_168 = arith.constant 16 : i32
        %mul3A_169 = arith.muli %scan3A_102, %mul3A_168 : i32
        %add3A_170 = arith.constant 3 : i32
        %add3A_171 = arith.addi %mul3A_169, %add3A_170 : i32
        %get3A_172 = arith.index_cast %add3A_171 : i32 to index
        %get3A_173 = arith.constant 0 : index
        %get3A_174 = tpu.vector_load %arg17[%get3A_172, %get3A_173] {strides = array<i32>} : memref<80x16xf32, #tpu.memory_space<vmem>>, vector<1x16xf32>,
        %get3A_175 = vector.shape_cast %get3A_174 : vector<1x16xf32> to vector<16xf32>
        %slice3A_176 = vector.extract_strided_slice %get3A_118 {offsets = [3], sizes = [1], strides = [1]} : vector<16xf32> to vector<1xf32>
        %squeeze3A_177 = vector.extract %slice3A_176[0] : f32 from vector<1xf32>
        %mul3A_178 = vector.broadcast %squeeze3A_177 : f32 to vector<16xf32>
        %mul3A_179 = arith.mulf %get3A_175, %mul3A_178 : vector<16xf32>
        %swap3A_180 = arith.index_cast %add3A_171 : i32 to index
        %swap3A_181 = arith.constant 0 : index
        %swap3A_182 = tpu.vector_load %arg17[%swap3A_180, %swap3A_181] {strides = array<i32>} : memref<80x16xf32, #tpu.memory_space<vmem>>, vector<1x16xf32>,
        %swap3A_183 = vector.shape_cast %swap3A_182 : vector<1x16xf32> to vector<16xf32>
        %swap3A_184 = vector.shape_cast %mul3A_179 : vector<16xf32> to vector<1x16xf32>
        tpu.vector_store %arg17[%swap3A_180, %swap3A_181], %swap3A_184 {strides = array<i32>} : memref<80x16xf32, #tpu.memory_space<vmem>>, vector<1x16xf32>,
        %mul3A_185 = arith.constant 16 : i32
        %mul3A_186 = arith.muli %scan3A_102, %mul3A_185 : i32
        %add3A_187 = arith.constant 4 : i32
        %add3A_188 = arith.addi %mul3A_186, %add3A_187 : i32
        %get3A_189 = arith.index_cast %add3A_188 : i32 to index
        %get3A_190 = arith.constant 0 : index
        %get3A_191 = tpu.vector_load %arg17[%get3A_189, %get3A_190] {strides = array<i32>} : memref<80x16xf32, #tpu.memory_space<vmem>>, vector<1x16xf32>,
        %get3A_192 = vector.shape_cast %get3A_191 : vector<1x16xf32> to vector<16xf32>
        %slice3A_193 = vector.extract_strided_slice %get3A_118 {offsets = [4], sizes = [1], strides = [1]} : vector<16xf32> to vector<1xf32>
        %squeeze3A_194 = vector.extract %slice3A_193[0] : f32 from vector<1xf32>
        %mul3A_195 = vector.broadcast %squeeze3A_194 : f32 to vector<16xf32>
        %mul3A_196 = arith.mulf %get3A_192, %mul3A_195 : vector<16xf32>
        %swap3A_197 = arith.index_cast %add3A_188 : i32 to index
        %swap3A_198 = arith.constant 0 : index
        %swap3A_199 = tpu.vector_load %arg17[%swap3A_197, %swap3A_198] {strides = array<i32>} : memref<80x16xf32, #tpu.memory_space<vmem>>, vector<1x16xf32>,
        %swap3A_200 = vector.shape_cast %swap3A_199 : vector<1x16xf32> to vector<16xf32>
        %swap3A_201 = vector.shape_cast %mul3A_196 : vector<16xf32> to vector<1x16xf32>
        tpu.vector_store %arg17[%swap3A_197, %swap3A_198], %swap3A_201 {strides = array<i32>} : memref<80x16xf32, #tpu.memory_space<vmem>>, vector<1x16xf32>,
        %mul3A_202 = arith.constant 16 : i32
        %mul3A_203 = arith.muli %scan3A_102, %mul3A_202 : i32
        %add3A_204 = arith.constant 5 : i32
        %add3A_205 = arith.addi %mul3A_203, %add3A_204 : i32
        %get3A_206 = arith.index_cast %add3A_205 : i32 to index
        %get3A_207 = arith.constant 0 : index
        %get3A_208 = tpu.vector_load %arg17[%get3A_206, %get3A_207] {strides = array<i32>} : memref<80x16xf32, #tpu.memory_space<vmem>>, vector<1x16xf32>,
        %get3A_209 = vector.shape_cast %get3A_208 : vector<1x16xf32> to vector<16xf32>
        %slice3A_210 = vector.extract_strided_slice %get3A_118 {offsets = [5], sizes = [1], strides = [1]} : vector<16xf32> to vector<1xf32>
        %squeeze3A_211 = vector.extract %slice3A_210[0] : f32 from vector<1xf32>
        %mul3A_212 = vector.broadcast %squeeze3A_211 : f32 to vector<16xf32>
        %mul3A_213 = arith.mulf %get3A_209, %mul3A_212 : vector<16xf32>
        %swap3A_214 = arith.index_cast %add3A_205 : i32 to index
        %swap3A_215 = arith.constant 0 : index
        %swap3A_216 = tpu.vector_load %arg17[%swap3A_214, %swap3A_215] {strides = array<i32>} : memref<80x16xf32, #tpu.memory_space<vmem>>, vector<1x16xf32>,
        %swap3A_217 = vector.shape_cast %swap3A_216 : vector<1x16xf32> to vector<16xf32>
        %swap3A_218 = vector.shape_cast %mul3A_213 : vector<16xf32> to vector<1x16xf32>
        tpu.vector_store %arg17[%swap3A_214, %swap3A_215], %swap3A_218 {strides = array<i32>} : memref<80x16xf32, #tpu.memory_space<vmem>>, vector<1x16xf32>,
        %mul3A_219 = arith.constant 16 : i32
        %mul3A_220 = arith.muli %scan3A_102, %mul3A_219 : i32
        %add3A_221 = arith.constant 6 : i32
        %add3A_222 = arith.addi %mul3A_220, %add3A_221 : i32
        %get3A_223 = arith.index_cast %add3A_222 : i32 to index
        %get3A_224 = arith.constant 0 : index
        %get3A_225 = tpu.vector_load %arg17[%get3A_223, %get3A_224] {strides = array<i32>} : memref<80x16xf32, #tpu.memory_space<vmem>>, vector<1x16xf32>,
        %get3A_226 = vector.shape_cast %get3A_225 : vector<1x16xf32> to vector<16xf32>
        %slice3A_227 = vector.extract_strided_slice %get3A_118 {offsets = [6], sizes = [1], strides = [1]} : vector<16xf32> to vector<1xf32>
        %squeeze3A_228 = vector.extract %slice3A_227[0] : f32 from vector<1xf32>
        %mul3A_229 = vector.broadcast %squeeze3A_228 : f32 to vector<16xf32>
        %mul3A_230 = arith.mulf %get3A_226, %mul3A_229 : vector<16xf32>
        %swap3A_231 = arith.index_cast %add3A_222 : i32 to index
        %swap3A_232 = arith.constant 0 : index
        %swap3A_233 = tpu.vector_load %arg17[%swap3A_231, %swap3A_232] {strides = array<i32>} : memref<80x16xf32, #tpu.memory_space<vmem>>, vector<1x16xf32>,
        %swap3A_234 = vector.shape_cast %swap3A_233 : vector<1x16xf32> to vector<16xf32>
        %swap3A_235 = vector.shape_cast %mul3A_230 : vector<16xf32> to vector<1x16xf32>
        tpu.vector_store %arg17[%swap3A_231, %swap3A_232], %swap3A_235 {strides = array<i32>} : memref<80x16xf32, #tpu.memory_space<vmem>>, vector<1x16xf32>,
        %mul3A_236 = arith.constant 16 : i32
        %mul3A_237 = arith.muli %scan3A_102, %mul3A_236 : i32
        %add3A_238 = arith.constant 7 : i32
        %add3A_239 = arith.addi %mul3A_237, %add3A_238 : i32
        %get3A_240 = arith.index_cast %add3A_239 : i32 to index
        %get3A_241 = arith.constant 0 : index
        %get3A_242 = tpu.vector_load %arg17[%get3A_240, %get3A_241] {strides = array<i32>} : memref<80x16xf32, #tpu.memory_space<vmem>>, vector<1x16xf32>,
        %get3A_243 = vector.shape_cast %get3A_242 : vector<1x16xf32> to vector<16xf32>
        %slice3A_244 = vector.extract_strided_slice %get3A_118 {offsets = [7], sizes = [1], strides = [1]} : vector<16xf32> to vector<1xf32>
        %squeeze3A_245 = vector.extract %slice3A_244[0] : f32 from vector<1xf32>
        %mul3A_246 = vector.broadcast %squeeze3A_245 : f32 to vector<16xf32>
        %mul3A_247 = arith.mulf %get3A_243, %mul3A_246 : vector<16xf32>
        %swap3A_248 = arith.index_cast %add3A_239 : i32 to index
        %swap3A_249 = arith.constant 0 : index
        %swap3A_250 = tpu.vector_load %arg17[%swap3A_248, %swap3A_249] {strides = array<i32>} : memref<80x16xf32, #tpu.memory_space<vmem>>, vector<1x16xf32>,
        %swap3A_251 = vector.shape_cast %swap3A_250 : vector<1x16xf32> to vector<16xf32>
        %swap3A_252 = vector.shape_cast %mul3A_247 : vector<16xf32> to vector<1x16xf32>
        tpu.vector_store %arg17[%swap3A_248, %swap3A_249], %swap3A_252 {strides = array<i32>} : memref<80x16xf32, #tpu.memory_space<vmem>>, vector<1x16xf32>,
        %mul3A_253 = arith.constant 16 : i32
        %mul3A_254 = arith.muli %scan3A_102, %mul3A_253 : i32
        %add3A_255 = arith.constant 8 : i32
        %add3A_256 = arith.addi %mul3A_254, %add3A_255 : i32
        %get3A_257 = arith.index_cast %add3A_256 : i32 to index
        %get3A_258 = arith.constant 0 : index
        %get3A_259 = tpu.vector_load %arg17[%get3A_257, %get3A_258] {strides = array<i32>} : memref<80x16xf32, #tpu.memory_space<vmem>>, vector<1x16xf32>,
        %get3A_260 = vector.shape_cast %get3A_259 : vector<1x16xf32> to vector<16xf32>
        %slice3A_261 = vector.extract_strided_slice %get3A_118 {offsets = [8], sizes = [1], strides = [1]} : vector<16xf32> to vector<1xf32>
        %squeeze3A_262 = vector.extract %slice3A_261[0] : f32 from vector<1xf32>
        %mul3A_263 = vector.broadcast %squeeze3A_262 : f32 to vector<16xf32>
        %mul3A_264 = arith.mulf %get3A_260, %mul3A_263 : vector<16xf32>
        %swap3A_265 = arith.index_cast %add3A_256 : i32 to index
        %swap3A_266 = arith.constant 0 : index
        %swap3A_267 = tpu.vector_load %arg17[%swap3A_265, %swap3A_266] {strides = array<i32>} : memref<80x16xf32, #tpu.memory_space<vmem>>, vector<1x16xf32>,
        %swap3A_268 = vector.shape_cast %swap3A_267 : vector<1x16xf32> to vector<16xf32>
        %swap3A_269 = vector.shape_cast %mul3A_264 : vector<16xf32> to vector<1x16xf32>
        tpu.vector_store %arg17[%swap3A_265, %swap3A_266], %swap3A_269 {strides = array<i32>} : memref<80x16xf32, #tpu.memory_space<vmem>>, vector<1x16xf32>,
        %mul3A_270 = arith.constant 16 : i32
        %mul3A_271 = arith.muli %scan3A_102, %mul3A_270 : i32
        %add3A_272 = arith.constant 9 : i32
        %add3A_273 = arith.addi %mul3A_271, %add3A_272 : i32
        %get3A_274 = arith.index_cast %add3A_273 : i32 to index
        %get3A_275 = arith.constant 0 : index
        %get3A_276 = tpu.vector_load %arg17[%get3A_274, %get3A_275] {strides = array<i32>} : memref<80x16xf32, #tpu.memory_space<vmem>>, vector<1x16xf32>,
        %get3A_277 = vector.shape_cast %get3A_276 : vector<1x16xf32> to vector<16xf32>
        %slice3A_278 = vector.extract_strided_slice %get3A_118 {offsets = [9], sizes = [1], strides = [1]} : vector<16xf32> to vector<1xf32>
        %squeeze3A_279 = vector.extract %slice3A_278[0] : f32 from vector<1xf32>
        %mul3A_280 = vector.broadcast %squeeze3A_279 : f32 to vector<16xf32>
        %mul3A_281 = arith.mulf %get3A_277, %mul3A_280 : vector<16xf32>
        %swap3A_282 = arith.index_cast %add3A_273 : i32 to index
        %swap3A_283 = arith.constant 0 : index
        %swap3A_284 = tpu.vector_load %arg17[%swap3A_282, %swap3A_283] {strides = array<i32>} : memref<80x16xf32, #tpu.memory_space<vmem>>, vector<1x16xf32>,
        %swap3A_285 = vector.shape_cast %swap3A_284 : vector<1x16xf32> to vector<16xf32>
        %swap3A_286 = vector.shape_cast %mul3A_281 : vector<16xf32> to vector<1x16xf32>
        tpu.vector_store %arg17[%swap3A_282, %swap3A_283], %swap3A_286 {strides = array<i32>} : memref<80x16xf32, #tpu.memory_space<vmem>>, vector<1x16xf32>,
        %mul3A_287 = arith.constant 16 : i32
        %mul3A_288 = arith.muli %scan3A_102, %mul3A_287 : i32
        %add3A_289 = arith.constant 10 : i32
        %add3A_290 = arith.addi %mul3A_288, %add3A_289 : i32
        %get3A_291 = arith.index_cast %add3A_290 : i32 to index
        %get3A_292 = arith.constant 0 : index
        %get3A_293 = tpu.vector_load %arg17[%get3A_291, %get3A_292] {strides = array<i32>} : memref<80x16xf32, #tpu.memory_space<vmem>>, vector<1x16xf32>,
        %get3A_294 = vector.shape_cast %get3A_293 : vector<1x16xf32> to vector<16xf32>
        %slice3A_295 = vector.extract_strided_slice %get3A_118 {offsets = [10], sizes = [1], strides = [1]} : vector<16xf32> to vector<1xf32>
        %squeeze3A_296 = vector.extract %slice3A_295[0] : f32 from vector<1xf32>
        %mul3A_297 = vector.broadcast %squeeze3A_296 : f32 to vector<16xf32>
        %mul3A_298 = arith.mulf %get3A_294, %mul3A_297 : vector<16xf32>
        %swap3A_299 = arith.index_cast %add3A_290 : i32 to index
        %swap3A_300 = arith.constant 0 : index
        %swap3A_301 = tpu.vector_load %arg17[%swap3A_299, %swap3A_300] {strides = array<i32>} : memref<80x16xf32, #tpu.memory_space<vmem>>, vector<1x16xf32>,
        %swap3A_302 = vector.shape_cast %swap3A_301 : vector<1x16xf32> to vector<16xf32>
        %swap3A_303 = vector.shape_cast %mul3A_298 : vector<16xf32> to vector<1x16xf32>
        tpu.vector_store %arg17[%swap3A_299, %swap3A_300], %swap3A_303 {strides = array<i32>} : memref<80x16xf32, #tpu.memory_space<vmem>>, vector<1x16xf32>,
        %mul3A_304 = arith.constant 16 : i32
        %mul3A_305 = arith.muli %scan3A_102, %mul3A_304 : i32
        %add3A_306 = arith.constant 11 : i32
        %add3A_307 = arith.addi %mul3A_305, %add3A_306 : i32
        %get3A_308 = arith.index_cast %add3A_307 : i32 to index
        %get3A_309 = arith.constant 0 : index
        %get3A_310 = tpu.vector_load %arg17[%get3A_308, %get3A_309] {strides = array<i32>} : memref<80x16xf32, #tpu.memory_space<vmem>>, vector<1x16xf32>,
        %get3A_311 = vector.shape_cast %get3A_310 : vector<1x16xf32> to vector<16xf32>
        %slice3A_312 = vector.extract_strided_slice %get3A_118 {offsets = [11], sizes = [1], strides = [1]} : vector<16xf32> to vector<1xf32>
        %squeeze3A_313 = vector.extract %slice3A_312[0] : f32 from vector<1xf32>
        %mul3A_314 = vector.broadcast %squeeze3A_313 : f32 to vector<16xf32>
        %mul3A_315 = arith.mulf %get3A_311, %mul3A_314 : vector<16xf32>
        %swap3A_316 = arith.index_cast %add3A_307 : i32 to index
        %swap3A_317 = arith.constant 0 : index
        %swap3A_318 = tpu.vector_load %arg17[%swap3A_316, %swap3A_317] {strides = array<i32>} : memref<80x16xf32, #tpu.memory_space<vmem>>, vector<1x16xf32>,
        %swap3A_319 = vector.shape_cast %swap3A_318 : vector<1x16xf32> to vector<16xf32>
        %swap3A_320 = vector.shape_cast %mul3A_315 : vector<16xf32> to vector<1x16xf32>
        tpu.vector_store %arg17[%swap3A_316, %swap3A_317], %swap3A_320 {strides = array<i32>} : memref<80x16xf32, #tpu.memory_space<vmem>>, vector<1x16xf32>,
        %mul3A_321 = arith.constant 16 : i32
        %mul3A_322 = arith.muli %scan3A_102, %mul3A_321 : i32
        %add3A_323 = arith.constant 12 : i32
        %add3A_324 = arith.addi %mul3A_322, %add3A_323 : i32
        %get3A_325 = arith.index_cast %add3A_324 : i32 to index
        %get3A_326 = arith.constant 0 : index
        %get3A_327 = tpu.vector_load %arg17[%get3A_325, %get3A_326] {strides = array<i32>} : memref<80x16xf32, #tpu.memory_space<vmem>>, vector<1x16xf32>,
        %get3A_328 = vector.shape_cast %get3A_327 : vector<1x16xf32> to vector<16xf32>
        %slice3A_329 = vector.extract_strided_slice %get3A_118 {offsets = [12], sizes = [1], strides = [1]} : vector<16xf32> to vector<1xf32>
        %squeeze3A_330 = vector.extract %slice3A_329[0] : f32 from vector<1xf32>
        %mul3A_331 = vector.broadcast %squeeze3A_330 : f32 to vector<16xf32>
        %mul3A_332 = arith.mulf %get3A_328, %mul3A_331 : vector<16xf32>
        %swap3A_333 = arith.index_cast %add3A_324 : i32 to index
        %swap3A_334 = arith.constant 0 : index
        %swap3A_335 = tpu.vector_load %arg17[%swap3A_333, %swap3A_334] {strides = array<i32>} : memref<80x16xf32, #tpu.memory_space<vmem>>, vector<1x16xf32>,
        %swap3A_336 = vector.shape_cast %swap3A_335 : vector<1x16xf32> to vector<16xf32>
        %swap3A_337 = vector.shape_cast %mul3A_332 : vector<16xf32> to vector<1x16xf32>
        tpu.vector_store %arg17[%swap3A_333, %swap3A_334], %swap3A_337 {strides = array<i32>} : memref<80x16xf32, #tpu.memory_space<vmem>>, vector<1x16xf32>,
        %mul3A_338 = arith.constant 16 : i32
        %mul3A_339 = arith.muli %scan3A_102, %mul3A_338 : i32
        %add3A_340 = arith.constant 13 : i32
        %add3A_341 = arith.addi %mul3A_339, %add3A_340 : i32
        %get3A_342 = arith.index_cast %add3A_341 : i32 to index
        %get3A_343 = arith.constant 0 : index
        %get3A_344 = tpu.vector_load %arg17[%get3A_342, %get3A_343] {strides = array<i32>} : memref<80x16xf32, #tpu.memory_space<vmem>>, vector<1x16xf32>,
        %get3A_345 = vector.shape_cast %get3A_344 : vector<1x16xf32> to vector<16xf32>
        %slice3A_346 = vector.extract_strided_slice %get3A_118 {offsets = [13], sizes = [1], strides = [1]} : vector<16xf32> to vector<1xf32>
        %squeeze3A_347 = vector.extract %slice3A_346[0] : f32 from vector<1xf32>
        %mul3A_348 = vector.broadcast %squeeze3A_347 : f32 to vector<16xf32>
        %mul3A_349 = arith.mulf %get3A_345, %mul3A_348 : vector<16xf32>
        %swap3A_350 = arith.index_cast %add3A_341 : i32 to index
        %swap3A_351 = arith.constant 0 : index
        %swap3A_352 = tpu.vector_load %arg17[%swap3A_350, %swap3A_351] {strides = array<i32>} : memref<80x16xf32, #tpu.memory_space<vmem>>, vector<1x16xf32>,
        %swap3A_353 = vector.shape_cast %swap3A_352 : vector<1x16xf32> to vector<16xf32>
        %swap3A_354 = vector.shape_cast %mul3A_349 : vector<16xf32> to vector<1x16xf32>
        tpu.vector_store %arg17[%swap3A_350, %swap3A_351], %swap3A_354 {strides = array<i32>} : memref<80x16xf32, #tpu.memory_space<vmem>>, vector<1x16xf32>,
        %mul3A_355 = arith.constant 16 : i32
        %mul3A_356 = arith.muli %scan3A_102, %mul3A_355 : i32
        %add3A_357 = arith.constant 14 : i32
        %add3A_358 = arith.addi %mul3A_356, %add3A_357 : i32
        %get3A_359 = arith.index_cast %add3A_358 : i32 to index
        %get3A_360 = arith.constant 0 : index
        %get3A_361 = tpu.vector_load %arg17[%get3A_359, %get3A_360] {strides = array<i32>} : memref<80x16xf32, #tpu.memory_space<vmem>>, vector<1x16xf32>,
        %get3A_362 = vector.shape_cast %get3A_361 : vector<1x16xf32> to vector<16xf32>
        %slice3A_363 = vector.extract_strided_slice %get3A_118 {offsets = [14], sizes = [1], strides = [1]} : vector<16xf32> to vector<1xf32>
        %squeeze3A_364 = vector.extract %slice3A_363[0] : f32 from vector<1xf32>
        %mul3A_365 = vector.broadcast %squeeze3A_364 : f32 to vector<16xf32>
        %mul3A_366 = arith.mulf %get3A_362, %mul3A_365 : vector<16xf32>
        %swap3A_367 = arith.index_cast %add3A_358 : i32 to index
        %swap3A_368 = arith.constant 0 : index
        %swap3A_369 = tpu.vector_load %arg17[%swap3A_367, %swap3A_368] {strides = array<i32>} : memref<80x16xf32, #tpu.memory_space<vmem>>, vector<1x16xf32>,
        %swap3A_370 = vector.shape_cast %swap3A_369 : vector<1x16xf32> to vector<16xf32>
        %swap3A_371 = vector.shape_cast %mul3A_366 : vector<16xf32> to vector<1x16xf32>
        tpu.vector_store %arg17[%swap3A_367, %swap3A_368], %swap3A_371 {strides = array<i32>} : memref<80x16xf32, #tpu.memory_space<vmem>>, vector<1x16xf32>,
        %mul3A_372 = arith.constant 16 : i32
        %mul3A_373 = arith.muli %scan3A_102, %mul3A_372 : i32
        %add3A_374 = arith.constant 15 : i32
        %add3A_375 = arith.addi %mul3A_373, %add3A_374 : i32
        %get3A_376 = arith.index_cast %add3A_375 : i32 to index
        %get3A_377 = arith.constant 0 : index
        %get3A_378 = tpu.vector_load %arg17[%get3A_376, %get3A_377] {strides = array<i32>} : memref<80x16xf32, #tpu.memory_space<vmem>>, vector<1x16xf32>,
        %get3A_379 = vector.shape_cast %get3A_378 : vector<1x16xf32> to vector<16xf32>
        %slice3A_380 = vector.extract_strided_slice %get3A_118 {offsets = [15], sizes = [1], strides = [1]} : vector<16xf32> to vector<1xf32>
        %squeeze3A_381 = vector.extract %slice3A_380[0] : f32 from vector<1xf32>
        %mul3A_382 = vector.broadcast %squeeze3A_381 : f32 to vector<16xf32>
        %mul3A_383 = arith.mulf %get3A_379, %mul3A_382 : vector<16xf32>
        %swap3A_384 = arith.index_cast %add3A_375 : i32 to index
        %swap3A_385 = arith.constant 0 : index
        %swap3A_386 = tpu.vector_load %arg17[%swap3A_384, %swap3A_385] {strides = array<i32>} : memref<80x16xf32, #tpu.memory_space<vmem>>, vector<1x16xf32>,
        %swap3A_387 = vector.shape_cast %swap3A_386 : vector<1x16xf32> to vector<16xf32>
        %swap3A_388 = vector.shape_cast %mul3A_383 : vector<16xf32> to vector<1x16xf32>
        tpu.vector_store %arg17[%swap3A_384, %swap3A_385], %swap3A_388 {strides = array<i32>} : memref<80x16xf32, #tpu.memory_space<vmem>>, vector<1x16xf32>,
        %scan3A_389 = arith.constant 0 : i32
        scf.yield %scan3A_389 : i32
      }
      %scan3A_100 = arith.constant 5 : i32
      "tpu.region"() ({
        %run_scoped3A = tpu.sem_alloc : memref<!tpu.dma_semaphore, #tpu.memory_space<semaphore_mem>>
        %dma_start3A_102 = arith.constant 0 : i32
        %dma_start3A_103 = arith.constant 0 : i32
        %dma_start3A_104 = tpu.memref_slice %arg19[%dma_start3A_102, %dma_start3A_103] : memref<50176x16xf32, #tpu.memory_space<vmem_shared>> -> memref<50176x16xf32, #tpu.memory_space<vmem_shared>>
        tpu.enqueue_indirect_dma source(%arg17 : memref<80x16xf32, #tpu.memory_space<vmem>>) target(%dma_start3A_104 : memref<50176x16xf32, #tpu.memory_space<vmem_shared>>) offsets(%arg15 : memref<80xi32, #tpu.memory_space<vmem>>) semaphore(%run_scoped3A : memref<!tpu.dma_semaphore, #tpu.memory_space<semaphore_mem>>) {add = true}
        %dma_wait3A_105 = arith.constant 0 : i32
        %dma_wait3A_106 = arith.constant 0 : i32
        %dma_wait3A_107 = tpu.memref_slice %arg19[%dma_wait3A_105, %dma_wait3A_106] : memref<50176x16xf32, #tpu.memory_space<vmem_shared>> -> memref<50176x16xf32, #tpu.memory_space<vmem_shared>>
        tpu.wait_indirect_dma semaphore(%run_scoped3A : memref<!tpu.dma_semaphore, #tpu.memory_space<semaphore_mem>>) src(%arg17 : memref<80x16xf32, #tpu.memory_space<vmem>>) dst(%dma_wait3A_107 : memref<50176x16xf32, #tpu.memory_space<vmem_shared>>)
        tpu.yield
      }) : () -> ()
      %scan3A_101 = arith.constant 0 : i32
      scf.yield %scan3A_101 : i32
    }
    %scan3A_38 = arith.constant 1250 : i32
    %barrier3A_39 = arith.constant 0 : index
    tpu.barrier barrier_id(%barrier3A_39)
    %mul3A_40 = arith.constant 3128 : i32
    %mul3A_41 = arith.muli %arg1, %mul3A_40 : i32
    "tpu.region"() ({
      %run_scoped3A = tpu.sem_alloc : memref<!tpu.dma_semaphore, #tpu.memory_space<semaphore_mem>>
      %dma_start3A = arith.constant 0 : i32
      %dma_start3A_87 = arith.constant 0 : i32
      %dma_start3A_88 = tpu.memref_slice %arg18[%dma_start3A, %dma_start3A_87] : memref<3136x16xf32, #tpu.memory_space<vmem>> -> memref<3128x16xf32, #tpu.memory_space<vmem>>
      %dma_start3A_89 = arith.constant 0 : i32
      %dma_start3A_90 = tpu.memref_slice %arg19[%mul3A_41, %dma_start3A_89] : memref<50176x16xf32, #tpu.memory_space<vmem_shared>> -> memref<3128x16xf32, #tpu.memory_space<vmem_shared>>
      %dma_start3A_91 = arith.constant 0 : i32
      %dma_start3A_92 = arith.constant 0 : i32
      %dma_start3A_93 = tpu.memref_slice %arg18[%dma_start3A_91, %dma_start3A_92] : memref<3136x16xf32, #tpu.memory_space<vmem>> -> memref<3128x16xf32, #tpu.memory_space<vmem>>
      %dma_start3A_94 = arith.constant 0 : i32
      %dma_start3A_95 = tpu.memref_slice %arg19[%mul3A_41, %dma_start3A_94] : memref<50176x16xf32, #tpu.memory_space<vmem_shared>> -> memref<3128x16xf32, #tpu.memory_space<vmem_shared>>
      tpu.enqueue_dma source(%dma_start3A_95 : memref<3128x16xf32, #tpu.memory_space<vmem_shared>>) target(%dma_start3A_93 : memref<3128x16xf32, #tpu.memory_space<vmem>>) target_semaphore(%run_scoped3A : memref<!tpu.dma_semaphore, #tpu.memory_space<semaphore_mem>>)
      %dma_wait3A = arith.constant 0 : i32
      %dma_wait3A_96 = arith.constant 0 : i32
      %dma_wait3A_97 = tpu.memref_slice %arg18[%dma_wait3A, %dma_wait3A_96] : memref<3136x16xf32, #tpu.memory_space<vmem>> -> memref<3128x16xf32, #tpu.memory_space<vmem>>
      %dma_wait3A_98 = arith.constant 0 : i32
      %dma_wait3A_99 = tpu.memref_slice %arg19[%mul3A_41, %dma_wait3A_98] : memref<50176x16xf32, #tpu.memory_space<vmem_shared>> -> memref<3128x16xf32, #tpu.memory_space<vmem_shared>>
      %dma_wait3A_100 = arith.constant 0 : i32
      %dma_wait3A_101 = arith.constant 0 : i32
      %dma_wait3A_102 = tpu.memref_slice %arg18[%dma_wait3A_100, %dma_wait3A_101] : memref<3136x16xf32, #tpu.memory_space<vmem>> -> memref<3128x16xf32, #tpu.memory_space<vmem>>
      %dma_wait3A_103 = arith.constant 0 : i32
      %dma_wait3A_104 = tpu.memref_slice %arg19[%mul3A_41, %dma_wait3A_103] : memref<50176x16xf32, #tpu.memory_space<vmem_shared>> -> memref<3128x16xf32, #tpu.memory_space<vmem_shared>>
      tpu.wait_dma2 semaphore(%run_scoped3A : memref<!tpu.dma_semaphore, #tpu.memory_space<semaphore_mem>>) src(%dma_wait3A_104 : memref<3128x16xf32, #tpu.memory_space<vmem_shared>>) dst(%dma_wait3A_102 : memref<3128x16xf32, #tpu.memory_space<vmem>>)
      tpu.yield
    }) : () -> ()
    %add3A_42 = arith.addi %mul3A_0, %mul3A_41 : i32
    "tpu.region"() ({
      %run_scoped3A = tpu.sem_alloc : memref<!tpu.dma_semaphore, #tpu.memory_space<semaphore_mem>>
      %dma_start3A = arith.constant 0 : i32
      %dma_start3A_87 = arith.constant 0 : i32
      %dma_start3A_88 = tpu.memref_slice %arg18[%dma_start3A, %dma_start3A_87] : memref<3136x16xf32, #tpu.memory_space<vmem>> -> memref<3128x16xf32, #tpu.memory_space<vmem>>
      %dma_start3A_89 = arith.constant 0 : i32
      %dma_start3A_90 = tpu.memref_slice %arg10[%add3A_42, %dma_start3A_89] : memref<100096x16xf32, #tpu.memory_space<hbm>> -> memref<3128x16xf32, #tpu.memory_space<hbm>>
      %dma_start3A_91 = arith.constant 0 : i32
      %dma_start3A_92 = tpu.memref_slice %arg10[%add3A_42, %dma_start3A_91] : memref<100096x16xf32, #tpu.memory_space<hbm>> -> memref<3128x16xf32, #tpu.memory_space<hbm>>
      %dma_start3A_93 = arith.constant 0 : i32
      %dma_start3A_94 = arith.constant 0 : i32
      %dma_start3A_95 = tpu.memref_slice %arg18[%dma_start3A_93, %dma_start3A_94] : memref<3136x16xf32, #tpu.memory_space<vmem>> -> memref<3128x16xf32, #tpu.memory_space<vmem>>
      tpu.enqueue_dma source(%dma_start3A_95 : memref<3128x16xf32, #tpu.memory_space<vmem>>) target(%dma_start3A_92 : memref<3128x16xf32, #tpu.memory_space<hbm>>) target_semaphore(%run_scoped3A : memref<!tpu.dma_semaphore, #tpu.memory_space<semaphore_mem>>)
      %dma_wait3A = arith.constant 0 : i32
      %dma_wait3A_96 = arith.constant 0 : i32
      %dma_wait3A_97 = tpu.memref_slice %arg18[%dma_wait3A, %dma_wait3A_96] : memref<3136x16xf32, #tpu.memory_space<vmem>> -> memref<3128x16xf32, #tpu.memory_space<vmem>>
      %dma_wait3A_98 = arith.constant 0 : i32
      %dma_wait3A_99 = tpu.memref_slice %arg10[%add3A_42, %dma_wait3A_98] : memref<100096x16xf32, #tpu.memory_space<hbm>> -> memref<3128x16xf32, #tpu.memory_space<hbm>>
      %dma_wait3A_100 = arith.constant 0 : i32
      %dma_wait3A_101 = tpu.memref_slice %arg10[%add3A_42, %dma_wait3A_100] : memref<100096x16xf32, #tpu.memory_space<hbm>> -> memref<3128x16xf32, #tpu.memory_space<hbm>>
      %dma_wait3A_102 = arith.constant 0 : i32
      %dma_wait3A_103 = arith.constant 0 : i32
      %dma_wait3A_104 = tpu.memref_slice %arg18[%dma_wait3A_102, %dma_wait3A_103] : memref<3136x16xf32, #tpu.memory_space<vmem>> -> memref<3128x16xf32, #tpu.memory_space<vmem>>
      tpu.wait_dma2 semaphore(%run_scoped3A : memref<!tpu.dma_semaphore, #tpu.memory_space<semaphore_mem>>) src(%dma_wait3A_104 : memref<3128x16xf32, #tpu.memory_space<vmem>>) dst(%dma_wait3A_101 : memref<3128x16xf32, #tpu.memory_space<hbm>>)
      tpu.yield
    }) : () -> ()
    %scan3A_43 = arith.constant 0 : i32
    %scan3A_44 = arith.constant 0 : i32
    %scan3A_45 = arith.constant 3128 : i32
    %scan3A_46 = arith.addi %scan3A_44, %scan3A_45 : i32
    %scan3A_47 = arith.constant 1 : i32
    %scan3A_48 = scf.for %scan3A_87 = %scan3A_44 to %scan3A_46 step %scan3A_47 iter_args(%scan3A_88 = %scan3A_43) -> (i32)  : i32 {
      %broadcast_in_dim3A = arith.constant 0.000000e+00 : f32
      %broadcast_in_dim3A_89 = vector.broadcast %broadcast_in_dim3A : f32 to vector<16xf32>
      %swap3A = arith.index_cast %scan3A_87 : i32 to index
      %swap3A_90 = arith.constant 0 : index
      %swap3A_91 = tpu.vector_load %arg18[%swap3A, %swap3A_90] {strides = array<i32>} : memref<3136x16xf32, #tpu.memory_space<vmem>>, vector<1x16xf32>,
      %swap3A_92 = vector.shape_cast %swap3A_91 : vector<1x16xf32> to vector<16xf32>
      %swap3A_93 = vector.shape_cast %broadcast_in_dim3A_89 : vector<16xf32> to vector<1x16xf32>
      tpu.vector_store %arg18[%swap3A, %swap3A_90], %swap3A_93 {strides = array<i32>} : memref<3136x16xf32, #tpu.memory_space<vmem>>, vector<1x16xf32>,
      %scan3A_94 = arith.constant 0 : i32
      scf.yield %scan3A_94 : i32
    }
    %scan3A_49 = arith.constant 3128 : i32
    %barrier3A_50 = arith.constant 0 : index
    tpu.barrier barrier_id(%barrier3A_50)
    %mul3A_51 = arith.constant 3136 : i32
    %mul3A_52 = arith.muli %arg1, %mul3A_51 : i32
    "tpu.region"() ({
      %run_scoped3A = tpu.sem_alloc : memref<!tpu.dma_semaphore, #tpu.memory_space<semaphore_mem>>
      %dma_start3A = arith.constant 0 : i32
      %dma_start3A_87 = tpu.memref_slice %arg19[%mul3A_52, %dma_start3A] : memref<50176x16xf32, #tpu.memory_space<vmem_shared>> -> memref<3136x16xf32, #tpu.memory_space<vmem_shared>>
      %dma_start3A_88 = arith.constant 0 : i32
      %dma_start3A_89 = tpu.memref_slice %arg19[%mul3A_52, %dma_start3A_88] : memref<50176x16xf32, #tpu.memory_space<vmem_shared>> -> memref<3136x16xf32, #tpu.memory_space<vmem_shared>>
      tpu.enqueue_dma source(%arg18 : memref<3136x16xf32, #tpu.memory_space<vmem>>) target(%dma_start3A_89 : memref<3136x16xf32, #tpu.memory_space<vmem_shared>>) target_semaphore(%run_scoped3A : memref<!tpu.dma_semaphore, #tpu.memory_space<semaphore_mem>>)
      %dma_wait3A = arith.constant 0 : i32
      %dma_wait3A_90 = tpu.memref_slice %arg19[%mul3A_52, %dma_wait3A] : memref<50176x16xf32, #tpu.memory_space<vmem_shared>> -> memref<3136x16xf32, #tpu.memory_space<vmem_shared>>
      %dma_wait3A_91 = arith.constant 0 : i32
      %dma_wait3A_92 = tpu.memref_slice %arg19[%mul3A_52, %dma_wait3A_91] : memref<50176x16xf32, #tpu.memory_space<vmem_shared>> -> memref<3136x16xf32, #tpu.memory_space<vmem_shared>>
      tpu.wait_dma2 semaphore(%run_scoped3A : memref<!tpu.dma_semaphore, #tpu.memory_space<semaphore_mem>>) src(%arg18 : memref<3136x16xf32, #tpu.memory_space<vmem>>) dst(%dma_wait3A_92 : memref<3136x16xf32, #tpu.memory_space<vmem_shared>>)
      tpu.yield
    }) : () -> ()
    %barrier3A_53 = arith.constant 0 : index
    tpu.barrier barrier_id(%barrier3A_53)
    %scan3A_54 = arith.constant 0 : i32
    %scan3A_55 = arith.constant 0 : i32
    %scan3A_56 = arith.constant 1250 : i32
    %scan3A_57 = arith.addi %scan3A_55, %scan3A_56 : i32
    %scan3A_58 = arith.constant 1 : i32
    %scan3A_59 = scf.for %scan3A_87 = %scan3A_55 to %scan3A_57 step %scan3A_58 iter_args(%scan3A_88 = %scan3A_54) -> (i32)  : i32 {
      %add3A_89 = arith.addi %mul3A_2, %scan3A_87 : i32
      "tpu.region"() ({
        %run_scoped3A = tpu.sem_alloc : memref<!tpu.dma_semaphore, #tpu.memory_space<semaphore_mem>>
        %dma_start3A_102 = arith.constant 0 : i32
        %dma_start3A_103 = tpu.memref_slice %arg6[%add3A_89, %dma_start3A_102] : memref<20000x80xi32, #tpu.memory_space<hbm>> -> memref<1x80xi32, #tpu.memory_space<hbm>>
        %dma_start3A_104 = tpu.memref_squeeze %dma_start3A_103 : memref<1x80xi32, #tpu.memory_space<hbm>> -> memref<80xi32, #tpu.memory_space<hbm>>
        %dma_start3A_105 = arith.constant 0 : i32
        %dma_start3A_106 = tpu.memref_slice %arg6[%add3A_89, %dma_start3A_105] : memref<20000x80xi32, #tpu.memory_space<hbm>> -> memref<1x80xi32, #tpu.memory_space<hbm>>
        %dma_start3A_107 = tpu.memref_squeeze %dma_start3A_106 : memref<1x80xi32, #tpu.memory_space<hbm>> -> memref<80xi32, #tpu.memory_space<hbm>>
        tpu.enqueue_dma source(%dma_start3A_107 : memref<80xi32, #tpu.memory_space<hbm>>) target(%arg13 : memref<80xi32, #tpu.memory_space<vmem>>) target_semaphore(%run_scoped3A : memref<!tpu.dma_semaphore, #tpu.memory_space<semaphore_mem>>)
        %dma_wait3A_108 = arith.constant 0 : i32
        %dma_wait3A_109 = tpu.memref_slice %arg6[%add3A_89, %dma_wait3A_108] : memref<20000x80xi32, #tpu.memory_space<hbm>> -> memref<1x80xi32, #tpu.memory_space<hbm>>
        %dma_wait3A_110 = tpu.memref_squeeze %dma_wait3A_109 : memref<1x80xi32, #tpu.memory_space<hbm>> -> memref<80xi32, #tpu.memory_space<hbm>>
        %dma_wait3A_111 = arith.constant 0 : i32
        %dma_wait3A_112 = tpu.memref_slice %arg6[%add3A_89, %dma_wait3A_111] : memref<20000x80xi32, #tpu.memory_space<hbm>> -> memref<1x80xi32, #tpu.memory_space<hbm>>
        %dma_wait3A_113 = tpu.memref_squeeze %dma_wait3A_112 : memref<1x80xi32, #tpu.memory_space<hbm>> -> memref<80xi32, #tpu.memory_space<hbm>>
        tpu.wait_dma2 semaphore(%run_scoped3A : memref<!tpu.dma_semaphore, #tpu.memory_space<semaphore_mem>>) src(%dma_wait3A_113 : memref<80xi32, #tpu.memory_space<hbm>>) dst(%arg13 : memref<80xi32, #tpu.memory_space<vmem>>)
        tpu.yield
      }) : () -> ()
      "tpu.region"() ({
        %run_scoped3A = tpu.sem_alloc : memref<!tpu.dma_semaphore, #tpu.memory_space<semaphore_mem>>
        %dma_start3A_102 = arith.constant 0 : i32
        %dma_start3A_103 = tpu.memref_slice %arg7[%add3A_89, %dma_start3A_102] : memref<20000x80xi32, #tpu.memory_space<hbm>> -> memref<1x80xi32, #tpu.memory_space<hbm>>
        %dma_start3A_104 = tpu.memref_squeeze %dma_start3A_103 : memref<1x80xi32, #tpu.memory_space<hbm>> -> memref<80xi32, #tpu.memory_space<hbm>>
        %dma_start3A_105 = arith.constant 0 : i32
        %dma_start3A_106 = tpu.memref_slice %arg7[%add3A_89, %dma_start3A_105] : memref<20000x80xi32, #tpu.memory_space<hbm>> -> memref<1x80xi32, #tpu.memory_space<hbm>>
        %dma_start3A_107 = tpu.memref_squeeze %dma_start3A_106 : memref<1x80xi32, #tpu.memory_space<hbm>> -> memref<80xi32, #tpu.memory_space<hbm>>
        tpu.enqueue_dma source(%dma_start3A_107 : memref<80xi32, #tpu.memory_space<hbm>>) target(%arg14 : memref<80xi32, #tpu.memory_space<vmem>>) target_semaphore(%run_scoped3A : memref<!tpu.dma_semaphore, #tpu.memory_space<semaphore_mem>>)
        %dma_wait3A_108 = arith.constant 0 : i32
        %dma_wait3A_109 = tpu.memref_slice %arg7[%add3A_89, %dma_wait3A_108] : memref<20000x80xi32, #tpu.memory_space<hbm>> -> memref<1x80xi32, #tpu.memory_space<hbm>>
        %dma_wait3A_110 = tpu.memref_squeeze %dma_wait3A_109 : memref<1x80xi32, #tpu.memory_space<hbm>> -> memref<80xi32, #tpu.memory_space<hbm>>
        %dma_wait3A_111 = arith.constant 0 : i32
        %dma_wait3A_112 = tpu.memref_slice %arg7[%add3A_89, %dma_wait3A_111] : memref<20000x80xi32, #tpu.memory_space<hbm>> -> memref<1x80xi32, #tpu.memory_space<hbm>>
        %dma_wait3A_113 = tpu.memref_squeeze %dma_wait3A_112 : memref<1x80xi32, #tpu.memory_space<hbm>> -> memref<80xi32, #tpu.memory_space<hbm>>
        tpu.wait_dma2 semaphore(%run_scoped3A : memref<!tpu.dma_semaphore, #tpu.memory_space<semaphore_mem>>) src(%dma_wait3A_113 : memref<80xi32, #tpu.memory_space<hbm>>) dst(%arg14 : memref<80xi32, #tpu.memory_space<vmem>>)
        tpu.yield
      }) : () -> ()
      "tpu.region"() ({
        %run_scoped3A = tpu.sem_alloc : memref<!tpu.dma_semaphore, #tpu.memory_space<semaphore_mem>>
        %dma_start3A_102 = arith.constant 0 : i32
        %dma_start3A_103 = tpu.memref_slice %arg8[%add3A_89, %dma_start3A_102] : memref<20000x80xf32, #tpu.memory_space<hbm>> -> memref<1x80xf32, #tpu.memory_space<hbm>>
        %dma_start3A_104 = tpu.memref_squeeze %dma_start3A_103 : memref<1x80xf32, #tpu.memory_space<hbm>> -> memref<80xf32, #tpu.memory_space<hbm>>
        %dma_start3A_105 = arith.constant 0 : i32
        %dma_start3A_106 = tpu.memref_slice %arg8[%add3A_89, %dma_start3A_105] : memref<20000x80xf32, #tpu.memory_space<hbm>> -> memref<1x80xf32, #tpu.memory_space<hbm>>
        %dma_start3A_107 = tpu.memref_squeeze %dma_start3A_106 : memref<1x80xf32, #tpu.memory_space<hbm>> -> memref<80xf32, #tpu.memory_space<hbm>>
        tpu.enqueue_dma source(%dma_start3A_107 : memref<80xf32, #tpu.memory_space<hbm>>) target(%arg16 : memref<80xf32, #tpu.memory_space<vmem>>) target_semaphore(%run_scoped3A : memref<!tpu.dma_semaphore, #tpu.memory_space<semaphore_mem>>)
        %dma_wait3A_108 = arith.constant 0 : i32
        %dma_wait3A_109 = tpu.memref_slice %arg8[%add3A_89, %dma_wait3A_108] : memref<20000x80xf32, #tpu.memory_space<hbm>> -> memref<1x80xf32, #tpu.memory_space<hbm>>
        %dma_wait3A_110 = tpu.memref_squeeze %dma_wait3A_109 : memref<1x80xf32, #tpu.memory_space<hbm>> -> memref<80xf32, #tpu.memory_space<hbm>>
        %dma_wait3A_111 = arith.constant 0 : i32
        %dma_wait3A_112 = tpu.memref_slice %arg8[%add3A_89, %dma_wait3A_111] : memref<20000x80xf32, #tpu.memory_space<hbm>> -> memref<1x80xf32, #tpu.memory_space<hbm>>
        %dma_wait3A_113 = tpu.memref_squeeze %dma_wait3A_112 : memref<1x80xf32, #tpu.memory_space<hbm>> -> memref<80xf32, #tpu.memory_space<hbm>>
        tpu.wait_dma2 semaphore(%run_scoped3A : memref<!tpu.dma_semaphore, #tpu.memory_space<semaphore_mem>>) src(%dma_wait3A_113 : memref<80xf32, #tpu.memory_space<hbm>>) dst(%arg16 : memref<80xf32, #tpu.memory_space<vmem>>)
        tpu.yield
      }) : () -> ()
      %dma_start3A = arith.constant 0 : i32
      %dma_start3A_90 = arith.constant 0 : i32
      %dma_start3A_91 = tpu.memref_slice %arg4[%dma_start3A, %dma_start3A_90] : memref<100000x16xf32, #tpu.memory_space<hbm>> -> memref<100000x16xf32, #tpu.memory_space<hbm>>
      tpu.enqueue_indirect_dma source(%dma_start3A_91 : memref<100000x16xf32, #tpu.memory_space<hbm>>) target(%arg17 : memref<80x16xf32, #tpu.memory_space<vmem>>) offsets(%arg13 : memref<80xi32, #tpu.memory_space<vmem>>) semaphore(%arg20 : memref<!tpu.dma_semaphore, #tpu.memory_space<semaphore_mem>>)
      %dma_wait3A = arith.constant 0 : i32
      %dma_wait3A_92 = arith.constant 0 : i32
      %dma_wait3A_93 = tpu.memref_slice %arg4[%dma_wait3A, %dma_wait3A_92] : memref<100000x16xf32, #tpu.memory_space<hbm>> -> memref<100000x16xf32, #tpu.memory_space<hbm>>
      tpu.wait_indirect_dma semaphore(%arg20 : memref<!tpu.dma_semaphore, #tpu.memory_space<semaphore_mem>>) src(%dma_wait3A_93 : memref<100000x16xf32, #tpu.memory_space<hbm>>) dst(%arg17 : memref<80x16xf32, #tpu.memory_space<vmem>>)
      %scan3A_94 = arith.constant 0 : i32
      %scan3A_95 = arith.constant 0 : i32
      %scan3A_96 = arith.constant 5 : i32
      %scan3A_97 = arith.addi %scan3A_95, %scan3A_96 : i32
      %scan3A_98 = arith.constant 1 : i32
      %scan3A_99 = scf.for %scan3A_102 = %scan3A_95 to %scan3A_97 step %scan3A_98 iter_args(%scan3A_103 = %scan3A_94) -> (i32)  : i32 {
        %mul3A_104 = arith.constant 16 : i32
        %mul3A_105 = arith.muli %scan3A_102, %mul3A_104 : i32
        %get3A = arith.index_cast %mul3A_105 : i32 to index
        %get3A_106 = tpu.vector_load %arg14[%get3A] {strides = array<i32>} : memref<80xi32, #tpu.memory_space<vmem>>, vector<16xi32>,
        %get3A_107 = vector.shape_cast %get3A_106 : vector<16xi32> to vector<16xi32>
        %sub3A = vector.broadcast %mul3A_0 : i32 to vector<16xi32>
        %sub3A_108 = arith.subi %get3A_107, %sub3A : vector<16xi32>
        %ge3A = arith.constant 0 : i32
        %ge3A_109 = vector.broadcast %ge3A : i32 to vector<16xi32>
        %ge3A_110 = arith.cmpi sge, %sub3A_108, %ge3A_109 : vector<16xi32>
        %lt3A = arith.constant 50048 : i32
        %lt3A_111 = vector.broadcast %lt3A : i32 to vector<16xi32>
        %lt3A_112 = arith.cmpi slt, %sub3A_108, %lt3A_111 : vector<16xi32>
        %and3A = arith.andi %ge3A_110, %lt3A_112 : vector<16xi1>
        %jit3A = arith.constant 50048 : i32
        %broadcast_in_dim3A = vector.broadcast %jit3A : i32 to vector<16xi32>
        %select_n3A = arith.select %and3A, %sub3A_108, %broadcast_in_dim3A : vector<16xi1>, vector<16xi32>
        %swap3A = arith.index_cast %mul3A_105 : i32 to index
        %swap3A_113 = tpu.vector_load %arg15[%swap3A] {strides = array<i32>} : memref<80xi32, #tpu.memory_space<vmem>>, vector<16xi32>,
        %swap3A_114 = vector.shape_cast %swap3A_113 : vector<16xi32> to vector<16xi32>
        %swap3A_115 = vector.shape_cast %select_n3A : vector<16xi32> to vector<16xi32>
        tpu.vector_store %arg15[%swap3A], %swap3A_115 {strides = array<i32>} : memref<80xi32, #tpu.memory_space<vmem>>, vector<16xi32>,
        %get3A_116 = arith.index_cast %mul3A_105 : i32 to index
        %get3A_117 = tpu.vector_load %arg16[%get3A_116] {strides = array<i32>} : memref<80xf32, #tpu.memory_space<vmem>>, vector<16xf32>,
        %get3A_118 = vector.shape_cast %get3A_117 : vector<16xf32> to vector<16xf32>
        %mul3A_119 = arith.constant 16 : i32
        %mul3A_120 = arith.muli %scan3A_102, %mul3A_119 : i32
        %add3A_121 = arith.constant 0 : i32
        %add3A_122 = arith.addi %mul3A_120, %add3A_121 : i32
        %get3A_123 = arith.index_cast %add3A_122 : i32 to index
        %get3A_124 = arith.constant 0 : index
        %get3A_125 = tpu.vector_load %arg17[%get3A_123, %get3A_124] {strides = array<i32>} : memref<80x16xf32, #tpu.memory_space<vmem>>, vector<1x16xf32>,
        %get3A_126 = vector.shape_cast %get3A_125 : vector<1x16xf32> to vector<16xf32>
        %slice3A = vector.extract_strided_slice %get3A_118 {offsets = [0], sizes = [1], strides = [1]} : vector<16xf32> to vector<1xf32>
        %squeeze3A = vector.extract %slice3A[0] : f32 from vector<1xf32>
        %mul3A_127 = vector.broadcast %squeeze3A : f32 to vector<16xf32>
        %mul3A_128 = arith.mulf %get3A_126, %mul3A_127 : vector<16xf32>
        %swap3A_129 = arith.index_cast %add3A_122 : i32 to index
        %swap3A_130 = arith.constant 0 : index
        %swap3A_131 = tpu.vector_load %arg17[%swap3A_129, %swap3A_130] {strides = array<i32>} : memref<80x16xf32, #tpu.memory_space<vmem>>, vector<1x16xf32>,
        %swap3A_132 = vector.shape_cast %swap3A_131 : vector<1x16xf32> to vector<16xf32>
        %swap3A_133 = vector.shape_cast %mul3A_128 : vector<16xf32> to vector<1x16xf32>
        tpu.vector_store %arg17[%swap3A_129, %swap3A_130], %swap3A_133 {strides = array<i32>} : memref<80x16xf32, #tpu.memory_space<vmem>>, vector<1x16xf32>,
        %mul3A_134 = arith.constant 16 : i32
        %mul3A_135 = arith.muli %scan3A_102, %mul3A_134 : i32
        %add3A_136 = arith.constant 1 : i32
        %add3A_137 = arith.addi %mul3A_135, %add3A_136 : i32
        %get3A_138 = arith.index_cast %add3A_137 : i32 to index
        %get3A_139 = arith.constant 0 : index
        %get3A_140 = tpu.vector_load %arg17[%get3A_138, %get3A_139] {strides = array<i32>} : memref<80x16xf32, #tpu.memory_space<vmem>>, vector<1x16xf32>,
        %get3A_141 = vector.shape_cast %get3A_140 : vector<1x16xf32> to vector<16xf32>
        %slice3A_142 = vector.extract_strided_slice %get3A_118 {offsets = [1], sizes = [1], strides = [1]} : vector<16xf32> to vector<1xf32>
        %squeeze3A_143 = vector.extract %slice3A_142[0] : f32 from vector<1xf32>
        %mul3A_144 = vector.broadcast %squeeze3A_143 : f32 to vector<16xf32>
        %mul3A_145 = arith.mulf %get3A_141, %mul3A_144 : vector<16xf32>
        %swap3A_146 = arith.index_cast %add3A_137 : i32 to index
        %swap3A_147 = arith.constant 0 : index
        %swap3A_148 = tpu.vector_load %arg17[%swap3A_146, %swap3A_147] {strides = array<i32>} : memref<80x16xf32, #tpu.memory_space<vmem>>, vector<1x16xf32>,
        %swap3A_149 = vector.shape_cast %swap3A_148 : vector<1x16xf32> to vector<16xf32>
        %swap3A_150 = vector.shape_cast %mul3A_145 : vector<16xf32> to vector<1x16xf32>
        tpu.vector_store %arg17[%swap3A_146, %swap3A_147], %swap3A_150 {strides = array<i32>} : memref<80x16xf32, #tpu.memory_space<vmem>>, vector<1x16xf32>,
        %mul3A_151 = arith.constant 16 : i32
        %mul3A_152 = arith.muli %scan3A_102, %mul3A_151 : i32
        %add3A_153 = arith.constant 2 : i32
        %add3A_154 = arith.addi %mul3A_152, %add3A_153 : i32
        %get3A_155 = arith.index_cast %add3A_154 : i32 to index
        %get3A_156 = arith.constant 0 : index
        %get3A_157 = tpu.vector_load %arg17[%get3A_155, %get3A_156] {strides = array<i32>} : memref<80x16xf32, #tpu.memory_space<vmem>>, vector<1x16xf32>,
        %get3A_158 = vector.shape_cast %get3A_157 : vector<1x16xf32> to vector<16xf32>
        %slice3A_159 = vector.extract_strided_slice %get3A_118 {offsets = [2], sizes = [1], strides = [1]} : vector<16xf32> to vector<1xf32>
        %squeeze3A_160 = vector.extract %slice3A_159[0] : f32 from vector<1xf32>
        %mul3A_161 = vector.broadcast %squeeze3A_160 : f32 to vector<16xf32>
        %mul3A_162 = arith.mulf %get3A_158, %mul3A_161 : vector<16xf32>
        %swap3A_163 = arith.index_cast %add3A_154 : i32 to index
        %swap3A_164 = arith.constant 0 : index
        %swap3A_165 = tpu.vector_load %arg17[%swap3A_163, %swap3A_164] {strides = array<i32>} : memref<80x16xf32, #tpu.memory_space<vmem>>, vector<1x16xf32>,
        %swap3A_166 = vector.shape_cast %swap3A_165 : vector<1x16xf32> to vector<16xf32>
        %swap3A_167 = vector.shape_cast %mul3A_162 : vector<16xf32> to vector<1x16xf32>
        tpu.vector_store %arg17[%swap3A_163, %swap3A_164], %swap3A_167 {strides = array<i32>} : memref<80x16xf32, #tpu.memory_space<vmem>>, vector<1x16xf32>,
        %mul3A_168 = arith.constant 16 : i32
        %mul3A_169 = arith.muli %scan3A_102, %mul3A_168 : i32
        %add3A_170 = arith.constant 3 : i32
        %add3A_171 = arith.addi %mul3A_169, %add3A_170 : i32
        %get3A_172 = arith.index_cast %add3A_171 : i32 to index
        %get3A_173 = arith.constant 0 : index
        %get3A_174 = tpu.vector_load %arg17[%get3A_172, %get3A_173] {strides = array<i32>} : memref<80x16xf32, #tpu.memory_space<vmem>>, vector<1x16xf32>,
        %get3A_175 = vector.shape_cast %get3A_174 : vector<1x16xf32> to vector<16xf32>
        %slice3A_176 = vector.extract_strided_slice %get3A_118 {offsets = [3], sizes = [1], strides = [1]} : vector<16xf32> to vector<1xf32>
        %squeeze3A_177 = vector.extract %slice3A_176[0] : f32 from vector<1xf32>
        %mul3A_178 = vector.broadcast %squeeze3A_177 : f32 to vector<16xf32>
        %mul3A_179 = arith.mulf %get3A_175, %mul3A_178 : vector<16xf32>
        %swap3A_180 = arith.index_cast %add3A_171 : i32 to index
        %swap3A_181 = arith.constant 0 : index
        %swap3A_182 = tpu.vector_load %arg17[%swap3A_180, %swap3A_181] {strides = array<i32>} : memref<80x16xf32, #tpu.memory_space<vmem>>, vector<1x16xf32>,
        %swap3A_183 = vector.shape_cast %swap3A_182 : vector<1x16xf32> to vector<16xf32>
        %swap3A_184 = vector.shape_cast %mul3A_179 : vector<16xf32> to vector<1x16xf32>
        tpu.vector_store %arg17[%swap3A_180, %swap3A_181], %swap3A_184 {strides = array<i32>} : memref<80x16xf32, #tpu.memory_space<vmem>>, vector<1x16xf32>,
        %mul3A_185 = arith.constant 16 : i32
        %mul3A_186 = arith.muli %scan3A_102, %mul3A_185 : i32
        %add3A_187 = arith.constant 4 : i32
        %add3A_188 = arith.addi %mul3A_186, %add3A_187 : i32
        %get3A_189 = arith.index_cast %add3A_188 : i32 to index
        %get3A_190 = arith.constant 0 : index
        %get3A_191 = tpu.vector_load %arg17[%get3A_189, %get3A_190] {strides = array<i32>} : memref<80x16xf32, #tpu.memory_space<vmem>>, vector<1x16xf32>,
        %get3A_192 = vector.shape_cast %get3A_191 : vector<1x16xf32> to vector<16xf32>
        %slice3A_193 = vector.extract_strided_slice %get3A_118 {offsets = [4], sizes = [1], strides = [1]} : vector<16xf32> to vector<1xf32>
        %squeeze3A_194 = vector.extract %slice3A_193[0] : f32 from vector<1xf32>
        %mul3A_195 = vector.broadcast %squeeze3A_194 : f32 to vector<16xf32>
        %mul3A_196 = arith.mulf %get3A_192, %mul3A_195 : vector<16xf32>
        %swap3A_197 = arith.index_cast %add3A_188 : i32 to index
        %swap3A_198 = arith.constant 0 : index
        %swap3A_199 = tpu.vector_load %arg17[%swap3A_197, %swap3A_198] {strides = array<i32>} : memref<80x16xf32, #tpu.memory_space<vmem>>, vector<1x16xf32>,
        %swap3A_200 = vector.shape_cast %swap3A_199 : vector<1x16xf32> to vector<16xf32>
        %swap3A_201 = vector.shape_cast %mul3A_196 : vector<16xf32> to vector<1x16xf32>
        tpu.vector_store %arg17[%swap3A_197, %swap3A_198], %swap3A_201 {strides = array<i32>} : memref<80x16xf32, #tpu.memory_space<vmem>>, vector<1x16xf32>,
        %mul3A_202 = arith.constant 16 : i32
        %mul3A_203 = arith.muli %scan3A_102, %mul3A_202 : i32
        %add3A_204 = arith.constant 5 : i32
        %add3A_205 = arith.addi %mul3A_203, %add3A_204 : i32
        %get3A_206 = arith.index_cast %add3A_205 : i32 to index
        %get3A_207 = arith.constant 0 : index
        %get3A_208 = tpu.vector_load %arg17[%get3A_206, %get3A_207] {strides = array<i32>} : memref<80x16xf32, #tpu.memory_space<vmem>>, vector<1x16xf32>,
        %get3A_209 = vector.shape_cast %get3A_208 : vector<1x16xf32> to vector<16xf32>
        %slice3A_210 = vector.extract_strided_slice %get3A_118 {offsets = [5], sizes = [1], strides = [1]} : vector<16xf32> to vector<1xf32>
        %squeeze3A_211 = vector.extract %slice3A_210[0] : f32 from vector<1xf32>
        %mul3A_212 = vector.broadcast %squeeze3A_211 : f32 to vector<16xf32>
        %mul3A_213 = arith.mulf %get3A_209, %mul3A_212 : vector<16xf32>
        %swap3A_214 = arith.index_cast %add3A_205 : i32 to index
        %swap3A_215 = arith.constant 0 : index
        %swap3A_216 = tpu.vector_load %arg17[%swap3A_214, %swap3A_215] {strides = array<i32>} : memref<80x16xf32, #tpu.memory_space<vmem>>, vector<1x16xf32>,
        %swap3A_217 = vector.shape_cast %swap3A_216 : vector<1x16xf32> to vector<16xf32>
        %swap3A_218 = vector.shape_cast %mul3A_213 : vector<16xf32> to vector<1x16xf32>
        tpu.vector_store %arg17[%swap3A_214, %swap3A_215], %swap3A_218 {strides = array<i32>} : memref<80x16xf32, #tpu.memory_space<vmem>>, vector<1x16xf32>,
        %mul3A_219 = arith.constant 16 : i32
        %mul3A_220 = arith.muli %scan3A_102, %mul3A_219 : i32
        %add3A_221 = arith.constant 6 : i32
        %add3A_222 = arith.addi %mul3A_220, %add3A_221 : i32
        %get3A_223 = arith.index_cast %add3A_222 : i32 to index
        %get3A_224 = arith.constant 0 : index
        %get3A_225 = tpu.vector_load %arg17[%get3A_223, %get3A_224] {strides = array<i32>} : memref<80x16xf32, #tpu.memory_space<vmem>>, vector<1x16xf32>,
        %get3A_226 = vector.shape_cast %get3A_225 : vector<1x16xf32> to vector<16xf32>
        %slice3A_227 = vector.extract_strided_slice %get3A_118 {offsets = [6], sizes = [1], strides = [1]} : vector<16xf32> to vector<1xf32>
        %squeeze3A_228 = vector.extract %slice3A_227[0] : f32 from vector<1xf32>
        %mul3A_229 = vector.broadcast %squeeze3A_228 : f32 to vector<16xf32>
        %mul3A_230 = arith.mulf %get3A_226, %mul3A_229 : vector<16xf32>
        %swap3A_231 = arith.index_cast %add3A_222 : i32 to index
        %swap3A_232 = arith.constant 0 : index
        %swap3A_233 = tpu.vector_load %arg17[%swap3A_231, %swap3A_232] {strides = array<i32>} : memref<80x16xf32, #tpu.memory_space<vmem>>, vector<1x16xf32>,
        %swap3A_234 = vector.shape_cast %swap3A_233 : vector<1x16xf32> to vector<16xf32>
        %swap3A_235 = vector.shape_cast %mul3A_230 : vector<16xf32> to vector<1x16xf32>
        tpu.vector_store %arg17[%swap3A_231, %swap3A_232], %swap3A_235 {strides = array<i32>} : memref<80x16xf32, #tpu.memory_space<vmem>>, vector<1x16xf32>,
        %mul3A_236 = arith.constant 16 : i32
        %mul3A_237 = arith.muli %scan3A_102, %mul3A_236 : i32
        %add3A_238 = arith.constant 7 : i32
        %add3A_239 = arith.addi %mul3A_237, %add3A_238 : i32
        %get3A_240 = arith.index_cast %add3A_239 : i32 to index
        %get3A_241 = arith.constant 0 : index
        %get3A_242 = tpu.vector_load %arg17[%get3A_240, %get3A_241] {strides = array<i32>} : memref<80x16xf32, #tpu.memory_space<vmem>>, vector<1x16xf32>,
        %get3A_243 = vector.shape_cast %get3A_242 : vector<1x16xf32> to vector<16xf32>
        %slice3A_244 = vector.extract_strided_slice %get3A_118 {offsets = [7], sizes = [1], strides = [1]} : vector<16xf32> to vector<1xf32>
        %squeeze3A_245 = vector.extract %slice3A_244[0] : f32 from vector<1xf32>
        %mul3A_246 = vector.broadcast %squeeze3A_245 : f32 to vector<16xf32>
        %mul3A_247 = arith.mulf %get3A_243, %mul3A_246 : vector<16xf32>
        %swap3A_248 = arith.index_cast %add3A_239 : i32 to index
        %swap3A_249 = arith.constant 0 : index
        %swap3A_250 = tpu.vector_load %arg17[%swap3A_248, %swap3A_249] {strides = array<i32>} : memref<80x16xf32, #tpu.memory_space<vmem>>, vector<1x16xf32>,
        %swap3A_251 = vector.shape_cast %swap3A_250 : vector<1x16xf32> to vector<16xf32>
        %swap3A_252 = vector.shape_cast %mul3A_247 : vector<16xf32> to vector<1x16xf32>
        tpu.vector_store %arg17[%swap3A_248, %swap3A_249], %swap3A_252 {strides = array<i32>} : memref<80x16xf32, #tpu.memory_space<vmem>>, vector<1x16xf32>,
        %mul3A_253 = arith.constant 16 : i32
        %mul3A_254 = arith.muli %scan3A_102, %mul3A_253 : i32
        %add3A_255 = arith.constant 8 : i32
        %add3A_256 = arith.addi %mul3A_254, %add3A_255 : i32
        %get3A_257 = arith.index_cast %add3A_256 : i32 to index
        %get3A_258 = arith.constant 0 : index
        %get3A_259 = tpu.vector_load %arg17[%get3A_257, %get3A_258] {strides = array<i32>} : memref<80x16xf32, #tpu.memory_space<vmem>>, vector<1x16xf32>,
        %get3A_260 = vector.shape_cast %get3A_259 : vector<1x16xf32> to vector<16xf32>
        %slice3A_261 = vector.extract_strided_slice %get3A_118 {offsets = [8], sizes = [1], strides = [1]} : vector<16xf32> to vector<1xf32>
        %squeeze3A_262 = vector.extract %slice3A_261[0] : f32 from vector<1xf32>
        %mul3A_263 = vector.broadcast %squeeze3A_262 : f32 to vector<16xf32>
        %mul3A_264 = arith.mulf %get3A_260, %mul3A_263 : vector<16xf32>
        %swap3A_265 = arith.index_cast %add3A_256 : i32 to index
        %swap3A_266 = arith.constant 0 : index
        %swap3A_267 = tpu.vector_load %arg17[%swap3A_265, %swap3A_266] {strides = array<i32>} : memref<80x16xf32, #tpu.memory_space<vmem>>, vector<1x16xf32>,
        %swap3A_268 = vector.shape_cast %swap3A_267 : vector<1x16xf32> to vector<16xf32>
        %swap3A_269 = vector.shape_cast %mul3A_264 : vector<16xf32> to vector<1x16xf32>
        tpu.vector_store %arg17[%swap3A_265, %swap3A_266], %swap3A_269 {strides = array<i32>} : memref<80x16xf32, #tpu.memory_space<vmem>>, vector<1x16xf32>,
        %mul3A_270 = arith.constant 16 : i32
        %mul3A_271 = arith.muli %scan3A_102, %mul3A_270 : i32
        %add3A_272 = arith.constant 9 : i32
        %add3A_273 = arith.addi %mul3A_271, %add3A_272 : i32
        %get3A_274 = arith.index_cast %add3A_273 : i32 to index
        %get3A_275 = arith.constant 0 : index
        %get3A_276 = tpu.vector_load %arg17[%get3A_274, %get3A_275] {strides = array<i32>} : memref<80x16xf32, #tpu.memory_space<vmem>>, vector<1x16xf32>,
        %get3A_277 = vector.shape_cast %get3A_276 : vector<1x16xf32> to vector<16xf32>
        %slice3A_278 = vector.extract_strided_slice %get3A_118 {offsets = [9], sizes = [1], strides = [1]} : vector<16xf32> to vector<1xf32>
        %squeeze3A_279 = vector.extract %slice3A_278[0] : f32 from vector<1xf32>
        %mul3A_280 = vector.broadcast %squeeze3A_279 : f32 to vector<16xf32>
        %mul3A_281 = arith.mulf %get3A_277, %mul3A_280 : vector<16xf32>
        %swap3A_282 = arith.index_cast %add3A_273 : i32 to index
        %swap3A_283 = arith.constant 0 : index
        %swap3A_284 = tpu.vector_load %arg17[%swap3A_282, %swap3A_283] {strides = array<i32>} : memref<80x16xf32, #tpu.memory_space<vmem>>, vector<1x16xf32>,
        %swap3A_285 = vector.shape_cast %swap3A_284 : vector<1x16xf32> to vector<16xf32>
        %swap3A_286 = vector.shape_cast %mul3A_281 : vector<16xf32> to vector<1x16xf32>
        tpu.vector_store %arg17[%swap3A_282, %swap3A_283], %swap3A_286 {strides = array<i32>} : memref<80x16xf32, #tpu.memory_space<vmem>>, vector<1x16xf32>,
        %mul3A_287 = arith.constant 16 : i32
        %mul3A_288 = arith.muli %scan3A_102, %mul3A_287 : i32
        %add3A_289 = arith.constant 10 : i32
        %add3A_290 = arith.addi %mul3A_288, %add3A_289 : i32
        %get3A_291 = arith.index_cast %add3A_290 : i32 to index
        %get3A_292 = arith.constant 0 : index
        %get3A_293 = tpu.vector_load %arg17[%get3A_291, %get3A_292] {strides = array<i32>} : memref<80x16xf32, #tpu.memory_space<vmem>>, vector<1x16xf32>,
        %get3A_294 = vector.shape_cast %get3A_293 : vector<1x16xf32> to vector<16xf32>
        %slice3A_295 = vector.extract_strided_slice %get3A_118 {offsets = [10], sizes = [1], strides = [1]} : vector<16xf32> to vector<1xf32>
        %squeeze3A_296 = vector.extract %slice3A_295[0] : f32 from vector<1xf32>
        %mul3A_297 = vector.broadcast %squeeze3A_296 : f32 to vector<16xf32>
        %mul3A_298 = arith.mulf %get3A_294, %mul3A_297 : vector<16xf32>
        %swap3A_299 = arith.index_cast %add3A_290 : i32 to index
        %swap3A_300 = arith.constant 0 : index
        %swap3A_301 = tpu.vector_load %arg17[%swap3A_299, %swap3A_300] {strides = array<i32>} : memref<80x16xf32, #tpu.memory_space<vmem>>, vector<1x16xf32>,
        %swap3A_302 = vector.shape_cast %swap3A_301 : vector<1x16xf32> to vector<16xf32>
        %swap3A_303 = vector.shape_cast %mul3A_298 : vector<16xf32> to vector<1x16xf32>
        tpu.vector_store %arg17[%swap3A_299, %swap3A_300], %swap3A_303 {strides = array<i32>} : memref<80x16xf32, #tpu.memory_space<vmem>>, vector<1x16xf32>,
        %mul3A_304 = arith.constant 16 : i32
        %mul3A_305 = arith.muli %scan3A_102, %mul3A_304 : i32
        %add3A_306 = arith.constant 11 : i32
        %add3A_307 = arith.addi %mul3A_305, %add3A_306 : i32
        %get3A_308 = arith.index_cast %add3A_307 : i32 to index
        %get3A_309 = arith.constant 0 : index
        %get3A_310 = tpu.vector_load %arg17[%get3A_308, %get3A_309] {strides = array<i32>} : memref<80x16xf32, #tpu.memory_space<vmem>>, vector<1x16xf32>,
        %get3A_311 = vector.shape_cast %get3A_310 : vector<1x16xf32> to vector<16xf32>
        %slice3A_312 = vector.extract_strided_slice %get3A_118 {offsets = [11], sizes = [1], strides = [1]} : vector<16xf32> to vector<1xf32>
        %squeeze3A_313 = vector.extract %slice3A_312[0] : f32 from vector<1xf32>
        %mul3A_314 = vector.broadcast %squeeze3A_313 : f32 to vector<16xf32>
        %mul3A_315 = arith.mulf %get3A_311, %mul3A_314 : vector<16xf32>
        %swap3A_316 = arith.index_cast %add3A_307 : i32 to index
        %swap3A_317 = arith.constant 0 : index
        %swap3A_318 = tpu.vector_load %arg17[%swap3A_316, %swap3A_317] {strides = array<i32>} : memref<80x16xf32, #tpu.memory_space<vmem>>, vector<1x16xf32>,
        %swap3A_319 = vector.shape_cast %swap3A_318 : vector<1x16xf32> to vector<16xf32>
        %swap3A_320 = vector.shape_cast %mul3A_315 : vector<16xf32> to vector<1x16xf32>
        tpu.vector_store %arg17[%swap3A_316, %swap3A_317], %swap3A_320 {strides = array<i32>} : memref<80x16xf32, #tpu.memory_space<vmem>>, vector<1x16xf32>,
        %mul3A_321 = arith.constant 16 : i32
        %mul3A_322 = arith.muli %scan3A_102, %mul3A_321 : i32
        %add3A_323 = arith.constant 12 : i32
        %add3A_324 = arith.addi %mul3A_322, %add3A_323 : i32
        %get3A_325 = arith.index_cast %add3A_324 : i32 to index
        %get3A_326 = arith.constant 0 : index
        %get3A_327 = tpu.vector_load %arg17[%get3A_325, %get3A_326] {strides = array<i32>} : memref<80x16xf32, #tpu.memory_space<vmem>>, vector<1x16xf32>,
        %get3A_328 = vector.shape_cast %get3A_327 : vector<1x16xf32> to vector<16xf32>
        %slice3A_329 = vector.extract_strided_slice %get3A_118 {offsets = [12], sizes = [1], strides = [1]} : vector<16xf32> to vector<1xf32>
        %squeeze3A_330 = vector.extract %slice3A_329[0] : f32 from vector<1xf32>
        %mul3A_331 = vector.broadcast %squeeze3A_330 : f32 to vector<16xf32>
        %mul3A_332 = arith.mulf %get3A_328, %mul3A_331 : vector<16xf32>
        %swap3A_333 = arith.index_cast %add3A_324 : i32 to index
        %swap3A_334 = arith.constant 0 : index
        %swap3A_335 = tpu.vector_load %arg17[%swap3A_333, %swap3A_334] {strides = array<i32>} : memref<80x16xf32, #tpu.memory_space<vmem>>, vector<1x16xf32>,
        %swap3A_336 = vector.shape_cast %swap3A_335 : vector<1x16xf32> to vector<16xf32>
        %swap3A_337 = vector.shape_cast %mul3A_332 : vector<16xf32> to vector<1x16xf32>
        tpu.vector_store %arg17[%swap3A_333, %swap3A_334], %swap3A_337 {strides = array<i32>} : memref<80x16xf32, #tpu.memory_space<vmem>>, vector<1x16xf32>,
        %mul3A_338 = arith.constant 16 : i32
        %mul3A_339 = arith.muli %scan3A_102, %mul3A_338 : i32
        %add3A_340 = arith.constant 13 : i32
        %add3A_341 = arith.addi %mul3A_339, %add3A_340 : i32
        %get3A_342 = arith.index_cast %add3A_341 : i32 to index
        %get3A_343 = arith.constant 0 : index
        %get3A_344 = tpu.vector_load %arg17[%get3A_342, %get3A_343] {strides = array<i32>} : memref<80x16xf32, #tpu.memory_space<vmem>>, vector<1x16xf32>,
        %get3A_345 = vector.shape_cast %get3A_344 : vector<1x16xf32> to vector<16xf32>
        %slice3A_346 = vector.extract_strided_slice %get3A_118 {offsets = [13], sizes = [1], strides = [1]} : vector<16xf32> to vector<1xf32>
        %squeeze3A_347 = vector.extract %slice3A_346[0] : f32 from vector<1xf32>
        %mul3A_348 = vector.broadcast %squeeze3A_347 : f32 to vector<16xf32>
        %mul3A_349 = arith.mulf %get3A_345, %mul3A_348 : vector<16xf32>
        %swap3A_350 = arith.index_cast %add3A_341 : i32 to index
        %swap3A_351 = arith.constant 0 : index
        %swap3A_352 = tpu.vector_load %arg17[%swap3A_350, %swap3A_351] {strides = array<i32>} : memref<80x16xf32, #tpu.memory_space<vmem>>, vector<1x16xf32>,
        %swap3A_353 = vector.shape_cast %swap3A_352 : vector<1x16xf32> to vector<16xf32>
        %swap3A_354 = vector.shape_cast %mul3A_349 : vector<16xf32> to vector<1x16xf32>
        tpu.vector_store %arg17[%swap3A_350, %swap3A_351], %swap3A_354 {strides = array<i32>} : memref<80x16xf32, #tpu.memory_space<vmem>>, vector<1x16xf32>,
        %mul3A_355 = arith.constant 16 : i32
        %mul3A_356 = arith.muli %scan3A_102, %mul3A_355 : i32
        %add3A_357 = arith.constant 14 : i32
        %add3A_358 = arith.addi %mul3A_356, %add3A_357 : i32
        %get3A_359 = arith.index_cast %add3A_358 : i32 to index
        %get3A_360 = arith.constant 0 : index
        %get3A_361 = tpu.vector_load %arg17[%get3A_359, %get3A_360] {strides = array<i32>} : memref<80x16xf32, #tpu.memory_space<vmem>>, vector<1x16xf32>,
        %get3A_362 = vector.shape_cast %get3A_361 : vector<1x16xf32> to vector<16xf32>
        %slice3A_363 = vector.extract_strided_slice %get3A_118 {offsets = [14], sizes = [1], strides = [1]} : vector<16xf32> to vector<1xf32>
        %squeeze3A_364 = vector.extract %slice3A_363[0] : f32 from vector<1xf32>
        %mul3A_365 = vector.broadcast %squeeze3A_364 : f32 to vector<16xf32>
        %mul3A_366 = arith.mulf %get3A_362, %mul3A_365 : vector<16xf32>
        %swap3A_367 = arith.index_cast %add3A_358 : i32 to index
        %swap3A_368 = arith.constant 0 : index
        %swap3A_369 = tpu.vector_load %arg17[%swap3A_367, %swap3A_368] {strides = array<i32>} : memref<80x16xf32, #tpu.memory_space<vmem>>, vector<1x16xf32>,
        %swap3A_370 = vector.shape_cast %swap3A_369 : vector<1x16xf32> to vector<16xf32>
        %swap3A_371 = vector.shape_cast %mul3A_366 : vector<16xf32> to vector<1x16xf32>
        tpu.vector_store %arg17[%swap3A_367, %swap3A_368], %swap3A_371 {strides = array<i32>} : memref<80x16xf32, #tpu.memory_space<vmem>>, vector<1x16xf32>,
        %mul3A_372 = arith.constant 16 : i32
        %mul3A_373 = arith.muli %scan3A_102, %mul3A_372 : i32
        %add3A_374 = arith.constant 15 : i32
        %add3A_375 = arith.addi %mul3A_373, %add3A_374 : i32
        %get3A_376 = arith.index_cast %add3A_375 : i32 to index
        %get3A_377 = arith.constant 0 : index
        %get3A_378 = tpu.vector_load %arg17[%get3A_376, %get3A_377] {strides = array<i32>} : memref<80x16xf32, #tpu.memory_space<vmem>>, vector<1x16xf32>,
        %get3A_379 = vector.shape_cast %get3A_378 : vector<1x16xf32> to vector<16xf32>
        %slice3A_380 = vector.extract_strided_slice %get3A_118 {offsets = [15], sizes = [1], strides = [1]} : vector<16xf32> to vector<1xf32>
        %squeeze3A_381 = vector.extract %slice3A_380[0] : f32 from vector<1xf32>
        %mul3A_382 = vector.broadcast %squeeze3A_381 : f32 to vector<16xf32>
        %mul3A_383 = arith.mulf %get3A_379, %mul3A_382 : vector<16xf32>
        %swap3A_384 = arith.index_cast %add3A_375 : i32 to index
        %swap3A_385 = arith.constant 0 : index
        %swap3A_386 = tpu.vector_load %arg17[%swap3A_384, %swap3A_385] {strides = array<i32>} : memref<80x16xf32, #tpu.memory_space<vmem>>, vector<1x16xf32>,
        %swap3A_387 = vector.shape_cast %swap3A_386 : vector<1x16xf32> to vector<16xf32>
        %swap3A_388 = vector.shape_cast %mul3A_383 : vector<16xf32> to vector<1x16xf32>
        tpu.vector_store %arg17[%swap3A_384, %swap3A_385], %swap3A_388 {strides = array<i32>} : memref<80x16xf32, #tpu.memory_space<vmem>>, vector<1x16xf32>,
        %scan3A_389 = arith.constant 0 : i32
        scf.yield %scan3A_389 : i32
      }
      %scan3A_100 = arith.constant 5 : i32
      "tpu.region"() ({
        %run_scoped3A = tpu.sem_alloc : memref<!tpu.dma_semaphore, #tpu.memory_space<semaphore_mem>>
        %dma_start3A_102 = arith.constant 0 : i32
        %dma_start3A_103 = arith.constant 0 : i32
        %dma_start3A_104 = tpu.memref_slice %arg19[%dma_start3A_102, %dma_start3A_103] : memref<50176x16xf32, #tpu.memory_space<vmem_shared>> -> memref<50176x16xf32, #tpu.memory_space<vmem_shared>>
        tpu.enqueue_indirect_dma source(%arg17 : memref<80x16xf32, #tpu.memory_space<vmem>>) target(%dma_start3A_104 : memref<50176x16xf32, #tpu.memory_space<vmem_shared>>) offsets(%arg15 : memref<80xi32, #tpu.memory_space<vmem>>) semaphore(%run_scoped3A : memref<!tpu.dma_semaphore, #tpu.memory_space<semaphore_mem>>) {add = true}
        %dma_wait3A_105 = arith.constant 0 : i32
        %dma_wait3A_106 = arith.constant 0 : i32
        %dma_wait3A_107 = tpu.memref_slice %arg19[%dma_wait3A_105, %dma_wait3A_106] : memref<50176x16xf32, #tpu.memory_space<vmem_shared>> -> memref<50176x16xf32, #tpu.memory_space<vmem_shared>>
        tpu.wait_indirect_dma semaphore(%run_scoped3A : memref<!tpu.dma_semaphore, #tpu.memory_space<semaphore_mem>>) src(%arg17 : memref<80x16xf32, #tpu.memory_space<vmem>>) dst(%dma_wait3A_107 : memref<50176x16xf32, #tpu.memory_space<vmem_shared>>)
        tpu.yield
      }) : () -> ()
      %scan3A_101 = arith.constant 0 : i32
      scf.yield %scan3A_101 : i32
    }
    %scan3A_60 = arith.constant 1250 : i32
    %barrier3A_61 = arith.constant 0 : index
    tpu.barrier barrier_id(%barrier3A_61)
    %mul3A_62 = arith.constant 3128 : i32
    %mul3A_63 = arith.muli %arg1, %mul3A_62 : i32
    "tpu.region"() ({
      %run_scoped3A = tpu.sem_alloc : memref<!tpu.dma_semaphore, #tpu.memory_space<semaphore_mem>>
      %dma_start3A = arith.constant 0 : i32
      %dma_start3A_87 = arith.constant 0 : i32
      %dma_start3A_88 = tpu.memref_slice %arg18[%dma_start3A, %dma_start3A_87] : memref<3136x16xf32, #tpu.memory_space<vmem>> -> memref<3128x16xf32, #tpu.memory_space<vmem>>
      %dma_start3A_89 = arith.constant 0 : i32
      %dma_start3A_90 = tpu.memref_slice %arg19[%mul3A_63, %dma_start3A_89] : memref<50176x16xf32, #tpu.memory_space<vmem_shared>> -> memref<3128x16xf32, #tpu.memory_space<vmem_shared>>
      %dma_start3A_91 = arith.constant 0 : i32
      %dma_start3A_92 = arith.constant 0 : i32
      %dma_start3A_93 = tpu.memref_slice %arg18[%dma_start3A_91, %dma_start3A_92] : memref<3136x16xf32, #tpu.memory_space<vmem>> -> memref<3128x16xf32, #tpu.memory_space<vmem>>
      %dma_start3A_94 = arith.constant 0 : i32
      %dma_start3A_95 = tpu.memref_slice %arg19[%mul3A_63, %dma_start3A_94] : memref<50176x16xf32, #tpu.memory_space<vmem_shared>> -> memref<3128x16xf32, #tpu.memory_space<vmem_shared>>
      tpu.enqueue_dma source(%dma_start3A_95 : memref<3128x16xf32, #tpu.memory_space<vmem_shared>>) target(%dma_start3A_93 : memref<3128x16xf32, #tpu.memory_space<vmem>>) target_semaphore(%run_scoped3A : memref<!tpu.dma_semaphore, #tpu.memory_space<semaphore_mem>>)
      %dma_wait3A = arith.constant 0 : i32
      %dma_wait3A_96 = arith.constant 0 : i32
      %dma_wait3A_97 = tpu.memref_slice %arg18[%dma_wait3A, %dma_wait3A_96] : memref<3136x16xf32, #tpu.memory_space<vmem>> -> memref<3128x16xf32, #tpu.memory_space<vmem>>
      %dma_wait3A_98 = arith.constant 0 : i32
      %dma_wait3A_99 = tpu.memref_slice %arg19[%mul3A_63, %dma_wait3A_98] : memref<50176x16xf32, #tpu.memory_space<vmem_shared>> -> memref<3128x16xf32, #tpu.memory_space<vmem_shared>>
      %dma_wait3A_100 = arith.constant 0 : i32
      %dma_wait3A_101 = arith.constant 0 : i32
      %dma_wait3A_102 = tpu.memref_slice %arg18[%dma_wait3A_100, %dma_wait3A_101] : memref<3136x16xf32, #tpu.memory_space<vmem>> -> memref<3128x16xf32, #tpu.memory_space<vmem>>
      %dma_wait3A_103 = arith.constant 0 : i32
      %dma_wait3A_104 = tpu.memref_slice %arg19[%mul3A_63, %dma_wait3A_103] : memref<50176x16xf32, #tpu.memory_space<vmem_shared>> -> memref<3128x16xf32, #tpu.memory_space<vmem_shared>>
      tpu.wait_dma2 semaphore(%run_scoped3A : memref<!tpu.dma_semaphore, #tpu.memory_space<semaphore_mem>>) src(%dma_wait3A_104 : memref<3128x16xf32, #tpu.memory_space<vmem_shared>>) dst(%dma_wait3A_102 : memref<3128x16xf32, #tpu.memory_space<vmem>>)
      tpu.yield
    }) : () -> ()
    %add3A_64 = arith.addi %mul3A_0, %mul3A_63 : i32
    "tpu.region"() ({
      %run_scoped3A = tpu.sem_alloc : memref<!tpu.dma_semaphore, #tpu.memory_space<semaphore_mem>>
      %dma_start3A = arith.constant 0 : i32
      %dma_start3A_87 = arith.constant 0 : i32
      %dma_start3A_88 = tpu.memref_slice %arg18[%dma_start3A, %dma_start3A_87] : memref<3136x16xf32, #tpu.memory_space<vmem>> -> memref<3128x16xf32, #tpu.memory_space<vmem>>
      %dma_start3A_89 = arith.constant 0 : i32
      %dma_start3A_90 = tpu.memref_slice %arg11[%add3A_64, %dma_start3A_89] : memref<100096x16xf32, #tpu.memory_space<hbm>> -> memref<3128x16xf32, #tpu.memory_space<hbm>>
      %dma_start3A_91 = arith.constant 0 : i32
      %dma_start3A_92 = tpu.memref_slice %arg11[%add3A_64, %dma_start3A_91] : memref<100096x16xf32, #tpu.memory_space<hbm>> -> memref<3128x16xf32, #tpu.memory_space<hbm>>
      %dma_start3A_93 = arith.constant 0 : i32
      %dma_start3A_94 = arith.constant 0 : i32
      %dma_start3A_95 = tpu.memref_slice %arg18[%dma_start3A_93, %dma_start3A_94] : memref<3136x16xf32, #tpu.memory_space<vmem>> -> memref<3128x16xf32, #tpu.memory_space<vmem>>
      tpu.enqueue_dma source(%dma_start3A_95 : memref<3128x16xf32, #tpu.memory_space<vmem>>) target(%dma_start3A_92 : memref<3128x16xf32, #tpu.memory_space<hbm>>) target_semaphore(%run_scoped3A : memref<!tpu.dma_semaphore, #tpu.memory_space<semaphore_mem>>)
      %dma_wait3A = arith.constant 0 : i32
      %dma_wait3A_96 = arith.constant 0 : i32
      %dma_wait3A_97 = tpu.memref_slice %arg18[%dma_wait3A, %dma_wait3A_96] : memref<3136x16xf32, #tpu.memory_space<vmem>> -> memref<3128x16xf32, #tpu.memory_space<vmem>>
      %dma_wait3A_98 = arith.constant 0 : i32
      %dma_wait3A_99 = tpu.memref_slice %arg11[%add3A_64, %dma_wait3A_98] : memref<100096x16xf32, #tpu.memory_space<hbm>> -> memref<3128x16xf32, #tpu.memory_space<hbm>>
      %dma_wait3A_100 = arith.constant 0 : i32
      %dma_wait3A_101 = tpu.memref_slice %arg11[%add3A_64, %dma_wait3A_100] : memref<100096x16xf32, #tpu.memory_space<hbm>> -> memref<3128x16xf32, #tpu.memory_space<hbm>>
      %dma_wait3A_102 = arith.constant 0 : i32
      %dma_wait3A_103 = arith.constant 0 : i32
      %dma_wait3A_104 = tpu.memref_slice %arg18[%dma_wait3A_102, %dma_wait3A_103] : memref<3136x16xf32, #tpu.memory_space<vmem>> -> memref<3128x16xf32, #tpu.memory_space<vmem>>
      tpu.wait_dma2 semaphore(%run_scoped3A : memref<!tpu.dma_semaphore, #tpu.memory_space<semaphore_mem>>) src(%dma_wait3A_104 : memref<3128x16xf32, #tpu.memory_space<vmem>>) dst(%dma_wait3A_101 : memref<3128x16xf32, #tpu.memory_space<hbm>>)
      tpu.yield
    }) : () -> ()
    %scan3A_65 = arith.constant 0 : i32
    %scan3A_66 = arith.constant 0 : i32
    %scan3A_67 = arith.constant 3128 : i32
    %scan3A_68 = arith.addi %scan3A_66, %scan3A_67 : i32
    %scan3A_69 = arith.constant 1 : i32
    %scan3A_70 = scf.for %scan3A_87 = %scan3A_66 to %scan3A_68 step %scan3A_69 iter_args(%scan3A_88 = %scan3A_65) -> (i32)  : i32 {
      %broadcast_in_dim3A = arith.constant 0.000000e+00 : f32
      %broadcast_in_dim3A_89 = vector.broadcast %broadcast_in_dim3A : f32 to vector<16xf32>
      %swap3A = arith.index_cast %scan3A_87 : i32 to index
      %swap3A_90 = arith.constant 0 : index
      %swap3A_91 = tpu.vector_load %arg18[%swap3A, %swap3A_90] {strides = array<i32>} : memref<3136x16xf32, #tpu.memory_space<vmem>>, vector<1x16xf32>,
      %swap3A_92 = vector.shape_cast %swap3A_91 : vector<1x16xf32> to vector<16xf32>
      %swap3A_93 = vector.shape_cast %broadcast_in_dim3A_89 : vector<16xf32> to vector<1x16xf32>
      tpu.vector_store %arg18[%swap3A, %swap3A_90], %swap3A_93 {strides = array<i32>} : memref<3136x16xf32, #tpu.memory_space<vmem>>, vector<1x16xf32>,
      %scan3A_94 = arith.constant 0 : i32
      scf.yield %scan3A_94 : i32
    }
    %scan3A_71 = arith.constant 3128 : i32
    %barrier3A_72 = arith.constant 0 : index
    tpu.barrier barrier_id(%barrier3A_72)
    %mul3A_73 = arith.constant 3136 : i32
    %mul3A_74 = arith.muli %arg1, %mul3A_73 : i32
    "tpu.region"() ({
      %run_scoped3A = tpu.sem_alloc : memref<!tpu.dma_semaphore, #tpu.memory_space<semaphore_mem>>
      %dma_start3A = arith.constant 0 : i32
      %dma_start3A_87 = tpu.memref_slice %arg19[%mul3A_74, %dma_start3A] : memref<50176x16xf32, #tpu.memory_space<vmem_shared>> -> memref<3136x16xf32, #tpu.memory_space<vmem_shared>>
      %dma_start3A_88 = arith.constant 0 : i32
      %dma_start3A_89 = tpu.memref_slice %arg19[%mul3A_74, %dma_start3A_88] : memref<50176x16xf32, #tpu.memory_space<vmem_shared>> -> memref<3136x16xf32, #tpu.memory_space<vmem_shared>>
      tpu.enqueue_dma source(%arg18 : memref<3136x16xf32, #tpu.memory_space<vmem>>) target(%dma_start3A_89 : memref<3136x16xf32, #tpu.memory_space<vmem_shared>>) target_semaphore(%run_scoped3A : memref<!tpu.dma_semaphore, #tpu.memory_space<semaphore_mem>>)
      %dma_wait3A = arith.constant 0 : i32
      %dma_wait3A_90 = tpu.memref_slice %arg19[%mul3A_74, %dma_wait3A] : memref<50176x16xf32, #tpu.memory_space<vmem_shared>> -> memref<3136x16xf32, #tpu.memory_space<vmem_shared>>
      %dma_wait3A_91 = arith.constant 0 : i32
      %dma_wait3A_92 = tpu.memref_slice %arg19[%mul3A_74, %dma_wait3A_91] : memref<50176x16xf32, #tpu.memory_space<vmem_shared>> -> memref<3136x16xf32, #tpu.memory_space<vmem_shared>>
      tpu.wait_dma2 semaphore(%run_scoped3A : memref<!tpu.dma_semaphore, #tpu.memory_space<semaphore_mem>>) src(%arg18 : memref<3136x16xf32, #tpu.memory_space<vmem>>) dst(%dma_wait3A_92 : memref<3136x16xf32, #tpu.memory_space<vmem_shared>>)
      tpu.yield
    }) : () -> ()
    %barrier3A_75 = arith.constant 0 : index
    tpu.barrier barrier_id(%barrier3A_75)
    %scan3A_76 = arith.constant 0 : i32
    %scan3A_77 = arith.constant 0 : i32
    %scan3A_78 = arith.constant 1250 : i32
    %scan3A_79 = arith.addi %scan3A_77, %scan3A_78 : i32
    %scan3A_80 = arith.constant 1 : i32
    %scan3A_81 = scf.for %scan3A_87 = %scan3A_77 to %scan3A_79 step %scan3A_80 iter_args(%scan3A_88 = %scan3A_76) -> (i32)  : i32 {
      %add3A_89 = arith.addi %mul3A_2, %scan3A_87 : i32
      "tpu.region"() ({
        %run_scoped3A = tpu.sem_alloc : memref<!tpu.dma_semaphore, #tpu.memory_space<semaphore_mem>>
        %dma_start3A_102 = arith.constant 0 : i32
        %dma_start3A_103 = tpu.memref_slice %arg6[%add3A_89, %dma_start3A_102] : memref<20000x80xi32, #tpu.memory_space<hbm>> -> memref<1x80xi32, #tpu.memory_space<hbm>>
        %dma_start3A_104 = tpu.memref_squeeze %dma_start3A_103 : memref<1x80xi32, #tpu.memory_space<hbm>> -> memref<80xi32, #tpu.memory_space<hbm>>
        %dma_start3A_105 = arith.constant 0 : i32
        %dma_start3A_106 = tpu.memref_slice %arg6[%add3A_89, %dma_start3A_105] : memref<20000x80xi32, #tpu.memory_space<hbm>> -> memref<1x80xi32, #tpu.memory_space<hbm>>
        %dma_start3A_107 = tpu.memref_squeeze %dma_start3A_106 : memref<1x80xi32, #tpu.memory_space<hbm>> -> memref<80xi32, #tpu.memory_space<hbm>>
        tpu.enqueue_dma source(%dma_start3A_107 : memref<80xi32, #tpu.memory_space<hbm>>) target(%arg13 : memref<80xi32, #tpu.memory_space<vmem>>) target_semaphore(%run_scoped3A : memref<!tpu.dma_semaphore, #tpu.memory_space<semaphore_mem>>)
        %dma_wait3A_108 = arith.constant 0 : i32
        %dma_wait3A_109 = tpu.memref_slice %arg6[%add3A_89, %dma_wait3A_108] : memref<20000x80xi32, #tpu.memory_space<hbm>> -> memref<1x80xi32, #tpu.memory_space<hbm>>
        %dma_wait3A_110 = tpu.memref_squeeze %dma_wait3A_109 : memref<1x80xi32, #tpu.memory_space<hbm>> -> memref<80xi32, #tpu.memory_space<hbm>>
        %dma_wait3A_111 = arith.constant 0 : i32
        %dma_wait3A_112 = tpu.memref_slice %arg6[%add3A_89, %dma_wait3A_111] : memref<20000x80xi32, #tpu.memory_space<hbm>> -> memref<1x80xi32, #tpu.memory_space<hbm>>
        %dma_wait3A_113 = tpu.memref_squeeze %dma_wait3A_112 : memref<1x80xi32, #tpu.memory_space<hbm>> -> memref<80xi32, #tpu.memory_space<hbm>>
        tpu.wait_dma2 semaphore(%run_scoped3A : memref<!tpu.dma_semaphore, #tpu.memory_space<semaphore_mem>>) src(%dma_wait3A_113 : memref<80xi32, #tpu.memory_space<hbm>>) dst(%arg13 : memref<80xi32, #tpu.memory_space<vmem>>)
        tpu.yield
      }) : () -> ()
      "tpu.region"() ({
        %run_scoped3A = tpu.sem_alloc : memref<!tpu.dma_semaphore, #tpu.memory_space<semaphore_mem>>
        %dma_start3A_102 = arith.constant 0 : i32
        %dma_start3A_103 = tpu.memref_slice %arg7[%add3A_89, %dma_start3A_102] : memref<20000x80xi32, #tpu.memory_space<hbm>> -> memref<1x80xi32, #tpu.memory_space<hbm>>
        %dma_start3A_104 = tpu.memref_squeeze %dma_start3A_103 : memref<1x80xi32, #tpu.memory_space<hbm>> -> memref<80xi32, #tpu.memory_space<hbm>>
        %dma_start3A_105 = arith.constant 0 : i32
        %dma_start3A_106 = tpu.memref_slice %arg7[%add3A_89, %dma_start3A_105] : memref<20000x80xi32, #tpu.memory_space<hbm>> -> memref<1x80xi32, #tpu.memory_space<hbm>>
        %dma_start3A_107 = tpu.memref_squeeze %dma_start3A_106 : memref<1x80xi32, #tpu.memory_space<hbm>> -> memref<80xi32, #tpu.memory_space<hbm>>
        tpu.enqueue_dma source(%dma_start3A_107 : memref<80xi32, #tpu.memory_space<hbm>>) target(%arg14 : memref<80xi32, #tpu.memory_space<vmem>>) target_semaphore(%run_scoped3A : memref<!tpu.dma_semaphore, #tpu.memory_space<semaphore_mem>>)
        %dma_wait3A_108 = arith.constant 0 : i32
        %dma_wait3A_109 = tpu.memref_slice %arg7[%add3A_89, %dma_wait3A_108] : memref<20000x80xi32, #tpu.memory_space<hbm>> -> memref<1x80xi32, #tpu.memory_space<hbm>>
        %dma_wait3A_110 = tpu.memref_squeeze %dma_wait3A_109 : memref<1x80xi32, #tpu.memory_space<hbm>> -> memref<80xi32, #tpu.memory_space<hbm>>
        %dma_wait3A_111 = arith.constant 0 : i32
        %dma_wait3A_112 = tpu.memref_slice %arg7[%add3A_89, %dma_wait3A_111] : memref<20000x80xi32, #tpu.memory_space<hbm>> -> memref<1x80xi32, #tpu.memory_space<hbm>>
        %dma_wait3A_113 = tpu.memref_squeeze %dma_wait3A_112 : memref<1x80xi32, #tpu.memory_space<hbm>> -> memref<80xi32, #tpu.memory_space<hbm>>
        tpu.wait_dma2 semaphore(%run_scoped3A : memref<!tpu.dma_semaphore, #tpu.memory_space<semaphore_mem>>) src(%dma_wait3A_113 : memref<80xi32, #tpu.memory_space<hbm>>) dst(%arg14 : memref<80xi32, #tpu.memory_space<vmem>>)
        tpu.yield
      }) : () -> ()
      "tpu.region"() ({
        %run_scoped3A = tpu.sem_alloc : memref<!tpu.dma_semaphore, #tpu.memory_space<semaphore_mem>>
        %dma_start3A_102 = arith.constant 0 : i32
        %dma_start3A_103 = tpu.memref_slice %arg8[%add3A_89, %dma_start3A_102] : memref<20000x80xf32, #tpu.memory_space<hbm>> -> memref<1x80xf32, #tpu.memory_space<hbm>>
        %dma_start3A_104 = tpu.memref_squeeze %dma_start3A_103 : memref<1x80xf32, #tpu.memory_space<hbm>> -> memref<80xf32, #tpu.memory_space<hbm>>
        %dma_start3A_105 = arith.constant 0 : i32
        %dma_start3A_106 = tpu.memref_slice %arg8[%add3A_89, %dma_start3A_105] : memref<20000x80xf32, #tpu.memory_space<hbm>> -> memref<1x80xf32, #tpu.memory_space<hbm>>
        %dma_start3A_107 = tpu.memref_squeeze %dma_start3A_106 : memref<1x80xf32, #tpu.memory_space<hbm>> -> memref<80xf32, #tpu.memory_space<hbm>>
        tpu.enqueue_dma source(%dma_start3A_107 : memref<80xf32, #tpu.memory_space<hbm>>) target(%arg16 : memref<80xf32, #tpu.memory_space<vmem>>) target_semaphore(%run_scoped3A : memref<!tpu.dma_semaphore, #tpu.memory_space<semaphore_mem>>)
        %dma_wait3A_108 = arith.constant 0 : i32
        %dma_wait3A_109 = tpu.memref_slice %arg8[%add3A_89, %dma_wait3A_108] : memref<20000x80xf32, #tpu.memory_space<hbm>> -> memref<1x80xf32, #tpu.memory_space<hbm>>
        %dma_wait3A_110 = tpu.memref_squeeze %dma_wait3A_109 : memref<1x80xf32, #tpu.memory_space<hbm>> -> memref<80xf32, #tpu.memory_space<hbm>>
        %dma_wait3A_111 = arith.constant 0 : i32
        %dma_wait3A_112 = tpu.memref_slice %arg8[%add3A_89, %dma_wait3A_111] : memref<20000x80xf32, #tpu.memory_space<hbm>> -> memref<1x80xf32, #tpu.memory_space<hbm>>
        %dma_wait3A_113 = tpu.memref_squeeze %dma_wait3A_112 : memref<1x80xf32, #tpu.memory_space<hbm>> -> memref<80xf32, #tpu.memory_space<hbm>>
        tpu.wait_dma2 semaphore(%run_scoped3A : memref<!tpu.dma_semaphore, #tpu.memory_space<semaphore_mem>>) src(%dma_wait3A_113 : memref<80xf32, #tpu.memory_space<hbm>>) dst(%arg16 : memref<80xf32, #tpu.memory_space<vmem>>)
        tpu.yield
      }) : () -> ()
      %dma_start3A = arith.constant 0 : i32
      %dma_start3A_90 = arith.constant 0 : i32
      %dma_start3A_91 = tpu.memref_slice %arg5[%dma_start3A, %dma_start3A_90] : memref<100000x16xf32, #tpu.memory_space<hbm>> -> memref<100000x16xf32, #tpu.memory_space<hbm>>
      tpu.enqueue_indirect_dma source(%dma_start3A_91 : memref<100000x16xf32, #tpu.memory_space<hbm>>) target(%arg17 : memref<80x16xf32, #tpu.memory_space<vmem>>) offsets(%arg13 : memref<80xi32, #tpu.memory_space<vmem>>) semaphore(%arg20 : memref<!tpu.dma_semaphore, #tpu.memory_space<semaphore_mem>>)
      %dma_wait3A = arith.constant 0 : i32
      %dma_wait3A_92 = arith.constant 0 : i32
      %dma_wait3A_93 = tpu.memref_slice %arg5[%dma_wait3A, %dma_wait3A_92] : memref<100000x16xf32, #tpu.memory_space<hbm>> -> memref<100000x16xf32, #tpu.memory_space<hbm>>
      tpu.wait_indirect_dma semaphore(%arg20 : memref<!tpu.dma_semaphore, #tpu.memory_space<semaphore_mem>>) src(%dma_wait3A_93 : memref<100000x16xf32, #tpu.memory_space<hbm>>) dst(%arg17 : memref<80x16xf32, #tpu.memory_space<vmem>>)
      %scan3A_94 = arith.constant 0 : i32
      %scan3A_95 = arith.constant 0 : i32
      %scan3A_96 = arith.constant 5 : i32
      %scan3A_97 = arith.addi %scan3A_95, %scan3A_96 : i32
      %scan3A_98 = arith.constant 1 : i32
      %scan3A_99 = scf.for %scan3A_102 = %scan3A_95 to %scan3A_97 step %scan3A_98 iter_args(%scan3A_103 = %scan3A_94) -> (i32)  : i32 {
        %mul3A_104 = arith.constant 16 : i32
        %mul3A_105 = arith.muli %scan3A_102, %mul3A_104 : i32
        %get3A = arith.index_cast %mul3A_105 : i32 to index
        %get3A_106 = tpu.vector_load %arg14[%get3A] {strides = array<i32>} : memref<80xi32, #tpu.memory_space<vmem>>, vector<16xi32>,
        %get3A_107 = vector.shape_cast %get3A_106 : vector<16xi32> to vector<16xi32>
        %sub3A = vector.broadcast %mul3A_0 : i32 to vector<16xi32>
        %sub3A_108 = arith.subi %get3A_107, %sub3A : vector<16xi32>
        %ge3A = arith.constant 0 : i32
        %ge3A_109 = vector.broadcast %ge3A : i32 to vector<16xi32>
        %ge3A_110 = arith.cmpi sge, %sub3A_108, %ge3A_109 : vector<16xi32>
        %lt3A = arith.constant 50048 : i32
        %lt3A_111 = vector.broadcast %lt3A : i32 to vector<16xi32>
        %lt3A_112 = arith.cmpi slt, %sub3A_108, %lt3A_111 : vector<16xi32>
        %and3A = arith.andi %ge3A_110, %lt3A_112 : vector<16xi1>
        %jit3A = arith.constant 50048 : i32
        %broadcast_in_dim3A = vector.broadcast %jit3A : i32 to vector<16xi32>
        %select_n3A = arith.select %and3A, %sub3A_108, %broadcast_in_dim3A : vector<16xi1>, vector<16xi32>
        %swap3A = arith.index_cast %mul3A_105 : i32 to index
        %swap3A_113 = tpu.vector_load %arg15[%swap3A] {strides = array<i32>} : memref<80xi32, #tpu.memory_space<vmem>>, vector<16xi32>,
        %swap3A_114 = vector.shape_cast %swap3A_113 : vector<16xi32> to vector<16xi32>
        %swap3A_115 = vector.shape_cast %select_n3A : vector<16xi32> to vector<16xi32>
        tpu.vector_store %arg15[%swap3A], %swap3A_115 {strides = array<i32>} : memref<80xi32, #tpu.memory_space<vmem>>, vector<16xi32>,
        %get3A_116 = arith.index_cast %mul3A_105 : i32 to index
        %get3A_117 = tpu.vector_load %arg16[%get3A_116] {strides = array<i32>} : memref<80xf32, #tpu.memory_space<vmem>>, vector<16xf32>,
        %get3A_118 = vector.shape_cast %get3A_117 : vector<16xf32> to vector<16xf32>
        %mul3A_119 = arith.constant 16 : i32
        %mul3A_120 = arith.muli %scan3A_102, %mul3A_119 : i32
        %add3A_121 = arith.constant 0 : i32
        %add3A_122 = arith.addi %mul3A_120, %add3A_121 : i32
        %get3A_123 = arith.index_cast %add3A_122 : i32 to index
        %get3A_124 = arith.constant 0 : index
        %get3A_125 = tpu.vector_load %arg17[%get3A_123, %get3A_124] {strides = array<i32>} : memref<80x16xf32, #tpu.memory_space<vmem>>, vector<1x16xf32>,
        %get3A_126 = vector.shape_cast %get3A_125 : vector<1x16xf32> to vector<16xf32>
        %slice3A = vector.extract_strided_slice %get3A_118 {offsets = [0], sizes = [1], strides = [1]} : vector<16xf32> to vector<1xf32>
        %squeeze3A = vector.extract %slice3A[0] : f32 from vector<1xf32>
        %mul3A_127 = vector.broadcast %squeeze3A : f32 to vector<16xf32>
        %mul3A_128 = arith.mulf %get3A_126, %mul3A_127 : vector<16xf32>
        %swap3A_129 = arith.index_cast %add3A_122 : i32 to index
        %swap3A_130 = arith.constant 0 : index
        %swap3A_131 = tpu.vector_load %arg17[%swap3A_129, %swap3A_130] {strides = array<i32>} : memref<80x16xf32, #tpu.memory_space<vmem>>, vector<1x16xf32>,
        %swap3A_132 = vector.shape_cast %swap3A_131 : vector<1x16xf32> to vector<16xf32>
        %swap3A_133 = vector.shape_cast %mul3A_128 : vector<16xf32> to vector<1x16xf32>
        tpu.vector_store %arg17[%swap3A_129, %swap3A_130], %swap3A_133 {strides = array<i32>} : memref<80x16xf32, #tpu.memory_space<vmem>>, vector<1x16xf32>,
        %mul3A_134 = arith.constant 16 : i32
        %mul3A_135 = arith.muli %scan3A_102, %mul3A_134 : i32
        %add3A_136 = arith.constant 1 : i32
        %add3A_137 = arith.addi %mul3A_135, %add3A_136 : i32
        %get3A_138 = arith.index_cast %add3A_137 : i32 to index
        %get3A_139 = arith.constant 0 : index
        %get3A_140 = tpu.vector_load %arg17[%get3A_138, %get3A_139] {strides = array<i32>} : memref<80x16xf32, #tpu.memory_space<vmem>>, vector<1x16xf32>,
        %get3A_141 = vector.shape_cast %get3A_140 : vector<1x16xf32> to vector<16xf32>
        %slice3A_142 = vector.extract_strided_slice %get3A_118 {offsets = [1], sizes = [1], strides = [1]} : vector<16xf32> to vector<1xf32>
        %squeeze3A_143 = vector.extract %slice3A_142[0] : f32 from vector<1xf32>
        %mul3A_144 = vector.broadcast %squeeze3A_143 : f32 to vector<16xf32>
        %mul3A_145 = arith.mulf %get3A_141, %mul3A_144 : vector<16xf32>
        %swap3A_146 = arith.index_cast %add3A_137 : i32 to index
        %swap3A_147 = arith.constant 0 : index
        %swap3A_148 = tpu.vector_load %arg17[%swap3A_146, %swap3A_147] {strides = array<i32>} : memref<80x16xf32, #tpu.memory_space<vmem>>, vector<1x16xf32>,
        %swap3A_149 = vector.shape_cast %swap3A_148 : vector<1x16xf32> to vector<16xf32>
        %swap3A_150 = vector.shape_cast %mul3A_145 : vector<16xf32> to vector<1x16xf32>
        tpu.vector_store %arg17[%swap3A_146, %swap3A_147], %swap3A_150 {strides = array<i32>} : memref<80x16xf32, #tpu.memory_space<vmem>>, vector<1x16xf32>,
        %mul3A_151 = arith.constant 16 : i32
        %mul3A_152 = arith.muli %scan3A_102, %mul3A_151 : i32
        %add3A_153 = arith.constant 2 : i32
        %add3A_154 = arith.addi %mul3A_152, %add3A_153 : i32
        %get3A_155 = arith.index_cast %add3A_154 : i32 to index
        %get3A_156 = arith.constant 0 : index
        %get3A_157 = tpu.vector_load %arg17[%get3A_155, %get3A_156] {strides = array<i32>} : memref<80x16xf32, #tpu.memory_space<vmem>>, vector<1x16xf32>,
        %get3A_158 = vector.shape_cast %get3A_157 : vector<1x16xf32> to vector<16xf32>
        %slice3A_159 = vector.extract_strided_slice %get3A_118 {offsets = [2], sizes = [1], strides = [1]} : vector<16xf32> to vector<1xf32>
        %squeeze3A_160 = vector.extract %slice3A_159[0] : f32 from vector<1xf32>
        %mul3A_161 = vector.broadcast %squeeze3A_160 : f32 to vector<16xf32>
        %mul3A_162 = arith.mulf %get3A_158, %mul3A_161 : vector<16xf32>
        %swap3A_163 = arith.index_cast %add3A_154 : i32 to index
        %swap3A_164 = arith.constant 0 : index
        %swap3A_165 = tpu.vector_load %arg17[%swap3A_163, %swap3A_164] {strides = array<i32>} : memref<80x16xf32, #tpu.memory_space<vmem>>, vector<1x16xf32>,
        %swap3A_166 = vector.shape_cast %swap3A_165 : vector<1x16xf32> to vector<16xf32>
        %swap3A_167 = vector.shape_cast %mul3A_162 : vector<16xf32> to vector<1x16xf32>
        tpu.vector_store %arg17[%swap3A_163, %swap3A_164], %swap3A_167 {strides = array<i32>} : memref<80x16xf32, #tpu.memory_space<vmem>>, vector<1x16xf32>,
        %mul3A_168 = arith.constant 16 : i32
        %mul3A_169 = arith.muli %scan3A_102, %mul3A_168 : i32
        %add3A_170 = arith.constant 3 : i32
        %add3A_171 = arith.addi %mul3A_169, %add3A_170 : i32
        %get3A_172 = arith.index_cast %add3A_171 : i32 to index
        %get3A_173 = arith.constant 0 : index
        %get3A_174 = tpu.vector_load %arg17[%get3A_172, %get3A_173] {strides = array<i32>} : memref<80x16xf32, #tpu.memory_space<vmem>>, vector<1x16xf32>,
        %get3A_175 = vector.shape_cast %get3A_174 : vector<1x16xf32> to vector<16xf32>
        %slice3A_176 = vector.extract_strided_slice %get3A_118 {offsets = [3], sizes = [1], strides = [1]} : vector<16xf32> to vector<1xf32>
        %squeeze3A_177 = vector.extract %slice3A_176[0] : f32 from vector<1xf32>
        %mul3A_178 = vector.broadcast %squeeze3A_177 : f32 to vector<16xf32>
        %mul3A_179 = arith.mulf %get3A_175, %mul3A_178 : vector<16xf32>
        %swap3A_180 = arith.index_cast %add3A_171 : i32 to index
        %swap3A_181 = arith.constant 0 : index
        %swap3A_182 = tpu.vector_load %arg17[%swap3A_180, %swap3A_181] {strides = array<i32>} : memref<80x16xf32, #tpu.memory_space<vmem>>, vector<1x16xf32>,
        %swap3A_183 = vector.shape_cast %swap3A_182 : vector<1x16xf32> to vector<16xf32>
        %swap3A_184 = vector.shape_cast %mul3A_179 : vector<16xf32> to vector<1x16xf32>
        tpu.vector_store %arg17[%swap3A_180, %swap3A_181], %swap3A_184 {strides = array<i32>} : memref<80x16xf32, #tpu.memory_space<vmem>>, vector<1x16xf32>,
        %mul3A_185 = arith.constant 16 : i32
        %mul3A_186 = arith.muli %scan3A_102, %mul3A_185 : i32
        %add3A_187 = arith.constant 4 : i32
        %add3A_188 = arith.addi %mul3A_186, %add3A_187 : i32
        %get3A_189 = arith.index_cast %add3A_188 : i32 to index
        %get3A_190 = arith.constant 0 : index
        %get3A_191 = tpu.vector_load %arg17[%get3A_189, %get3A_190] {strides = array<i32>} : memref<80x16xf32, #tpu.memory_space<vmem>>, vector<1x16xf32>,
        %get3A_192 = vector.shape_cast %get3A_191 : vector<1x16xf32> to vector<16xf32>
        %slice3A_193 = vector.extract_strided_slice %get3A_118 {offsets = [4], sizes = [1], strides = [1]} : vector<16xf32> to vector<1xf32>
        %squeeze3A_194 = vector.extract %slice3A_193[0] : f32 from vector<1xf32>
        %mul3A_195 = vector.broadcast %squeeze3A_194 : f32 to vector<16xf32>
        %mul3A_196 = arith.mulf %get3A_192, %mul3A_195 : vector<16xf32>
        %swap3A_197 = arith.index_cast %add3A_188 : i32 to index
        %swap3A_198 = arith.constant 0 : index
        %swap3A_199 = tpu.vector_load %arg17[%swap3A_197, %swap3A_198] {strides = array<i32>} : memref<80x16xf32, #tpu.memory_space<vmem>>, vector<1x16xf32>,
        %swap3A_200 = vector.shape_cast %swap3A_199 : vector<1x16xf32> to vector<16xf32>
        %swap3A_201 = vector.shape_cast %mul3A_196 : vector<16xf32> to vector<1x16xf32>
        tpu.vector_store %arg17[%swap3A_197, %swap3A_198], %swap3A_201 {strides = array<i32>} : memref<80x16xf32, #tpu.memory_space<vmem>>, vector<1x16xf32>,
        %mul3A_202 = arith.constant 16 : i32
        %mul3A_203 = arith.muli %scan3A_102, %mul3A_202 : i32
        %add3A_204 = arith.constant 5 : i32
        %add3A_205 = arith.addi %mul3A_203, %add3A_204 : i32
        %get3A_206 = arith.index_cast %add3A_205 : i32 to index
        %get3A_207 = arith.constant 0 : index
        %get3A_208 = tpu.vector_load %arg17[%get3A_206, %get3A_207] {strides = array<i32>} : memref<80x16xf32, #tpu.memory_space<vmem>>, vector<1x16xf32>,
        %get3A_209 = vector.shape_cast %get3A_208 : vector<1x16xf32> to vector<16xf32>
        %slice3A_210 = vector.extract_strided_slice %get3A_118 {offsets = [5], sizes = [1], strides = [1]} : vector<16xf32> to vector<1xf32>
        %squeeze3A_211 = vector.extract %slice3A_210[0] : f32 from vector<1xf32>
        %mul3A_212 = vector.broadcast %squeeze3A_211 : f32 to vector<16xf32>
        %mul3A_213 = arith.mulf %get3A_209, %mul3A_212 : vector<16xf32>
        %swap3A_214 = arith.index_cast %add3A_205 : i32 to index
        %swap3A_215 = arith.constant 0 : index
        %swap3A_216 = tpu.vector_load %arg17[%swap3A_214, %swap3A_215] {strides = array<i32>} : memref<80x16xf32, #tpu.memory_space<vmem>>, vector<1x16xf32>,
        %swap3A_217 = vector.shape_cast %swap3A_216 : vector<1x16xf32> to vector<16xf32>
        %swap3A_218 = vector.shape_cast %mul3A_213 : vector<16xf32> to vector<1x16xf32>
        tpu.vector_store %arg17[%swap3A_214, %swap3A_215], %swap3A_218 {strides = array<i32>} : memref<80x16xf32, #tpu.memory_space<vmem>>, vector<1x16xf32>,
        %mul3A_219 = arith.constant 16 : i32
        %mul3A_220 = arith.muli %scan3A_102, %mul3A_219 : i32
        %add3A_221 = arith.constant 6 : i32
        %add3A_222 = arith.addi %mul3A_220, %add3A_221 : i32
        %get3A_223 = arith.index_cast %add3A_222 : i32 to index
        %get3A_224 = arith.constant 0 : index
        %get3A_225 = tpu.vector_load %arg17[%get3A_223, %get3A_224] {strides = array<i32>} : memref<80x16xf32, #tpu.memory_space<vmem>>, vector<1x16xf32>,
        %get3A_226 = vector.shape_cast %get3A_225 : vector<1x16xf32> to vector<16xf32>
        %slice3A_227 = vector.extract_strided_slice %get3A_118 {offsets = [6], sizes = [1], strides = [1]} : vector<16xf32> to vector<1xf32>
        %squeeze3A_228 = vector.extract %slice3A_227[0] : f32 from vector<1xf32>
        %mul3A_229 = vector.broadcast %squeeze3A_228 : f32 to vector<16xf32>
        %mul3A_230 = arith.mulf %get3A_226, %mul3A_229 : vector<16xf32>
        %swap3A_231 = arith.index_cast %add3A_222 : i32 to index
        %swap3A_232 = arith.constant 0 : index
        %swap3A_233 = tpu.vector_load %arg17[%swap3A_231, %swap3A_232] {strides = array<i32>} : memref<80x16xf32, #tpu.memory_space<vmem>>, vector<1x16xf32>,
        %swap3A_234 = vector.shape_cast %swap3A_233 : vector<1x16xf32> to vector<16xf32>
        %swap3A_235 = vector.shape_cast %mul3A_230 : vector<16xf32> to vector<1x16xf32>
        tpu.vector_store %arg17[%swap3A_231, %swap3A_232], %swap3A_235 {strides = array<i32>} : memref<80x16xf32, #tpu.memory_space<vmem>>, vector<1x16xf32>,
        %mul3A_236 = arith.constant 16 : i32
        %mul3A_237 = arith.muli %scan3A_102, %mul3A_236 : i32
        %add3A_238 = arith.constant 7 : i32
        %add3A_239 = arith.addi %mul3A_237, %add3A_238 : i32
        %get3A_240 = arith.index_cast %add3A_239 : i32 to index
        %get3A_241 = arith.constant 0 : index
        %get3A_242 = tpu.vector_load %arg17[%get3A_240, %get3A_241] {strides = array<i32>} : memref<80x16xf32, #tpu.memory_space<vmem>>, vector<1x16xf32>,
        %get3A_243 = vector.shape_cast %get3A_242 : vector<1x16xf32> to vector<16xf32>
        %slice3A_244 = vector.extract_strided_slice %get3A_118 {offsets = [7], sizes = [1], strides = [1]} : vector<16xf32> to vector<1xf32>
        %squeeze3A_245 = vector.extract %slice3A_244[0] : f32 from vector<1xf32>
        %mul3A_246 = vector.broadcast %squeeze3A_245 : f32 to vector<16xf32>
        %mul3A_247 = arith.mulf %get3A_243, %mul3A_246 : vector<16xf32>
        %swap3A_248 = arith.index_cast %add3A_239 : i32 to index
        %swap3A_249 = arith.constant 0 : index
        %swap3A_250 = tpu.vector_load %arg17[%swap3A_248, %swap3A_249] {strides = array<i32>} : memref<80x16xf32, #tpu.memory_space<vmem>>, vector<1x16xf32>,
        %swap3A_251 = vector.shape_cast %swap3A_250 : vector<1x16xf32> to vector<16xf32>
        %swap3A_252 = vector.shape_cast %mul3A_247 : vector<16xf32> to vector<1x16xf32>
        tpu.vector_store %arg17[%swap3A_248, %swap3A_249], %swap3A_252 {strides = array<i32>} : memref<80x16xf32, #tpu.memory_space<vmem>>, vector<1x16xf32>,
        %mul3A_253 = arith.constant 16 : i32
        %mul3A_254 = arith.muli %scan3A_102, %mul3A_253 : i32
        %add3A_255 = arith.constant 8 : i32
        %add3A_256 = arith.addi %mul3A_254, %add3A_255 : i32
        %get3A_257 = arith.index_cast %add3A_256 : i32 to index
        %get3A_258 = arith.constant 0 : index
        %get3A_259 = tpu.vector_load %arg17[%get3A_257, %get3A_258] {strides = array<i32>} : memref<80x16xf32, #tpu.memory_space<vmem>>, vector<1x16xf32>,
        %get3A_260 = vector.shape_cast %get3A_259 : vector<1x16xf32> to vector<16xf32>
        %slice3A_261 = vector.extract_strided_slice %get3A_118 {offsets = [8], sizes = [1], strides = [1]} : vector<16xf32> to vector<1xf32>
        %squeeze3A_262 = vector.extract %slice3A_261[0] : f32 from vector<1xf32>
        %mul3A_263 = vector.broadcast %squeeze3A_262 : f32 to vector<16xf32>
        %mul3A_264 = arith.mulf %get3A_260, %mul3A_263 : vector<16xf32>
        %swap3A_265 = arith.index_cast %add3A_256 : i32 to index
        %swap3A_266 = arith.constant 0 : index
        %swap3A_267 = tpu.vector_load %arg17[%swap3A_265, %swap3A_266] {strides = array<i32>} : memref<80x16xf32, #tpu.memory_space<vmem>>, vector<1x16xf32>,
        %swap3A_268 = vector.shape_cast %swap3A_267 : vector<1x16xf32> to vector<16xf32>
        %swap3A_269 = vector.shape_cast %mul3A_264 : vector<16xf32> to vector<1x16xf32>
        tpu.vector_store %arg17[%swap3A_265, %swap3A_266], %swap3A_269 {strides = array<i32>} : memref<80x16xf32, #tpu.memory_space<vmem>>, vector<1x16xf32>,
        %mul3A_270 = arith.constant 16 : i32
        %mul3A_271 = arith.muli %scan3A_102, %mul3A_270 : i32
        %add3A_272 = arith.constant 9 : i32
        %add3A_273 = arith.addi %mul3A_271, %add3A_272 : i32
        %get3A_274 = arith.index_cast %add3A_273 : i32 to index
        %get3A_275 = arith.constant 0 : index
        %get3A_276 = tpu.vector_load %arg17[%get3A_274, %get3A_275] {strides = array<i32>} : memref<80x16xf32, #tpu.memory_space<vmem>>, vector<1x16xf32>,
        %get3A_277 = vector.shape_cast %get3A_276 : vector<1x16xf32> to vector<16xf32>
        %slice3A_278 = vector.extract_strided_slice %get3A_118 {offsets = [9], sizes = [1], strides = [1]} : vector<16xf32> to vector<1xf32>
        %squeeze3A_279 = vector.extract %slice3A_278[0] : f32 from vector<1xf32>
        %mul3A_280 = vector.broadcast %squeeze3A_279 : f32 to vector<16xf32>
        %mul3A_281 = arith.mulf %get3A_277, %mul3A_280 : vector<16xf32>
        %swap3A_282 = arith.index_cast %add3A_273 : i32 to index
        %swap3A_283 = arith.constant 0 : index
        %swap3A_284 = tpu.vector_load %arg17[%swap3A_282, %swap3A_283] {strides = array<i32>} : memref<80x16xf32, #tpu.memory_space<vmem>>, vector<1x16xf32>,
        %swap3A_285 = vector.shape_cast %swap3A_284 : vector<1x16xf32> to vector<16xf32>
        %swap3A_286 = vector.shape_cast %mul3A_281 : vector<16xf32> to vector<1x16xf32>
        tpu.vector_store %arg17[%swap3A_282, %swap3A_283], %swap3A_286 {strides = array<i32>} : memref<80x16xf32, #tpu.memory_space<vmem>>, vector<1x16xf32>,
        %mul3A_287 = arith.constant 16 : i32
        %mul3A_288 = arith.muli %scan3A_102, %mul3A_287 : i32
        %add3A_289 = arith.constant 10 : i32
        %add3A_290 = arith.addi %mul3A_288, %add3A_289 : i32
        %get3A_291 = arith.index_cast %add3A_290 : i32 to index
        %get3A_292 = arith.constant 0 : index
        %get3A_293 = tpu.vector_load %arg17[%get3A_291, %get3A_292] {strides = array<i32>} : memref<80x16xf32, #tpu.memory_space<vmem>>, vector<1x16xf32>,
        %get3A_294 = vector.shape_cast %get3A_293 : vector<1x16xf32> to vector<16xf32>
        %slice3A_295 = vector.extract_strided_slice %get3A_118 {offsets = [10], sizes = [1], strides = [1]} : vector<16xf32> to vector<1xf32>
        %squeeze3A_296 = vector.extract %slice3A_295[0] : f32 from vector<1xf32>
        %mul3A_297 = vector.broadcast %squeeze3A_296 : f32 to vector<16xf32>
        %mul3A_298 = arith.mulf %get3A_294, %mul3A_297 : vector<16xf32>
        %swap3A_299 = arith.index_cast %add3A_290 : i32 to index
        %swap3A_300 = arith.constant 0 : index
        %swap3A_301 = tpu.vector_load %arg17[%swap3A_299, %swap3A_300] {strides = array<i32>} : memref<80x16xf32, #tpu.memory_space<vmem>>, vector<1x16xf32>,
        %swap3A_302 = vector.shape_cast %swap3A_301 : vector<1x16xf32> to vector<16xf32>
        %swap3A_303 = vector.shape_cast %mul3A_298 : vector<16xf32> to vector<1x16xf32>
        tpu.vector_store %arg17[%swap3A_299, %swap3A_300], %swap3A_303 {strides = array<i32>} : memref<80x16xf32, #tpu.memory_space<vmem>>, vector<1x16xf32>,
        %mul3A_304 = arith.constant 16 : i32
        %mul3A_305 = arith.muli %scan3A_102, %mul3A_304 : i32
        %add3A_306 = arith.constant 11 : i32
        %add3A_307 = arith.addi %mul3A_305, %add3A_306 : i32
        %get3A_308 = arith.index_cast %add3A_307 : i32 to index
        %get3A_309 = arith.constant 0 : index
        %get3A_310 = tpu.vector_load %arg17[%get3A_308, %get3A_309] {strides = array<i32>} : memref<80x16xf32, #tpu.memory_space<vmem>>, vector<1x16xf32>,
        %get3A_311 = vector.shape_cast %get3A_310 : vector<1x16xf32> to vector<16xf32>
        %slice3A_312 = vector.extract_strided_slice %get3A_118 {offsets = [11], sizes = [1], strides = [1]} : vector<16xf32> to vector<1xf32>
        %squeeze3A_313 = vector.extract %slice3A_312[0] : f32 from vector<1xf32>
        %mul3A_314 = vector.broadcast %squeeze3A_313 : f32 to vector<16xf32>
        %mul3A_315 = arith.mulf %get3A_311, %mul3A_314 : vector<16xf32>
        %swap3A_316 = arith.index_cast %add3A_307 : i32 to index
        %swap3A_317 = arith.constant 0 : index
        %swap3A_318 = tpu.vector_load %arg17[%swap3A_316, %swap3A_317] {strides = array<i32>} : memref<80x16xf32, #tpu.memory_space<vmem>>, vector<1x16xf32>,
        %swap3A_319 = vector.shape_cast %swap3A_318 : vector<1x16xf32> to vector<16xf32>
        %swap3A_320 = vector.shape_cast %mul3A_315 : vector<16xf32> to vector<1x16xf32>
        tpu.vector_store %arg17[%swap3A_316, %swap3A_317], %swap3A_320 {strides = array<i32>} : memref<80x16xf32, #tpu.memory_space<vmem>>, vector<1x16xf32>,
        %mul3A_321 = arith.constant 16 : i32
        %mul3A_322 = arith.muli %scan3A_102, %mul3A_321 : i32
        %add3A_323 = arith.constant 12 : i32
        %add3A_324 = arith.addi %mul3A_322, %add3A_323 : i32
        %get3A_325 = arith.index_cast %add3A_324 : i32 to index
        %get3A_326 = arith.constant 0 : index
        %get3A_327 = tpu.vector_load %arg17[%get3A_325, %get3A_326] {strides = array<i32>} : memref<80x16xf32, #tpu.memory_space<vmem>>, vector<1x16xf32>,
        %get3A_328 = vector.shape_cast %get3A_327 : vector<1x16xf32> to vector<16xf32>
        %slice3A_329 = vector.extract_strided_slice %get3A_118 {offsets = [12], sizes = [1], strides = [1]} : vector<16xf32> to vector<1xf32>
        %squeeze3A_330 = vector.extract %slice3A_329[0] : f32 from vector<1xf32>
        %mul3A_331 = vector.broadcast %squeeze3A_330 : f32 to vector<16xf32>
        %mul3A_332 = arith.mulf %get3A_328, %mul3A_331 : vector<16xf32>
        %swap3A_333 = arith.index_cast %add3A_324 : i32 to index
        %swap3A_334 = arith.constant 0 : index
        %swap3A_335 = tpu.vector_load %arg17[%swap3A_333, %swap3A_334] {strides = array<i32>} : memref<80x16xf32, #tpu.memory_space<vmem>>, vector<1x16xf32>,
        %swap3A_336 = vector.shape_cast %swap3A_335 : vector<1x16xf32> to vector<16xf32>
        %swap3A_337 = vector.shape_cast %mul3A_332 : vector<16xf32> to vector<1x16xf32>
        tpu.vector_store %arg17[%swap3A_333, %swap3A_334], %swap3A_337 {strides = array<i32>} : memref<80x16xf32, #tpu.memory_space<vmem>>, vector<1x16xf32>,
        %mul3A_338 = arith.constant 16 : i32
        %mul3A_339 = arith.muli %scan3A_102, %mul3A_338 : i32
        %add3A_340 = arith.constant 13 : i32
        %add3A_341 = arith.addi %mul3A_339, %add3A_340 : i32
        %get3A_342 = arith.index_cast %add3A_341 : i32 to index
        %get3A_343 = arith.constant 0 : index
        %get3A_344 = tpu.vector_load %arg17[%get3A_342, %get3A_343] {strides = array<i32>} : memref<80x16xf32, #tpu.memory_space<vmem>>, vector<1x16xf32>,
        %get3A_345 = vector.shape_cast %get3A_344 : vector<1x16xf32> to vector<16xf32>
        %slice3A_346 = vector.extract_strided_slice %get3A_118 {offsets = [13], sizes = [1], strides = [1]} : vector<16xf32> to vector<1xf32>
        %squeeze3A_347 = vector.extract %slice3A_346[0] : f32 from vector<1xf32>
        %mul3A_348 = vector.broadcast %squeeze3A_347 : f32 to vector<16xf32>
        %mul3A_349 = arith.mulf %get3A_345, %mul3A_348 : vector<16xf32>
        %swap3A_350 = arith.index_cast %add3A_341 : i32 to index
        %swap3A_351 = arith.constant 0 : index
        %swap3A_352 = tpu.vector_load %arg17[%swap3A_350, %swap3A_351] {strides = array<i32>} : memref<80x16xf32, #tpu.memory_space<vmem>>, vector<1x16xf32>,
        %swap3A_353 = vector.shape_cast %swap3A_352 : vector<1x16xf32> to vector<16xf32>
        %swap3A_354 = vector.shape_cast %mul3A_349 : vector<16xf32> to vector<1x16xf32>
        tpu.vector_store %arg17[%swap3A_350, %swap3A_351], %swap3A_354 {strides = array<i32>} : memref<80x16xf32, #tpu.memory_space<vmem>>, vector<1x16xf32>,
        %mul3A_355 = arith.constant 16 : i32
        %mul3A_356 = arith.muli %scan3A_102, %mul3A_355 : i32
        %add3A_357 = arith.constant 14 : i32
        %add3A_358 = arith.addi %mul3A_356, %add3A_357 : i32
        %get3A_359 = arith.index_cast %add3A_358 : i32 to index
        %get3A_360 = arith.constant 0 : index
        %get3A_361 = tpu.vector_load %arg17[%get3A_359, %get3A_360] {strides = array<i32>} : memref<80x16xf32, #tpu.memory_space<vmem>>, vector<1x16xf32>,
        %get3A_362 = vector.shape_cast %get3A_361 : vector<1x16xf32> to vector<16xf32>
        %slice3A_363 = vector.extract_strided_slice %get3A_118 {offsets = [14], sizes = [1], strides = [1]} : vector<16xf32> to vector<1xf32>
        %squeeze3A_364 = vector.extract %slice3A_363[0] : f32 from vector<1xf32>
        %mul3A_365 = vector.broadcast %squeeze3A_364 : f32 to vector<16xf32>
        %mul3A_366 = arith.mulf %get3A_362, %mul3A_365 : vector<16xf32>
        %swap3A_367 = arith.index_cast %add3A_358 : i32 to index
        %swap3A_368 = arith.constant 0 : index
        %swap3A_369 = tpu.vector_load %arg17[%swap3A_367, %swap3A_368] {strides = array<i32>} : memref<80x16xf32, #tpu.memory_space<vmem>>, vector<1x16xf32>,
        %swap3A_370 = vector.shape_cast %swap3A_369 : vector<1x16xf32> to vector<16xf32>
        %swap3A_371 = vector.shape_cast %mul3A_366 : vector<16xf32> to vector<1x16xf32>
        tpu.vector_store %arg17[%swap3A_367, %swap3A_368], %swap3A_371 {strides = array<i32>} : memref<80x16xf32, #tpu.memory_space<vmem>>, vector<1x16xf32>,
        %mul3A_372 = arith.constant 16 : i32
        %mul3A_373 = arith.muli %scan3A_102, %mul3A_372 : i32
        %add3A_374 = arith.constant 15 : i32
        %add3A_375 = arith.addi %mul3A_373, %add3A_374 : i32
        %get3A_376 = arith.index_cast %add3A_375 : i32 to index
        %get3A_377 = arith.constant 0 : index
        %get3A_378 = tpu.vector_load %arg17[%get3A_376, %get3A_377] {strides = array<i32>} : memref<80x16xf32, #tpu.memory_space<vmem>>, vector<1x16xf32>,
        %get3A_379 = vector.shape_cast %get3A_378 : vector<1x16xf32> to vector<16xf32>
        %slice3A_380 = vector.extract_strided_slice %get3A_118 {offsets = [15], sizes = [1], strides = [1]} : vector<16xf32> to vector<1xf32>
        %squeeze3A_381 = vector.extract %slice3A_380[0] : f32 from vector<1xf32>
        %mul3A_382 = vector.broadcast %squeeze3A_381 : f32 to vector<16xf32>
        %mul3A_383 = arith.mulf %get3A_379, %mul3A_382 : vector<16xf32>
        %swap3A_384 = arith.index_cast %add3A_375 : i32 to index
        %swap3A_385 = arith.constant 0 : index
        %swap3A_386 = tpu.vector_load %arg17[%swap3A_384, %swap3A_385] {strides = array<i32>} : memref<80x16xf32, #tpu.memory_space<vmem>>, vector<1x16xf32>,
        %swap3A_387 = vector.shape_cast %swap3A_386 : vector<1x16xf32> to vector<16xf32>
        %swap3A_388 = vector.shape_cast %mul3A_383 : vector<16xf32> to vector<1x16xf32>
        tpu.vector_store %arg17[%swap3A_384, %swap3A_385], %swap3A_388 {strides = array<i32>} : memref<80x16xf32, #tpu.memory_space<vmem>>, vector<1x16xf32>,
        %scan3A_389 = arith.constant 0 : i32
        scf.yield %scan3A_389 : i32
      }
      %scan3A_100 = arith.constant 5 : i32
      "tpu.region"() ({
        %run_scoped3A = tpu.sem_alloc : memref<!tpu.dma_semaphore, #tpu.memory_space<semaphore_mem>>
        %dma_start3A_102 = arith.constant 0 : i32
        %dma_start3A_103 = arith.constant 0 : i32
        %dma_start3A_104 = tpu.memref_slice %arg19[%dma_start3A_102, %dma_start3A_103] : memref<50176x16xf32, #tpu.memory_space<vmem_shared>> -> memref<50176x16xf32, #tpu.memory_space<vmem_shared>>
        tpu.enqueue_indirect_dma source(%arg17 : memref<80x16xf32, #tpu.memory_space<vmem>>) target(%dma_start3A_104 : memref<50176x16xf32, #tpu.memory_space<vmem_shared>>) offsets(%arg15 : memref<80xi32, #tpu.memory_space<vmem>>) semaphore(%run_scoped3A : memref<!tpu.dma_semaphore, #tpu.memory_space<semaphore_mem>>) {add = true}
        %dma_wait3A_105 = arith.constant 0 : i32
        %dma_wait3A_106 = arith.constant 0 : i32
        %dma_wait3A_107 = tpu.memref_slice %arg19[%dma_wait3A_105, %dma_wait3A_106] : memref<50176x16xf32, #tpu.memory_space<vmem_shared>> -> memref<50176x16xf32, #tpu.memory_space<vmem_shared>>
        tpu.wait_indirect_dma semaphore(%run_scoped3A : memref<!tpu.dma_semaphore, #tpu.memory_space<semaphore_mem>>) src(%arg17 : memref<80x16xf32, #tpu.memory_space<vmem>>) dst(%dma_wait3A_107 : memref<50176x16xf32, #tpu.memory_space<vmem_shared>>)
        tpu.yield
      }) : () -> ()
      %scan3A_101 = arith.constant 0 : i32
      scf.yield %scan3A_101 : i32
    }
    %scan3A_82 = arith.constant 1250 : i32
    %barrier3A_83 = arith.constant 0 : index
    tpu.barrier barrier_id(%barrier3A_83)
    %mul3A_84 = arith.constant 3128 : i32
    %mul3A_85 = arith.muli %arg1, %mul3A_84 : i32
    "tpu.region"() ({
      %run_scoped3A = tpu.sem_alloc : memref<!tpu.dma_semaphore, #tpu.memory_space<semaphore_mem>>
      %dma_start3A = arith.constant 0 : i32
      %dma_start3A_87 = arith.constant 0 : i32
      %dma_start3A_88 = tpu.memref_slice %arg18[%dma_start3A, %dma_start3A_87] : memref<3136x16xf32, #tpu.memory_space<vmem>> -> memref<3128x16xf32, #tpu.memory_space<vmem>>
      %dma_start3A_89 = arith.constant 0 : i32
      %dma_start3A_90 = tpu.memref_slice %arg19[%mul3A_85, %dma_start3A_89] : memref<50176x16xf32, #tpu.memory_space<vmem_shared>> -> memref<3128x16xf32, #tpu.memory_space<vmem_shared>>
      %dma_start3A_91 = arith.constant 0 : i32
      %dma_start3A_92 = arith.constant 0 : i32
      %dma_start3A_93 = tpu.memref_slice %arg18[%dma_start3A_91, %dma_start3A_92] : memref<3136x16xf32, #tpu.memory_space<vmem>> -> memref<3128x16xf32, #tpu.memory_space<vmem>>
      %dma_start3A_94 = arith.constant 0 : i32
      %dma_start3A_95 = tpu.memref_slice %arg19[%mul3A_85, %dma_start3A_94] : memref<50176x16xf32, #tpu.memory_space<vmem_shared>> -> memref<3128x16xf32, #tpu.memory_space<vmem_shared>>
      tpu.enqueue_dma source(%dma_start3A_95 : memref<3128x16xf32, #tpu.memory_space<vmem_shared>>) target(%dma_start3A_93 : memref<3128x16xf32, #tpu.memory_space<vmem>>) target_semaphore(%run_scoped3A : memref<!tpu.dma_semaphore, #tpu.memory_space<semaphore_mem>>)
      %dma_wait3A = arith.constant 0 : i32
      %dma_wait3A_96 = arith.constant 0 : i32
      %dma_wait3A_97 = tpu.memref_slice %arg18[%dma_wait3A, %dma_wait3A_96] : memref<3136x16xf32, #tpu.memory_space<vmem>> -> memref<3128x16xf32, #tpu.memory_space<vmem>>
      %dma_wait3A_98 = arith.constant 0 : i32
      %dma_wait3A_99 = tpu.memref_slice %arg19[%mul3A_85, %dma_wait3A_98] : memref<50176x16xf32, #tpu.memory_space<vmem_shared>> -> memref<3128x16xf32, #tpu.memory_space<vmem_shared>>
      %dma_wait3A_100 = arith.constant 0 : i32
      %dma_wait3A_101 = arith.constant 0 : i32
      %dma_wait3A_102 = tpu.memref_slice %arg18[%dma_wait3A_100, %dma_wait3A_101] : memref<3136x16xf32, #tpu.memory_space<vmem>> -> memref<3128x16xf32, #tpu.memory_space<vmem>>
      %dma_wait3A_103 = arith.constant 0 : i32
      %dma_wait3A_104 = tpu.memref_slice %arg19[%mul3A_85, %dma_wait3A_103] : memref<50176x16xf32, #tpu.memory_space<vmem_shared>> -> memref<3128x16xf32, #tpu.memory_space<vmem_shared>>
      tpu.wait_dma2 semaphore(%run_scoped3A : memref<!tpu.dma_semaphore, #tpu.memory_space<semaphore_mem>>) src(%dma_wait3A_104 : memref<3128x16xf32, #tpu.memory_space<vmem_shared>>) dst(%dma_wait3A_102 : memref<3128x16xf32, #tpu.memory_space<vmem>>)
      tpu.yield
    }) : () -> ()
    %add3A_86 = arith.addi %mul3A_0, %mul3A_85 : i32
    "tpu.region"() ({
      %run_scoped3A = tpu.sem_alloc : memref<!tpu.dma_semaphore, #tpu.memory_space<semaphore_mem>>
      %dma_start3A = arith.constant 0 : i32
      %dma_start3A_87 = arith.constant 0 : i32
      %dma_start3A_88 = tpu.memref_slice %arg18[%dma_start3A, %dma_start3A_87] : memref<3136x16xf32, #tpu.memory_space<vmem>> -> memref<3128x16xf32, #tpu.memory_space<vmem>>
      %dma_start3A_89 = arith.constant 0 : i32
      %dma_start3A_90 = tpu.memref_slice %arg12[%add3A_86, %dma_start3A_89] : memref<100096x16xf32, #tpu.memory_space<hbm>> -> memref<3128x16xf32, #tpu.memory_space<hbm>>
      %dma_start3A_91 = arith.constant 0 : i32
      %dma_start3A_92 = tpu.memref_slice %arg12[%add3A_86, %dma_start3A_91] : memref<100096x16xf32, #tpu.memory_space<hbm>> -> memref<3128x16xf32, #tpu.memory_space<hbm>>
      %dma_start3A_93 = arith.constant 0 : i32
      %dma_start3A_94 = arith.constant 0 : i32
      %dma_start3A_95 = tpu.memref_slice %arg18[%dma_start3A_93, %dma_start3A_94] : memref<3136x16xf32, #tpu.memory_space<vmem>> -> memref<3128x16xf32, #tpu.memory_space<vmem>>
      tpu.enqueue_dma source(%dma_start3A_95 : memref<3128x16xf32, #tpu.memory_space<vmem>>) target(%dma_start3A_92 : memref<3128x16xf32, #tpu.memory_space<hbm>>) target_semaphore(%run_scoped3A : memref<!tpu.dma_semaphore, #tpu.memory_space<semaphore_mem>>)
      %dma_wait3A = arith.constant 0 : i32
      %dma_wait3A_96 = arith.constant 0 : i32
      %dma_wait3A_97 = tpu.memref_slice %arg18[%dma_wait3A, %dma_wait3A_96] : memref<3136x16xf32, #tpu.memory_space<vmem>> -> memref<3128x16xf32, #tpu.memory_space<vmem>>
      %dma_wait3A_98 = arith.constant 0 : i32
      %dma_wait3A_99 = tpu.memref_slice %arg12[%add3A_86, %dma_wait3A_98] : memref<100096x16xf32, #tpu.memory_space<hbm>> -> memref<3128x16xf32, #tpu.memory_space<hbm>>
      %dma_wait3A_100 = arith.constant 0 : i32
      %dma_wait3A_101 = tpu.memref_slice %arg12[%add3A_86, %dma_wait3A_100] : memref<100096x16xf32, #tpu.memory_space<hbm>> -> memref<3128x16xf32, #tpu.memory_space<hbm>>
      %dma_wait3A_102 = arith.constant 0 : i32
      %dma_wait3A_103 = arith.constant 0 : i32
      %dma_wait3A_104 = tpu.memref_slice %arg18[%dma_wait3A_102, %dma_wait3A_103] : memref<3136x16xf32, #tpu.memory_space<vmem>> -> memref<3128x16xf32, #tpu.memory_space<vmem>>
      tpu.wait_dma2 semaphore(%run_scoped3A : memref<!tpu.dma_semaphore, #tpu.memory_space<semaphore_mem>>) src(%dma_wait3A_104 : memref<3128x16xf32, #tpu.memory_space<vmem>>) dst(%dma_wait3A_101 : memref<3128x16xf32, #tpu.memory_space<hbm>>)
      tpu.yield
    }) : () -> ()
    return
  }
}

module attributes {stable_mosaic.version = 14 : i64} {
  func.func @_mid_body(%arg0: i32, %arg1: memref<4000x16xf32, #tpu.memory_space<vmem>>, %arg2: memref<16x16xf32, #tpu.memory_space<vmem>>, %arg3: memref<1x16xf32, #tpu.memory_space<vmem>>, %arg4: memref<4000x16xf32, #tpu.memory_space<vmem>>) attributes {dimension_semantics = [#tpu.dimension_semantics<arbitrary>], iteration_bounds = array<i64: 25>, scalar_prefetch = 0 : i64, scratch_operands = 0 : i64, tpu.core_type = #tpu.core_type<tc>, window_params = [{transform_indices = @transform_0, window_bounds = array<i64: 4000, 16>}, {pipeline_mode = #tpu.pipeline_mode<synchronous>, transform_indices = @transform_1, window_bounds = array<i64: 16, 16>}, {pipeline_mode = #tpu.pipeline_mode<synchronous>, transform_indices = @transform_2, window_bounds = array<i64: 1, 16>}, {transform_indices = @transform_3, window_bounds = array<i64: 4000, 16>}]} {
    %get3A = arith.constant 0 : index
    %get3A_0 = arith.constant 0 : index
    %get3A_1 = vector.load %arg1[%get3A, %get3A_0] : memref<4000x16xf32, #tpu.memory_space<vmem>>, vector<4000x16xf32>
    %get3A_2 = arith.constant 0 : index
    %get3A_3 = arith.constant 0 : index
    %get3A_4 = vector.load %arg2[%get3A_2, %get3A_3] : memref<16x16xf32, #tpu.memory_space<vmem>>, vector<16x16xf32>
    %dot_general3A = arith.constant dense<0.000000e+00> : vector<4000x16xf32>
    %dot_general3A_5 = tpu.matmul %get3A_1, %get3A_4, %dot_general3A {dimension_numbers = #tpu.dot_dimension_numbers<[1], [0], [0], [1], [0, 0, 1, 1], [], []>, transpose_lhs_hint = false} : vector<4000x16xf32>, vector<16x16xf32>, vector<4000x16xf32> -> vector<4000x16xf32>
    %get3A_6 = arith.constant 0 : index
    %get3A_7 = arith.constant 0 : index
    %get3A_8 = vector.load %arg3[%get3A_6, %get3A_7] : memref<1x16xf32, #tpu.memory_space<vmem>>, vector<1x16xf32>
    %add3A = vector.broadcast %get3A_8 : vector<1x16xf32> to vector<4000x16xf32>
    %add3A_9 = arith.addf %dot_general3A_5, %add3A : vector<4000x16xf32>
    %ge3A = arith.constant 0.000000e+00 : f32
    %ge3A_10 = vector.broadcast %ge3A : f32 to vector<4000x16xf32>
    %ge3A_11 = arith.cmpf oge, %add3A_9, %ge3A_10 : vector<4000x16xf32>
    %mul3A = arith.constant 0.00999999977 : f32
    %mul3A_12 = vector.broadcast %mul3A : f32 to vector<4000x16xf32>
    %mul3A_13 = arith.mulf %mul3A_12, %add3A_9 : vector<4000x16xf32>
    %select_n3A = arith.select %ge3A_11, %add3A_9, %mul3A_13 : vector<4000x16xi1>, vector<4000x16xf32>
    %swap3A = arith.constant 0 : index
    %swap3A_14 = arith.constant 0 : index
    %swap3A_15 = vector.load %arg4[%swap3A, %swap3A_14] : memref<4000x16xf32, #tpu.memory_space<vmem>>, vector<4000x16xf32>
    tpu.vector_store %arg4[%swap3A, %swap3A_14], %select_n3A {strides = array<i32>} : memref<4000x16xf32, #tpu.memory_space<vmem>>, vector<4000x16xf32>,
    return
  }
  func.func @transform_0(%arg0: i32) -> (i32, i32) {
    %c0_i32 = arith.constant 0 : i32
    %c0_i32_0 = arith.constant 0 : i32
    return %arg0, %c0_i32 : i32, i32
  }
  func.func @transform_1(%arg0: i32) -> (i32, i32) {
    %c0_i32 = arith.constant 0 : i32
    %c0_i32_0 = arith.constant 0 : i32
    %c0_i32_1 = arith.constant 0 : i32
    return %c0_i32, %c0_i32_0 : i32, i32
  }
  func.func @transform_2(%arg0: i32) -> (i32, i32) {
    %c0_i32 = arith.constant 0 : i32
    %c0_i32_0 = arith.constant 0 : i32
    %c0_i32_1 = arith.constant 0 : i32
    return %c0_i32, %c0_i32_0 : i32, i32
  }
  func.func @transform_3(%arg0: i32) -> (i32, i32) {
    %c0_i32 = arith.constant 0 : i32
    %c0_i32_0 = arith.constant 0 : i32
    return %arg0, %c0_i32 : i32, i32
  }
}

module attributes {stable_mosaic.version = 14 : i64} {
  func.func @_mid_body(%arg0: i32, %arg1: memref<4000x16xf32, #tpu.memory_space<vmem>>, %arg2: memref<16x32xf32, #tpu.memory_space<vmem>>, %arg3: memref<1x32xf32, #tpu.memory_space<vmem>>, %arg4: memref<4000x16xf32, #tpu.memory_space<vmem>>, %arg5: memref<4000x16xf32, #tpu.memory_space<vmem>>) attributes {dimension_semantics = [#tpu.dimension_semantics<arbitrary>], iteration_bounds = array<i64: 25>, scalar_prefetch = 0 : i64, scratch_operands = 0 : i64, tpu.core_type = #tpu.core_type<tc>, window_params = [{transform_indices = @transform_0, window_bounds = array<i64: 4000, 16>}, {pipeline_mode = #tpu.pipeline_mode<synchronous>, transform_indices = @transform_1, window_bounds = array<i64: 16, 32>}, {pipeline_mode = #tpu.pipeline_mode<synchronous>, transform_indices = @transform_2, window_bounds = array<i64: 1, 32>}, {transform_indices = @transform_3, window_bounds = array<i64: 4000, 16>}, {transform_indices = @transform_4, window_bounds = array<i64: 4000, 16>}]} {
    %get3A = arith.constant 0 : index
    %get3A_0 = arith.constant 0 : index
    %get3A_1 = vector.load %arg1[%get3A, %get3A_0] : memref<4000x16xf32, #tpu.memory_space<vmem>>, vector<4000x16xf32>
    %get3A_2 = arith.constant 0 : index
    %get3A_3 = arith.constant 0 : index
    %get3A_4 = vector.load %arg2[%get3A_2, %get3A_3] : memref<16x32xf32, #tpu.memory_space<vmem>>, vector<16x32xf32>
    %dot_general3A = arith.constant dense<0.000000e+00> : vector<4000x32xf32>
    %dot_general3A_5 = tpu.matmul %get3A_1, %get3A_4, %dot_general3A {dimension_numbers = #tpu.dot_dimension_numbers<[1], [0], [0], [1], [0, 0, 1, 1], [], []>, transpose_lhs_hint = false} : vector<4000x16xf32>, vector<16x32xf32>, vector<4000x32xf32> -> vector<4000x32xf32>
    %get3A_6 = arith.constant 0 : index
    %get3A_7 = arith.constant 0 : index
    %get3A_8 = vector.load %arg3[%get3A_6, %get3A_7] : memref<1x32xf32, #tpu.memory_space<vmem>>, vector<1x32xf32>
    %add3A = vector.broadcast %get3A_8 : vector<1x32xf32> to vector<4000x32xf32>
    %add3A_9 = arith.addf %dot_general3A_5, %add3A : vector<4000x32xf32>
    %ge3A = arith.constant 0.000000e+00 : f32
    %ge3A_10 = vector.broadcast %ge3A : f32 to vector<4000x32xf32>
    %ge3A_11 = arith.cmpf oge, %add3A_9, %ge3A_10 : vector<4000x32xf32>
    %mul3A = arith.constant 0.00999999977 : f32
    %mul3A_12 = vector.broadcast %mul3A : f32 to vector<4000x32xf32>
    %mul3A_13 = arith.mulf %mul3A_12, %add3A_9 : vector<4000x32xf32>
    %select_n3A = arith.select %ge3A_11, %add3A_9, %mul3A_13 : vector<4000x32xi1>, vector<4000x32xf32>
    %slice3A = vector.extract_strided_slice %select_n3A {offsets = [0, 0], sizes = [4000, 16], strides = [1, 1]} : vector<4000x32xf32> to vector<4000x16xf32>
    %swap3A = arith.constant 0 : index
    %swap3A_14 = arith.constant 0 : index
    %swap3A_15 = vector.load %arg4[%swap3A, %swap3A_14] : memref<4000x16xf32, #tpu.memory_space<vmem>>, vector<4000x16xf32>
    tpu.vector_store %arg4[%swap3A, %swap3A_14], %slice3A {strides = array<i32>} : memref<4000x16xf32, #tpu.memory_space<vmem>>, vector<4000x16xf32>,
    %slice3A_16 = vector.extract_strided_slice %select_n3A {offsets = [0, 16], sizes = [4000, 16], strides = [1, 1]} : vector<4000x32xf32> to vector<4000x16xf32>
    %swap3A_17 = arith.constant 0 : index
    %swap3A_18 = arith.constant 0 : index
    %swap3A_19 = vector.load %arg5[%swap3A_17, %swap3A_18] : memref<4000x16xf32, #tpu.memory_space<vmem>>, vector<4000x16xf32>
    tpu.vector_store %arg5[%swap3A_17, %swap3A_18], %slice3A_16 {strides = array<i32>} : memref<4000x16xf32, #tpu.memory_space<vmem>>, vector<4000x16xf32>,
    return
  }
  func.func @transform_0(%arg0: i32) -> (i32, i32) {
    %c0_i32 = arith.constant 0 : i32
    %c0_i32_0 = arith.constant 0 : i32
    return %arg0, %c0_i32 : i32, i32
  }
  func.func @transform_1(%arg0: i32) -> (i32, i32) {
    %c0_i32 = arith.constant 0 : i32
    %c0_i32_0 = arith.constant 0 : i32
    %c0_i32_1 = arith.constant 0 : i32
    return %c0_i32, %c0_i32_0 : i32, i32
  }
  func.func @transform_2(%arg0: i32) -> (i32, i32) {
    %c0_i32 = arith.constant 0 : i32
    %c0_i32_0 = arith.constant 0 : i32
    %c0_i32_1 = arith.constant 0 : i32
    return %c0_i32, %c0_i32_0 : i32, i32
  }
  func.func @transform_3(%arg0: i32) -> (i32, i32) {
    %c0_i32 = arith.constant 0 : i32
    %c0_i32_0 = arith.constant 0 : i32
    return %arg0, %c0_i32 : i32, i32
  }
  func.func @transform_4(%arg0: i32) -> (i32, i32) {
    %c0_i32 = arith.constant 0 : i32
    %c0_i32_0 = arith.constant 0 : i32
    return %arg0, %c0_i32 : i32, i32
  }
}

module attributes {stable_mosaic.version = 14 : i64} {
  func.func @_mid_body(%arg0: i32, %arg1: memref<4000x16xf32, #tpu.memory_space<vmem>>, %arg2: memref<4000x16xf32, #tpu.memory_space<vmem>>, %arg3: memref<32x64xf32, #tpu.memory_space<vmem>>, %arg4: memref<1x64xf32, #tpu.memory_space<vmem>>, %arg5: memref<4000x16xf32, #tpu.memory_space<vmem>>, %arg6: memref<4000x16xf32, #tpu.memory_space<vmem>>, %arg7: memref<4000x16xf32, #tpu.memory_space<vmem>>, %arg8: memref<4000x16xf32, #tpu.memory_space<vmem>>) attributes {dimension_semantics = [#tpu.dimension_semantics<arbitrary>], iteration_bounds = array<i64: 25>, scalar_prefetch = 0 : i64, scratch_operands = 0 : i64, tpu.core_type = #tpu.core_type<tc>, window_params = [{transform_indices = @transform_0, window_bounds = array<i64: 4000, 16>}, {transform_indices = @transform_1, window_bounds = array<i64: 4000, 16>}, {pipeline_mode = #tpu.pipeline_mode<synchronous>, transform_indices = @transform_2, window_bounds = array<i64: 32, 64>}, {pipeline_mode = #tpu.pipeline_mode<synchronous>, transform_indices = @transform_3, window_bounds = array<i64: 1, 64>}, {transform_indices = @transform_4, window_bounds = array<i64: 4000, 16>}, {transform_indices = @transform_5, window_bounds = array<i64: 4000, 16>}, {transform_indices = @transform_6, window_bounds = array<i64: 4000, 16>}, {transform_indices = @transform_7, window_bounds = array<i64: 4000, 16>}]} {
    %get3A = arith.constant 0 : index
    %get3A_0 = arith.constant 0 : index
    %get3A_1 = vector.load %arg1[%get3A, %get3A_0] : memref<4000x16xf32, #tpu.memory_space<vmem>>, vector<4000x16xf32>
    %get3A_2 = arith.constant 0 : index
    %get3A_3 = arith.constant 0 : index
    %get3A_4 = vector.load %arg2[%get3A_2, %get3A_3] : memref<4000x16xf32, #tpu.memory_space<vmem>>, vector<4000x16xf32>
    %concatenate3A = tpu.concatenate %get3A_1, %get3A_4 in 1 : vector<4000x16xf32>, vector<4000x16xf32> -> vector<4000x32xf32>
    %get3A_5 = arith.constant 0 : index
    %get3A_6 = arith.constant 0 : index
    %get3A_7 = vector.load %arg3[%get3A_5, %get3A_6] : memref<32x64xf32, #tpu.memory_space<vmem>>, vector<32x64xf32>
    %dot_general3A = arith.constant dense<0.000000e+00> : vector<4000x64xf32>
    %dot_general3A_8 = tpu.matmul %concatenate3A, %get3A_7, %dot_general3A {dimension_numbers = #tpu.dot_dimension_numbers<[1], [0], [0], [1], [0, 0, 1, 1], [], []>, transpose_lhs_hint = false} : vector<4000x32xf32>, vector<32x64xf32>, vector<4000x64xf32> -> vector<4000x64xf32>
    %get3A_9 = arith.constant 0 : index
    %get3A_10 = arith.constant 0 : index
    %get3A_11 = vector.load %arg4[%get3A_9, %get3A_10] : memref<1x64xf32, #tpu.memory_space<vmem>>, vector<1x64xf32>
    %add3A = vector.broadcast %get3A_11 : vector<1x64xf32> to vector<4000x64xf32>
    %add3A_12 = arith.addf %dot_general3A_8, %add3A : vector<4000x64xf32>
    %ge3A = arith.constant 0.000000e+00 : f32
    %ge3A_13 = vector.broadcast %ge3A : f32 to vector<4000x64xf32>
    %ge3A_14 = arith.cmpf oge, %add3A_12, %ge3A_13 : vector<4000x64xf32>
    %mul3A = arith.constant 0.00999999977 : f32
    %mul3A_15 = vector.broadcast %mul3A : f32 to vector<4000x64xf32>
    %mul3A_16 = arith.mulf %mul3A_15, %add3A_12 : vector<4000x64xf32>
    %select_n3A = arith.select %ge3A_14, %add3A_12, %mul3A_16 : vector<4000x64xi1>, vector<4000x64xf32>
    %slice3A = vector.extract_strided_slice %select_n3A {offsets = [0, 0], sizes = [4000, 16], strides = [1, 1]} : vector<4000x64xf32> to vector<4000x16xf32>
    %swap3A = arith.constant 0 : index
    %swap3A_17 = arith.constant 0 : index
    %swap3A_18 = vector.load %arg5[%swap3A, %swap3A_17] : memref<4000x16xf32, #tpu.memory_space<vmem>>, vector<4000x16xf32>
    tpu.vector_store %arg5[%swap3A, %swap3A_17], %slice3A {strides = array<i32>} : memref<4000x16xf32, #tpu.memory_space<vmem>>, vector<4000x16xf32>,
    %slice3A_19 = vector.extract_strided_slice %select_n3A {offsets = [0, 16], sizes = [4000, 16], strides = [1, 1]} : vector<4000x64xf32> to vector<4000x16xf32>
    %swap3A_20 = arith.constant 0 : index
    %swap3A_21 = arith.constant 0 : index
    %swap3A_22 = vector.load %arg6[%swap3A_20, %swap3A_21] : memref<4000x16xf32, #tpu.memory_space<vmem>>, vector<4000x16xf32>
    tpu.vector_store %arg6[%swap3A_20, %swap3A_21], %slice3A_19 {strides = array<i32>} : memref<4000x16xf32, #tpu.memory_space<vmem>>, vector<4000x16xf32>,
    %slice3A_23 = vector.extract_strided_slice %select_n3A {offsets = [0, 32], sizes = [4000, 16], strides = [1, 1]} : vector<4000x64xf32> to vector<4000x16xf32>
    %swap3A_24 = arith.constant 0 : index
    %swap3A_25 = arith.constant 0 : index
    %swap3A_26 = vector.load %arg7[%swap3A_24, %swap3A_25] : memref<4000x16xf32, #tpu.memory_space<vmem>>, vector<4000x16xf32>
    tpu.vector_store %arg7[%swap3A_24, %swap3A_25], %slice3A_23 {strides = array<i32>} : memref<4000x16xf32, #tpu.memory_space<vmem>>, vector<4000x16xf32>,
    %slice3A_27 = vector.extract_strided_slice %select_n3A {offsets = [0, 48], sizes = [4000, 16], strides = [1, 1]} : vector<4000x64xf32> to vector<4000x16xf32>
    %swap3A_28 = arith.constant 0 : index
    %swap3A_29 = arith.constant 0 : index
    %swap3A_30 = vector.load %arg8[%swap3A_28, %swap3A_29] : memref<4000x16xf32, #tpu.memory_space<vmem>>, vector<4000x16xf32>
    tpu.vector_store %arg8[%swap3A_28, %swap3A_29], %slice3A_27 {strides = array<i32>} : memref<4000x16xf32, #tpu.memory_space<vmem>>, vector<4000x16xf32>,
    return
  }
  func.func @transform_0(%arg0: i32) -> (i32, i32) {
    %c0_i32 = arith.constant 0 : i32
    %c0_i32_0 = arith.constant 0 : i32
    return %arg0, %c0_i32 : i32, i32
  }
  func.func @transform_1(%arg0: i32) -> (i32, i32) {
    %c0_i32 = arith.constant 0 : i32
    %c0_i32_0 = arith.constant 0 : i32
    return %arg0, %c0_i32 : i32, i32
  }
  func.func @transform_2(%arg0: i32) -> (i32, i32) {
    %c0_i32 = arith.constant 0 : i32
    %c0_i32_0 = arith.constant 0 : i32
    %c0_i32_1 = arith.constant 0 : i32
    return %c0_i32, %c0_i32_0 : i32, i32
  }
  func.func @transform_3(%arg0: i32) -> (i32, i32) {
    %c0_i32 = arith.constant 0 : i32
    %c0_i32_0 = arith.constant 0 : i32
    %c0_i32_1 = arith.constant 0 : i32
    return %c0_i32, %c0_i32_0 : i32, i32
  }
  func.func @transform_4(%arg0: i32) -> (i32, i32) {
    %c0_i32 = arith.constant 0 : i32
    %c0_i32_0 = arith.constant 0 : i32
    return %arg0, %c0_i32 : i32, i32
  }
  func.func @transform_5(%arg0: i32) -> (i32, i32) {
    %c0_i32 = arith.constant 0 : i32
    %c0_i32_0 = arith.constant 0 : i32
    return %arg0, %c0_i32 : i32, i32
  }
  func.func @transform_6(%arg0: i32) -> (i32, i32) {
    %c0_i32 = arith.constant 0 : i32
    %c0_i32_0 = arith.constant 0 : i32
    return %arg0, %c0_i32 : i32, i32
  }
  func.func @transform_7(%arg0: i32) -> (i32, i32) {
    %c0_i32 = arith.constant 0 : i32
    %c0_i32_0 = arith.constant 0 : i32
    return %arg0, %c0_i32 : i32, i32
  }
}

module attributes {stable_mosaic.version = 14 : i64} {
  func.func @_final_body(%arg0: i32, %arg1: memref<4000x16xf32, #tpu.memory_space<vmem>>, %arg2: memref<4000x16xf32, #tpu.memory_space<vmem>>, %arg3: memref<4000x16xf32, #tpu.memory_space<vmem>>, %arg4: memref<4000x16xf32, #tpu.memory_space<vmem>>, %arg5: memref<64x50xf32, #tpu.memory_space<vmem>>, %arg6: memref<1x50xf32, #tpu.memory_space<vmem>>, %arg7: memref<1x1x4000xi32, #tpu.memory_space<vmem>>, %arg8: memref<50x30xf32, #tpu.memory_space<vmem>>, %arg9: memref<1x30xf32, #tpu.memory_space<vmem>>, %arg10: memref<30x20xf32, #tpu.memory_space<vmem>>, %arg11: memref<1x20xf32, #tpu.memory_space<vmem>>, %arg12: memref<20x2xf32, #tpu.memory_space<vmem>>, %arg13: memref<1x2xf32, #tpu.memory_space<vmem>>, %arg14: memref<32x2xf32, #tpu.memory_space<vmem>>, %arg15: memref<32x50xf32, #tpu.memory_space<vmem>>) attributes {dimension_semantics = [#tpu.dimension_semantics<arbitrary>], iteration_bounds = array<i64: 25>, scalar_prefetch = 0 : i64, scratch_operands = 1 : i64, tpu.core_type = #tpu.core_type<tc>, window_params = [{transform_indices = @transform_0, window_bounds = array<i64: 4000, 16>}, {transform_indices = @transform_1, window_bounds = array<i64: 4000, 16>}, {transform_indices = @transform_2, window_bounds = array<i64: 4000, 16>}, {transform_indices = @transform_3, window_bounds = array<i64: 4000, 16>}, {pipeline_mode = #tpu.pipeline_mode<synchronous>, transform_indices = @transform_4, window_bounds = array<i64: 64, 50>}, {pipeline_mode = #tpu.pipeline_mode<synchronous>, transform_indices = @transform_5, window_bounds = array<i64: 1, 50>}, {transform_indices = @transform_6, window_bounds = array<i64: 1, 1, 4000>}, {pipeline_mode = #tpu.pipeline_mode<synchronous>, transform_indices = @transform_7, window_bounds = array<i64: 50, 30>}, {pipeline_mode = #tpu.pipeline_mode<synchronous>, transform_indices = @transform_8, window_bounds = array<i64: 1, 30>}, {pipeline_mode = #tpu.pipeline_mode<synchronous>, transform_indices = @transform_9, window_bounds = array<i64: 30, 20>}, {pipeline_mode = #tpu.pipeline_mode<synchronous>, transform_indices = @transform_10, window_bounds = array<i64: 1, 20>}, {pipeline_mode = #tpu.pipeline_mode<synchronous>, transform_indices = @transform_11, window_bounds = array<i64: 20, 2>}, {pipeline_mode = #tpu.pipeline_mode<synchronous>, transform_indices = @transform_12, window_bounds = array<i64: 1, 2>}, {pipeline_mode = #tpu.pipeline_mode<synchronous>, transform_indices = @transform_13, window_bounds = array<i64: 32, 2>}]} {
    %get3A = arith.constant 0 : index
    %get3A_0 = arith.constant 0 : index
    %get3A_1 = vector.load %arg1[%get3A, %get3A_0] : memref<4000x16xf32, #tpu.memory_space<vmem>>, vector<4000x16xf32>
    %get3A_2 = arith.constant 0 : index
    %get3A_3 = arith.constant 0 : index
    %get3A_4 = vector.load %arg2[%get3A_2, %get3A_3] : memref<4000x16xf32, #tpu.memory_space<vmem>>, vector<4000x16xf32>
    %get3A_5 = arith.constant 0 : index
    %get3A_6 = arith.constant 0 : index
    %get3A_7 = vector.load %arg3[%get3A_5, %get3A_6] : memref<4000x16xf32, #tpu.memory_space<vmem>>, vector<4000x16xf32>
    %get3A_8 = arith.constant 0 : index
    %get3A_9 = arith.constant 0 : index
    %get3A_10 = vector.load %arg4[%get3A_8, %get3A_9] : memref<4000x16xf32, #tpu.memory_space<vmem>>, vector<4000x16xf32>
    %concatenate3A = tpu.concatenate %get3A_1, %get3A_4, %get3A_7, %get3A_10 in 1 : vector<4000x16xf32>, vector<4000x16xf32>, vector<4000x16xf32>, vector<4000x16xf32> -> vector<4000x64xf32>
    %get3A_11 = arith.constant 0 : index
    %get3A_12 = arith.constant 0 : index
    %get3A_13 = vector.load %arg5[%get3A_11, %get3A_12] : memref<64x50xf32, #tpu.memory_space<vmem>>, vector<64x50xf32>
    %dot_general3A = arith.constant dense<0.000000e+00> : vector<4000x50xf32>
    %dot_general3A_14 = tpu.matmul %concatenate3A, %get3A_13, %dot_general3A {dimension_numbers = #tpu.dot_dimension_numbers<[1], [0], [0], [1], [0, 0, 1, 1], [], []>, transpose_lhs_hint = false} : vector<4000x64xf32>, vector<64x50xf32>, vector<4000x50xf32> -> vector<4000x50xf32>
    %get3A_15 = arith.constant 0 : index
    %get3A_16 = arith.constant 0 : index
    %get3A_17 = vector.load %arg6[%get3A_15, %get3A_16] : memref<1x50xf32, #tpu.memory_space<vmem>>, vector<1x50xf32>
    %add3A = vector.broadcast %get3A_17 : vector<1x50xf32> to vector<4000x50xf32>
    %add3A_18 = arith.addf %dot_general3A_14, %add3A : vector<4000x50xf32>
    %ge3A = arith.constant 0.000000e+00 : f32
    %ge3A_19 = vector.broadcast %ge3A : f32 to vector<4000x50xf32>
    %ge3A_20 = arith.cmpf oge, %add3A_18, %ge3A_19 : vector<4000x50xf32>
    %mul3A = arith.constant 0.00999999977 : f32
    %mul3A_21 = vector.broadcast %mul3A : f32 to vector<4000x50xf32>
    %mul3A_22 = arith.mulf %mul3A_21, %add3A_18 : vector<4000x50xf32>
    %select_n3A = arith.select %ge3A_20, %add3A_18, %mul3A_22 : vector<4000x50xi1>, vector<4000x50xf32>
    %ge3A_23 = arith.constant 0.000000e+00 : f32
    %ge3A_24 = vector.broadcast %ge3A_23 : f32 to vector<4000x50xf32>
    %ge3A_25 = arith.cmpf oge, %select_n3A, %ge3A_24 : vector<4000x50xf32>
    %mul3A_26 = arith.constant 0.00999999977 : f32
    %mul3A_27 = vector.broadcast %mul3A_26 : f32 to vector<4000x50xf32>
    %mul3A_28 = arith.mulf %mul3A_27, %select_n3A : vector<4000x50xf32>
    %select_n3A_29 = arith.select %ge3A_25, %select_n3A, %mul3A_28 : vector<4000x50xi1>, vector<4000x50xf32>
    %get3A_30 = arith.constant 0 : index
    %get3A_31 = arith.constant 0 : index
    %get3A_32 = arith.constant 0 : index
    %get3A_33 = vector.load %arg7[%get3A_30, %get3A_31, %get3A_32] : memref<1x1x4000xi32, #tpu.memory_space<vmem>>, vector<1x1x4000xi32>
    %get3A_34 = vector.shape_cast %get3A_33 : vector<1x1x4000xi32> to vector<4000xi32>
    %iota3A = tpu.iota {dimensions = array<i32: 0>} : vector<32x4000xi32>
    %broadcast_in_dim3A = vector.shape_cast %get3A_34 : vector<4000xi32> to vector<1x4000xi32>
    %eq3A = vector.broadcast %broadcast_in_dim3A : vector<1x4000xi32> to vector<32x4000xi32>
    %eq3A_35 = arith.cmpi eq, %iota3A, %eq3A : vector<32x4000xi32>
    %convert_element_type3A = arith.extui %eq3A_35 : vector<32x4000xi1> to vector<32x4000xi32>
    %convert_element_type3A_36 = arith.sitofp %convert_element_type3A : vector<32x4000xi32> to vector<32x4000xf32>
    %dot_general3A_37 = arith.constant dense<0.000000e+00> : vector<32x50xf32>
    %dot_general3A_38 = tpu.matmul %convert_element_type3A_36, %select_n3A_29, %dot_general3A_37 {dimension_numbers = #tpu.dot_dimension_numbers<[1], [0], [0], [1], [0, 0, 1, 1], [], []>, transpose_lhs_hint = false} : vector<32x4000xf32>, vector<4000x50xf32>, vector<32x50xf32> -> vector<32x50xf32>
    %eq3A_39 = arith.constant 0 : i32
    %eq3A_40 = arith.cmpi eq, %arg0, %eq3A_39 : i32
    %convert_element_type3A_41 = arith.extui %eq3A_40 : i1 to i32
    %cond3A = arith.constant 0 : i32
    %cond3A_42 = arith.cmpi ne, %convert_element_type3A_41, %cond3A : i32
    scf.if %cond3A_42 {
      %swap3A = arith.constant 0 : index
      %swap3A_52 = arith.constant 0 : index
      %swap3A_53 = vector.load %arg15[%swap3A, %swap3A_52] : memref<32x50xf32, #tpu.memory_space<vmem>>, vector<32x50xf32>
      tpu.vector_store %arg15[%swap3A, %swap3A_52], %dot_general3A_38 {strides = array<i32>} : memref<32x50xf32, #tpu.memory_space<vmem>>, vector<32x50xf32>,
    } else {
    }
    %gt3A = arith.constant 0 : i32
    %gt3A_43 = arith.cmpi sgt, %arg0, %gt3A : i32
    %convert_element_type3A_44 = arith.extui %gt3A_43 : i1 to i32
    %cond3A_45 = arith.constant 0 : i32
    %cond3A_46 = arith.cmpi ne, %convert_element_type3A_44, %cond3A_45 : i32
    scf.if %cond3A_46 {
      %get3A_52 = arith.constant 0 : index
      %get3A_53 = arith.constant 0 : index
      %get3A_54 = vector.load %arg15[%get3A_52, %get3A_53] : memref<32x50xf32, #tpu.memory_space<vmem>>, vector<32x50xf32>
      %add3A_55 = arith.addf %get3A_54, %dot_general3A_38 : vector<32x50xf32>
      %swap3A = arith.constant 0 : index
      %swap3A_56 = arith.constant 0 : index
      %swap3A_57 = vector.load %arg15[%swap3A, %swap3A_56] : memref<32x50xf32, #tpu.memory_space<vmem>>, vector<32x50xf32>
      tpu.vector_store %arg15[%swap3A, %swap3A_56], %add3A_55 {strides = array<i32>} : memref<32x50xf32, #tpu.memory_space<vmem>>, vector<32x50xf32>,
    } else {
    }
    %eq3A_47 = arith.constant 24 : i32
    %eq3A_48 = arith.cmpi eq, %arg0, %eq3A_47 : i32
    %convert_element_type3A_49 = arith.extui %eq3A_48 : i1 to i32
    %cond3A_50 = arith.constant 0 : i32
    %cond3A_51 = arith.cmpi ne, %convert_element_type3A_49, %cond3A_50 : i32
    scf.if %cond3A_51 {
      %get3A_52 = arith.constant 0 : index
      %get3A_53 = arith.constant 0 : index
      %get3A_54 = vector.load %arg15[%get3A_52, %get3A_53] : memref<32x50xf32, #tpu.memory_space<vmem>>, vector<32x50xf32>
      %get3A_55 = arith.constant 0 : index
      %get3A_56 = arith.constant 0 : index
      %get3A_57 = vector.load %arg8[%get3A_55, %get3A_56] : memref<50x30xf32, #tpu.memory_space<vmem>>, vector<50x30xf32>
      %dot_general3A_58 = arith.constant dense<0.000000e+00> : vector<32x30xf32>
      %dot_general3A_59 = tpu.matmul %get3A_54, %get3A_57, %dot_general3A_58 {dimension_numbers = #tpu.dot_dimension_numbers<[1], [0], [0], [1], [0, 0, 1, 1], [], []>, transpose_lhs_hint = false} : vector<32x50xf32>, vector<50x30xf32>, vector<32x30xf32> -> vector<32x30xf32>
      %get3A_60 = arith.constant 0 : index
      %get3A_61 = arith.constant 0 : index
      %get3A_62 = vector.load %arg9[%get3A_60, %get3A_61] : memref<1x30xf32, #tpu.memory_space<vmem>>, vector<1x30xf32>
      %add3A_63 = vector.broadcast %get3A_62 : vector<1x30xf32> to vector<32x30xf32>
      %add3A_64 = arith.addf %dot_general3A_59, %add3A_63 : vector<32x30xf32>
      %ge3A_65 = arith.constant 0.000000e+00 : f32
      %ge3A_66 = vector.broadcast %ge3A_65 : f32 to vector<32x30xf32>
      %ge3A_67 = arith.cmpf oge, %add3A_64, %ge3A_66 : vector<32x30xf32>
      %mul3A_68 = arith.constant 0.00999999977 : f32
      %mul3A_69 = vector.broadcast %mul3A_68 : f32 to vector<32x30xf32>
      %mul3A_70 = arith.mulf %mul3A_69, %add3A_64 : vector<32x30xf32>
      %select_n3A_71 = arith.select %ge3A_67, %add3A_64, %mul3A_70 : vector<32x30xi1>, vector<32x30xf32>
      %get3A_72 = arith.constant 0 : index
      %get3A_73 = arith.constant 0 : index
      %get3A_74 = vector.load %arg10[%get3A_72, %get3A_73] : memref<30x20xf32, #tpu.memory_space<vmem>>, vector<30x20xf32>
      %dot_general3A_75 = arith.constant dense<0.000000e+00> : vector<32x20xf32>
      %dot_general3A_76 = tpu.matmul %select_n3A_71, %get3A_74, %dot_general3A_75 {dimension_numbers = #tpu.dot_dimension_numbers<[1], [0], [0], [1], [0, 0, 1, 1], [], []>, transpose_lhs_hint = false} : vector<32x30xf32>, vector<30x20xf32>, vector<32x20xf32> -> vector<32x20xf32>
      %get3A_77 = arith.constant 0 : index
      %get3A_78 = arith.constant 0 : index
      %get3A_79 = vector.load %arg11[%get3A_77, %get3A_78] : memref<1x20xf32, #tpu.memory_space<vmem>>, vector<1x20xf32>
      %add3A_80 = vector.broadcast %get3A_79 : vector<1x20xf32> to vector<32x20xf32>
      %add3A_81 = arith.addf %dot_general3A_76, %add3A_80 : vector<32x20xf32>
      %ge3A_82 = arith.constant 0.000000e+00 : f32
      %ge3A_83 = vector.broadcast %ge3A_82 : f32 to vector<32x20xf32>
      %ge3A_84 = arith.cmpf oge, %add3A_81, %ge3A_83 : vector<32x20xf32>
      %mul3A_85 = arith.constant 0.00999999977 : f32
      %mul3A_86 = vector.broadcast %mul3A_85 : f32 to vector<32x20xf32>
      %mul3A_87 = arith.mulf %mul3A_86, %add3A_81 : vector<32x20xf32>
      %select_n3A_88 = arith.select %ge3A_84, %add3A_81, %mul3A_87 : vector<32x20xi1>, vector<32x20xf32>
      %get3A_89 = arith.constant 0 : index
      %get3A_90 = arith.constant 0 : index
      %get3A_91 = vector.load %arg12[%get3A_89, %get3A_90] : memref<20x2xf32, #tpu.memory_space<vmem>>, vector<20x2xf32>
      %dot_general3A_92 = arith.constant dense<0.000000e+00> : vector<32x2xf32>
      %dot_general3A_93 = tpu.matmul %select_n3A_88, %get3A_91, %dot_general3A_92 {dimension_numbers = #tpu.dot_dimension_numbers<[1], [0], [0], [1], [0, 0, 1, 1], [], []>, transpose_lhs_hint = false} : vector<32x20xf32>, vector<20x2xf32>, vector<32x2xf32> -> vector<32x2xf32>
      %get3A_94 = arith.constant 0 : index
      %get3A_95 = arith.constant 0 : index
      %get3A_96 = vector.load %arg13[%get3A_94, %get3A_95] : memref<1x2xf32, #tpu.memory_space<vmem>>, vector<1x2xf32>
      %add3A_97 = vector.broadcast %get3A_96 : vector<1x2xf32> to vector<32x2xf32>
      %add3A_98 = arith.addf %dot_general3A_93, %add3A_97 : vector<32x2xf32>
      %ge3A_99 = arith.constant 0.000000e+00 : f32
      %ge3A_100 = vector.broadcast %ge3A_99 : f32 to vector<32x2xf32>
      %ge3A_101 = arith.cmpf oge, %add3A_98, %ge3A_100 : vector<32x2xf32>
      %mul3A_102 = arith.constant 0.00999999977 : f32
      %mul3A_103 = vector.broadcast %mul3A_102 : f32 to vector<32x2xf32>
      %mul3A_104 = arith.mulf %mul3A_103, %add3A_98 : vector<32x2xf32>
      %select_n3A_105 = arith.select %ge3A_101, %add3A_98, %mul3A_104 : vector<32x2xi1>, vector<32x2xf32>
      %swap3A = arith.constant 0 : index
      %swap3A_106 = arith.constant 0 : index
      %swap3A_107 = vector.load %arg14[%swap3A, %swap3A_106] : memref<32x2xf32, #tpu.memory_space<vmem>>, vector<32x2xf32>
      tpu.vector_store %arg14[%swap3A, %swap3A_106], %select_n3A_105 {strides = array<i32>} : memref<32x2xf32, #tpu.memory_space<vmem>>, vector<32x2xf32>,
    } else {
    }
    return
  }
  func.func @transform_0(%arg0: i32) -> (i32, i32) {
    %c0_i32 = arith.constant 0 : i32
    %c0_i32_0 = arith.constant 0 : i32
    return %arg0, %c0_i32 : i32, i32
  }
  func.func @transform_1(%arg0: i32) -> (i32, i32) {
    %c0_i32 = arith.constant 0 : i32
    %c0_i32_0 = arith.constant 0 : i32
    return %arg0, %c0_i32 : i32, i32
  }
  func.func @transform_2(%arg0: i32) -> (i32, i32) {
    %c0_i32 = arith.constant 0 : i32
    %c0_i32_0 = arith.constant 0 : i32
    return %arg0, %c0_i32 : i32, i32
  }
  func.func @transform_3(%arg0: i32) -> (i32, i32) {
    %c0_i32 = arith.constant 0 : i32
    %c0_i32_0 = arith.constant 0 : i32
    return %arg0, %c0_i32 : i32, i32
  }
  func.func @transform_4(%arg0: i32) -> (i32, i32) {
    %c0_i32 = arith.constant 0 : i32
    %c0_i32_0 = arith.constant 0 : i32
    %c0_i32_1 = arith.constant 0 : i32
    return %c0_i32, %c0_i32_0 : i32, i32
  }
  func.func @transform_5(%arg0: i32) -> (i32, i32) {
    %c0_i32 = arith.constant 0 : i32
    %c0_i32_0 = arith.constant 0 : i32
    %c0_i32_1 = arith.constant 0 : i32
    return %c0_i32, %c0_i32_0 : i32, i32
  }
  func.func @transform_6(%arg0: i32) -> (i32, i32, i32) {
    %c0_i32 = arith.constant 0 : i32
    %c0_i32_0 = arith.constant 0 : i32
    %c0_i32_1 = arith.constant 0 : i32
    return %arg0, %c0_i32, %c0_i32_0 : i32, i32, i32
  }
  func.func @transform_7(%arg0: i32) -> (i32, i32) {
    %c0_i32 = arith.constant 0 : i32
    %c0_i32_0 = arith.constant 0 : i32
    %c0_i32_1 = arith.constant 0 : i32
    return %c0_i32, %c0_i32_0 : i32, i32
  }
  func.func @transform_8(%arg0: i32) -> (i32, i32) {
    %c0_i32 = arith.constant 0 : i32
    %c0_i32_0 = arith.constant 0 : i32
    %c0_i32_1 = arith.constant 0 : i32
    return %c0_i32, %c0_i32_0 : i32, i32
  }
  func.func @transform_9(%arg0: i32) -> (i32, i32) {
    %c0_i32 = arith.constant 0 : i32
    %c0_i32_0 = arith.constant 0 : i32
    %c0_i32_1 = arith.constant 0 : i32
    return %c0_i32, %c0_i32_0 : i32, i32
  }
  func.func @transform_10(%arg0: i32) -> (i32, i32) {
    %c0_i32 = arith.constant 0 : i32
    %c0_i32_0 = arith.constant 0 : i32
    %c0_i32_1 = arith.constant 0 : i32
    return %c0_i32, %c0_i32_0 : i32, i32
  }
  func.func @transform_11(%arg0: i32) -> (i32, i32) {
    %c0_i32 = arith.constant 0 : i32
    %c0_i32_0 = arith.constant 0 : i32
    %c0_i32_1 = arith.constant 0 : i32
    return %c0_i32, %c0_i32_0 : i32, i32
  }
  func.func @transform_12(%arg0: i32) -> (i32, i32) {
    %c0_i32 = arith.constant 0 : i32
    %c0_i32_0 = arith.constant 0 : i32
    %c0_i32_1 = arith.constant 0 : i32
    return %c0_i32, %c0_i32_0 : i32, i32
  }
  func.func @transform_13(%arg0: i32) -> (i32, i32) {
    %c0_i32 = arith.constant 0 : i32
    %c0_i32_0 = arith.constant 0 : i32
    %c0_i32_1 = arith.constant 0 : i32
    return %c0_i32, %c0_i32_0 : i32, i32
  }
}

</mosaic_0001>

<sc_bundles>
// kernel: kernel.10.cloned.1.call-start
scs
__scs_entry_jumppad:
0x0: {  	(pc) =	sbr.rel $0x88, $3  }
0x1: {  	(tag) =	ssettag $0x0;
	lr =	simm.s32 $0x1  }
0x2: {  	[smem:$0x3F8F] =	sst lr;
	_ =	strace $0xD0000000  }
0x3: {  	_ = 	snop  }
0x4: {  	_ = 	snop  }
0x5: {  	_ = 	snop  }
0x6: {  	_ = 	snop  }
0x7: {  	_ = 	snop  }
__scs_overlays_trampoline_lowered:
0x8: {  	[smem:$0x3F9E] =	sst s0  }
0x9: {  	[smem:$0x3F9F] =	sst s1  }
0xa: {  	[smem:$0x3FA0] =	sst s2  }
0xb: {  	[smem:$0x3FA1] =	sst s3  }
0xc: {  	[smem:$0x3FA2] =	sst s4  }
0xd: {  	[smem:$0x3FA3] =	sst s5  }
0xe: {  	[smem:$0x3FA4] =	sst s6  }
0xf: {  	[smem:$0x3FA5] =	sst s7  }
0x10: {  	[smem:$0x3FA6] =	sst s8  }
0x11: {  	[smem:$0x3FA7] =	sst s9;
	s0 =	simm.s32 @!p0 $0x0  }
0x12: {  	s1 =	sld [smem:$0x3F8D];
	s0 =	simm.s32 @p0 $0x1  }
0x13: {  	[smem:$0x3FA8] =	sst s0;
	s0 =	simm.s32 @!p1 $0x0  }
0x14: {  	s2 =	sld [smem:$0x3F8C];
	s0 =	simm.s32 @p1 $0x1  }
0x15: {  	[smem:$0x3FA9] =	sst s0;
	s0 =	simm.s32 @!p2 $0x0  }
0x16: {  	s3 =	sld [smem:$0x3FDB];
	s0 =	simm.s32 @p2 $0x1  }
0x17: {  	s4 =	simm.s32 $0x1BF5;
	[smem:$0x3FAB] =	sst s0  }
0x18: {  	s0 =	sld [smem:$0x3F8E];
	_ =	swait.ge [sflag:s4], $0x0  }
0x19: {  	s7 =	sld [smem:$0x3F8F]  }
0x1a: {  	s8 =	sadd.s32 $0xFFFFE003, lr  }
0x1b: {  	s9 =	sadd.s32 $0xFFFFFEF7, lr;
	s5 =	simm.s32 $0xFFFFFFFF;
	p2 =	slt.u32 s8, $0xFFFFF086  }
0x1c: {  	p1 =	slt.u32 s9, $0xF7A;
	s5 =	simm.s32 @!p2 $0x0  }
0x1d: {  	s5 =	simm.s32 @p1 $0x1;
	p0 =	seq.s32 s7, s2  }
0x1e: {  	s7 =	smul.u32 @!p0 $0xF7A, s2;
	p2 =	seq.s32 @!p0 s5, $0x0  }
0x1f: {  	s9 =	smul.u32 $0xF7A, s1;
	s8 =	simm.s32 @!p0 $0x1BF5;
	p2 =	por !p2, p0  }
0x20: {  	[sflag:s8] =	ssyncset.s32 @!p0 $0xFFFFF086;
	s6 =	sadd.s32 @!p0 s3, s7;
	s7 =	simm.s32 @!p0 $0x108  }
0x21: {  	s3 =	sadd.s32 s3, s9;
	s6 =	sadd.s32 @!p0 $0x88, s6;
	s7 =	simm.s32 @p2 $0x1082  }
0x22: {  	[simem:s7], [sflag:s8] =	dma.local @!p0 [hbm:s6], $0xF7A  }
0x23: {  	s9 =	sor.u32 $0xD0000000, s2;
	s6 =	simm.s32 $0x108;
	_ =	swait.ge @!p0 [sflag:s8], $0x0  }
0x24: {  	s3 =	sadd.s32 $0x88, s3;
	s6 =	simm.s32 @!p1 $0x1082;
	[sflag:s4] =	ssyncset.s32 $0xFFFFF086  }
0x25: {  	[simem:s6], [sflag:s4] =	dma.local [hbm:s3], $0xF7A  }
0x26: {  	[smem:$0x3F8F] =	sst s1;
	(tag) =	ssettag s2;
	_ =	strace s9  }
0x27: {  	s1 =	sld [smem:$0x3F9F]  }
0x28: {  	s2 =	sld [smem:$0x3FA0]  }
0x29: {  	s4 =	sld [smem:$0x3FA2]  }
0x2a: {  	p0 =	seq.s32 s5, $0x0;
	s5 =	sld [smem:$0x3FA3]  }
0x2b: {  	s6 =	sld [smem:$0x3FA4]  }
0x2c: {  	s7 =	sld [smem:$0x3FA5]  }
0x2d: {  	s3 =	simm.s32 $0x108;
	s8 =	sld [smem:$0x3FA6]  }
0x2e: {  	s3 =	simm.s32 @!p0 $0x1082;
	s9 =	sld [smem:$0x3FA7]  }
0x2f: {  	lr =	sadd.s32 s0, s3;
	s0 =	sld [smem:$0x3F9E]  }
0x30: {  	s3 =	sld [smem:$0x3FA1]  }
0x31: {  	[smem:$0x3FAA] =	sst s10  }
0x32: {  	s10 =	sld [smem:$0x3FA8];
	_ =	sdelay $0x3  }
0x33: {  	p0 =	seq.s32 s10, $0x1;
	s10 =	sld [smem:$0x3FAA];
	_ =	sdelay $0x3  }
0x34: {  	[smem:$0x3FAA] =	sst s10  }
0x35: {  	s10 =	sld [smem:$0x3FA9];
	_ =	sdelay $0x3  }
0x36: {  	p1 =	seq.s32 s10, $0x1;
	s10 =	sld [smem:$0x3FAA];
	_ =	sdelay $0x3  }
0x37: {  	[smem:$0x3FAA] =	sst s10  }
0x38: {  	s10 =	sld [smem:$0x3FAB]  }
0x39: {  	_ = 	snop;
	(pc) =	sbr.ind lr, $3  }
0x3a: {  	_ = 	snop  }
0x3b: {  	_ = 	snop  }
0x3c: {  	p2 =	seq.s32 s10, $0x1;
	s10 =	sld [smem:$0x3FAA]  }
0x3d: {  	_ =	shalt  }
0x3e: {  	_ =	shalt  }
0x3f: {  	_ =	shalt  }
0x40: {  	_ =	shalt  }
0x41: {  	_ =	shalt  }
0x42: {  	_ =	shalt  }
0x43: {  	_ =	shalt  }
0x44: {  	_ =	shalt  }
0x45: {  	_ =	shalt  }
0x46: {  	_ =	shalt  }
0x47: {  	_ =	shalt  }
0x48: {  	_ =	shalt  }
0x49: {  	_ =	shalt  }
0x4a: {  	_ =	shalt  }
0x4b: {  	_ =	shalt  }
0x4c: {  	_ =	shalt  }
0x4d: {  	_ =	shalt  }
0x4e: {  	_ =	shalt  }
0x4f: {  	_ =	shalt  }
0x50: {  	_ =	shalt  }
0x51: {  	_ =	shalt  }
0x52: {  	_ =	shalt  }
0x53: {  	_ =	shalt  }
0x54: {  	_ =	shalt  }
0x55: {  	_ =	shalt  }
0x56: {  	_ =	shalt  }
0x57: {  	_ =	shalt  }
0x58: {  	_ =	shalt  }
0x59: {  	_ =	shalt  }
0x5a: {  	_ =	shalt  }
0x5b: {  	_ =	shalt  }
0x5c: {  	_ =	shalt  }
0x5d: {  	_ =	shalt  }
0x5e: {  	_ =	shalt  }
0x5f: {  	_ =	shalt  }
0x60: {  	_ =	shalt  }
0x61: {  	_ =	shalt  }
0x62: {  	_ =	shalt  }
0x63: {  	_ =	shalt  }
0x64: {  	_ =	shalt  }
0x65: {  	_ =	shalt  }
0x66: {  	_ =	shalt  }
0x67: {  	_ =	shalt  }
0x68: {  	_ =	shalt  }
0x69: {  	_ =	shalt  }
0x6a: {  	_ =	shalt  }
0x6b: {  	_ =	shalt  }
0x6c: {  	_ =	shalt  }
0x6d: {  	_ =	shalt  }
0x6e: {  	_ =	shalt  }
0x6f: {  	_ =	shalt  }
0x70: {  	_ =	shalt  }
0x71: {  	_ =	shalt  }
0x72: {  	_ =	shalt  }
0x73: {  	_ =	shalt  }
0x74: {  	_ =	shalt  }
0x75: {  	_ =	shalt  }
0x76: {  	_ =	shalt  }
0x77: {  	_ =	shalt  }
0x78: {  	_ =	shalt  }
0x79: {  	_ =	shalt  }
0x7a: {  	_ =	shalt  }
0x7b: {  	_ =	shalt  }
0x7c: {  	_ =	shalt  }
0x7d: {  	_ =	shalt  }
0x7e: {  	_ =	shalt  }
0x7f: {  	_ =	shalt  }
0x80: {  	_ =	shalt  }
0x81: {  	_ =	shalt  }
0x82: {  	_ =	shalt  }
0x83: {  	_ =	shalt  }
0x84: {  	_ =	shalt  }
0x85: {  	_ =	shalt  }
0x86: {  	_ =	shalt  }
0x87: {  	_ =	shalt  }
.Lfunc_end0:
.L_simem_size_0:
called_computation_lowered:
.L_overlay_start_0:
0x88: {  	s2 =	sld [smem:$0x3FD9]  }
0x89: {  	s3 =	sld [smem:$0x3FFE];
	_ =	sdelay $0x1  }
0x8a: {  	s1 =	srdreg.scid  }
0x8b: {  	s0 =	sand.u32 $0x1, s1  }
0x8c: {  	s17 =	sshll.u32 s0, $0xA;
	s2 =	sadd.s32 s3, s2  }
0x8d: {  	s2 =	sadd.s32 s2, s17  }
0x8e: {  	[smem:$0x3FB6] =	sst s2  }
0x8f: {  	_ = 	snop  }
0x90: {  	s2 =	sld [smem:$0x3FC7];
	(tm) =	ssettm $0x1  }
0x91: {  	s18 =	sld [smem:$0x3FFB];
	_ =	sdelay $0x3  }
0x92: {  	_ =	strace s18  }
0x93: {  	s3 =	sld [smem:$0x3FFC];
	_ =	sdelay $0x3  }
0x94: {  	_ =	strace s3  }
0x95: {  	s3 =	sld [smem:$0x3FFD];
	_ =	sdelay $0x3  }
0x96: {  	_ =	strace s3  }
0x97: {  	_ =	strace $0x8FFFFFFF  }
0x98: {  	s19 =	sld [smem:$0x3FDB];
	_ =	sdelay $0x1  }
0x99: {  	s4 =	simm.s32 $_scs_section_size  }
0x9a: {  	s5 =	simm.s32 $_size__tile_overlayer_lowered;
	s6 =	simm.s32 $_tile_overlayer_lowered  }
0x9b: {  	s22 =	simm.s32 $0x1BFF;
	s21 =	sshll.u32 s6, $0x1;
	s3 =	sadd.s32 s4, s19  }
0x9c: {  	s7 =	simm.s32 $0x0;
	s20 =	sshll.u32 s5, $0x1;
	s5 =	sadd.s32 s21, s3  }
0x9d: {  	[timem:s7], [sflag:s22] =	dma.local [hbm:s5], s20  }
0x9e: {  	_ =	swait.ge [sflag:s22], s20  }
0x9f: {  	s4 =	ssub.s32 $0x0, s20;
	[sflag:s22] =	ssyncset.done $0x0  }
0xa0: {  	[sflag:s22] =	ssyncadd.s32 s4;
	_ =	sdelay $0x1  }
0xa1: {  	s23 =	simm.s32 $0x1B8B  }
0xa2: {  	_ =	swait.ge [sflag:s23], $0x1  }
0xa3: {  	[sflag:s23] =	ssyncset.done $0x0  }
0xa4: {  	s25 =	simm.s32 $0x1B8E;
	s24 =	sld [smem:$0x3FFE];
	[sflag:s23] =	ssyncadd.s32 $0xFFFFFFFF  }
0xa5: {  	s26 =	simm.s32 $execute0_lowered;
	[smem:$0x3FD2] =	sst s25  }
0xa6: {  	s5 =	sshll.u32 s26, $0x1;
	_ =	strace $0x80000046;
	[dreg:$0x1] =	wrdreg $0xFFFFFFFF  }
0xa7: {  	s28 =	simm.s32 $_size_execute0_lowered;
	s3 =	sadd.s32 s3, s5;
	[dreg:$0x0] =	wrdreg $0x0  }
0xa8: {  	s5 =	sshll.u32 s28, $0x1;
	[dreg:$0x2] =	wrdreg s3  }
0xa9: {  	[dreg:$0x3] =	wrdreg s5  }
0xaa: {  	[dreg:$0x4] =	wrdreg $0xC0  }
0xab: {  	_ =	task [dreg:s7], $0x5FFFF  }
0xac: {  	[dreg:$0x1] =	wrdreg $0xFFFFFFFF  }
0xad: {  	[dreg:$0x0] =	wrdreg $0x60  }
0xae: {  	[dreg:$0x2] =	wrdreg s24  }
0xaf: {  	[dreg:$0x3] =	wrdreg s2  }
0xb0: {  	[dreg:$0x4] =	wrdreg $0xCA400  }
0xb1: {  	[dreg:$0x5] =	wrdreg $0x9  }
0xb2: {  	_ =	task.clear_ibuf [dreg:s7], $0x6FFFF;
	_ =	strace $0x90000046  }
0xb3: {  	s29 =	simm.s32 $0x9;
	_ =	strace $0x80000048  }
0xb4: {  	_ =	swait.ge [sflag:s29], $0x1  }
0xb5: {  	[sflag:s29] =	ssyncadd.s32 $0xFFFFFFFF  }
0xb6: {  	_ =	strace $0x90000048  }
0xb7: {  	_ =	sfence  }
0xb8: {  	s30 =	sld [smem:$0x0];
	_ =	sdelay $0x2  }
0xb9: {  	s31 =	sshll.u32 s1, $0xD;
	s1 =	sshrl.u32 s1, $0x2  }
0xba: {  	s3 =	sand.u32 $0x4000, s31;
	s1 =	sadd.s32 s1, s30  }
0xbb: {  	s0 =	sor.u32 s3, s0;
	s1 =	sshll.u32 s1, $0x11  }
0xbc: {  	s0 =	sor.u32 s1, s0  }
0xbd: {  	s0 =	sadd.s32 $0x8F2B, s0  }
0xbe: {  	[sflag:s0] =	ssyncadd.remote.s32 $0x1  }
0xbf: {  	_ =	sfence.sel $0xFFFF  }
0xc0: {  	[dreg:$0x0] =	wrdreg $0xFFFFFFFF;
	(pc) =	sbr.abs _section_cstart, $3  }
0xc1: {  	[dreg:$0x1] =	wrdreg $0xFFFFFFFF  }
0xc2: {  	_ =	task.clear_ibuf [dreg:s7], $0x2FFFF;
	_ =	strace $0x9FFFFFFF  }
0xc3: {  	(tm) =	ssettm $0x7FFFFFFF  }
tec
execute0_lowered:
.L_overlay_start_1:
0x0: {  	(tag) =	ssettag $0x1  }
0x1: {  	s8 =	rddreg [dreg:$0x0]  }
0x2: {  	s1 =	rddreg [dreg:$0x1]  }
0x3: {  	s2 =	rddreg [dreg:$0x2]  }
0x4: {  	s3 =	srdreg.scid;
	s0 =	rddreg [dreg:$0x3]  }
0x5: {  	s4 =	simm.s32 $0x0;
	s15 =	simm.s32 $0x50;
	s16 =	simm.s32 $0xF0  }
0x6: {  	s17 =	simm.s32 $0x140;
	s19 =	simm.s32 $0xA0;
	s7 =	sand.u32 $0x1, s3  }
0x7: {  	s20 =	simm.s32 $0x0;
	s3 =	stileid.u32;
	s18 =	smul.u32 $0xC380, s7  }
0x8: {  	[smem:$0x7FF] =	sst s4;
	s5 =	sadd.s32 $0x65800, s8;
	s9 =	smul.u32 $0xC38, s3  }
0x9: {  	s6 =	sadd.s32 $0x34A00, s8;
	s10 =	ssub.s32 $0x2, s7;
	s11 =	smul.u32 $0x31000, s3  }
0xa: {  	_ =	strace $0x80000047;
	s13 =	smul.u32 $0x30E00, s3;
	s12 =	sshrl.u32 s10, $0x1  }
0xb: {  	s7 =	sadd.s32 $0x3C00, s8;
	s9 =	sadd.s32 s9, s18;
	s12 =	ssub.s32 s10, s12  }
0xc: {  	s30 =	sshrl.u32 s11, $0x2;
	s31 =	sshrl.u32 s13, $0x2;
	s13 =	simm.s32 $0x640  }
0xd: {  	v0 =	vmov s18;
	s18 =	simm.s32 $0x1;
	s9 =	sshll.u32 s9, $0x1;
	s10 =	sadd.s32 s31, s2  }
0xe: {  	s12 =	smax.u32 s12, $0x1;
	s14 =	sadd.s32 s9, s8;
	s8 =	smul.u32 $0x4E2, s3  }
0xf: {  	v1 =	vimm.f32 $0.0e+00;
	s9 =	sadd.s32 s30, s2;
	s11 =	sadd.s32 $0x96600, s14;
	s14 =	simm.s32 $0x2  }
.LBB2_1:
0x10: {  	s21 =	simm.s32 $0x40;
	s22 =	simm.s32 $0x0  }
.LBB2_2:
0x11: {  	p0 =	sne.s32 s21, $0x30FC0;
	[tilespmem:s22+$0x640] =	vst v1;
	s22 =	smov.u32 s21;
	s21 =	sadd.s32 $0x40, s21  }
.Ltmp0:
0x12: {  	(pc) =	sbr.rel @p0 .LBB2_2-.Ltmp0, $2  }
0x13: {  	_ =	sdelay $0x2  }
0x14: {  	s22 =	sshra.s32 s22, $0x2  }
0x15: {  	[tilespmem:s22+$0x640] =	vst v1  }
0x16: {  	[spmem:s9] =	stream.linear.scatter [tilespmem:s13], [sflag:$0x2], $0xC400, $0x38;
	[tilespmem:$0x18E40] =	vst v63  }
0x17: {  	_ =	swait.ge [sflag:s14], $0xC400  }
0x18: {  	[sflag:s14] =	ssyncset.done $0x0  }
0x19: {  	[sflag:s14] =	ssyncadd.s32 $0xFFFF3C00  }
0x1a: {  	s21 =	simm.s32 $0x0;
	s22 =	simm.s32 $0x0;
	[bflag:$0x0] =	sbarrier.arrive $0xFFFF  }
.LBB2_4:
0x1b: {  	s23 =	sadd.s32 s8, s22  }
0x1c: {  	s23 =	smul.u32 $0xA, s23;
	_ =	sdelay $0x1  }
0x1d: {  	s24 =	sadd.s32 s6, s23  }
0x1e: {  	[tilespmem:s21], [sflag:$0x2] =	stream.linear.gather [hbm4b:s24+s21], $0x50, $0x38;
	[tilespmem:$0x18E40] =	vst v63  }
0x1f: {  	_ =	swait.ge [sflag:s14], $0x50  }
0x20: {  	[sflag:s14] =	ssyncset.done $0x0  }
0x21: {  	s31 =	sadd.s32 s7, s23;
	[sflag:s14] =	ssyncadd.s32 $0xFFFFFFB0  }
0x22: {  	[tilespmem:s15], [sflag:$0x2] =	stream.linear.gather [hbm4b:s31+s21], $0x50, $0x38;
	[tilespmem:$0x18E40] =	vst v63  }
0x23: {  	_ =	swait.ge [sflag:s14], $0x50  }
0x24: {  	[sflag:s14] =	ssyncset.done $0x0  }
0x25: {  	s23 =	sadd.s32 s1, s23;
	[sflag:s14] =	ssyncadd.s32 $0xFFFFFFB0  }
0x26: {  	[tilespmem:s16], [sflag:$0x2] =	stream.linear.gather [hbm4b:s23+s21], $0x50, $0x38;
	[tilespmem:$0x18E40] =	vst v63  }
0x27: {  	_ =	swait.ge [sflag:s14], $0x50  }
0x28: {  	[sflag:s14] =	ssyncset.done $0x0  }
0x29: {  	[sflag:s14] =	ssyncadd.s32 $0xFFFFFFB0  }
0x2a: {  	[tilespmem:s17], [sflag:$0x1] =	stream.indirect.gather [hbm4b:s5+s15], $0x10, s21, s15, $0xb8;
	[tilespmem:$0x18E40] =	vst v63  }
0x2b: {  	_ =	swait.ge [sflag:s18], $0x500  }
0x2c: {  	[sflag:s18] =	ssyncset.done $0x0  }
0x2d: {  	s26 =	simm.s32 $0x0;
	[sflag:s18] =	ssyncadd.s32 $0xFFFFFB00  }
0x2e: {  	v2 =	vld [tilespmem:s26+$0xF0];
	_ =	sdelay $0x1  }
0x2f: {  	v5 =	vld [tilespmem:s26+$0x50];
	_ =	sdelay $0x2  }
0x30: {  	s25 =	simm.s32 $0x40;
	s24 =	simm.s32 $0x1C0;
	s23 =	simm.s32 $0x1C0;
	v4 =	vbroadcast v2, $0x6;
	v3 =	vbroadcast v2, $0xB  }
.LBB2_5:
0x31: {  	p0 =	sne.s32 s25, $0x100  }
0x32: {  	v5 =	vsub.s32 v5, v0;
	v6 =	vbroadcast v2, $0x2;
	v7 =	vbroadcast v2, $0xA;
	s24 =	sadd.s32 $0x100, s24;
	s28 =	smov.u32 s25;
	s25 =	sadd.s32 $0x40, s25  }
0x33: {  	v8 =	vbroadcast v2, $0x3;
	v5 =	vmin.u32 v5, $0xC380  }
0x34: {  	[tilespmem:s26+$0xA0] =	vst v5;
	v5 =	vbroadcast v2, $0x8  }
0x35: {  	v9 =	vbroadcast v2, $0x5;
	v11 =	vbroadcast v2, $0xE;
	v10 =	vld [tilespmem:s23+$0x60]  }
0x36: {  	v13 =	vbroadcast v2, $0x1;
	v14 =	vbroadcast v2, $0x7;
	v12 =	vld [tilespmem:s23+$0xFFFFFF80]  }
0x37: {  	v16 =	vbroadcast v2, $0x4;
	v17 =	vbroadcast v2, $0xC;
	v15 =	vld [tilespmem:s23+$0xFFFFFF90]  }
0x38: {  	v18 =	vbroadcast v2, $0x0;
	v20 =	vbroadcast v2, $0x9;
	v19 =	vld [tilespmem:s23+$0xFFFFFFA0]  }
0x39: {  	v21 =	vld [tilespmem:s23+$0x10]  }
0x3a: {  	v22 =	vld [tilespmem:s23+$0xFFFFFFC0];
	v10 =	vmul.f32 v10, v11  }
0x3b: {  	v11 =	vmul.f32 v18, v12;
	v12 =	vld [tilespmem:s23+$0xFFFFFFD0]  }
0x3c: {  	v13 =	vmul.f32 v15, v13;
	v15 =	vld [tilespmem:s23+$0xFFFFFFE0];
	[tilespmem:s23+$0x60] =	vst v10  }
0x3d: {  	[tilespmem:s23+$0xFFFFFF80] =	vst v11;
	v6 =	vmul.f32 v19, v6;
	v10 =	vld [tilespmem:s23+$0xFFFFFFB0]  }
0x3e: {  	[tilespmem:s23+$0xFFFFFF90] =	vst v13;
	v11 =	vld [tilespmem:s23+$0xFFFFFFF0];
	v13 =	vmul.f32 v21, v20  }
0x3f: {  	[tilespmem:s23+$0xFFFFFFA0] =	vst v6;
	v6 =	vmul.f32 v22, v16;
	v16 =	vld [tilespmem:s23+$0x0]  }
0x40: {  	v9 =	vmul.f32 v12, v9;
	[tilespmem:s23+$0x10] =	vst v13;
	v12 =	vld [tilespmem:s23+$0x20]  }
0x41: {  	[tilespmem:s23+$0xFFFFFFC0] =	vst v6;
	v4 =	vmul.f32 v15, v4;
	v6 =	vld [tilespmem:s23+$0x30]  }
0x42: {  	s26 =	sshra.s32 s28, $0x2;
	v8 =	vmul.f32 v10, v8;
	[tilespmem:s23+$0xFFFFFFD0] =	vst v9;
	v9 =	vld [tilespmem:s23+$0x40]  }
0x43: {  	[tilespmem:s23+$0xFFFFFFE0] =	vst v4;
	v4 =	vmul.f32 v11, v14;
	v10 =	vld [tilespmem:s23+$0x50]  }
0x44: {  	[tilespmem:s23+$0xFFFFFFB0] =	vst v8;
	v5 =	vmul.f32 v16, v5;
	v8 =	vld [tilespmem:s23+$0x70]  }
0x45: {  	[tilespmem:s23+$0xFFFFFFF0] =	vst v4;
	v4 =	vmul.f32 v12, v7  }
0x46: {  	[tilespmem:s23+$0x0] =	vst v5;
	v3 =	vmul.f32 v6, v3;
	v5 =	vbroadcast v2, $0xD  }
0x47: {  	v2 =	vbroadcast v2, $0xF;
	[tilespmem:s23+$0x20] =	vst v4;
	v4 =	vmul.f32 v9, v17  }
0x48: {  	[tilespmem:s23+$0x30] =	vst v3;
	v3 =	vmul.f32 v10, v5  }
0x49: {  	[tilespmem:s23+$0x40] =	vst v4;
	v2 =	vmul.f32 v8, v2  }
0x4a: {  	[tilespmem:s23+$0x50] =	vst v3  }
0x4b: {  	[tilespmem:s23+$0x70] =	vst v2;
	s23 =	smov.u32 s24  }
0x4c: {  	v2 =	vld [tilespmem:s26+$0xF0]  }
.Ltmp1:
0x4d: {  	v5 =	vld [tilespmem:s26+$0x50];
	(pc) =	sbr.rel @p0 .LBB2_5-.Ltmp1, $2  }
0x4e: {  	_ =	sdelay $0x2  }
0x4f: {  	v4 =	vbroadcast v2, $0x6;
	v3 =	vbroadcast v2, $0xB  }
0x50: {  	v5 =	vsub.s32 v5, v0  }
0x51: {  	v5 =	vmin.u32 v5, $0xC380  }
0x52: {  	[tilespmem:s26+$0xA0] =	vst v5  }
0x53: {  	v5 =	vld [tilespmem:s23+$0xFFFFFF80]  }
0x54: {  	v6 =	vld [tilespmem:s23+$0x60]  }
0x55: {  	v7 =	vld [tilespmem:s23+$0xFFFFFF90]  }
0x56: {  	v8 =	vbroadcast v2, $0x0;
	v10 =	vld [tilespmem:s23+$0x10]  }
0x57: {  	v11 =	vbroadcast v2, $0xE;
	v41 =	vbroadcast v2, $0x1;
	v12 =	vld [tilespmem:s23+$0xFFFFFFC0]  }
0x58: {  	v14 =	vbroadcast v2, $0x9;
	v13 =	vld [tilespmem:s23+$0xFFFFFFD0];
	v5 =	vmul.f32 v8, v5  }
0x59: {  	v43 =	vbroadcast v2, $0x2;
	v42 =	vld [tilespmem:s23+$0xFFFFFFE0];
	v6 =	vmul.f32 v6, v11  }
0x5a: {  	v15 =	vbroadcast v2, $0x4;
	v44 =	vld [tilespmem:s23+$0xFFFFFFB0];
	v7 =	vmul.f32 v7, v41;
	[tilespmem:s23+$0xFFFFFF80] =	vst v5  }
0x5b: {  	v46 =	vbroadcast v2, $0x5;
	v45 =	vld [tilespmem:s23+$0xFFFFFFF0];
	v10 =	vmul.f32 v10, v14;
	[tilespmem:s23+$0x60] =	vst v6  }
0x5c: {  	v49 =	vbroadcast v2, $0x3;
	v51 =	vld [tilespmem:s23+$0x20];
	v48 =	vmul.f32 v12, v15;
	[tilespmem:s23+$0xFFFFFF90] =	vst v7  }
0x5d: {  	v52 =	vbroadcast v2, $0x7;
	v53 =	vld [tilespmem:s23+$0x30];
	v50 =	vmul.f32 v13, v46;
	[tilespmem:s23+$0x10] =	vst v10  }
0x5e: {  	v54 =	vbroadcast v2, $0x8;
	v55 =	vld [tilespmem:s23+$0x40];
	v4 =	vmul.f32 v42, v4;
	[tilespmem:s23+$0xFFFFFFC0] =	vst v48  }
0x5f: {  	v56 =	vbroadcast v2, $0xA;
	v59 =	vld [tilespmem:s23+$0x70];
	v8 =	vmul.f32 v44, v49;
	[tilespmem:s23+$0xFFFFFFD0] =	vst v50  }
0x60: {  	v60 =	vbroadcast v2, $0xC;
	v9 =	vld [tilespmem:s23+$0xFFFFFFA0];
	v57 =	vmul.f32 v45, v52;
	[tilespmem:s23+$0xFFFFFFE0] =	vst v4  }
0x61: {  	v62 =	vbroadcast v2, $0xD;
	v47 =	vld [tilespmem:s23+$0x0];
	v61 =	vmul.f32 v51, v56;
	[tilespmem:s23+$0xFFFFFFB0] =	vst v8  }
0x62: {  	v2 =	vbroadcast v2, $0xF;
	v58 =	vld [tilespmem:s23+$0x50];
	v3 =	vmul.f32 v53, v3;
	[tilespmem:s23+$0xFFFFFFF0] =	vst v57  }
0x63: {  	v63 =	vmul.f32 v55, v60;
	[tilespmem:s23+$0x20] =	vst v61  }
0x64: {  	v2 =	vmul.f32 v59, v2;
	[tilespmem:s23+$0x30] =	vst v3  }
0x65: {  	v5 =	vmul.f32 v9, v43;
	[tilespmem:s23+$0x40] =	vst v63  }
0x66: {  	v7 =	vmul.f32 v47, v54;
	[tilespmem:s23+$0x70] =	vst v2  }
0x67: {  	s22 =	sadd.s32 $0x1, s22;
	v3 =	vmul.f32 v58, v62;
	[tilespmem:s23+$0xFFFFFFA0] =	vst v5  }
0x68: {  	p0 =	sne.s32 s22, $0x4E2;
	[tilespmem:s23+$0x0] =	vst v7  }
.Ltmp2:
0x69: {  	[tilespmem:s23+$0x50] =	vst v3;
	(pc) =	sbr.rel @p0 .LBB2_4-.Ltmp2, $4  }
0x6a: {  	[spmem:s2] =	stream.indirect.scatter.add.f32 [tilespmem:s17], [sflag:$0x2], $0x10, s19, s15, $0xb8;
	[tilespmem:$0x18E40] =	vst v63  }
0x6b: {  	_ =	swait.ge [sflag:s14], $0x500  }
0x6c: {  	[sflag:s14] =	ssyncset.done $0x0  }
0x6d: {  	[sflag:s14] =	ssyncadd.s32 $0xFFFFFB00  }
0x6e: {  	[bflag:$0x0] =	sbarrier.arrive $0xFFFF  }
0x6f: {  	[tilespmem:s13], [sflag:$0x2] =	stream.linear.gather [spmem:s10], $0xC380, $0x38;
	[tilespmem:$0x18E40] =	vst v63  }
0x70: {  	s20 =	sadd.s32 $0x1, s20;
	_ =	swait.ge [sflag:s14], $0xC380  }
0x71: {  	p0 =	sne.s32 s20, s12;
	[sflag:s14] =	ssyncset.done $0x0  }
.Ltmp3:
0x72: {  	[sflag:s14] =	ssyncadd.s32 $0xFFFF3C80;
	(pc) =	sbr.rel @p0 .LBB2_1-.Ltmp3, $4  }
0x73: {  	[hbm4b:s11+s4] =	stream.linear.scatter [tilespmem:s13], [sflag:$0x2], $0xC380, $0x38;
	[tilespmem:$0x18E40] =	vst v63  }
0x74: {  	_ =	swait.ge [sflag:s14], $0xC380  }
0x75: {  	[sflag:s14] =	ssyncset.done $0x0  }
0x76: {  	[sflag:s14] =	ssyncadd.s32 $0xFFFF3C80  }
0x77: {  	_ =	sfence.sel $0x180000  }
0x78: {  	[bflag:$0x0] =	sbarrier.arrive $0xFFFF  }
0x79: {  	p0 =	sne.s32 s3, $0x0;
	_ =	strace $0x90000047  }
0x7a: {  	s0 =	sadd.s32 @!p0 $0x100000, s0;
	[bflag:$0x2] =	sbarrier.arrive $0xFFFF  }
0x7b: {  	[sflag:s0] =	ssyncadd.tile.s32 @!p0 $0x1;
	_ =	shalt  }
.Lfunc_end2:
_tile_overlayer_lowered:
.L_overlay_start_2:
0x7c: {  	(tag) =	ssettag $0x2  }
0x7d: {  	s0 =	rddreg [dreg:$0x0];
	s2 =	stileid.u32  }
0x7e: {  	s1 =	rddreg [dreg:$0x1];
	p0 =	sne.s32 s2, $0x0  }
0x7f: {  	s3 =	rddreg [dreg:$0x2];
	[bflag:$0x3] =	sbarrier.arrive $0xFFFF;
	s2 =	simm.s32 @!p0 $0x1C02  }
0x80: {  	[timem:s3], [sflag:s2] =	dma.local @!p0 [hbm:s0], s1  }
0x81: {  	s0 =	simm.s32 @!p0 $0x2  }
0x82: {  	_ =	swait.ge @!p0 [sflag:s0], s1  }
0x83: {  	s1 =	ssub.s32 @!p0 $0x0, s1;
	[sflag:s0] =	ssyncset.done @!p0 $0x0  }
0x84: {  	[sflag:s0] =	ssyncadd.s32 @!p0 s1  }
0x85: {  	[bflag:$0x3] =	sbarrier.arrive $0xFFFF  }
0x86: {  	_ =	shalt  }

// kernel: kernel.13.cloned.1.call-start
scs
__scs_entry_jumppad:
0x0: {  	(pc) =	sbr.rel $0x88, $3  }
0x1: {  	(tag) =	ssettag $0x0;
	lr =	simm.s32 $0x1  }
0x2: {  	[smem:$0x3F8F] =	sst lr;
	_ =	strace $0xD0000000  }
0x3: {  	_ = 	snop  }
0x4: {  	_ = 	snop  }
0x5: {  	_ = 	snop  }
0x6: {  	_ = 	snop  }
0x7: {  	_ = 	snop  }
__scs_overlays_trampoline_lowered:
0x8: {  	[smem:$0x3F9E] =	sst s0  }
0x9: {  	[smem:$0x3F9F] =	sst s1  }
0xa: {  	[smem:$0x3FA0] =	sst s2  }
0xb: {  	[smem:$0x3FA1] =	sst s3  }
0xc: {  	[smem:$0x3FA2] =	sst s4  }
0xd: {  	[smem:$0x3FA3] =	sst s5  }
0xe: {  	[smem:$0x3FA4] =	sst s6  }
0xf: {  	[smem:$0x3FA5] =	sst s7  }
0x10: {  	[smem:$0x3FA6] =	sst s8  }
0x11: {  	[smem:$0x3FA7] =	sst s9;
	s0 =	simm.s32 @!p0 $0x0  }
0x12: {  	s1 =	sld [smem:$0x3F8D];
	s0 =	simm.s32 @p0 $0x1  }
0x13: {  	[smem:$0x3FA8] =	sst s0;
	s0 =	simm.s32 @!p1 $0x0  }
0x14: {  	s2 =	sld [smem:$0x3F8C];
	s0 =	simm.s32 @p1 $0x1  }
0x15: {  	[smem:$0x3FA9] =	sst s0;
	s0 =	simm.s32 @!p2 $0x0  }
0x16: {  	s3 =	sld [smem:$0x3FDB];
	s0 =	simm.s32 @p2 $0x1  }
0x17: {  	s4 =	simm.s32 $0x1BF5;
	[smem:$0x3FAB] =	sst s0  }
0x18: {  	s0 =	sld [smem:$0x3F8E];
	_ =	swait.ge [sflag:s4], $0x0  }
0x19: {  	s7 =	sld [smem:$0x3F8F]  }
0x1a: {  	s8 =	sadd.s32 $0xFFFFE003, lr  }
0x1b: {  	s9 =	sadd.s32 $0xFFFFFEF7, lr;
	s5 =	simm.s32 $0xFFFFFFFF;
	p2 =	slt.u32 s8, $0xFFFFF086  }
0x1c: {  	p1 =	slt.u32 s9, $0xF7A;
	s5 =	simm.s32 @!p2 $0x0  }
0x1d: {  	s5 =	simm.s32 @p1 $0x1;
	p0 =	seq.s32 s7, s2  }
0x1e: {  	s7 =	smul.u32 @!p0 $0xF7A, s2;
	p2 =	seq.s32 @!p0 s5, $0x0  }
0x1f: {  	s9 =	smul.u32 $0xF7A, s1;
	s8 =	simm.s32 @!p0 $0x1BF5;
	p2 =	por !p2, p0  }
0x20: {  	[sflag:s8] =	ssyncset.s32 @!p0 $0xFFFFF086;
	s6 =	sadd.s32 @!p0 s3, s7;
	s7 =	simm.s32 @!p0 $0x108  }
0x21: {  	s3 =	sadd.s32 s3, s9;
	s6 =	sadd.s32 @!p0 $0x88, s6;
	s7 =	simm.s32 @p2 $0x1082  }
0x22: {  	[simem:s7], [sflag:s8] =	dma.local @!p0 [hbm:s6], $0xF7A  }
0x23: {  	s9 =	sor.u32 $0xD0000000, s2;
	s6 =	simm.s32 $0x108;
	_ =	swait.ge @!p0 [sflag:s8], $0x0  }
0x24: {  	s3 =	sadd.s32 $0x88, s3;
	s6 =	simm.s32 @!p1 $0x1082;
	[sflag:s4] =	ssyncset.s32 $0xFFFFF086  }
0x25: {  	[simem:s6], [sflag:s4] =	dma.local [hbm:s3], $0xF7A  }
0x26: {  	[smem:$0x3F8F] =	sst s1;
	(tag) =	ssettag s2;
	_ =	strace s9  }
0x27: {  	s1 =	sld [smem:$0x3F9F]  }
0x28: {  	s2 =	sld [smem:$0x3FA0]  }
0x29: {  	s4 =	sld [smem:$0x3FA2]  }
0x2a: {  	p0 =	seq.s32 s5, $0x0;
	s5 =	sld [smem:$0x3FA3]  }
0x2b: {  	s6 =	sld [smem:$0x3FA4]  }
0x2c: {  	s7 =	sld [smem:$0x3FA5]  }
0x2d: {  	s3 =	simm.s32 $0x108;
	s8 =	sld [smem:$0x3FA6]  }
0x2e: {  	s3 =	simm.s32 @!p0 $0x1082;
	s9 =	sld [smem:$0x3FA7]  }
0x2f: {  	lr =	sadd.s32 s0, s3;
	s0 =	sld [smem:$0x3F9E]  }
0x30: {  	s3 =	sld [smem:$0x3FA1]  }
0x31: {  	[smem:$0x3FAA] =	sst s10  }
0x32: {  	s10 =	sld [smem:$0x3FA8];
	_ =	sdelay $0x3  }
0x33: {  	p0 =	seq.s32 s10, $0x1;
	s10 =	sld [smem:$0x3FAA];
	_ =	sdelay $0x3  }
0x34: {  	[smem:$0x3FAA] =	sst s10  }
0x35: {  	s10 =	sld [smem:$0x3FA9];
	_ =	sdelay $0x3  }
0x36: {  	p1 =	seq.s32 s10, $0x1;
	s10 =	sld [smem:$0x3FAA];
	_ =	sdelay $0x3  }
0x37: {  	[smem:$0x3FAA] =	sst s10  }
0x38: {  	s10 =	sld [smem:$0x3FAB]  }
0x39: {  	_ = 	snop;
	(pc) =	sbr.ind lr, $3  }
0x3a: {  	_ = 	snop  }
0x3b: {  	_ = 	snop  }
0x3c: {  	p2 =	seq.s32 s10, $0x1;
	s10 =	sld [smem:$0x3FAA]  }
0x3d: {  	_ =	shalt  }
0x3e: {  	_ =	shalt  }
0x3f: {  	_ =	shalt  }
0x40: {  	_ =	shalt  }
0x41: {  	_ =	shalt  }
0x42: {  	_ =	shalt  }
0x43: {  	_ =	shalt  }
0x44: {  	_ =	shalt  }
0x45: {  	_ =	shalt  }
0x46: {  	_ =	shalt  }
0x47: {  	_ =	shalt  }
0x48: {  	_ =	shalt  }
0x49: {  	_ =	shalt  }
0x4a: {  	_ =	shalt  }
0x4b: {  	_ =	shalt  }
0x4c: {  	_ =	shalt  }
0x4d: {  	_ =	shalt  }
0x4e: {  	_ =	shalt  }
0x4f: {  	_ =	shalt  }
0x50: {  	_ =	shalt  }
0x51: {  	_ =	shalt  }
0x52: {  	_ =	shalt  }
0x53: {  	_ =	shalt  }
0x54: {  	_ =	shalt  }
0x55: {  	_ =	shalt  }
0x56: {  	_ =	shalt  }
0x57: {  	_ =	shalt  }
0x58: {  	_ =	shalt  }
0x59: {  	_ =	shalt  }
0x5a: {  	_ =	shalt  }
0x5b: {  	_ =	shalt  }
0x5c: {  	_ =	shalt  }
0x5d: {  	_ =	shalt  }
0x5e: {  	_ =	shalt  }
0x5f: {  	_ =	shalt  }
0x60: {  	_ =	shalt  }
0x61: {  	_ =	shalt  }
0x62: {  	_ =	shalt  }
0x63: {  	_ =	shalt  }
0x64: {  	_ =	shalt  }
0x65: {  	_ =	shalt  }
0x66: {  	_ =	shalt  }
0x67: {  	_ =	shalt  }
0x68: {  	_ =	shalt  }
0x69: {  	_ =	shalt  }
0x6a: {  	_ =	shalt  }
0x6b: {  	_ =	shalt  }
0x6c: {  	_ =	shalt  }
0x6d: {  	_ =	shalt  }
0x6e: {  	_ =	shalt  }
0x6f: {  	_ =	shalt  }
0x70: {  	_ =	shalt  }
0x71: {  	_ =	shalt  }
0x72: {  	_ =	shalt  }
0x73: {  	_ =	shalt  }
0x74: {  	_ =	shalt  }
0x75: {  	_ =	shalt  }
0x76: {  	_ =	shalt  }
0x77: {  	_ =	shalt  }
0x78: {  	_ =	shalt  }
0x79: {  	_ =	shalt  }
0x7a: {  	_ =	shalt  }
0x7b: {  	_ =	shalt  }
0x7c: {  	_ =	shalt  }
0x7d: {  	_ =	shalt  }
0x7e: {  	_ =	shalt  }
0x7f: {  	_ =	shalt  }
0x80: {  	_ =	shalt  }
0x81: {  	_ =	shalt  }
0x82: {  	_ =	shalt  }
0x83: {  	_ =	shalt  }
0x84: {  	_ =	shalt  }
0x85: {  	_ =	shalt  }
0x86: {  	_ =	shalt  }
0x87: {  	_ =	shalt  }
.Lfunc_end0:
.L_simem_size_0:
called_computation.1_lowered:
.L_overlay_start_0:
0x88: {  	s2 =	sld [smem:$0x3FD9]  }
0x89: {  	s3 =	sld [smem:$0x3FFE];
	_ =	sdelay $0x1  }
0x8a: {  	s1 =	srdreg.scid  }
0x8b: {  	s0 =	sand.u32 $0x1, s1  }
0x8c: {  	s17 =	sshll.u32 s0, $0xA;
	s2 =	sadd.s32 s3, s2  }
0x8d: {  	s2 =	sadd.s32 s2, s17  }
0x8e: {  	[smem:$0x3FB6] =	sst s2  }
0x8f: {  	_ = 	snop  }
0x90: {  	s2 =	sld [smem:$0x3FC7];
	(tm) =	ssettm $0x1  }
0x91: {  	s18 =	sld [smem:$0x3FFB];
	_ =	sdelay $0x3  }
0x92: {  	_ =	strace s18  }
0x93: {  	s3 =	sld [smem:$0x3FFC];
	_ =	sdelay $0x3  }
0x94: {  	_ =	strace s3  }
0x95: {  	s3 =	sld [smem:$0x3FFD];
	_ =	sdelay $0x3  }
0x96: {  	_ =	strace s3  }
0x97: {  	_ =	strace $0x8FFFFFFF  }
0x98: {  	s19 =	sld [smem:$0x3FDB];
	_ =	sdelay $0x1  }
0x99: {  	s4 =	simm.s32 $_scs_section_size  }
0x9a: {  	s5 =	simm.s32 $_size__tile_overlayer_lowered;
	s6 =	simm.s32 $_tile_overlayer_lowered  }
0x9b: {  	s22 =	simm.s32 $0x1BFF;
	s21 =	sshll.u32 s6, $0x1;
	s3 =	sadd.s32 s4, s19  }
0x9c: {  	s7 =	simm.s32 $0x0;
	s20 =	sshll.u32 s5, $0x1;
	s5 =	sadd.s32 s21, s3  }
0x9d: {  	[timem:s7], [sflag:s22] =	dma.local [hbm:s5], s20  }
0x9e: {  	_ =	swait.ge [sflag:s22], s20  }
0x9f: {  	s4 =	ssub.s32 $0x0, s20;
	[sflag:s22] =	ssyncset.done $0x0  }
0xa0: {  	[sflag:s22] =	ssyncadd.s32 s4;
	_ =	sdelay $0x1  }
0xa1: {  	s23 =	simm.s32 $0x1B8B  }
0xa2: {  	_ =	swait.ge [sflag:s23], $0x1  }
0xa3: {  	[sflag:s23] =	ssyncset.done $0x0  }
0xa4: {  	s25 =	simm.s32 $0x1B8E;
	s24 =	sld [smem:$0x3FFE];
	[sflag:s23] =	ssyncadd.s32 $0xFFFFFFFF  }
0xa5: {  	s26 =	simm.s32 $execute0_lowered;
	[smem:$0x3FD2] =	sst s25  }
0xa6: {  	s5 =	sshll.u32 s26, $0x1;
	_ =	strace $0x80000049;
	[dreg:$0x1] =	wrdreg $0xFFFFFFFF  }
0xa7: {  	s28 =	simm.s32 $_size_execute0_lowered;
	s3 =	sadd.s32 s3, s5;
	[dreg:$0x0] =	wrdreg $0x0  }
0xa8: {  	s5 =	sshll.u32 s28, $0x1;
	[dreg:$0x2] =	wrdreg s3  }
0xa9: {  	[dreg:$0x3] =	wrdreg s5  }
0xaa: {  	[dreg:$0x4] =	wrdreg $0xC0  }
0xab: {  	_ =	task [dreg:s7], $0x5FFFF  }
0xac: {  	[dreg:$0x1] =	wrdreg $0xFFFFFFFF  }
0xad: {  	[dreg:$0x0] =	wrdreg $0x60  }
0xae: {  	[dreg:$0x2] =	wrdreg s24  }
0xaf: {  	[dreg:$0x3] =	wrdreg s2  }
0xb0: {  	[dreg:$0x4] =	wrdreg $0xCA400  }
0xb1: {  	[dreg:$0x5] =	wrdreg $0x9  }
0xb2: {  	_ =	task.clear_ibuf [dreg:s7], $0x6FFFF;
	_ =	strace $0x90000049  }
0xb3: {  	s29 =	simm.s32 $0x9;
	_ =	strace $0x8000004B  }
0xb4: {  	_ =	swait.ge [sflag:s29], $0x1  }
0xb5: {  	[sflag:s29] =	ssyncadd.s32 $0xFFFFFFFF  }
0xb6: {  	_ =	strace $0x9000004B  }
0xb7: {  	_ =	sfence  }
0xb8: {  	s30 =	sld [smem:$0x0];
	_ =	sdelay $0x2  }
0xb9: {  	s31 =	sshll.u32 s1, $0xD;
	s1 =	sshrl.u32 s1, $0x2  }
0xba: {  	s3 =	sand.u32 $0x4000, s31;
	s1 =	sadd.s32 s1, s30  }
0xbb: {  	s0 =	sor.u32 s3, s0;
	s1 =	sshll.u32 s1, $0x11  }
0xbc: {  	s0 =	sor.u32 s1, s0  }
0xbd: {  	s0 =	sadd.s32 $0x8F2B, s0  }
0xbe: {  	[sflag:s0] =	ssyncadd.remote.s32 $0x1  }
0xbf: {  	_ =	sfence.sel $0xFFFF  }
0xc0: {  	[dreg:$0x0] =	wrdreg $0xFFFFFFFF;
	(pc) =	sbr.abs _section_cstart, $3  }
0xc1: {  	[dreg:$0x1] =	wrdreg $0xFFFFFFFF  }
0xc2: {  	_ =	task.clear_ibuf [dreg:s7], $0x2FFFF;
	_ =	strace $0x9FFFFFFF  }
0xc3: {  	(tm) =	ssettm $0x7FFFFFFF  }
tec
execute0_lowered:
.L_overlay_start_1:
0x0: {  	(tag) =	ssettag $0x1  }
0x1: {  	s8 =	rddreg [dreg:$0x0]  }
0x2: {  	s1 =	rddreg [dreg:$0x1]  }
0x3: {  	s2 =	rddreg [dreg:$0x2]  }
0x4: {  	s3 =	srdreg.scid;
	s0 =	rddreg [dreg:$0x3]  }
0x5: {  	s4 =	simm.s32 $0x0;
	s15 =	simm.s32 $0x50;
	s16 =	simm.s32 $0xF0  }
0x6: {  	s17 =	simm.s32 $0x140;
	s19 =	simm.s32 $0xA0;
	s7 =	sand.u32 $0x1, s3  }
0x7: {  	s20 =	simm.s32 $0x0;
	s3 =	stileid.u32;
	s18 =	smul.u32 $0xC380, s7  }
0x8: {  	[smem:$0x7FF] =	sst s4;
	s5 =	sadd.s32 $0x65800, s8;
	s9 =	smul.u32 $0xC38, s3  }
0x9: {  	s6 =	sadd.s32 $0x34A00, s8;
	s10 =	ssub.s32 $0x2, s7;
	s11 =	smul.u32 $0x31000, s3  }
0xa: {  	_ =	strace $0x8000004A;
	s13 =	smul.u32 $0x30E00, s3;
	s12 =	sshrl.u32 s10, $0x1  }
0xb: {  	s7 =	sadd.s32 $0x3C00, s8;
	s9 =	sadd.s32 s9, s18;
	s12 =	ssub.s32 s10, s12  }
0xc: {  	s30 =	sshrl.u32 s11, $0x2;
	s31 =	sshrl.u32 s13, $0x2;
	s13 =	simm.s32 $0x640  }
0xd: {  	v0 =	vmov s18;
	s18 =	simm.s32 $0x1;
	s9 =	sshll.u32 s9, $0x1;
	s10 =	sadd.s32 s31, s2  }
0xe: {  	s12 =	smax.u32 s12, $0x1;
	s14 =	sadd.s32 s9, s8;
	s8 =	smul.u32 $0x4E2, s3  }
0xf: {  	v1 =	vimm.f32 $0.0e+00;
	s9 =	sadd.s32 s30, s2;
	s11 =	sadd.s32 $0x96600, s14;
	s14 =	simm.s32 $0x2  }
.LBB2_1:
0x10: {  	s21 =	simm.s32 $0x40;
	s22 =	simm.s32 $0x0  }
.LBB2_2:
0x11: {  	p0 =	sne.s32 s21, $0x30FC0;
	[tilespmem:s22+$0x640] =	vst v1;
	s22 =	smov.u32 s21;
	s21 =	sadd.s32 $0x40, s21  }
.Ltmp0:
0x12: {  	(pc) =	sbr.rel @p0 .LBB2_2-.Ltmp0, $2  }
0x13: {  	_ =	sdelay $0x2  }
0x14: {  	s22 =	sshra.s32 s22, $0x2  }
0x15: {  	[tilespmem:s22+$0x640] =	vst v1  }
0x16: {  	[spmem:s9] =	stream.linear.scatter [tilespmem:s13], [sflag:$0x2], $0xC400, $0x38;
	[tilespmem:$0x18E40] =	vst v63  }
0x17: {  	_ =	swait.ge [sflag:s14], $0xC400  }
0x18: {  	[sflag:s14] =	ssyncset.done $0x0  }
0x19: {  	[sflag:s14] =	ssyncadd.s32 $0xFFFF3C00  }
0x1a: {  	s21 =	simm.s32 $0x0;
	s22 =	simm.s32 $0x0;
	[bflag:$0x0] =	sbarrier.arrive $0xFFFF  }
.LBB2_4:
0x1b: {  	s23 =	sadd.s32 s8, s22  }
0x1c: {  	s23 =	smul.u32 $0xA, s23;
	_ =	sdelay $0x1  }
0x1d: {  	s24 =	sadd.s32 s6, s23  }
0x1e: {  	[tilespmem:s21], [sflag:$0x2] =	stream.linear.gather [hbm4b:s24+s21], $0x50, $0x38;
	[tilespmem:$0x18E40] =	vst v63  }
0x1f: {  	_ =	swait.ge [sflag:s14], $0x50  }
0x20: {  	[sflag:s14] =	ssyncset.done $0x0  }
0x21: {  	s31 =	sadd.s32 s7, s23;
	[sflag:s14] =	ssyncadd.s32 $0xFFFFFFB0  }
0x22: {  	[tilespmem:s15], [sflag:$0x2] =	stream.linear.gather [hbm4b:s31+s21], $0x50, $0x38;
	[tilespmem:$0x18E40] =	vst v63  }
0x23: {  	_ =	swait.ge [sflag:s14], $0x50  }
0x24: {  	[sflag:s14] =	ssyncset.done $0x0  }
0x25: {  	s23 =	sadd.s32 s1, s23;
	[sflag:s14] =	ssyncadd.s32 $0xFFFFFFB0  }
0x26: {  	[tilespmem:s16], [sflag:$0x2] =	stream.linear.gather [hbm4b:s23+s21], $0x50, $0x38;
	[tilespmem:$0x18E40] =	vst v63  }
0x27: {  	_ =	swait.ge [sflag:s14], $0x50  }
0x28: {  	[sflag:s14] =	ssyncset.done $0x0  }
0x29: {  	[sflag:s14] =	ssyncadd.s32 $0xFFFFFFB0  }
0x2a: {  	[tilespmem:s17], [sflag:$0x1] =	stream.indirect.gather [hbm4b:s5+s15], $0x10, s21, s15, $0xb8;
	[tilespmem:$0x18E40] =	vst v63  }
0x2b: {  	_ =	swait.ge [sflag:s18], $0x500  }
0x2c: {  	[sflag:s18] =	ssyncset.done $0x0  }
0x2d: {  	s26 =	simm.s32 $0x0;
	[sflag:s18] =	ssyncadd.s32 $0xFFFFFB00  }
0x2e: {  	v2 =	vld [tilespmem:s26+$0xF0];
	_ =	sdelay $0x1  }
0x2f: {  	v5 =	vld [tilespmem:s26+$0x50];
	_ =	sdelay $0x2  }
0x30: {  	s25 =	simm.s32 $0x40;
	s24 =	simm.s32 $0x1C0;
	s23 =	simm.s32 $0x1C0;
	v4 =	vbroadcast v2, $0x6;
	v3 =	vbroadcast v2, $0xB  }
.LBB2_5:
0x31: {  	p0 =	sne.s32 s25, $0x100  }
0x32: {  	v5 =	vsub.s32 v5, v0;
	v6 =	vbroadcast v2, $0x2;
	v7 =	vbroadcast v2, $0xA;
	s24 =	sadd.s32 $0x100, s24;
	s28 =	smov.u32 s25;
	s25 =	sadd.s32 $0x40, s25  }
0x33: {  	v8 =	vbroadcast v2, $0x3;
	v5 =	vmin.u32 v5, $0xC380  }
0x34: {  	[tilespmem:s26+$0xA0] =	vst v5;
	v5 =	vbroadcast v2, $0x8  }
0x35: {  	v9 =	vbroadcast v2, $0x5;
	v11 =	vbroadcast v2, $0xE;
	v10 =	vld [tilespmem:s23+$0x60]  }
0x36: {  	v13 =	vbroadcast v2, $0x1;
	v14 =	vbroadcast v2, $0x7;
	v12 =	vld [tilespmem:s23+$0xFFFFFF80]  }
0x37: {  	v16 =	vbroadcast v2, $0x4;
	v17 =	vbroadcast v2, $0xC;
	v15 =	vld [tilespmem:s23+$0xFFFFFF90]  }
0x38: {  	v18 =	vbroadcast v2, $0x0;
	v20 =	vbroadcast v2, $0x9;
	v19 =	vld [tilespmem:s23+$0xFFFFFFA0]  }
0x39: {  	v21 =	vld [tilespmem:s23+$0x10]  }
0x3a: {  	v22 =	vld [tilespmem:s23+$0xFFFFFFC0];
	v10 =	vmul.f32 v10, v11  }
0x3b: {  	v11 =	vmul.f32 v18, v12;
	v12 =	vld [tilespmem:s23+$0xFFFFFFD0]  }
0x3c: {  	v13 =	vmul.f32 v15, v13;
	v15 =	vld [tilespmem:s23+$0xFFFFFFE0];
	[tilespmem:s23+$0x60] =	vst v10  }
0x3d: {  	[tilespmem:s23+$0xFFFFFF80] =	vst v11;
	v6 =	vmul.f32 v19, v6;
	v10 =	vld [tilespmem:s23+$0xFFFFFFB0]  }
0x3e: {  	[tilespmem:s23+$0xFFFFFF90] =	vst v13;
	v11 =	vld [tilespmem:s23+$0xFFFFFFF0];
	v13 =	vmul.f32 v21, v20  }
0x3f: {  	[tilespmem:s23+$0xFFFFFFA0] =	vst v6;
	v6 =	vmul.f32 v22, v16;
	v16 =	vld [tilespmem:s23+$0x0]  }
0x40: {  	v9 =	vmul.f32 v12, v9;
	[tilespmem:s23+$0x10] =	vst v13;
	v12 =	vld [tilespmem:s23+$0x20]  }
0x41: {  	[tilespmem:s23+$0xFFFFFFC0] =	vst v6;
	v4 =	vmul.f32 v15, v4;
	v6 =	vld [tilespmem:s23+$0x30]  }
0x42: {  	s26 =	sshra.s32 s28, $0x2;
	v8 =	vmul.f32 v10, v8;
	[tilespmem:s23+$0xFFFFFFD0] =	vst v9;
	v9 =	vld [tilespmem:s23+$0x40]  }
0x43: {  	[tilespmem:s23+$0xFFFFFFE0] =	vst v4;
	v4 =	vmul.f32 v11, v14;
	v10 =	vld [tilespmem:s23+$0x50]  }
0x44: {  	[tilespmem:s23+$0xFFFFFFB0] =	vst v8;
	v5 =	vmul.f32 v16, v5;
	v8 =	vld [tilespmem:s23+$0x70]  }
0x45: {  	[tilespmem:s23+$0xFFFFFFF0] =	vst v4;
	v4 =	vmul.f32 v12, v7  }
0x46: {  	[tilespmem:s23+$0x0] =	vst v5;
	v3 =	vmul.f32 v6, v3;
	v5 =	vbroadcast v2, $0xD  }
0x47: {  	v2 =	vbroadcast v2, $0xF;
	[tilespmem:s23+$0x20] =	vst v4;
	v4 =	vmul.f32 v9, v17  }
0x48: {  	[tilespmem:s23+$0x30] =	vst v3;
	v3 =	vmul.f32 v10, v5  }
0x49: {  	[tilespmem:s23+$0x40] =	vst v4;
	v2 =	vmul.f32 v8, v2  }
0x4a: {  	[tilespmem:s23+$0x50] =	vst v3  }
0x4b: {  	[tilespmem:s23+$0x70] =	vst v2;
	s23 =	smov.u32 s24  }
0x4c: {  	v2 =	vld [tilespmem:s26+$0xF0]  }
.Ltmp1:
0x4d: {  	v5 =	vld [tilespmem:s26+$0x50];
	(pc) =	sbr.rel @p0 .LBB2_5-.Ltmp1, $2  }
0x4e: {  	_ =	sdelay $0x2  }
0x4f: {  	v4 =	vbroadcast v2, $0x6;
	v3 =	vbroadcast v2, $0xB  }
0x50: {  	v5 =	vsub.s32 v5, v0  }
0x51: {  	v5 =	vmin.u32 v5, $0xC380  }
0x52: {  	[tilespmem:s26+$0xA0] =	vst v5  }
0x53: {  	v5 =	vld [tilespmem:s23+$0xFFFFFF80]  }
0x54: {  	v6 =	vld [tilespmem:s23+$0x60]  }
0x55: {  	v7 =	vld [tilespmem:s23+$0xFFFFFF90]  }
0x56: {  	v8 =	vbroadcast v2, $0x0;
	v10 =	vld [tilespmem:s23+$0x10]  }
0x57: {  	v11 =	vbroadcast v2, $0xE;
	v41 =	vbroadcast v2, $0x1;
	v12 =	vld [tilespmem:s23+$0xFFFFFFC0]  }
0x58: {  	v14 =	vbroadcast v2, $0x9;
	v13 =	vld [tilespmem:s23+$0xFFFFFFD0];
	v5 =	vmul.f32 v8, v5  }
0x59: {  	v43 =	vbroadcast v2, $0x2;
	v42 =	vld [tilespmem:s23+$0xFFFFFFE0];
	v6 =	vmul.f32 v6, v11  }
0x5a: {  	v15 =	vbroadcast v2, $0x4;
	v44 =	vld [tilespmem:s23+$0xFFFFFFB0];
	v7 =	vmul.f32 v7, v41;
	[tilespmem:s23+$0xFFFFFF80] =	vst v5  }
0x5b: {  	v46 =	vbroadcast v2, $0x5;
	v45 =	vld [tilespmem:s23+$0xFFFFFFF0];
	v10 =	vmul.f32 v10, v14;
	[tilespmem:s23+$0x60] =	vst v6  }
0x5c: {  	v49 =	vbroadcast v2, $0x3;
	v51 =	vld [tilespmem:s23+$0x20];
	v48 =	vmul.f32 v12, v15;
	[tilespmem:s23+$0xFFFFFF90] =	vst v7  }
0x5d: {  	v52 =	vbroadcast v2, $0x7;
	v53 =	vld [tilespmem:s23+$0x30];
	v50 =	vmul.f32 v13, v46;
	[tilespmem:s23+$0x10] =	vst v10  }
0x5e: {  	v54 =	vbroadcast v2, $0x8;
	v55 =	vld [tilespmem:s23+$0x40];
	v4 =	vmul.f32 v42, v4;
	[tilespmem:s23+$0xFFFFFFC0] =	vst v48  }
0x5f: {  	v56 =	vbroadcast v2, $0xA;
	v59 =	vld [tilespmem:s23+$0x70];
	v8 =	vmul.f32 v44, v49;
	[tilespmem:s23+$0xFFFFFFD0] =	vst v50  }
0x60: {  	v60 =	vbroadcast v2, $0xC;
	v9 =	vld [tilespmem:s23+$0xFFFFFFA0];
	v57 =	vmul.f32 v45, v52;
	[tilespmem:s23+$0xFFFFFFE0] =	vst v4  }
0x61: {  	v62 =	vbroadcast v2, $0xD;
	v47 =	vld [tilespmem:s23+$0x0];
	v61 =	vmul.f32 v51, v56;
	[tilespmem:s23+$0xFFFFFFB0] =	vst v8  }
0x62: {  	v2 =	vbroadcast v2, $0xF;
	v58 =	vld [tilespmem:s23+$0x50];
	v3 =	vmul.f32 v53, v3;
	[tilespmem:s23+$0xFFFFFFF0] =	vst v57  }
0x63: {  	v63 =	vmul.f32 v55, v60;
	[tilespmem:s23+$0x20] =	vst v61  }
0x64: {  	v2 =	vmul.f32 v59, v2;
	[tilespmem:s23+$0x30] =	vst v3  }
0x65: {  	v5 =	vmul.f32 v9, v43;
	[tilespmem:s23+$0x40] =	vst v63  }
0x66: {  	v7 =	vmul.f32 v47, v54;
	[tilespmem:s23+$0x70] =	vst v2  }
0x67: {  	s22 =	sadd.s32 $0x1, s22;
	v3 =	vmul.f32 v58, v62;
	[tilespmem:s23+$0xFFFFFFA0] =	vst v5  }
0x68: {  	p0 =	sne.s32 s22, $0x4E2;
	[tilespmem:s23+$0x0] =	vst v7  }
.Ltmp2:
0x69: {  	[tilespmem:s23+$0x50] =	vst v3;
	(pc) =	sbr.rel @p0 .LBB2_4-.Ltmp2, $4  }
0x6a: {  	[spmem:s2] =	stream.indirect.scatter.add.f32 [tilespmem:s17], [sflag:$0x2], $0x10, s19, s15, $0xb8;
	[tilespmem:$0x18E40] =	vst v63  }
0x6b: {  	_ =	swait.ge [sflag:s14], $0x500  }
0x6c: {  	[sflag:s14] =	ssyncset.done $0x0  }
0x6d: {  	[sflag:s14] =	ssyncadd.s32 $0xFFFFFB00  }
0x6e: {  	[bflag:$0x0] =	sbarrier.arrive $0xFFFF  }
0x6f: {  	[tilespmem:s13], [sflag:$0x2] =	stream.linear.gather [spmem:s10], $0xC380, $0x38;
	[tilespmem:$0x18E40] =	vst v63  }
0x70: {  	s20 =	sadd.s32 $0x1, s20;
	_ =	swait.ge [sflag:s14], $0xC380  }
0x71: {  	p0 =	sne.s32 s20, s12;
	[sflag:s14] =	ssyncset.done $0x0  }
.Ltmp3:
0x72: {  	[sflag:s14] =	ssyncadd.s32 $0xFFFF3C80;
	(pc) =	sbr.rel @p0 .LBB2_1-.Ltmp3, $4  }
0x73: {  	[hbm4b:s11+s4] =	stream.linear.scatter [tilespmem:s13], [sflag:$0x2], $0xC380, $0x38;
	[tilespmem:$0x18E40] =	vst v63  }
0x74: {  	_ =	swait.ge [sflag:s14], $0xC380  }
0x75: {  	[sflag:s14] =	ssyncset.done $0x0  }
0x76: {  	[sflag:s14] =	ssyncadd.s32 $0xFFFF3C80  }
0x77: {  	_ =	sfence.sel $0x180000  }
0x78: {  	[bflag:$0x0] =	sbarrier.arrive $0xFFFF  }
0x79: {  	p0 =	sne.s32 s3, $0x0;
	_ =	strace $0x9000004A  }
0x7a: {  	s0 =	sadd.s32 @!p0 $0x100000, s0;
	[bflag:$0x2] =	sbarrier.arrive $0xFFFF  }
0x7b: {  	[sflag:s0] =	ssyncadd.tile.s32 @!p0 $0x1;
	_ =	shalt  }
.Lfunc_end2:
_tile_overlayer_lowered:
.L_overlay_start_2:
0x7c: {  	(tag) =	ssettag $0x2  }
0x7d: {  	s0 =	rddreg [dreg:$0x0];
	s2 =	stileid.u32  }
0x7e: {  	s1 =	rddreg [dreg:$0x1];
	p0 =	sne.s32 s2, $0x0  }
0x7f: {  	s3 =	rddreg [dreg:$0x2];
	[bflag:$0x3] =	sbarrier.arrive $0xFFFF;
	s2 =	simm.s32 @!p0 $0x1C02  }
0x80: {  	[timem:s3], [sflag:s2] =	dma.local @!p0 [hbm:s0], s1  }
0x81: {  	s0 =	simm.s32 @!p0 $0x2  }
0x82: {  	_ =	swait.ge @!p0 [sflag:s0], s1  }
0x83: {  	s1 =	ssub.s32 @!p0 $0x0, s1;
	[sflag:s0] =	ssyncset.done @!p0 $0x0  }
0x84: {  	[sflag:s0] =	ssyncadd.s32 @!p0 s1  }
0x85: {  	[bflag:$0x3] =	sbarrier.arrive $0xFFFF  }
0x86: {  	_ =	shalt  }

// kernel: kernel.16.cloned.1.call-start
scs
__scs_entry_jumppad:
0x0: {  	(pc) =	sbr.rel $0x88, $3  }
0x1: {  	(tag) =	ssettag $0x0;
	lr =	simm.s32 $0x1  }
0x2: {  	[smem:$0x3F8F] =	sst lr;
	_ =	strace $0xD0000000  }
0x3: {  	_ = 	snop  }
0x4: {  	_ = 	snop  }
0x5: {  	_ = 	snop  }
0x6: {  	_ = 	snop  }
0x7: {  	_ = 	snop  }
__scs_overlays_trampoline_lowered:
0x8: {  	[smem:$0x3F9E] =	sst s0  }
0x9: {  	[smem:$0x3F9F] =	sst s1  }
0xa: {  	[smem:$0x3FA0] =	sst s2  }
0xb: {  	[smem:$0x3FA1] =	sst s3  }
0xc: {  	[smem:$0x3FA2] =	sst s4  }
0xd: {  	[smem:$0x3FA3] =	sst s5  }
0xe: {  	[smem:$0x3FA4] =	sst s6  }
0xf: {  	[smem:$0x3FA5] =	sst s7  }
0x10: {  	[smem:$0x3FA6] =	sst s8  }
0x11: {  	[smem:$0x3FA7] =	sst s9;
	s0 =	simm.s32 @!p0 $0x0  }
0x12: {  	s1 =	sld [smem:$0x3F8D];
	s0 =	simm.s32 @p0 $0x1  }
0x13: {  	[smem:$0x3FA8] =	sst s0;
	s0 =	simm.s32 @!p1 $0x0  }
0x14: {  	s2 =	sld [smem:$0x3F8C];
	s0 =	simm.s32 @p1 $0x1  }
0x15: {  	[smem:$0x3FA9] =	sst s0;
	s0 =	simm.s32 @!p2 $0x0  }
0x16: {  	s3 =	sld [smem:$0x3FDB];
	s0 =	simm.s32 @p2 $0x1  }
0x17: {  	s4 =	simm.s32 $0x1BF5;
	[smem:$0x3FAB] =	sst s0  }
0x18: {  	s0 =	sld [smem:$0x3F8E];
	_ =	swait.ge [sflag:s4], $0x0  }
0x19: {  	s7 =	sld [smem:$0x3F8F]  }
0x1a: {  	s8 =	sadd.s32 $0xFFFFE003, lr  }
0x1b: {  	s9 =	sadd.s32 $0xFFFFFEF7, lr;
	s5 =	simm.s32 $0xFFFFFFFF;
	p2 =	slt.u32 s8, $0xFFFFF086  }
0x1c: {  	p1 =	slt.u32 s9, $0xF7A;
	s5 =	simm.s32 @!p2 $0x0  }
0x1d: {  	s5 =	simm.s32 @p1 $0x1;
	p0 =	seq.s32 s7, s2  }
0x1e: {  	s7 =	smul.u32 @!p0 $0xF7A, s2;
	p2 =	seq.s32 @!p0 s5, $0x0  }
0x1f: {  	s9 =	smul.u32 $0xF7A, s1;
	s8 =	simm.s32 @!p0 $0x1BF5;
	p2 =	por !p2, p0  }
0x20: {  	[sflag:s8] =	ssyncset.s32 @!p0 $0xFFFFF086;
	s6 =	sadd.s32 @!p0 s3, s7;
	s7 =	simm.s32 @!p0 $0x108  }
0x21: {  	s3 =	sadd.s32 s3, s9;
	s6 =	sadd.s32 @!p0 $0x88, s6;
	s7 =	simm.s32 @p2 $0x1082  }
0x22: {  	[simem:s7], [sflag:s8] =	dma.local @!p0 [hbm:s6], $0xF7A  }
0x23: {  	s9 =	sor.u32 $0xD0000000, s2;
	s6 =	simm.s32 $0x108;
	_ =	swait.ge @!p0 [sflag:s8], $0x0  }
0x24: {  	s3 =	sadd.s32 $0x88, s3;
	s6 =	simm.s32 @!p1 $0x1082;
	[sflag:s4] =	ssyncset.s32 $0xFFFFF086  }
0x25: {  	[simem:s6], [sflag:s4] =	dma.local [hbm:s3], $0xF7A  }
0x26: {  	[smem:$0x3F8F] =	sst s1;
	(tag) =	ssettag s2;
	_ =	strace s9  }
0x27: {  	s1 =	sld [smem:$0x3F9F]  }
0x28: {  	s2 =	sld [smem:$0x3FA0]  }
0x29: {  	s4 =	sld [smem:$0x3FA2]  }
0x2a: {  	p0 =	seq.s32 s5, $0x0;
	s5 =	sld [smem:$0x3FA3]  }
0x2b: {  	s6 =	sld [smem:$0x3FA4]  }
0x2c: {  	s7 =	sld [smem:$0x3FA5]  }
0x2d: {  	s3 =	simm.s32 $0x108;
	s8 =	sld [smem:$0x3FA6]  }
0x2e: {  	s3 =	simm.s32 @!p0 $0x1082;
	s9 =	sld [smem:$0x3FA7]  }
0x2f: {  	lr =	sadd.s32 s0, s3;
	s0 =	sld [smem:$0x3F9E]  }
0x30: {  	s3 =	sld [smem:$0x3FA1]  }
0x31: {  	[smem:$0x3FAA] =	sst s10  }
0x32: {  	s10 =	sld [smem:$0x3FA8];
	_ =	sdelay $0x3  }
0x33: {  	p0 =	seq.s32 s10, $0x1;
	s10 =	sld [smem:$0x3FAA];
	_ =	sdelay $0x3  }
0x34: {  	[smem:$0x3FAA] =	sst s10  }
0x35: {  	s10 =	sld [smem:$0x3FA9];
	_ =	sdelay $0x3  }
0x36: {  	p1 =	seq.s32 s10, $0x1;
	s10 =	sld [smem:$0x3FAA];
	_ =	sdelay $0x3  }
0x37: {  	[smem:$0x3FAA] =	sst s10  }
0x38: {  	s10 =	sld [smem:$0x3FAB]  }
0x39: {  	_ = 	snop;
	(pc) =	sbr.ind lr, $3  }
0x3a: {  	_ = 	snop  }
0x3b: {  	_ = 	snop  }
0x3c: {  	p2 =	seq.s32 s10, $0x1;
	s10 =	sld [smem:$0x3FAA]  }
0x3d: {  	_ =	shalt  }
0x3e: {  	_ =	shalt  }
0x3f: {  	_ =	shalt  }
0x40: {  	_ =	shalt  }
0x41: {  	_ =	shalt  }
0x42: {  	_ =	shalt  }
0x43: {  	_ =	shalt  }
0x44: {  	_ =	shalt  }
0x45: {  	_ =	shalt  }
0x46: {  	_ =	shalt  }
0x47: {  	_ =	shalt  }
0x48: {  	_ =	shalt  }
0x49: {  	_ =	shalt  }
0x4a: {  	_ =	shalt  }
0x4b: {  	_ =	shalt  }
0x4c: {  	_ =	shalt  }
0x4d: {  	_ =	shalt  }
0x4e: {  	_ =	shalt  }
0x4f: {  	_ =	shalt  }
0x50: {  	_ =	shalt  }
0x51: {  	_ =	shalt  }
0x52: {  	_ =	shalt  }
0x53: {  	_ =	shalt  }
0x54: {  	_ =	shalt  }
0x55: {  	_ =	shalt  }
0x56: {  	_ =	shalt  }
0x57: {  	_ =	shalt  }
0x58: {  	_ =	shalt  }
0x59: {  	_ =	shalt  }
0x5a: {  	_ =	shalt  }
0x5b: {  	_ =	shalt  }
0x5c: {  	_ =	shalt  }
0x5d: {  	_ =	shalt  }
0x5e: {  	_ =	shalt  }
0x5f: {  	_ =	shalt  }
0x60: {  	_ =	shalt  }
0x61: {  	_ =	shalt  }
0x62: {  	_ =	shalt  }
0x63: {  	_ =	shalt  }
0x64: {  	_ =	shalt  }
0x65: {  	_ =	shalt  }
0x66: {  	_ =	shalt  }
0x67: {  	_ =	shalt  }
0x68: {  	_ =	shalt  }
0x69: {  	_ =	shalt  }
0x6a: {  	_ =	shalt  }
0x6b: {  	_ =	shalt  }
0x6c: {  	_ =	shalt  }
0x6d: {  	_ =	shalt  }
0x6e: {  	_ =	shalt  }
0x6f: {  	_ =	shalt  }
0x70: {  	_ =	shalt  }
0x71: {  	_ =	shalt  }
0x72: {  	_ =	shalt  }
0x73: {  	_ =	shalt  }
0x74: {  	_ =	shalt  }
0x75: {  	_ =	shalt  }
0x76: {  	_ =	shalt  }
0x77: {  	_ =	shalt  }
0x78: {  	_ =	shalt  }
0x79: {  	_ =	shalt  }
0x7a: {  	_ =	shalt  }
0x7b: {  	_ =	shalt  }
0x7c: {  	_ =	shalt  }
0x7d: {  	_ =	shalt  }
0x7e: {  	_ =	shalt  }
0x7f: {  	_ =	shalt  }
0x80: {  	_ =	shalt  }
0x81: {  	_ =	shalt  }
0x82: {  	_ =	shalt  }
0x83: {  	_ =	shalt  }
0x84: {  	_ =	shalt  }
0x85: {  	_ =	shalt  }
0x86: {  	_ =	shalt  }
0x87: {  	_ =	shalt  }
.Lfunc_end0:
.L_simem_size_0:
called_computation.2_lowered:
.L_overlay_start_0:
0x88: {  	s2 =	sld [smem:$0x3FD9]  }
0x89: {  	s3 =	sld [smem:$0x3FFE];
	_ =	sdelay $0x1  }
0x8a: {  	s1 =	srdreg.scid  }
0x8b: {  	s0 =	sand.u32 $0x1, s1  }
0x8c: {  	s17 =	sshll.u32 s0, $0xA;
	s2 =	sadd.s32 s3, s2  }
0x8d: {  	s2 =	sadd.s32 s2, s17  }
0x8e: {  	[smem:$0x3FB6] =	sst s2  }
0x8f: {  	_ = 	snop  }
0x90: {  	s2 =	sld [smem:$0x3FC7];
	(tm) =	ssettm $0x1  }
0x91: {  	s18 =	sld [smem:$0x3FFB];
	_ =	sdelay $0x3  }
0x92: {  	_ =	strace s18  }
0x93: {  	s3 =	sld [smem:$0x3FFC];
	_ =	sdelay $0x3  }
0x94: {  	_ =	strace s3  }
0x95: {  	s3 =	sld [smem:$0x3FFD];
	_ =	sdelay $0x3  }
0x96: {  	_ =	strace s3  }
0x97: {  	_ =	strace $0x8FFFFFFF  }
0x98: {  	s19 =	sld [smem:$0x3FDB];
	_ =	sdelay $0x1  }
0x99: {  	s4 =	simm.s32 $_scs_section_size  }
0x9a: {  	s5 =	simm.s32 $_size__tile_overlayer_lowered;
	s6 =	simm.s32 $_tile_overlayer_lowered  }
0x9b: {  	s22 =	simm.s32 $0x1BFF;
	s21 =	sshll.u32 s6, $0x1;
	s3 =	sadd.s32 s4, s19  }
0x9c: {  	s7 =	simm.s32 $0x0;
	s20 =	sshll.u32 s5, $0x1;
	s5 =	sadd.s32 s21, s3  }
0x9d: {  	[timem:s7], [sflag:s22] =	dma.local [hbm:s5], s20  }
0x9e: {  	_ =	swait.ge [sflag:s22], s20  }
0x9f: {  	s4 =	ssub.s32 $0x0, s20;
	[sflag:s22] =	ssyncset.done $0x0  }
0xa0: {  	[sflag:s22] =	ssyncadd.s32 s4;
	_ =	sdelay $0x1  }
0xa1: {  	s23 =	simm.s32 $0x1B8B  }
0xa2: {  	_ =	swait.ge [sflag:s23], $0x1  }
0xa3: {  	[sflag:s23] =	ssyncset.done $0x0  }
0xa4: {  	s25 =	simm.s32 $0x1B8E;
	s24 =	sld [smem:$0x3FFE];
	[sflag:s23] =	ssyncadd.s32 $0xFFFFFFFF  }
0xa5: {  	s26 =	simm.s32 $execute0_lowered;
	[smem:$0x3FD2] =	sst s25  }
0xa6: {  	s5 =	sshll.u32 s26, $0x1;
	_ =	strace $0x8000004C;
	[dreg:$0x1] =	wrdreg $0xFFFFFFFF  }
0xa7: {  	s28 =	simm.s32 $_size_execute0_lowered;
	s3 =	sadd.s32 s3, s5;
	[dreg:$0x0] =	wrdreg $0x0  }
0xa8: {  	s5 =	sshll.u32 s28, $0x1;
	[dreg:$0x2] =	wrdreg s3  }
0xa9: {  	[dreg:$0x3] =	wrdreg s5  }
0xaa: {  	[dreg:$0x4] =	wrdreg $0xC0  }
0xab: {  	_ =	task [dreg:s7], $0x5FFFF  }
0xac: {  	[dreg:$0x1] =	wrdreg $0xFFFFFFFF  }
0xad: {  	[dreg:$0x0] =	wrdreg $0x60  }
0xae: {  	[dreg:$0x2] =	wrdreg s24  }
0xaf: {  	[dreg:$0x3] =	wrdreg s2  }
0xb0: {  	[dreg:$0x4] =	wrdreg $0xCA400  }
0xb1: {  	[dreg:$0x5] =	wrdreg $0x9  }
0xb2: {  	_ =	task.clear_ibuf [dreg:s7], $0x6FFFF;
	_ =	strace $0x9000004C  }
0xb3: {  	s29 =	simm.s32 $0x9;
	_ =	strace $0x8000004E  }
0xb4: {  	_ =	swait.ge [sflag:s29], $0x1  }
0xb5: {  	[sflag:s29] =	ssyncadd.s32 $0xFFFFFFFF  }
0xb6: {  	_ =	strace $0x9000004E  }
0xb7: {  	_ =	sfence  }
0xb8: {  	s30 =	sld [smem:$0x0];
	_ =	sdelay $0x2  }
0xb9: {  	s31 =	sshll.u32 s1, $0xD;
	s1 =	sshrl.u32 s1, $0x2  }
0xba: {  	s3 =	sand.u32 $0x4000, s31;
	s1 =	sadd.s32 s1, s30  }
0xbb: {  	s0 =	sor.u32 s3, s0;
	s1 =	sshll.u32 s1, $0x11  }
0xbc: {  	s0 =	sor.u32 s1, s0  }
0xbd: {  	s0 =	sadd.s32 $0x8F2B, s0  }
0xbe: {  	[sflag:s0] =	ssyncadd.remote.s32 $0x1  }
0xbf: {  	_ =	sfence.sel $0xFFFF  }
0xc0: {  	[dreg:$0x0] =	wrdreg $0xFFFFFFFF;
	(pc) =	sbr.abs _section_cstart, $3  }
0xc1: {  	[dreg:$0x1] =	wrdreg $0xFFFFFFFF  }
0xc2: {  	_ =	task.clear_ibuf [dreg:s7], $0x2FFFF;
	_ =	strace $0x9FFFFFFF  }
0xc3: {  	(tm) =	ssettm $0x7FFFFFFF  }
tec
execute0_lowered:
.L_overlay_start_1:
0x0: {  	(tag) =	ssettag $0x1  }
0x1: {  	s9 =	rddreg [dreg:$0x0]  }
0x2: {  	s1 =	rddreg [dreg:$0x1]  }
0x3: {  	s2 =	rddreg [dreg:$0x2]  }
0x4: {  	s0 =	rddreg [dreg:$0x3]  }
0x5: {  	s4 =	simm.s32 $0x0;
	s3 =	srdreg.scid;
	s17 =	simm.s32 $0x50  }
0x6: {  	s18 =	simm.s32 $0xF0;
	s19 =	simm.s32 $0x140;
	s21 =	simm.s32 $0xA0  }
0x7: {  	s22 =	simm.s32 $0x0;
	[smem:$0x7FF] =	sst s4;
	s10 =	sand.u32 $0x1, s3  }
0x8: {  	s3 =	stileid.u32;
	s5 =	sadd.s32 $0x96600, s9;
	s20 =	smul.u32 $0xC380, s10  }
0x9: {  	s6 =	sadd.s32 $0x65800, s9;
	s7 =	sadd.s32 $0x34A00, s9;
	s11 =	smul.u32 $0xC38, s3  }
0xa: {  	s8 =	sadd.s32 $0x3C00, s9;
	s10 =	ssub.s32 $0x2, s10;
	s12 =	smul.u32 $0x31000, s3  }
0xb: {  	_ =	strace $0x8000004D;
	s14 =	smul.u32 $0x30E00, s3;
	s13 =	sshrl.u32 s10, $0x1  }
0xc: {  	s11 =	sadd.s32 s11, s20;
	s16 =	ssub.s32 s10, s13;
	s30 =	sshrl.u32 s12, $0x2  }
0xd: {  	s31 =	sshrl.u32 s14, $0x2;
	v0 =	vmov s20;
	s20 =	simm.s32 $0x1;
	s11 =	sshll.u32 s11, $0x1  }
0xe: {  	s10 =	sadd.s32 s30, s2;
	s14 =	smax.u32 s16, $0x1;
	s16 =	simm.s32 $0x2  }
0xf: {  	s15 =	sadd.s32 s11, s9;
	s9 =	smul.u32 $0x4E2, s3;
	s11 =	sadd.s32 s31, s2  }
0x10: {  	v1 =	vimm.f32 $0.0e+00;
	s12 =	sadd.s32 $0xF8200, s15;
	s13 =	sadd.s32 $0xC7400, s15;
	s15 =	simm.s32 $0x640  }
.LBB2_1:
0x11: {  	s23 =	simm.s32 $0x40;
	s24 =	simm.s32 $0x0  }
.LBB2_2:
0x12: {  	p0 =	sne.s32 s23, $0x30FC0;
	[tilespmem:s24+$0x640] =	vst v1;
	s24 =	smov.u32 s23;
	s23 =	sadd.s32 $0x40, s23  }
.Ltmp0:
0x13: {  	(pc) =	sbr.rel @p0 .LBB2_2-.Ltmp0, $2  }
0x14: {  	_ =	sdelay $0x2  }
0x15: {  	s24 =	sshra.s32 s24, $0x2  }
0x16: {  	[tilespmem:s24+$0x640] =	vst v1  }
0x17: {  	[spmem:s10] =	stream.linear.scatter [tilespmem:s15], [sflag:$0x2], $0xC400, $0x38;
	[tilespmem:$0x18E40] =	vst v63  }
0x18: {  	_ =	swait.ge [sflag:s16], $0xC400  }
0x19: {  	[sflag:s16] =	ssyncset.done $0x0  }
0x1a: {  	[sflag:s16] =	ssyncadd.s32 $0xFFFF3C00  }
0x1b: {  	s23 =	simm.s32 $0x0;
	s24 =	simm.s32 $0x0;
	[bflag:$0x0] =	sbarrier.arrive $0xFFFF  }
.LBB2_4:
0x1c: {  	s25 =	sadd.s32 s9, s24  }
0x1d: {  	s25 =	smul.u32 $0xA, s25;
	_ =	sdelay $0x1  }
0x1e: {  	s26 =	sadd.s32 s7, s25  }
0x1f: {  	[tilespmem:s23], [sflag:$0x2] =	stream.linear.gather [hbm4b:s26+s23], $0x50, $0x38;
	[tilespmem:$0x18E40] =	vst v63  }
0x20: {  	_ =	swait.ge [sflag:s16], $0x50  }
0x21: {  	[sflag:s16] =	ssyncset.done $0x0  }
0x22: {  	s31 =	sadd.s32 s8, s25;
	[sflag:s16] =	ssyncadd.s32 $0xFFFFFFB0  }
0x23: {  	[tilespmem:s17], [sflag:$0x2] =	stream.linear.gather [hbm4b:s31+s23], $0x50, $0x38;
	[tilespmem:$0x18E40] =	vst v63  }
0x24: {  	_ =	swait.ge [sflag:s16], $0x50  }
0x25: {  	[sflag:s16] =	ssyncset.done $0x0  }
0x26: {  	s25 =	sadd.s32 s1, s25;
	[sflag:s16] =	ssyncadd.s32 $0xFFFFFFB0  }
0x27: {  	[tilespmem:s18], [sflag:$0x2] =	stream.linear.gather [hbm4b:s25+s23], $0x50, $0x38;
	[tilespmem:$0x18E40] =	vst v63  }
0x28: {  	_ =	swait.ge [sflag:s16], $0x50  }
0x29: {  	[sflag:s16] =	ssyncset.done $0x0  }
0x2a: {  	[sflag:s16] =	ssyncadd.s32 $0xFFFFFFB0  }
0x2b: {  	[tilespmem:s19], [sflag:$0x1] =	stream.indirect.gather [hbm4b:s5+s17], $0x10, s23, s17, $0xb8;
	[tilespmem:$0x18E40] =	vst v63  }
0x2c: {  	_ =	swait.ge [sflag:s20], $0x500  }
0x2d: {  	[sflag:s20] =	ssyncset.done $0x0  }
0x2e: {  	s29 =	simm.s32 $0x0;
	[sflag:s20] =	ssyncadd.s32 $0xFFFFFB00  }
0x2f: {  	v2 =	vld [tilespmem:s29+$0xF0];
	_ =	sdelay $0x1  }
0x30: {  	v5 =	vld [tilespmem:s29+$0x50];
	_ =	sdelay $0x2  }
0x31: {  	s28 =	simm.s32 $0x40;
	s26 =	simm.s32 $0x1C0;
	s25 =	simm.s32 $0x1C0;
	v4 =	vbroadcast v2, $0x6;
	v3 =	vbroadcast v2, $0xB  }
.LBB2_5:
0x32: {  	p0 =	sne.s32 s28, $0x100  }
0x33: {  	v5 =	vsub.s32 v5, v0;
	v6 =	vbroadcast v2, $0x2;
	v7 =	vbroadcast v2, $0xA;
	s26 =	sadd.s32 $0x100, s26;
	s30 =	smov.u32 s28;
	s28 =	sadd.s32 $0x40, s28  }
0x34: {  	v8 =	vbroadcast v2, $0x3;
	v5 =	vmin.u32 v5, $0xC380  }
0x35: {  	[tilespmem:s29+$0xA0] =	vst v5;
	v5 =	vbroadcast v2, $0x8  }
0x36: {  	v9 =	vbroadcast v2, $0x5;
	v11 =	vbroadcast v2, $0xE;
	v10 =	vld [tilespmem:s25+$0x60]  }
0x37: {  	v13 =	vbroadcast v2, $0x1;
	v14 =	vbroadcast v2, $0x7;
	v12 =	vld [tilespmem:s25+$0xFFFFFF80]  }
0x38: {  	v16 =	vbroadcast v2, $0x4;
	v17 =	vbroadcast v2, $0xC;
	v15 =	vld [tilespmem:s25+$0xFFFFFF90]  }
0x39: {  	v18 =	vbroadcast v2, $0x0;
	v20 =	vbroadcast v2, $0x9;
	v19 =	vld [tilespmem:s25+$0xFFFFFFA0]  }
0x3a: {  	v21 =	vld [tilespmem:s25+$0x10]  }
0x3b: {  	v22 =	vld [tilespmem:s25+$0xFFFFFFC0];
	v10 =	vmul.f32 v10, v11  }
0x3c: {  	v11 =	vmul.f32 v18, v12;
	v12 =	vld [tilespmem:s25+$0xFFFFFFD0]  }
0x3d: {  	v13 =	vmul.f32 v15, v13;
	v15 =	vld [tilespmem:s25+$0xFFFFFFE0];
	[tilespmem:s25+$0x60] =	vst v10  }
0x3e: {  	[tilespmem:s25+$0xFFFFFF80] =	vst v11;
	v6 =	vmul.f32 v19, v6;
	v10 =	vld [tilespmem:s25+$0xFFFFFFB0]  }
0x3f: {  	[tilespmem:s25+$0xFFFFFF90] =	vst v13;
	v11 =	vld [tilespmem:s25+$0xFFFFFFF0];
	v13 =	vmul.f32 v21, v20  }
0x40: {  	[tilespmem:s25+$0xFFFFFFA0] =	vst v6;
	v6 =	vmul.f32 v22, v16;
	v16 =	vld [tilespmem:s25+$0x0]  }
0x41: {  	v9 =	vmul.f32 v12, v9;
	[tilespmem:s25+$0x10] =	vst v13;
	v12 =	vld [tilespmem:s25+$0x20]  }
0x42: {  	[tilespmem:s25+$0xFFFFFFC0] =	vst v6;
	v4 =	vmul.f32 v15, v4;
	v6 =	vld [tilespmem:s25+$0x30]  }
0x43: {  	s29 =	sshra.s32 s30, $0x2;
	v8 =	vmul.f32 v10, v8;
	[tilespmem:s25+$0xFFFFFFD0] =	vst v9;
	v9 =	vld [tilespmem:s25+$0x40]  }
0x44: {  	[tilespmem:s25+$0xFFFFFFE0] =	vst v4;
	v4 =	vmul.f32 v11, v14;
	v10 =	vld [tilespmem:s25+$0x50]  }
0x45: {  	[tilespmem:s25+$0xFFFFFFB0] =	vst v8;
	v5 =	vmul.f32 v16, v5;
	v8 =	vld [tilespmem:s25+$0x70]  }
0x46: {  	[tilespmem:s25+$0xFFFFFFF0] =	vst v4;
	v4 =	vmul.f32 v12, v7  }
0x47: {  	[tilespmem:s25+$0x0] =	vst v5;
	v3 =	vmul.f32 v6, v3;
	v5 =	vbroadcast v2, $0xD  }
0x48: {  	v2 =	vbroadcast v2, $0xF;
	[tilespmem:s25+$0x20] =	vst v4;
	v4 =	vmul.f32 v9, v17  }
0x49: {  	[tilespmem:s25+$0x30] =	vst v3;
	v3 =	vmul.f32 v10, v5  }
0x4a: {  	[tilespmem:s25+$0x40] =	vst v4;
	v2 =	vmul.f32 v8, v2  }
0x4b: {  	[tilespmem:s25+$0x50] =	vst v3  }
0x4c: {  	[tilespmem:s25+$0x70] =	vst v2;
	s25 =	smov.u32 s26  }
0x4d: {  	v2 =	vld [tilespmem:s29+$0xF0]  }
.Ltmp1:
0x4e: {  	v5 =	vld [tilespmem:s29+$0x50];
	(pc) =	sbr.rel @p0 .LBB2_5-.Ltmp1, $2  }
0x4f: {  	_ =	sdelay $0x2  }
0x50: {  	v4 =	vbroadcast v2, $0x6;
	v3 =	vbroadcast v2, $0xB  }
0x51: {  	v5 =	vsub.s32 v5, v0  }
0x52: {  	v5 =	vmin.u32 v5, $0xC380  }
0x53: {  	[tilespmem:s29+$0xA0] =	vst v5  }
0x54: {  	v5 =	vld [tilespmem:s25+$0xFFFFFF80]  }
0x55: {  	v6 =	vld [tilespmem:s25+$0x60]  }
0x56: {  	v7 =	vld [tilespmem:s25+$0xFFFFFF90]  }
0x57: {  	v8 =	vbroadcast v2, $0x0;
	v10 =	vld [tilespmem:s25+$0x10]  }
0x58: {  	v11 =	vbroadcast v2, $0xE;
	v41 =	vbroadcast v2, $0x1;
	v12 =	vld [tilespmem:s25+$0xFFFFFFC0]  }
0x59: {  	v14 =	vbroadcast v2, $0x9;
	v13 =	vld [tilespmem:s25+$0xFFFFFFD0];
	v5 =	vmul.f32 v8, v5  }
0x5a: {  	v43 =	vbroadcast v2, $0x2;
	v42 =	vld [tilespmem:s25+$0xFFFFFFE0];
	v6 =	vmul.f32 v6, v11  }
0x5b: {  	v15 =	vbroadcast v2, $0x4;
	v44 =	vld [tilespmem:s25+$0xFFFFFFB0];
	v7 =	vmul.f32 v7, v41;
	[tilespmem:s25+$0xFFFFFF80] =	vst v5  }
0x5c: {  	v46 =	vbroadcast v2, $0x5;
	v45 =	vld [tilespmem:s25+$0xFFFFFFF0];
	v10 =	vmul.f32 v10, v14;
	[tilespmem:s25+$0x60] =	vst v6  }
0x5d: {  	v49 =	vbroadcast v2, $0x3;
	v51 =	vld [tilespmem:s25+$0x20];
	v48 =	vmul.f32 v12, v15;
	[tilespmem:s25+$0xFFFFFF90] =	vst v7  }
0x5e: {  	v52 =	vbroadcast v2, $0x7;
	v53 =	vld [tilespmem:s25+$0x30];
	v50 =	vmul.f32 v13, v46;
	[tilespmem:s25+$0x10] =	vst v10  }
0x5f: {  	v54 =	vbroadcast v2, $0x8;
	v55 =	vld [tilespmem:s25+$0x40];
	v4 =	vmul.f32 v42, v4;
	[tilespmem:s25+$0xFFFFFFC0] =	vst v48  }
0x60: {  	v56 =	vbroadcast v2, $0xA;
	v59 =	vld [tilespmem:s25+$0x70];
	v8 =	vmul.f32 v44, v49;
	[tilespmem:s25+$0xFFFFFFD0] =	vst v50  }
0x61: {  	v60 =	vbroadcast v2, $0xC;
	v9 =	vld [tilespmem:s25+$0xFFFFFFA0];
	v57 =	vmul.f32 v45, v52;
	[tilespmem:s25+$0xFFFFFFE0] =	vst v4  }
0x62: {  	v62 =	vbroadcast v2, $0xD;
	v47 =	vld [tilespmem:s25+$0x0];
	v61 =	vmul.f32 v51, v56;
	[tilespmem:s25+$0xFFFFFFB0] =	vst v8  }
0x63: {  	v2 =	vbroadcast v2, $0xF;
	v58 =	vld [tilespmem:s25+$0x50];
	v3 =	vmul.f32 v53, v3;
	[tilespmem:s25+$0xFFFFFFF0] =	vst v57  }
0x64: {  	v63 =	vmul.f32 v55, v60;
	[tilespmem:s25+$0x20] =	vst v61  }
0x65: {  	v2 =	vmul.f32 v59, v2;
	[tilespmem:s25+$0x30] =	vst v3  }
0x66: {  	v5 =	vmul.f32 v9, v43;
	[tilespmem:s25+$0x40] =	vst v63  }
0x67: {  	v7 =	vmul.f32 v47, v54;
	[tilespmem:s25+$0x70] =	vst v2  }
0x68: {  	s24 =	sadd.s32 $0x1, s24;
	v3 =	vmul.f32 v58, v62;
	[tilespmem:s25+$0xFFFFFFA0] =	vst v5  }
0x69: {  	p0 =	sne.s32 s24, $0x4E2;
	[tilespmem:s25+$0x0] =	vst v7  }
.Ltmp2:
0x6a: {  	[tilespmem:s25+$0x50] =	vst v3;
	(pc) =	sbr.rel @p0 .LBB2_4-.Ltmp2, $4  }
0x6b: {  	[spmem:s2] =	stream.indirect.scatter.add.f32 [tilespmem:s19], [sflag:$0x2], $0x10, s21, s17, $0xb8;
	[tilespmem:$0x18E40] =	vst v63  }
0x6c: {  	_ =	swait.ge [sflag:s16], $0x500  }
0x6d: {  	[sflag:s16] =	ssyncset.done $0x0  }
0x6e: {  	[sflag:s16] =	ssyncadd.s32 $0xFFFFFB00  }
0x6f: {  	[bflag:$0x0] =	sbarrier.arrive $0xFFFF  }
0x70: {  	[tilespmem:s15], [sflag:$0x2] =	stream.linear.gather [spmem:s11], $0xC380, $0x38;
	[tilespmem:$0x18E40] =	vst v63  }
0x71: {  	_ =	swait.ge [sflag:s16], $0xC380  }
0x72: {  	[sflag:s16] =	ssyncset.done $0x0  }
0x73: {  	s23 =	simm.s32 $0x0;
	[sflag:s16] =	ssyncadd.s32 $0xFFFF3C80  }
0x74: {  	[hbm4b:s12+s23] =	stream.linear.scatter [tilespmem:s15], [sflag:$0x2], $0xC380, $0x38;
	[tilespmem:$0x18E40] =	vst v63  }
0x75: {  	_ =	swait.ge [sflag:s16], $0xC380  }
0x76: {  	[sflag:s16] =	ssyncset.done $0x0  }
0x77: {  	s24 =	simm.s32 $0x0;
	s23 =	simm.s32 $0x40;
	[sflag:s16] =	ssyncadd.s32 $0xFFFF3C80  }
.LBB2_8:
0x78: {  	p0 =	sne.s32 s23, $0x30DC0;
	[tilespmem:s24+$0x640] =	vst v1;
	s24 =	smov.u32 s23;
	s23 =	sadd.s32 $0x40, s23  }
.Ltmp3:
0x79: {  	(pc) =	sbr.rel @p0 .LBB2_8-.Ltmp3, $2  }
0x7a: {  	_ =	sdelay $0x2  }
0x7b: {  	s24 =	sshra.s32 s24, $0x2  }
0x7c: {  	[tilespmem:s24+$0x640] =	vst v1  }
0x7d: {  	[bflag:$0x0] =	sbarrier.arrive $0xFFFF  }
0x7e: {  	[spmem:s10] =	stream.linear.scatter [tilespmem:s15], [sflag:$0x2], $0xC400, $0x38;
	[tilespmem:$0x18E40] =	vst v63  }
0x7f: {  	_ =	swait.ge [sflag:s16], $0xC400  }
0x80: {  	[sflag:s16] =	ssyncset.done $0x0  }
0x81: {  	[sflag:s16] =	ssyncadd.s32 $0xFFFF3C00  }
0x82: {  	s23 =	simm.s32 $0x0;
	s24 =	simm.s32 $0x0;
	[bflag:$0x0] =	sbarrier.arrive $0xFFFF  }
.LBB2_10:
0x83: {  	s25 =	sadd.s32 s9, s24  }
0x84: {  	s25 =	smul.u32 $0xA, s25;
	_ =	sdelay $0x1  }
0x85: {  	s26 =	sadd.s32 s7, s25  }
0x86: {  	[tilespmem:s23], [sflag:$0x2] =	stream.linear.gather [hbm4b:s26+s23], $0x50, $0x38;
	[tilespmem:$0x18E40] =	vst v63  }
0x87: {  	_ =	swait.ge [sflag:s16], $0x50  }
0x88: {  	[sflag:s16] =	ssyncset.done $0x0  }
0x89: {  	s31 =	sadd.s32 s8, s25;
	[sflag:s16] =	ssyncadd.s32 $0xFFFFFFB0  }
0x8a: {  	[tilespmem:s17], [sflag:$0x2] =	stream.linear.gather [hbm4b:s31+s23], $0x50, $0x38;
	[tilespmem:$0x18E40] =	vst v63  }
0x8b: {  	_ =	swait.ge [sflag:s16], $0x50  }
0x8c: {  	[sflag:s16] =	ssyncset.done $0x0  }
0x8d: {  	s25 =	sadd.s32 s1, s25;
	[sflag:s16] =	ssyncadd.s32 $0xFFFFFFB0  }
0x8e: {  	[tilespmem:s18], [sflag:$0x2] =	stream.linear.gather [hbm4b:s25+s23], $0x50, $0x38;
	[tilespmem:$0x18E40] =	vst v63  }
0x8f: {  	_ =	swait.ge [sflag:s16], $0x50  }
0x90: {  	[sflag:s16] =	ssyncset.done $0x0  }
0x91: {  	[sflag:s16] =	ssyncadd.s32 $0xFFFFFFB0  }
0x92: {  	[tilespmem:s19], [sflag:$0x1] =	stream.indirect.gather [hbm4b:s6+s17], $0x10, s23, s17, $0xb8;
	[tilespmem:$0x18E40] =	vst v63  }
0x93: {  	_ =	swait.ge [sflag:s20], $0x500  }
0x94: {  	[sflag:s20] =	ssyncset.done $0x0  }
0x95: {  	s29 =	simm.s32 $0x0;
	[sflag:s20] =	ssyncadd.s32 $0xFFFFFB00  }
0x96: {  	v2 =	vld [tilespmem:s29+$0xF0];
	_ =	sdelay $0x1  }
0x97: {  	v5 =	vld [tilespmem:s29+$0x50];
	_ =	sdelay $0x2  }
0x98: {  	s28 =	simm.s32 $0x40;
	s26 =	simm.s32 $0x1C0;
	s25 =	simm.s32 $0x1C0;
	v4 =	vbroadcast v2, $0x6;
	v3 =	vbroadcast v2, $0xB  }
.LBB2_11:
0x99: {  	p0 =	sne.s32 s28, $0x100  }
0x9a: {  	v5 =	vsub.s32 v5, v0;
	v6 =	vbroadcast v2, $0x2;
	v7 =	vbroadcast v2, $0xA;
	s26 =	sadd.s32 $0x100, s26;
	s30 =	smov.u32 s28;
	s28 =	sadd.s32 $0x40, s28  }
0x9b: {  	v8 =	vbroadcast v2, $0x3;
	v5 =	vmin.u32 v5, $0xC380  }
0x9c: {  	[tilespmem:s29+$0xA0] =	vst v5;
	v5 =	vbroadcast v2, $0x8  }
0x9d: {  	v9 =	vbroadcast v2, $0x5;
	v11 =	vbroadcast v2, $0xE;
	v10 =	vld [tilespmem:s25+$0x60]  }
0x9e: {  	v13 =	vbroadcast v2, $0x1;
	v14 =	vbroadcast v2, $0x7;
	v12 =	vld [tilespmem:s25+$0xFFFFFF80]  }
0x9f: {  	v16 =	vbroadcast v2, $0x4;
	v17 =	vbroadcast v2, $0xC;
	v15 =	vld [tilespmem:s25+$0xFFFFFF90]  }
0xa0: {  	v18 =	vbroadcast v2, $0x0;
	v20 =	vbroadcast v2, $0x9;
	v19 =	vld [tilespmem:s25+$0xFFFFFFA0]  }
0xa1: {  	v21 =	vld [tilespmem:s25+$0x10]  }
0xa2: {  	v22 =	vld [tilespmem:s25+$0xFFFFFFC0];
	v10 =	vmul.f32 v10, v11  }
0xa3: {  	v11 =	vmul.f32 v18, v12;
	v12 =	vld [tilespmem:s25+$0xFFFFFFD0]  }
0xa4: {  	v13 =	vmul.f32 v15, v13;
	v15 =	vld [tilespmem:s25+$0xFFFFFFE0];
	[tilespmem:s25+$0x60] =	vst v10  }
0xa5: {  	[tilespmem:s25+$0xFFFFFF80] =	vst v11;
	v6 =	vmul.f32 v19, v6;
	v10 =	vld [tilespmem:s25+$0xFFFFFFB0]  }
0xa6: {  	[tilespmem:s25+$0xFFFFFF90] =	vst v13;
	v11 =	vld [tilespmem:s25+$0xFFFFFFF0];
	v13 =	vmul.f32 v21, v20  }
0xa7: {  	[tilespmem:s25+$0xFFFFFFA0] =	vst v6;
	v6 =	vmul.f32 v22, v16;
	v16 =	vld [tilespmem:s25+$0x0]  }
0xa8: {  	v9 =	vmul.f32 v12, v9;
	[tilespmem:s25+$0x10] =	vst v13;
	v12 =	vld [tilespmem:s25+$0x20]  }
0xa9: {  	[tilespmem:s25+$0xFFFFFFC0] =	vst v6;
	v4 =	vmul.f32 v15, v4;
	v6 =	vld [tilespmem:s25+$0x30]  }
0xaa: {  	s29 =	sshra.s32 s30, $0x2;
	v8 =	vmul.f32 v10, v8;
	[tilespmem:s25+$0xFFFFFFD0] =	vst v9;
	v9 =	vld [tilespmem:s25+$0x40]  }
0xab: {  	[tilespmem:s25+$0xFFFFFFE0] =	vst v4;
	v4 =	vmul.f32 v11, v14;
	v10 =	vld [tilespmem:s25+$0x50]  }
0xac: {  	[tilespmem:s25+$0xFFFFFFB0] =	vst v8;
	v5 =	vmul.f32 v16, v5;
	v8 =	vld [tilespmem:s25+$0x70]  }
0xad: {  	[tilespmem:s25+$0xFFFFFFF0] =	vst v4;
	v4 =	vmul.f32 v12, v7  }
0xae: {  	[tilespmem:s25+$0x0] =	vst v5;
	v3 =	vmul.f32 v6, v3;
	v5 =	vbroadcast v2, $0xD  }
0xaf: {  	v2 =	vbroadcast v2, $0xF;
	[tilespmem:s25+$0x20] =	vst v4;
	v4 =	vmul.f32 v9, v17  }
0xb0: {  	[tilespmem:s25+$0x30] =	vst v3;
	v3 =	vmul.f32 v10, v5  }
0xb1: {  	[tilespmem:s25+$0x40] =	vst v4;
	v2 =	vmul.f32 v8, v2  }
0xb2: {  	[tilespmem:s25+$0x50] =	vst v3  }
0xb3: {  	[tilespmem:s25+$0x70] =	vst v2;
	s25 =	smov.u32 s26  }
0xb4: {  	v2 =	vld [tilespmem:s29+$0xF0]  }
.Ltmp4:
0xb5: {  	v5 =	vld [tilespmem:s29+$0x50];
	(pc) =	sbr.rel @p0 .LBB2_11-.Ltmp4, $2  }
0xb6: {  	_ =	sdelay $0x2  }
0xb7: {  	v4 =	vbroadcast v2, $0x6;
	v3 =	vbroadcast v2, $0xB  }
0xb8: {  	v5 =	vsub.s32 v5, v0  }
0xb9: {  	v5 =	vmin.u32 v5, $0xC380  }
0xba: {  	[tilespmem:s29+$0xA0] =	vst v5  }
0xbb: {  	v5 =	vld [tilespmem:s25+$0xFFFFFF80]  }
0xbc: {  	v6 =	vld [tilespmem:s25+$0x60]  }
0xbd: {  	v7 =	vld [tilespmem:s25+$0xFFFFFF90]  }
0xbe: {  	v8 =	vbroadcast v2, $0x0;
	v10 =	vld [tilespmem:s25+$0x10]  }
0xbf: {  	v11 =	vbroadcast v2, $0xE;
	v41 =	vbroadcast v2, $0x1;
	v12 =	vld [tilespmem:s25+$0xFFFFFFC0]  }
0xc0: {  	v14 =	vbroadcast v2, $0x9;
	v13 =	vld [tilespmem:s25+$0xFFFFFFD0];
	v5 =	vmul.f32 v8, v5  }
0xc1: {  	v43 =	vbroadcast v2, $0x2;
	v42 =	vld [tilespmem:s25+$0xFFFFFFE0];
	v6 =	vmul.f32 v6, v11  }
0xc2: {  	v15 =	vbroadcast v2, $0x4;
	v44 =	vld [tilespmem:s25+$0xFFFFFFB0];
	v7 =	vmul.f32 v7, v41;
	[tilespmem:s25+$0xFFFFFF80] =	vst v5  }
0xc3: {  	v46 =	vbroadcast v2, $0x5;
	v45 =	vld [tilespmem:s25+$0xFFFFFFF0];
	v10 =	vmul.f32 v10, v14;
	[tilespmem:s25+$0x60] =	vst v6  }
0xc4: {  	v49 =	vbroadcast v2, $0x3;
	v51 =	vld [tilespmem:s25+$0x20];
	v48 =	vmul.f32 v12, v15;
	[tilespmem:s25+$0xFFFFFF90] =	vst v7  }
0xc5: {  	v52 =	vbroadcast v2, $0x7;
	v53 =	vld [tilespmem:s25+$0x30];
	v50 =	vmul.f32 v13, v46;
	[tilespmem:s25+$0x10] =	vst v10  }
0xc6: {  	v54 =	vbroadcast v2, $0x8;
	v55 =	vld [tilespmem:s25+$0x40];
	v4 =	vmul.f32 v42, v4;
	[tilespmem:s25+$0xFFFFFFC0] =	vst v48  }
0xc7: {  	v56 =	vbroadcast v2, $0xA;
	v59 =	vld [tilespmem:s25+$0x70];
	v8 =	vmul.f32 v44, v49;
	[tilespmem:s25+$0xFFFFFFD0] =	vst v50  }
0xc8: {  	v60 =	vbroadcast v2, $0xC;
	v9 =	vld [tilespmem:s25+$0xFFFFFFA0];
	v57 =	vmul.f32 v45, v52;
	[tilespmem:s25+$0xFFFFFFE0] =	vst v4  }
0xc9: {  	v62 =	vbroadcast v2, $0xD;
	v47 =	vld [tilespmem:s25+$0x0];
	v61 =	vmul.f32 v51, v56;
	[tilespmem:s25+$0xFFFFFFB0] =	vst v8  }
0xca: {  	v2 =	vbroadcast v2, $0xF;
	v58 =	vld [tilespmem:s25+$0x50];
	v3 =	vmul.f32 v53, v3;
	[tilespmem:s25+$0xFFFFFFF0] =	vst v57  }
0xcb: {  	v63 =	vmul.f32 v55, v60;
	[tilespmem:s25+$0x20] =	vst v61  }
0xcc: {  	v2 =	vmul.f32 v59, v2;
	[tilespmem:s25+$0x30] =	vst v3  }
0xcd: {  	v5 =	vmul.f32 v9, v43;
	[tilespmem:s25+$0x40] =	vst v63  }
0xce: {  	v7 =	vmul.f32 v47, v54;
	[tilespmem:s25+$0x70] =	vst v2  }
0xcf: {  	s24 =	sadd.s32 $0x1, s24;
	v3 =	vmul.f32 v58, v62;
	[tilespmem:s25+$0xFFFFFFA0] =	vst v5  }
0xd0: {  	p0 =	sne.s32 s24, $0x4E2;
	[tilespmem:s25+$0x0] =	vst v7  }
.Ltmp5:
0xd1: {  	[tilespmem:s25+$0x50] =	vst v3;
	(pc) =	sbr.rel @p0 .LBB2_10-.Ltmp5, $4  }
0xd2: {  	[spmem:s2] =	stream.indirect.scatter.add.f32 [tilespmem:s19], [sflag:$0x2], $0x10, s21, s17, $0xb8;
	[tilespmem:$0x18E40] =	vst v63  }
0xd3: {  	_ =	swait.ge [sflag:s16], $0x500  }
0xd4: {  	[sflag:s16] =	ssyncset.done $0x0  }
0xd5: {  	[sflag:s16] =	ssyncadd.s32 $0xFFFFFB00  }
0xd6: {  	[bflag:$0x0] =	sbarrier.arrive $0xFFFF  }
0xd7: {  	[tilespmem:s15], [sflag:$0x2] =	stream.linear.gather [spmem:s11], $0xC380, $0x38;
	[tilespmem:$0x18E40] =	vst v63  }
0xd8: {  	s22 =	sadd.s32 $0x1, s22;
	_ =	swait.ge [sflag:s16], $0xC380  }
0xd9: {  	p0 =	sne.s32 s22, s14;
	[sflag:s16] =	ssyncset.done $0x0  }
.Ltmp6:
0xda: {  	[sflag:s16] =	ssyncadd.s32 $0xFFFF3C80;
	(pc) =	sbr.rel @p0 .LBB2_1-.Ltmp6, $4  }
0xdb: {  	[hbm4b:s13+s4] =	stream.linear.scatter [tilespmem:s15], [sflag:$0x2], $0xC380, $0x38;
	[tilespmem:$0x18E40] =	vst v63  }
0xdc: {  	_ =	swait.ge [sflag:s16], $0xC380  }
0xdd: {  	[sflag:s16] =	ssyncset.done $0x0  }
0xde: {  	[sflag:s16] =	ssyncadd.s32 $0xFFFF3C80  }
0xdf: {  	_ =	sfence.sel $0x180000  }
0xe0: {  	[bflag:$0x0] =	sbarrier.arrive $0xFFFF  }
0xe1: {  	p0 =	sne.s32 s3, $0x0;
	_ =	strace $0x9000004D  }
0xe2: {  	s0 =	sadd.s32 @!p0 $0x100000, s0;
	[bflag:$0x2] =	sbarrier.arrive $0xFFFF  }
0xe3: {  	[sflag:s0] =	ssyncadd.tile.s32 @!p0 $0x1;
	_ =	shalt  }
.Lfunc_end2:
_tile_overlayer_lowered:
.L_overlay_start_2:
0xe4: {  	(tag) =	ssettag $0x2  }
0xe5: {  	s0 =	rddreg [dreg:$0x0];
	s2 =	stileid.u32  }
0xe6: {  	s1 =	rddreg [dreg:$0x1];
	p0 =	sne.s32 s2, $0x0  }
0xe7: {  	s3 =	rddreg [dreg:$0x2];
	[bflag:$0x3] =	sbarrier.arrive $0xFFFF;
	s2 =	simm.s32 @!p0 $0x1C02  }
0xe8: {  	[timem:s3], [sflag:s2] =	dma.local @!p0 [hbm:s0], s1  }
0xe9: {  	s0 =	simm.s32 @!p0 $0x2  }
0xea: {  	_ =	swait.ge @!p0 [sflag:s0], s1  }
0xeb: {  	s1 =	ssub.s32 @!p0 $0x0, s1;
	[sflag:s0] =	ssyncset.done @!p0 $0x0  }
0xec: {  	[sflag:s0] =	ssyncadd.s32 @!p0 s1  }
0xed: {  	[bflag:$0x3] =	sbarrier.arrive $0xFFFF  }
0xee: {  	_ =	shalt  }

// kernel: kernel.19.cloned.1.call-start
scs
__scs_entry_jumppad:
0x0: {  	(pc) =	sbr.rel $0x88, $3  }
0x1: {  	(tag) =	ssettag $0x0;
	lr =	simm.s32 $0x1  }
0x2: {  	[smem:$0x3F8F] =	sst lr;
	_ =	strace $0xD0000000  }
0x3: {  	_ = 	snop  }
0x4: {  	_ = 	snop  }
0x5: {  	_ = 	snop  }
0x6: {  	_ = 	snop  }
0x7: {  	_ = 	snop  }
__scs_overlays_trampoline_lowered:
0x8: {  	[smem:$0x3F9E] =	sst s0  }
0x9: {  	[smem:$0x3F9F] =	sst s1  }
0xa: {  	[smem:$0x3FA0] =	sst s2  }
0xb: {  	[smem:$0x3FA1] =	sst s3  }
0xc: {  	[smem:$0x3FA2] =	sst s4  }
0xd: {  	[smem:$0x3FA3] =	sst s5  }
0xe: {  	[smem:$0x3FA4] =	sst s6  }
0xf: {  	[smem:$0x3FA5] =	sst s7  }
0x10: {  	[smem:$0x3FA6] =	sst s8  }
0x11: {  	[smem:$0x3FA7] =	sst s9;
	s0 =	simm.s32 @!p0 $0x0  }
0x12: {  	s1 =	sld [smem:$0x3F8D];
	s0 =	simm.s32 @p0 $0x1  }
0x13: {  	[smem:$0x3FA8] =	sst s0;
	s0 =	simm.s32 @!p1 $0x0  }
0x14: {  	s2 =	sld [smem:$0x3F8C];
	s0 =	simm.s32 @p1 $0x1  }
0x15: {  	[smem:$0x3FA9] =	sst s0;
	s0 =	simm.s32 @!p2 $0x0  }
0x16: {  	s3 =	sld [smem:$0x3FDB];
	s0 =	simm.s32 @p2 $0x1  }
0x17: {  	s4 =	simm.s32 $0x1BF5;
	[smem:$0x3FAB] =	sst s0  }
0x18: {  	s0 =	sld [smem:$0x3F8E];
	_ =	swait.ge [sflag:s4], $0x0  }
0x19: {  	s7 =	sld [smem:$0x3F8F]  }
0x1a: {  	s8 =	sadd.s32 $0xFFFFE003, lr  }
0x1b: {  	s9 =	sadd.s32 $0xFFFFFEF7, lr;
	s5 =	simm.s32 $0xFFFFFFFF;
	p2 =	slt.u32 s8, $0xFFFFF086  }
0x1c: {  	p1 =	slt.u32 s9, $0xF7A;
	s5 =	simm.s32 @!p2 $0x0  }
0x1d: {  	s5 =	simm.s32 @p1 $0x1;
	p0 =	seq.s32 s7, s2  }
0x1e: {  	s7 =	smul.u32 @!p0 $0xF7A, s2;
	p2 =	seq.s32 @!p0 s5, $0x0  }
0x1f: {  	s9 =	smul.u32 $0xF7A, s1;
	s8 =	simm.s32 @!p0 $0x1BF5;
	p2 =	por !p2, p0  }
0x20: {  	[sflag:s8] =	ssyncset.s32 @!p0 $0xFFFFF086;
	s6 =	sadd.s32 @!p0 s3, s7;
	s7 =	simm.s32 @!p0 $0x108  }
0x21: {  	s3 =	sadd.s32 s3, s9;
	s6 =	sadd.s32 @!p0 $0x88, s6;
	s7 =	simm.s32 @p2 $0x1082  }
0x22: {  	[simem:s7], [sflag:s8] =	dma.local @!p0 [hbm:s6], $0xF7A  }
0x23: {  	s9 =	sor.u32 $0xD0000000, s2;
	s6 =	simm.s32 $0x108;
	_ =	swait.ge @!p0 [sflag:s8], $0x0  }
0x24: {  	s3 =	sadd.s32 $0x88, s3;
	s6 =	simm.s32 @!p1 $0x1082;
	[sflag:s4] =	ssyncset.s32 $0xFFFFF086  }
0x25: {  	[simem:s6], [sflag:s4] =	dma.local [hbm:s3], $0xF7A  }
0x26: {  	[smem:$0x3F8F] =	sst s1;
	(tag) =	ssettag s2;
	_ =	strace s9  }
0x27: {  	s1 =	sld [smem:$0x3F9F]  }
0x28: {  	s2 =	sld [smem:$0x3FA0]  }
0x29: {  	s4 =	sld [smem:$0x3FA2]  }
0x2a: {  	p0 =	seq.s32 s5, $0x0;
	s5 =	sld [smem:$0x3FA3]  }
0x2b: {  	s6 =	sld [smem:$0x3FA4]  }
0x2c: {  	s7 =	sld [smem:$0x3FA5]  }
0x2d: {  	s3 =	simm.s32 $0x108;
	s8 =	sld [smem:$0x3FA6]  }
0x2e: {  	s3 =	simm.s32 @!p0 $0x1082;
	s9 =	sld [smem:$0x3FA7]  }
0x2f: {  	lr =	sadd.s32 s0, s3;
	s0 =	sld [smem:$0x3F9E]  }
0x30: {  	s3 =	sld [smem:$0x3FA1]  }
0x31: {  	[smem:$0x3FAA] =	sst s10  }
0x32: {  	s10 =	sld [smem:$0x3FA8];
	_ =	sdelay $0x3  }
0x33: {  	p0 =	seq.s32 s10, $0x1;
	s10 =	sld [smem:$0x3FAA];
	_ =	sdelay $0x3  }
0x34: {  	[smem:$0x3FAA] =	sst s10  }
0x35: {  	s10 =	sld [smem:$0x3FA9];
	_ =	sdelay $0x3  }
0x36: {  	p1 =	seq.s32 s10, $0x1;
	s10 =	sld [smem:$0x3FAA];
	_ =	sdelay $0x3  }
0x37: {  	[smem:$0x3FAA] =	sst s10  }
0x38: {  	s10 =	sld [smem:$0x3FAB]  }
0x39: {  	_ = 	snop;
	(pc) =	sbr.ind lr, $3  }
0x3a: {  	_ = 	snop  }
0x3b: {  	_ = 	snop  }
0x3c: {  	p2 =	seq.s32 s10, $0x1;
	s10 =	sld [smem:$0x3FAA]  }
0x3d: {  	_ =	shalt  }
0x3e: {  	_ =	shalt  }
0x3f: {  	_ =	shalt  }
0x40: {  	_ =	shalt  }
0x41: {  	_ =	shalt  }
0x42: {  	_ =	shalt  }
0x43: {  	_ =	shalt  }
0x44: {  	_ =	shalt  }
0x45: {  	_ =	shalt  }
0x46: {  	_ =	shalt  }
0x47: {  	_ =	shalt  }
0x48: {  	_ =	shalt  }
0x49: {  	_ =	shalt  }
0x4a: {  	_ =	shalt  }
0x4b: {  	_ =	shalt  }
0x4c: {  	_ =	shalt  }
0x4d: {  	_ =	shalt  }
0x4e: {  	_ =	shalt  }
0x4f: {  	_ =	shalt  }
0x50: {  	_ =	shalt  }
0x51: {  	_ =	shalt  }
0x52: {  	_ =	shalt  }
0x53: {  	_ =	shalt  }
0x54: {  	_ =	shalt  }
0x55: {  	_ =	shalt  }
0x56: {  	_ =	shalt  }
0x57: {  	_ =	shalt  }
0x58: {  	_ =	shalt  }
0x59: {  	_ =	shalt  }
0x5a: {  	_ =	shalt  }
0x5b: {  	_ =	shalt  }
0x5c: {  	_ =	shalt  }
0x5d: {  	_ =	shalt  }
0x5e: {  	_ =	shalt  }
0x5f: {  	_ =	shalt  }
0x60: {  	_ =	shalt  }
0x61: {  	_ =	shalt  }
0x62: {  	_ =	shalt  }
0x63: {  	_ =	shalt  }
0x64: {  	_ =	shalt  }
0x65: {  	_ =	shalt  }
0x66: {  	_ =	shalt  }
0x67: {  	_ =	shalt  }
0x68: {  	_ =	shalt  }
0x69: {  	_ =	shalt  }
0x6a: {  	_ =	shalt  }
0x6b: {  	_ =	shalt  }
0x6c: {  	_ =	shalt  }
0x6d: {  	_ =	shalt  }
0x6e: {  	_ =	shalt  }
0x6f: {  	_ =	shalt  }
0x70: {  	_ =	shalt  }
0x71: {  	_ =	shalt  }
0x72: {  	_ =	shalt  }
0x73: {  	_ =	shalt  }
0x74: {  	_ =	shalt  }
0x75: {  	_ =	shalt  }
0x76: {  	_ =	shalt  }
0x77: {  	_ =	shalt  }
0x78: {  	_ =	shalt  }
0x79: {  	_ =	shalt  }
0x7a: {  	_ =	shalt  }
0x7b: {  	_ =	shalt  }
0x7c: {  	_ =	shalt  }
0x7d: {  	_ =	shalt  }
0x7e: {  	_ =	shalt  }
0x7f: {  	_ =	shalt  }
0x80: {  	_ =	shalt  }
0x81: {  	_ =	shalt  }
0x82: {  	_ =	shalt  }
0x83: {  	_ =	shalt  }
0x84: {  	_ =	shalt  }
0x85: {  	_ =	shalt  }
0x86: {  	_ =	shalt  }
0x87: {  	_ =	shalt  }
.Lfunc_end0:
.L_simem_size_0:
called_computation.3_lowered:
.L_overlay_start_0:
0x88: {  	s2 =	sld [smem:$0x3FD9]  }
0x89: {  	s3 =	sld [smem:$0x3FFE];
	_ =	sdelay $0x1  }
0x8a: {  	s1 =	srdreg.scid  }
0x8b: {  	s0 =	sand.u32 $0x1, s1  }
0x8c: {  	s17 =	sshll.u32 s0, $0xA;
	s2 =	sadd.s32 s3, s2  }
0x8d: {  	s2 =	sadd.s32 s2, s17  }
0x8e: {  	[smem:$0x3FB6] =	sst s2  }
0x8f: {  	_ = 	snop  }
0x90: {  	s2 =	sld [smem:$0x3FC7];
	(tm) =	ssettm $0x1  }
0x91: {  	s18 =	sld [smem:$0x3FFB];
	_ =	sdelay $0x3  }
0x92: {  	_ =	strace s18  }
0x93: {  	s3 =	sld [smem:$0x3FFC];
	_ =	sdelay $0x3  }
0x94: {  	_ =	strace s3  }
0x95: {  	s3 =	sld [smem:$0x3FFD];
	_ =	sdelay $0x3  }
0x96: {  	_ =	strace s3  }
0x97: {  	_ =	strace $0x8FFFFFFF  }
0x98: {  	s19 =	sld [smem:$0x3FDB];
	_ =	sdelay $0x1  }
0x99: {  	s4 =	simm.s32 $_scs_section_size  }
0x9a: {  	s5 =	simm.s32 $_size__tile_overlayer_lowered;
	s6 =	simm.s32 $_tile_overlayer_lowered  }
0x9b: {  	s22 =	simm.s32 $0x1BFF;
	s21 =	sshll.u32 s6, $0x1;
	s3 =	sadd.s32 s4, s19  }
0x9c: {  	s7 =	simm.s32 $0x0;
	s20 =	sshll.u32 s5, $0x1;
	s5 =	sadd.s32 s21, s3  }
0x9d: {  	[timem:s7], [sflag:s22] =	dma.local [hbm:s5], s20  }
0x9e: {  	_ =	swait.ge [sflag:s22], s20  }
0x9f: {  	s4 =	ssub.s32 $0x0, s20;
	[sflag:s22] =	ssyncset.done $0x0  }
0xa0: {  	[sflag:s22] =	ssyncadd.s32 s4;
	_ =	sdelay $0x1  }
0xa1: {  	s23 =	simm.s32 $0x1B8B  }
0xa2: {  	_ =	swait.ge [sflag:s23], $0x1  }
0xa3: {  	[sflag:s23] =	ssyncset.done $0x0  }
0xa4: {  	s25 =	simm.s32 $0x1B8E;
	s24 =	sld [smem:$0x3FFE];
	[sflag:s23] =	ssyncadd.s32 $0xFFFFFFFF  }
0xa5: {  	s26 =	simm.s32 $execute0_lowered;
	[smem:$0x3FD2] =	sst s25  }
0xa6: {  	s5 =	sshll.u32 s26, $0x1;
	_ =	strace $0x8000004F;
	[dreg:$0x1] =	wrdreg $0xFFFFFFFF  }
0xa7: {  	s28 =	simm.s32 $_size_execute0_lowered;
	s3 =	sadd.s32 s3, s5;
	[dreg:$0x0] =	wrdreg $0x0  }
0xa8: {  	s5 =	sshll.u32 s28, $0x1;
	[dreg:$0x2] =	wrdreg s3  }
0xa9: {  	[dreg:$0x3] =	wrdreg s5  }
0xaa: {  	[dreg:$0x4] =	wrdreg $0xC0  }
0xab: {  	_ =	task [dreg:s7], $0x5FFFF  }
0xac: {  	[dreg:$0x1] =	wrdreg $0xFFFFFFFF  }
0xad: {  	[dreg:$0x0] =	wrdreg $0x60  }
0xae: {  	[dreg:$0x2] =	wrdreg s24  }
0xaf: {  	[dreg:$0x3] =	wrdreg s2  }
0xb0: {  	[dreg:$0x4] =	wrdreg $0xCA400  }
0xb1: {  	[dreg:$0x5] =	wrdreg $0x9  }
0xb2: {  	_ =	task.clear_ibuf [dreg:s7], $0x6FFFF;
	_ =	strace $0x9000004F  }
0xb3: {  	s29 =	simm.s32 $0x9;
	_ =	strace $0x80000051  }
0xb4: {  	_ =	swait.ge [sflag:s29], $0x1  }
0xb5: {  	[sflag:s29] =	ssyncadd.s32 $0xFFFFFFFF  }
0xb6: {  	_ =	strace $0x90000051  }
0xb7: {  	_ =	sfence  }
0xb8: {  	s30 =	sld [smem:$0x0];
	_ =	sdelay $0x2  }
0xb9: {  	s31 =	sshll.u32 s1, $0xD;
	s1 =	sshrl.u32 s1, $0x2  }
0xba: {  	s3 =	sand.u32 $0x4000, s31;
	s1 =	sadd.s32 s1, s30  }
0xbb: {  	s0 =	sor.u32 s3, s0;
	s1 =	sshll.u32 s1, $0x11  }
0xbc: {  	s0 =	sor.u32 s1, s0  }
0xbd: {  	s0 =	sadd.s32 $0x8F2B, s0  }
0xbe: {  	[sflag:s0] =	ssyncadd.remote.s32 $0x1  }
0xbf: {  	_ =	sfence.sel $0xFFFF  }
0xc0: {  	[dreg:$0x0] =	wrdreg $0xFFFFFFFF;
	(pc) =	sbr.abs _section_cstart, $3  }
0xc1: {  	[dreg:$0x1] =	wrdreg $0xFFFFFFFF  }
0xc2: {  	_ =	task.clear_ibuf [dreg:s7], $0x2FFFF;
	_ =	strace $0x9FFFFFFF  }
0xc3: {  	(tm) =	ssettm $0x7FFFFFFF  }
tec
execute0_lowered:
.L_overlay_start_1:
0x0: {  	(tag) =	ssettag $0x1  }
0x1: {  	s0 =	rddreg [dreg:$0x0]  }
0x2: {  	s1 =	rddreg [dreg:$0x1]  }
0x3: {  	s2 =	rddreg [dreg:$0x2];
	s3 =	srdreg.scid  }
0x4: {  	s5 =	simm.s32 $0x0;
	s4 =	stileid.u32;
	s19 =	simm.s32 $0x640  }
0x5: {  	s20 =	simm.s32 $0x2;
	s21 =	simm.s32 $0x50;
	s22 =	simm.s32 $0xF0  }
0x6: {  	s23 =	simm.s32 $0x140;
	s25 =	simm.s32 $0xA0;
	s26 =	simm.s32 $0x0  }
0x7: {  	s3 =	sand.u32 $0x1, s3;
	[smem:$0x7FF] =	sst s5;
	s9 =	smul.u32 $0xC38, s4  }
0x8: {  	s5 =	sadd.s32 $0x65800, s0;
	s6 =	sadd.s32 $0xF8200, s0;
	s12 =	smul.u32 $0x31000, s4  }
0x9: {  	s7 =	sadd.s32 $0xC7400, s0;
	s8 =	sadd.s32 $0x96600, s0;
	s13 =	smul.u32 $0x30E00, s4  }
0xa: {  	s24 =	smul.u32 $0xC380, s3;
	_ =	strace $0x80000050;
	s3 =	ssub.s32 $0x2, s3  }
0xb: {  	s31 =	sshrl.u32 s3, $0x1;
	s12 =	sshrl.u32 s12, $0x2;
	s15 =	sshrl.u32 s13, $0x2  }
0xc: {  	s10 =	sadd.s32 s9, s24;
	s9 =	sadd.s32 $0x34A00, s0;
	s3 =	ssub.s32 s3, s31  }
0xd: {  	s12 =	sadd.s32 s12, s2;
	s15 =	sadd.s32 s15, s2;
	s11 =	sshll.u32 s10, $0x1  }
0xe: {  	v0 =	vmov s24;
	s24 =	simm.s32 $0x1;
	s10 =	sadd.s32 $0x3C00, s0;
	s0 =	sadd.s32 s11, s0  }
0xf: {  	s18 =	smax.u32 s3, $0x1;
	s13 =	sadd.s32 $0x1BBA00, s0;
	s14 =	sadd.s32 $0x18AC00, s0  }
0x10: {  	v1 =	vimm.f32 $0.0e+00;
	s11 =	smul.u32 $0x4E2, s4;
	s16 =	sadd.s32 $0x159E00, s0;
	s17 =	sadd.s32 $0x129000, s0  }
.LBB2_1:
0x11: {  	s0 =	simm.s32 $0x40;
	s3 =	simm.s32 $0x0  }
.LBB2_2:
0x12: {  	p0 =	sne.s32 s0, $0x30FC0;
	[tilespmem:s3+$0x640] =	vst v1;
	s3 =	smov.u32 s0;
	s0 =	sadd.s32 $0x40, s0  }
.Ltmp0:
0x13: {  	(pc) =	sbr.rel @p0 .LBB2_2-.Ltmp0, $2  }
0x14: {  	_ =	sdelay $0x2  }
0x15: {  	s3 =	sshra.s32 s3, $0x2  }
0x16: {  	[tilespmem:s3+$0x640] =	vst v1  }
0x17: {  	[spmem:s12] =	stream.linear.scatter [tilespmem:s19], [sflag:$0x2], $0xC400, $0x38;
	[tilespmem:$0x18E40] =	vst v63  }
0x18: {  	_ =	swait.ge [sflag:s20], $0xC400  }
0x19: {  	[sflag:s20] =	ssyncset.done $0x0  }
0x1a: {  	[sflag:s20] =	ssyncadd.s32 $0xFFFF3C00  }
0x1b: {  	s28 =	simm.s32 $0x0;
	s29 =	simm.s32 $0x0;
	[bflag:$0x0] =	sbarrier.arrive $0xFFFF  }
.LBB2_4:
0x1c: {  	s0 =	sadd.s32 s11, s29  }
0x1d: {  	s0 =	smul.u32 $0xA, s0;
	_ =	sdelay $0x1  }
0x1e: {  	s3 =	sadd.s32 s9, s0  }
0x1f: {  	[tilespmem:s28], [sflag:$0x2] =	stream.linear.gather [hbm4b:s3+s28], $0x50, $0x38;
	[tilespmem:$0x18E40] =	vst v63  }
0x20: {  	_ =	swait.ge [sflag:s20], $0x50  }
0x21: {  	[sflag:s20] =	ssyncset.done $0x0  }
0x22: {  	s4 =	sadd.s32 s10, s0;
	[sflag:s20] =	ssyncadd.s32 $0xFFFFFFB0  }
0x23: {  	[tilespmem:s21], [sflag:$0x2] =	stream.linear.gather [hbm4b:s4+s28], $0x50, $0x38;
	[tilespmem:$0x18E40] =	vst v63  }
0x24: {  	_ =	swait.ge [sflag:s20], $0x50  }
0x25: {  	[sflag:s20] =	ssyncset.done $0x0  }
0x26: {  	s0 =	sadd.s32 s1, s0;
	[sflag:s20] =	ssyncadd.s32 $0xFFFFFFB0  }
0x27: {  	[tilespmem:s22], [sflag:$0x2] =	stream.linear.gather [hbm4b:s0+s28], $0x50, $0x38;
	[tilespmem:$0x18E40] =	vst v63  }
0x28: {  	_ =	swait.ge [sflag:s20], $0x50  }
0x29: {  	[sflag:s20] =	ssyncset.done $0x0  }
0x2a: {  	[sflag:s20] =	ssyncadd.s32 $0xFFFFFFB0  }
0x2b: {  	[tilespmem:s23], [sflag:$0x1] =	stream.indirect.gather [hbm4b:s5+s21], $0x10, s28, s21, $0xb8;
	[tilespmem:$0x18E40] =	vst v63  }
0x2c: {  	_ =	swait.ge [sflag:s24], $0x500  }
0x2d: {  	[sflag:s24] =	ssyncset.done $0x0  }
0x2e: {  	s3 =	simm.s32 $0x0;
	[sflag:s24] =	ssyncadd.s32 $0xFFFFFB00  }
0x2f: {  	v2 =	vld [tilespmem:s3+$0xF0];
	_ =	sdelay $0x1  }
0x30: {  	v5 =	vld [tilespmem:s3+$0x50];
	_ =	sdelay $0x2  }
0x31: {  	s31 =	simm.s32 $0x1C0;
	s30 =	simm.s32 $0x1C0;
	s0 =	simm.s32 $0x40;
	v4 =	vbroadcast v2, $0x6;
	v3 =	vbroadcast v2, $0xB  }
.LBB2_5:
0x32: {  	p0 =	sne.s32 s0, $0x100  }
0x33: {  	v5 =	vsub.s32 v5, v0;
	v6 =	vbroadcast v2, $0x2;
	v7 =	vbroadcast v2, $0xA;
	s31 =	sadd.s32 $0x100, s31;
	s4 =	smov.u32 s0;
	s0 =	sadd.s32 $0x40, s0  }
0x34: {  	v8 =	vbroadcast v2, $0x3;
	v5 =	vmin.u32 v5, $0xC380  }
0x35: {  	[tilespmem:s3+$0xA0] =	vst v5;
	v5 =	vbroadcast v2, $0x8  }
0x36: {  	v9 =	vbroadcast v2, $0x5;
	v11 =	vbroadcast v2, $0xE;
	v10 =	vld [tilespmem:s30+$0x60]  }
0x37: {  	v13 =	vbroadcast v2, $0x1;
	v14 =	vbroadcast v2, $0x7;
	v12 =	vld [tilespmem:s30+$0xFFFFFF80]  }
0x38: {  	v16 =	vbroadcast v2, $0x4;
	v17 =	vbroadcast v2, $0xC;
	v15 =	vld [tilespmem:s30+$0xFFFFFF90]  }
0x39: {  	v18 =	vbroadcast v2, $0x0;
	v20 =	vbroadcast v2, $0x9;
	v19 =	vld [tilespmem:s30+$0xFFFFFFA0]  }
0x3a: {  	v21 =	vld [tilespmem:s30+$0x10]  }
0x3b: {  	v22 =	vld [tilespmem:s30+$0xFFFFFFC0];
	v10 =	vmul.f32 v10, v11  }
0x3c: {  	v11 =	vmul.f32 v18, v12;
	v12 =	vld [tilespmem:s30+$0xFFFFFFD0]  }
0x3d: {  	v13 =	vmul.f32 v15, v13;
	v15 =	vld [tilespmem:s30+$0xFFFFFFE0];
	[tilespmem:s30+$0x60] =	vst v10  }
0x3e: {  	[tilespmem:s30+$0xFFFFFF80] =	vst v11;
	v6 =	vmul.f32 v19, v6;
	v10 =	vld [tilespmem:s30+$0xFFFFFFB0]  }
0x3f: {  	[tilespmem:s30+$0xFFFFFF90] =	vst v13;
	v11 =	vld [tilespmem:s30+$0xFFFFFFF0];
	v13 =	vmul.f32 v21, v20  }
0x40: {  	[tilespmem:s30+$0xFFFFFFA0] =	vst v6;
	v6 =	vmul.f32 v22, v16;
	v16 =	vld [tilespmem:s30+$0x0]  }
0x41: {  	v9 =	vmul.f32 v12, v9;
	[tilespmem:s30+$0x10] =	vst v13;
	v12 =	vld [tilespmem:s30+$0x20]  }
0x42: {  	[tilespmem:s30+$0xFFFFFFC0] =	vst v6;
	v4 =	vmul.f32 v15, v4;
	v6 =	vld [tilespmem:s30+$0x30]  }
0x43: {  	s3 =	sshra.s32 s4, $0x2;
	v8 =	vmul.f32 v10, v8;
	[tilespmem:s30+$0xFFFFFFD0] =	vst v9;
	v9 =	vld [tilespmem:s30+$0x40]  }
0x44: {  	[tilespmem:s30+$0xFFFFFFE0] =	vst v4;
	v4 =	vmul.f32 v11, v14;
	v10 =	vld [tilespmem:s30+$0x50]  }
0x45: {  	[tilespmem:s30+$0xFFFFFFB0] =	vst v8;
	v5 =	vmul.f32 v16, v5;
	v8 =	vld [tilespmem:s30+$0x70]  }
0x46: {  	[tilespmem:s30+$0xFFFFFFF0] =	vst v4;
	v4 =	vmul.f32 v12, v7  }
0x47: {  	[tilespmem:s30+$0x0] =	vst v5;
	v3 =	vmul.f32 v6, v3;
	v5 =	vbroadcast v2, $0xD  }
0x48: {  	v2 =	vbroadcast v2, $0xF;
	[tilespmem:s30+$0x20] =	vst v4;
	v4 =	vmul.f32 v9, v17  }
0x49: {  	[tilespmem:s30+$0x30] =	vst v3;
	v3 =	vmul.f32 v10, v5  }
0x4a: {  	[tilespmem:s30+$0x40] =	vst v4;
	v2 =	vmul.f32 v8, v2  }
0x4b: {  	[tilespmem:s30+$0x50] =	vst v3  }
0x4c: {  	[tilespmem:s30+$0x70] =	vst v2;
	s30 =	smov.u32 s31  }
0x4d: {  	v2 =	vld [tilespmem:s3+$0xF0]  }
.Ltmp1:
0x4e: {  	v5 =	vld [tilespmem:s3+$0x50];
	(pc) =	sbr.rel @p0 .LBB2_5-.Ltmp1, $2  }
0x4f: {  	_ =	sdelay $0x2  }
0x50: {  	v4 =	vbroadcast v2, $0x6;
	v3 =	vbroadcast v2, $0xB  }
0x51: {  	v5 =	vsub.s32 v5, v0  }
0x52: {  	v5 =	vmin.u32 v5, $0xC380  }
0x53: {  	[tilespmem:s3+$0xA0] =	vst v5  }
0x54: {  	v5 =	vld [tilespmem:s30+$0xFFFFFF80]  }
0x55: {  	v6 =	vld [tilespmem:s30+$0x60]  }
0x56: {  	v7 =	vld [tilespmem:s30+$0xFFFFFF90]  }
0x57: {  	v8 =	vbroadcast v2, $0x0;
	v10 =	vld [tilespmem:s30+$0x10]  }
0x58: {  	v11 =	vbroadcast v2, $0xE;
	v41 =	vbroadcast v2, $0x1;
	v12 =	vld [tilespmem:s30+$0xFFFFFFC0]  }
0x59: {  	v14 =	vbroadcast v2, $0x9;
	v13 =	vld [tilespmem:s30+$0xFFFFFFD0];
	v5 =	vmul.f32 v8, v5  }
0x5a: {  	v43 =	vbroadcast v2, $0x2;
	v42 =	vld [tilespmem:s30+$0xFFFFFFE0];
	v6 =	vmul.f32 v6, v11  }
0x5b: {  	v15 =	vbroadcast v2, $0x4;
	v44 =	vld [tilespmem:s30+$0xFFFFFFB0];
	v7 =	vmul.f32 v7, v41;
	[tilespmem:s30+$0xFFFFFF80] =	vst v5  }
0x5c: {  	v46 =	vbroadcast v2, $0x5;
	v45 =	vld [tilespmem:s30+$0xFFFFFFF0];
	v10 =	vmul.f32 v10, v14;
	[tilespmem:s30+$0x60] =	vst v6  }
0x5d: {  	v49 =	vbroadcast v2, $0x3;
	v51 =	vld [tilespmem:s30+$0x20];
	v48 =	vmul.f32 v12, v15;
	[tilespmem:s30+$0xFFFFFF90] =	vst v7  }
0x5e: {  	v52 =	vbroadcast v2, $0x7;
	v53 =	vld [tilespmem:s30+$0x30];
	v50 =	vmul.f32 v13, v46;
	[tilespmem:s30+$0x10] =	vst v10  }
0x5f: {  	v54 =	vbroadcast v2, $0x8;
	v55 =	vld [tilespmem:s30+$0x40];
	v4 =	vmul.f32 v42, v4;
	[tilespmem:s30+$0xFFFFFFC0] =	vst v48  }
0x60: {  	v56 =	vbroadcast v2, $0xA;
	v59 =	vld [tilespmem:s30+$0x70];
	v8 =	vmul.f32 v44, v49;
	[tilespmem:s30+$0xFFFFFFD0] =	vst v50  }
0x61: {  	v60 =	vbroadcast v2, $0xC;
	v9 =	vld [tilespmem:s30+$0xFFFFFFA0];
	v57 =	vmul.f32 v45, v52;
	[tilespmem:s30+$0xFFFFFFE0] =	vst v4  }
0x62: {  	v62 =	vbroadcast v2, $0xD;
	v47 =	vld [tilespmem:s30+$0x0];
	v61 =	vmul.f32 v51, v56;
	[tilespmem:s30+$0xFFFFFFB0] =	vst v8  }
0x63: {  	v2 =	vbroadcast v2, $0xF;
	v58 =	vld [tilespmem:s30+$0x50];
	v3 =	vmul.f32 v53, v3;
	[tilespmem:s30+$0xFFFFFFF0] =	vst v57  }
0x64: {  	v63 =	vmul.f32 v55, v60;
	[tilespmem:s30+$0x20] =	vst v61  }
0x65: {  	v2 =	vmul.f32 v59, v2;
	[tilespmem:s30+$0x30] =	vst v3  }
0x66: {  	v5 =	vmul.f32 v9, v43;
	[tilespmem:s30+$0x40] =	vst v63  }
0x67: {  	v7 =	vmul.f32 v47, v54;
	[tilespmem:s30+$0x70] =	vst v2  }
0x68: {  	s29 =	sadd.s32 $0x1, s29;
	v3 =	vmul.f32 v58, v62;
	[tilespmem:s30+$0xFFFFFFA0] =	vst v5  }
0x69: {  	p0 =	sne.s32 s29, $0x4E2;
	[tilespmem:s30+$0x0] =	vst v7  }
.Ltmp2:
0x6a: {  	[tilespmem:s30+$0x50] =	vst v3;
	(pc) =	sbr.rel @p0 .LBB2_4-.Ltmp2, $4  }
0x6b: {  	[spmem:s2] =	stream.indirect.scatter.add.f32 [tilespmem:s23], [sflag:$0x2], $0x10, s25, s21, $0xb8;
	[tilespmem:$0x18E40] =	vst v63  }
0x6c: {  	_ =	swait.ge [sflag:s20], $0x500  }
0x6d: {  	[sflag:s20] =	ssyncset.done $0x0  }
0x6e: {  	[sflag:s20] =	ssyncadd.s32 $0xFFFFFB00  }
0x6f: {  	[bflag:$0x0] =	sbarrier.arrive $0xFFFF  }
0x70: {  	[tilespmem:s19], [sflag:$0x2] =	stream.linear.gather [spmem:s15], $0xC380, $0x38;
	[tilespmem:$0x18E40] =	vst v63  }
0x71: {  	_ =	swait.ge [sflag:s20], $0xC380  }
0x72: {  	[sflag:s20] =	ssyncset.done $0x0  }
0x73: {  	s0 =	simm.s32 $0x0;
	[sflag:s20] =	ssyncadd.s32 $0xFFFF3C80  }
0x74: {  	[hbm4b:s13+s0] =	stream.linear.scatter [tilespmem:s19], [sflag:$0x2], $0xC380, $0x38;
	[tilespmem:$0x18E40] =	vst v63  }
0x75: {  	_ =	swait.ge [sflag:s20], $0xC380  }
0x76: {  	[sflag:s20] =	ssyncset.done $0x0  }
0x77: {  	s3 =	simm.s32 $0x0;
	s0 =	simm.s32 $0x40;
	[sflag:s20] =	ssyncadd.s32 $0xFFFF3C80  }
.LBB2_8:
0x78: {  	p0 =	sne.s32 s0, $0x30DC0;
	[tilespmem:s3+$0x640] =	vst v1;
	s3 =	smov.u32 s0;
	s0 =	sadd.s32 $0x40, s0  }
.Ltmp3:
0x79: {  	(pc) =	sbr.rel @p0 .LBB2_8-.Ltmp3, $2  }
0x7a: {  	_ =	sdelay $0x2  }
0x7b: {  	s3 =	sshra.s32 s3, $0x2  }
0x7c: {  	[tilespmem:s3+$0x640] =	vst v1  }
0x7d: {  	[bflag:$0x0] =	sbarrier.arrive $0xFFFF  }
0x7e: {  	[spmem:s12] =	stream.linear.scatter [tilespmem:s19], [sflag:$0x2], $0xC400, $0x38;
	[tilespmem:$0x18E40] =	vst v63  }
0x7f: {  	_ =	swait.ge [sflag:s20], $0xC400  }
0x80: {  	[sflag:s20] =	ssyncset.done $0x0  }
0x81: {  	[sflag:s20] =	ssyncadd.s32 $0xFFFF3C00  }
0x82: {  	s28 =	simm.s32 $0x0;
	s29 =	simm.s32 $0x0;
	[bflag:$0x0] =	sbarrier.arrive $0xFFFF  }
.LBB2_10:
0x83: {  	s0 =	sadd.s32 s11, s29  }
0x84: {  	s0 =	smul.u32 $0xA, s0;
	_ =	sdelay $0x1  }
0x85: {  	s3 =	sadd.s32 s9, s0  }
0x86: {  	[tilespmem:s28], [sflag:$0x2] =	stream.linear.gather [hbm4b:s3+s28], $0x50, $0x38;
	[tilespmem:$0x18E40] =	vst v63  }
0x87: {  	_ =	swait.ge [sflag:s20], $0x50  }
0x88: {  	[sflag:s20] =	ssyncset.done $0x0  }
0x89: {  	s4 =	sadd.s32 s10, s0;
	[sflag:s20] =	ssyncadd.s32 $0xFFFFFFB0  }
0x8a: {  	[tilespmem:s21], [sflag:$0x2] =	stream.linear.gather [hbm4b:s4+s28], $0x50, $0x38;
	[tilespmem:$0x18E40] =	vst v63  }
0x8b: {  	_ =	swait.ge [sflag:s20], $0x50  }
0x8c: {  	[sflag:s20] =	ssyncset.done $0x0  }
0x8d: {  	s0 =	sadd.s32 s1, s0;
	[sflag:s20] =	ssyncadd.s32 $0xFFFFFFB0  }
0x8e: {  	[tilespmem:s22], [sflag:$0x2] =	stream.linear.gather [hbm4b:s0+s28], $0x50, $0x38;
	[tilespmem:$0x18E40] =	vst v63  }
0x8f: {  	_ =	swait.ge [sflag:s20], $0x50  }
0x90: {  	[sflag:s20] =	ssyncset.done $0x0  }
0x91: {  	[sflag:s20] =	ssyncadd.s32 $0xFFFFFFB0  }
0x92: {  	[tilespmem:s23], [sflag:$0x1] =	stream.indirect.gather [hbm4b:s6+s21], $0x10, s28, s21, $0xb8;
	[tilespmem:$0x18E40] =	vst v63  }
0x93: {  	_ =	swait.ge [sflag:s24], $0x500  }
0x94: {  	[sflag:s24] =	ssyncset.done $0x0  }
0x95: {  	s3 =	simm.s32 $0x0;
	[sflag:s24] =	ssyncadd.s32 $0xFFFFFB00  }
0x96: {  	v2 =	vld [tilespmem:s3+$0xF0];
	_ =	sdelay $0x1  }
0x97: {  	v5 =	vld [tilespmem:s3+$0x50];
	_ =	sdelay $0x2  }
0x98: {  	s31 =	simm.s32 $0x1C0;
	s30 =	simm.s32 $0x1C0;
	s0 =	simm.s32 $0x40;
	v4 =	vbroadcast v2, $0x6;
	v3 =	vbroadcast v2, $0xB  }
.LBB2_11:
0x99: {  	p0 =	sne.s32 s0, $0x100  }
0x9a: {  	v5 =	vsub.s32 v5, v0;
	v6 =	vbroadcast v2, $0x2;
	v7 =	vbroadcast v2, $0xA;
	s31 =	sadd.s32 $0x100, s31;
	s4 =	smov.u32 s0;
	s0 =	sadd.s32 $0x40, s0  }
0x9b: {  	v8 =	vbroadcast v2, $0x3;
	v5 =	vmin.u32 v5, $0xC380  }
0x9c: {  	[tilespmem:s3+$0xA0] =	vst v5;
	v5 =	vbroadcast v2, $0x8  }
0x9d: {  	v9 =	vbroadcast v2, $0x5;
	v11 =	vbroadcast v2, $0xE;
	v10 =	vld [tilespmem:s30+$0x60]  }
0x9e: {  	v13 =	vbroadcast v2, $0x1;
	v14 =	vbroadcast v2, $0x7;
	v12 =	vld [tilespmem:s30+$0xFFFFFF80]  }
0x9f: {  	v16 =	vbroadcast v2, $0x4;
	v17 =	vbroadcast v2, $0xC;
	v15 =	vld [tilespmem:s30+$0xFFFFFF90]  }
0xa0: {  	v18 =	vbroadcast v2, $0x0;
	v20 =	vbroadcast v2, $0x9;
	v19 =	vld [tilespmem:s30+$0xFFFFFFA0]  }
0xa1: {  	v21 =	vld [tilespmem:s30+$0x10]  }
0xa2: {  	v22 =	vld [tilespmem:s30+$0xFFFFFFC0];
	v10 =	vmul.f32 v10, v11  }
0xa3: {  	v11 =	vmul.f32 v18, v12;
	v12 =	vld [tilespmem:s30+$0xFFFFFFD0]  }
0xa4: {  	v13 =	vmul.f32 v15, v13;
	v15 =	vld [tilespmem:s30+$0xFFFFFFE0];
	[tilespmem:s30+$0x60] =	vst v10  }
0xa5: {  	[tilespmem:s30+$0xFFFFFF80] =	vst v11;
	v6 =	vmul.f32 v19, v6;
	v10 =	vld [tilespmem:s30+$0xFFFFFFB0]  }
0xa6: {  	[tilespmem:s30+$0xFFFFFF90] =	vst v13;
	v11 =	vld [tilespmem:s30+$0xFFFFFFF0];
	v13 =	vmul.f32 v21, v20  }
0xa7: {  	[tilespmem:s30+$0xFFFFFFA0] =	vst v6;
	v6 =	vmul.f32 v22, v16;
	v16 =	vld [tilespmem:s30+$0x0]  }
0xa8: {  	v9 =	vmul.f32 v12, v9;
	[tilespmem:s30+$0x10] =	vst v13;
	v12 =	vld [tilespmem:s30+$0x20]  }
0xa9: {  	[tilespmem:s30+$0xFFFFFFC0] =	vst v6;
	v4 =	vmul.f32 v15, v4;
	v6 =	vld [tilespmem:s30+$0x30]  }
0xaa: {  	s3 =	sshra.s32 s4, $0x2;
	v8 =	vmul.f32 v10, v8;
	[tilespmem:s30+$0xFFFFFFD0] =	vst v9;
	v9 =	vld [tilespmem:s30+$0x40]  }
0xab: {  	[tilespmem:s30+$0xFFFFFFE0] =	vst v4;
	v4 =	vmul.f32 v11, v14;
	v10 =	vld [tilespmem:s30+$0x50]  }
0xac: {  	[tilespmem:s30+$0xFFFFFFB0] =	vst v8;
	v5 =	vmul.f32 v16, v5;
	v8 =	vld [tilespmem:s30+$0x70]  }
0xad: {  	[tilespmem:s30+$0xFFFFFFF0] =	vst v4;
	v4 =	vmul.f32 v12, v7  }
0xae: {  	[tilespmem:s30+$0x0] =	vst v5;
	v3 =	vmul.f32 v6, v3;
	v5 =	vbroadcast v2, $0xD  }
0xaf: {  	v2 =	vbroadcast v2, $0xF;
	[tilespmem:s30+$0x20] =	vst v4;
	v4 =	vmul.f32 v9, v17  }
0xb0: {  	[tilespmem:s30+$0x30] =	vst v3;
	v3 =	vmul.f32 v10, v5  }
0xb1: {  	[tilespmem:s30+$0x40] =	vst v4;
	v2 =	vmul.f32 v8, v2  }
0xb2: {  	[tilespmem:s30+$0x50] =	vst v3  }
0xb3: {  	[tilespmem:s30+$0x70] =	vst v2;
	s30 =	smov.u32 s31  }
0xb4: {  	v2 =	vld [tilespmem:s3+$0xF0]  }
.Ltmp4:
0xb5: {  	v5 =	vld [tilespmem:s3+$0x50];
	(pc) =	sbr.rel @p0 .LBB2_11-.Ltmp4, $2  }
0xb6: {  	_ =	sdelay $0x2  }
0xb7: {  	v4 =	vbroadcast v2, $0x6;
	v3 =	vbroadcast v2, $0xB  }
0xb8: {  	v5 =	vsub.s32 v5, v0  }
0xb9: {  	v5 =	vmin.u32 v5, $0xC380  }
0xba: {  	[tilespmem:s3+$0xA0] =	vst v5  }
0xbb: {  	v5 =	vld [tilespmem:s30+$0xFFFFFF80]  }
0xbc: {  	v6 =	vld [tilespmem:s30+$0x60]  }
0xbd: {  	v7 =	vld [tilespmem:s30+$0xFFFFFF90]  }
0xbe: {  	v8 =	vbroadcast v2, $0x0;
	v10 =	vld [tilespmem:s30+$0x10]  }
0xbf: {  	v11 =	vbroadcast v2, $0xE;
	v41 =	vbroadcast v2, $0x1;
	v12 =	vld [tilespmem:s30+$0xFFFFFFC0]  }
0xc0: {  	v14 =	vbroadcast v2, $0x9;
	v13 =	vld [tilespmem:s30+$0xFFFFFFD0];
	v5 =	vmul.f32 v8, v5  }
0xc1: {  	v43 =	vbroadcast v2, $0x2;
	v42 =	vld [tilespmem:s30+$0xFFFFFFE0];
	v6 =	vmul.f32 v6, v11  }
0xc2: {  	v15 =	vbroadcast v2, $0x4;
	v44 =	vld [tilespmem:s30+$0xFFFFFFB0];
	v7 =	vmul.f32 v7, v41;
	[tilespmem:s30+$0xFFFFFF80] =	vst v5  }
0xc3: {  	v46 =	vbroadcast v2, $0x5;
	v45 =	vld [tilespmem:s30+$0xFFFFFFF0];
	v10 =	vmul.f32 v10, v14;
	[tilespmem:s30+$0x60] =	vst v6  }
0xc4: {  	v49 =	vbroadcast v2, $0x3;
	v51 =	vld [tilespmem:s30+$0x20];
	v48 =	vmul.f32 v12, v15;
	[tilespmem:s30+$0xFFFFFF90] =	vst v7  }
0xc5: {  	v52 =	vbroadcast v2, $0x7;
	v53 =	vld [tilespmem:s30+$0x30];
	v50 =	vmul.f32 v13, v46;
	[tilespmem:s30+$0x10] =	vst v10  }
0xc6: {  	v54 =	vbroadcast v2, $0x8;
	v55 =	vld [tilespmem:s30+$0x40];
	v4 =	vmul.f32 v42, v4;
	[tilespmem:s30+$0xFFFFFFC0] =	vst v48  }
0xc7: {  	v56 =	vbroadcast v2, $0xA;
	v59 =	vld [tilespmem:s30+$0x70];
	v8 =	vmul.f32 v44, v49;
	[tilespmem:s30+$0xFFFFFFD0] =	vst v50  }
0xc8: {  	v60 =	vbroadcast v2, $0xC;
	v9 =	vld [tilespmem:s30+$0xFFFFFFA0];
	v57 =	vmul.f32 v45, v52;
	[tilespmem:s30+$0xFFFFFFE0] =	vst v4  }
0xc9: {  	v62 =	vbroadcast v2, $0xD;
	v47 =	vld [tilespmem:s30+$0x0];
	v61 =	vmul.f32 v51, v56;
	[tilespmem:s30+$0xFFFFFFB0] =	vst v8  }
0xca: {  	v2 =	vbroadcast v2, $0xF;
	v58 =	vld [tilespmem:s30+$0x50];
	v3 =	vmul.f32 v53, v3;
	[tilespmem:s30+$0xFFFFFFF0] =	vst v57  }
0xcb: {  	v63 =	vmul.f32 v55, v60;
	[tilespmem:s30+$0x20] =	vst v61  }
0xcc: {  	v2 =	vmul.f32 v59, v2;
	[tilespmem:s30+$0x30] =	vst v3  }
0xcd: {  	v5 =	vmul.f32 v9, v43;
	[tilespmem:s30+$0x40] =	vst v63  }
0xce: {  	v7 =	vmul.f32 v47, v54;
	[tilespmem:s30+$0x70] =	vst v2  }
0xcf: {  	s29 =	sadd.s32 $0x1, s29;
	v3 =	vmul.f32 v58, v62;
	[tilespmem:s30+$0xFFFFFFA0] =	vst v5  }
0xd0: {  	p0 =	sne.s32 s29, $0x4E2;
	[tilespmem:s30+$0x0] =	vst v7  }
.Ltmp5:
0xd1: {  	[tilespmem:s30+$0x50] =	vst v3;
	(pc) =	sbr.rel @p0 .LBB2_10-.Ltmp5, $4  }
0xd2: {  	[spmem:s2] =	stream.indirect.scatter.add.f32 [tilespmem:s23], [sflag:$0x2], $0x10, s25, s21, $0xb8;
	[tilespmem:$0x18E40] =	vst v63  }
0xd3: {  	_ =	swait.ge [sflag:s20], $0x500  }
0xd4: {  	[sflag:s20] =	ssyncset.done $0x0  }
0xd5: {  	[sflag:s20] =	ssyncadd.s32 $0xFFFFFB00  }
0xd6: {  	[bflag:$0x0] =	sbarrier.arrive $0xFFFF  }
0xd7: {  	[tilespmem:s19], [sflag:$0x2] =	stream.linear.gather [spmem:s15], $0xC380, $0x38;
	[tilespmem:$0x18E40] =	vst v63  }
0xd8: {  	_ =	swait.ge [sflag:s20], $0xC380  }
0xd9: {  	[sflag:s20] =	ssyncset.done $0x0  }
0xda: {  	s0 =	simm.s32 $0x0;
	[sflag:s20] =	ssyncadd.s32 $0xFFFF3C80  }
0xdb: {  	[hbm4b:s14+s0] =	stream.linear.scatter [tilespmem:s19], [sflag:$0x2], $0xC380, $0x38;
	[tilespmem:$0x18E40] =	vst v63  }
0xdc: {  	_ =	swait.ge [sflag:s20], $0xC380  }
0xdd: {  	[sflag:s20] =	ssyncset.done $0x0  }
0xde: {  	s3 =	simm.s32 $0x0;
	s0 =	simm.s32 $0x40;
	[sflag:s20] =	ssyncadd.s32 $0xFFFF3C80  }
.LBB2_14:
0xdf: {  	p0 =	sne.s32 s0, $0x30DC0;
	[tilespmem:s3+$0x640] =	vst v1;
	s3 =	smov.u32 s0;
	s0 =	sadd.s32 $0x40, s0  }
.Ltmp6:
0xe0: {  	(pc) =	sbr.rel @p0 .LBB2_14-.Ltmp6, $2  }
0xe1: {  	_ =	sdelay $0x2  }
0xe2: {  	s3 =	sshra.s32 s3, $0x2  }
0xe3: {  	[tilespmem:s3+$0x640] =	vst v1  }
0xe4: {  	[bflag:$0x0] =	sbarrier.arrive $0xFFFF  }
0xe5: {  	[spmem:s12] =	stream.linear.scatter [tilespmem:s19], [sflag:$0x2], $0xC400, $0x38;
	[tilespmem:$0x18E40] =	vst v63  }
0xe6: {  	_ =	swait.ge [sflag:s20], $0xC400  }
0xe7: {  	[sflag:s20] =	ssyncset.done $0x0  }
0xe8: {  	[sflag:s20] =	ssyncadd.s32 $0xFFFF3C00  }
0xe9: {  	s28 =	simm.s32 $0x0;
	s29 =	simm.s32 $0x0;
	[bflag:$0x0] =	sbarrier.arrive $0xFFFF  }
.LBB2_16:
0xea: {  	s0 =	sadd.s32 s11, s29  }
0xeb: {  	s0 =	smul.u32 $0xA, s0;
	_ =	sdelay $0x1  }
0xec: {  	s3 =	sadd.s32 s9, s0  }
0xed: {  	[tilespmem:s28], [sflag:$0x2] =	stream.linear.gather [hbm4b:s3+s28], $0x50, $0x38;
	[tilespmem:$0x18E40] =	vst v63  }
0xee: {  	_ =	swait.ge [sflag:s20], $0x50  }
0xef: {  	[sflag:s20] =	ssyncset.done $0x0  }
0xf0: {  	s4 =	sadd.s32 s10, s0;
	[sflag:s20] =	ssyncadd.s32 $0xFFFFFFB0  }
0xf1: {  	[tilespmem:s21], [sflag:$0x2] =	stream.linear.gather [hbm4b:s4+s28], $0x50, $0x38;
	[tilespmem:$0x18E40] =	vst v63  }
0xf2: {  	_ =	swait.ge [sflag:s20], $0x50  }
0xf3: {  	[sflag:s20] =	ssyncset.done $0x0  }
0xf4: {  	s0 =	sadd.s32 s1, s0;
	[sflag:s20] =	ssyncadd.s32 $0xFFFFFFB0  }
0xf5: {  	[tilespmem:s22], [sflag:$0x2] =	stream.linear.gather [hbm4b:s0+s28], $0x50, $0x38;
	[tilespmem:$0x18E40] =	vst v63  }
0xf6: {  	_ =	swait.ge [sflag:s20], $0x50  }
0xf7: {  	[sflag:s20] =	ssyncset.done $0x0  }
0xf8: {  	[sflag:s20] =	ssyncadd.s32 $0xFFFFFFB0  }
0xf9: {  	[tilespmem:s23], [sflag:$0x1] =	stream.indirect.gather [hbm4b:s7+s21], $0x10, s28, s21, $0xb8;
	[tilespmem:$0x18E40] =	vst v63  }
0xfa: {  	_ =	swait.ge [sflag:s24], $0x500  }
0xfb: {  	[sflag:s24] =	ssyncset.done $0x0  }
0xfc: {  	s3 =	simm.s32 $0x0;
	[sflag:s24] =	ssyncadd.s32 $0xFFFFFB00  }
0xfd: {  	v2 =	vld [tilespmem:s3+$0xF0];
	_ =	sdelay $0x1  }
0xfe: {  	v5 =	vld [tilespmem:s3+$0x50];
	_ =	sdelay $0x2  }
0xff: {  	s31 =	simm.s32 $0x1C0;
	s30 =	simm.s32 $0x1C0;
	s0 =	simm.s32 $0x40;
	v4 =	vbroadcast v2, $0x6;
	v3 =	vbroadcast v2, $0xB  }
.LBB2_17:
0x100: {  	p0 =	sne.s32 s0, $0x100  }
0x101: {  	v5 =	vsub.s32 v5, v0;
	v6 =	vbroadcast v2, $0x2;
	v7 =	vbroadcast v2, $0xA;
	s31 =	sadd.s32 $0x100, s31;
	s4 =	smov.u32 s0;
	s0 =	sadd.s32 $0x40, s0  }
0x102: {  	v8 =	vbroadcast v2, $0x3;
	v5 =	vmin.u32 v5, $0xC380  }
0x103: {  	[tilespmem:s3+$0xA0] =	vst v5;
	v5 =	vbroadcast v2, $0x8  }
0x104: {  	v9 =	vbroadcast v2, $0x5;
	v11 =	vbroadcast v2, $0xE;
	v10 =	vld [tilespmem:s30+$0x60]  }
0x105: {  	v13 =	vbroadcast v2, $0x1;
	v14 =	vbroadcast v2, $0x7;
	v12 =	vld [tilespmem:s30+$0xFFFFFF80]  }
0x106: {  	v16 =	vbroadcast v2, $0x4;
	v17 =	vbroadcast v2, $0xC;
	v15 =	vld [tilespmem:s30+$0xFFFFFF90]  }
0x107: {  	v18 =	vbroadcast v2, $0x0;
	v20 =	vbroadcast v2, $0x9;
	v19 =	vld [tilespmem:s30+$0xFFFFFFA0]  }
0x108: {  	v21 =	vld [tilespmem:s30+$0x10]  }
0x109: {  	v22 =	vld [tilespmem:s30+$0xFFFFFFC0];
	v10 =	vmul.f32 v10, v11  }
0x10a: {  	v11 =	vmul.f32 v18, v12;
	v12 =	vld [tilespmem:s30+$0xFFFFFFD0]  }
0x10b: {  	v13 =	vmul.f32 v15, v13;
	v15 =	vld [tilespmem:s30+$0xFFFFFFE0];
	[tilespmem:s30+$0x60] =	vst v10  }
0x10c: {  	[tilespmem:s30+$0xFFFFFF80] =	vst v11;
	v6 =	vmul.f32 v19, v6;
	v10 =	vld [tilespmem:s30+$0xFFFFFFB0]  }
0x10d: {  	[tilespmem:s30+$0xFFFFFF90] =	vst v13;
	v11 =	vld [tilespmem:s30+$0xFFFFFFF0];
	v13 =	vmul.f32 v21, v20  }
0x10e: {  	[tilespmem:s30+$0xFFFFFFA0] =	vst v6;
	v6 =	vmul.f32 v22, v16;
	v16 =	vld [tilespmem:s30+$0x0]  }
0x10f: {  	v9 =	vmul.f32 v12, v9;
	[tilespmem:s30+$0x10] =	vst v13;
	v12 =	vld [tilespmem:s30+$0x20]  }
0x110: {  	[tilespmem:s30+$0xFFFFFFC0] =	vst v6;
	v4 =	vmul.f32 v15, v4;
	v6 =	vld [tilespmem:s30+$0x30]  }
0x111: {  	s3 =	sshra.s32 s4, $0x2;
	v8 =	vmul.f32 v10, v8;
	[tilespmem:s30+$0xFFFFFFD0] =	vst v9;
	v9 =	vld [tilespmem:s30+$0x40]  }
0x112: {  	[tilespmem:s30+$0xFFFFFFE0] =	vst v4;
	v4 =	vmul.f32 v11, v14;
	v10 =	vld [tilespmem:s30+$0x50]  }
0x113: {  	[tilespmem:s30+$0xFFFFFFB0] =	vst v8;
	v5 =	vmul.f32 v16, v5;
	v8 =	vld [tilespmem:s30+$0x70]  }
0x114: {  	[tilespmem:s30+$0xFFFFFFF0] =	vst v4;
	v4 =	vmul.f32 v12, v7  }
0x115: {  	[tilespmem:s30+$0x0] =	vst v5;
	v3 =	vmul.f32 v6, v3;
	v5 =	vbroadcast v2, $0xD  }
0x116: {  	v2 =	vbroadcast v2, $0xF;
	[tilespmem:s30+$0x20] =	vst v4;
	v4 =	vmul.f32 v9, v17  }
0x117: {  	[tilespmem:s30+$0x30] =	vst v3;
	v3 =	vmul.f32 v10, v5  }
0x118: {  	[tilespmem:s30+$0x40] =	vst v4;
	v2 =	vmul.f32 v8, v2  }
0x119: {  	[tilespmem:s30+$0x50] =	vst v3  }
0x11a: {  	[tilespmem:s30+$0x70] =	vst v2;
	s30 =	smov.u32 s31  }
0x11b: {  	v2 =	vld [tilespmem:s3+$0xF0]  }
.Ltmp7:
0x11c: {  	v5 =	vld [tilespmem:s3+$0x50];
	(pc) =	sbr.rel @p0 .LBB2_17-.Ltmp7, $2  }
0x11d: {  	_ =	sdelay $0x2  }
0x11e: {  	v4 =	vbroadcast v2, $0x6;
	v3 =	vbroadcast v2, $0xB  }
0x11f: {  	v5 =	vsub.s32 v5, v0  }
0x120: {  	v5 =	vmin.u32 v5, $0xC380  }
0x121: {  	[tilespmem:s3+$0xA0] =	vst v5  }
0x122: {  	v5 =	vld [tilespmem:s30+$0xFFFFFF80]  }
0x123: {  	v6 =	vld [tilespmem:s30+$0x60]  }
0x124: {  	v7 =	vld [tilespmem:s30+$0xFFFFFF90]  }
0x125: {  	v8 =	vbroadcast v2, $0x0;
	v10 =	vld [tilespmem:s30+$0x10]  }
0x126: {  	v11 =	vbroadcast v2, $0xE;
	v41 =	vbroadcast v2, $0x1;
	v12 =	vld [tilespmem:s30+$0xFFFFFFC0]  }
0x127: {  	v14 =	vbroadcast v2, $0x9;
	v13 =	vld [tilespmem:s30+$0xFFFFFFD0];
	v5 =	vmul.f32 v8, v5  }
0x128: {  	v43 =	vbroadcast v2, $0x2;
	v42 =	vld [tilespmem:s30+$0xFFFFFFE0];
	v6 =	vmul.f32 v6, v11  }
0x129: {  	v15 =	vbroadcast v2, $0x4;
	v44 =	vld [tilespmem:s30+$0xFFFFFFB0];
	v7 =	vmul.f32 v7, v41;
	[tilespmem:s30+$0xFFFFFF80] =	vst v5  }
0x12a: {  	v46 =	vbroadcast v2, $0x5;
	v45 =	vld [tilespmem:s30+$0xFFFFFFF0];
	v10 =	vmul.f32 v10, v14;
	[tilespmem:s30+$0x60] =	vst v6  }
0x12b: {  	v49 =	vbroadcast v2, $0x3;
	v51 =	vld [tilespmem:s30+$0x20];
	v48 =	vmul.f32 v12, v15;
	[tilespmem:s30+$0xFFFFFF90] =	vst v7  }
0x12c: {  	v52 =	vbroadcast v2, $0x7;
	v53 =	vld [tilespmem:s30+$0x30];
	v50 =	vmul.f32 v13, v46;
	[tilespmem:s30+$0x10] =	vst v10  }
0x12d: {  	v54 =	vbroadcast v2, $0x8;
	v55 =	vld [tilespmem:s30+$0x40];
	v4 =	vmul.f32 v42, v4;
	[tilespmem:s30+$0xFFFFFFC0] =	vst v48  }
0x12e: {  	v56 =	vbroadcast v2, $0xA;
	v59 =	vld [tilespmem:s30+$0x70];
	v8 =	vmul.f32 v44, v49;
	[tilespmem:s30+$0xFFFFFFD0] =	vst v50  }
0x12f: {  	v60 =	vbroadcast v2, $0xC;
	v9 =	vld [tilespmem:s30+$0xFFFFFFA0];
	v57 =	vmul.f32 v45, v52;
	[tilespmem:s30+$0xFFFFFFE0] =	vst v4  }
0x130: {  	v62 =	vbroadcast v2, $0xD;
	v47 =	vld [tilespmem:s30+$0x0];
	v61 =	vmul.f32 v51, v56;
	[tilespmem:s30+$0xFFFFFFB0] =	vst v8  }
0x131: {  	v2 =	vbroadcast v2, $0xF;
	v58 =	vld [tilespmem:s30+$0x50];
	v3 =	vmul.f32 v53, v3;
	[tilespmem:s30+$0xFFFFFFF0] =	vst v57  }
0x132: {  	v63 =	vmul.f32 v55, v60;
	[tilespmem:s30+$0x20] =	vst v61  }
0x133: {  	v2 =	vmul.f32 v59, v2;
	[tilespmem:s30+$0x30] =	vst v3  }
0x134: {  	v5 =	vmul.f32 v9, v43;
	[tilespmem:s30+$0x40] =	vst v63  }
0x135: {  	v7 =	vmul.f32 v47, v54;
	[tilespmem:s30+$0x70] =	vst v2  }
0x136: {  	s29 =	sadd.s32 $0x1, s29;
	v3 =	vmul.f32 v58, v62;
	[tilespmem:s30+$0xFFFFFFA0] =	vst v5  }
0x137: {  	p0 =	sne.s32 s29, $0x4E2;
	[tilespmem:s30+$0x0] =	vst v7  }
.Ltmp8:
0x138: {  	[tilespmem:s30+$0x50] =	vst v3;
	(pc) =	sbr.rel @p0 .LBB2_16-.Ltmp8, $4  }
0x139: {  	[spmem:s2] =	stream.indirect.scatter.add.f32 [tilespmem:s23], [sflag:$0x2], $0x10, s25, s21, $0xb8;
	[tilespmem:$0x18E40] =	vst v63  }
0x13a: {  	_ =	swait.ge [sflag:s20], $0x500  }
0x13b: {  	[sflag:s20] =	ssyncset.done $0x0  }
0x13c: {  	[sflag:s20] =	ssyncadd.s32 $0xFFFFFB00  }
0x13d: {  	[bflag:$0x0] =	sbarrier.arrive $0xFFFF  }
0x13e: {  	[tilespmem:s19], [sflag:$0x2] =	stream.linear.gather [spmem:s15], $0xC380, $0x38;
	[tilespmem:$0x18E40] =	vst v63  }
0x13f: {  	_ =	swait.ge [sflag:s20], $0xC380  }
0x140: {  	[sflag:s20] =	ssyncset.done $0x0  }
0x141: {  	s0 =	simm.s32 $0x0;
	[sflag:s20] =	ssyncadd.s32 $0xFFFF3C80  }
0x142: {  	[hbm4b:s16+s0] =	stream.linear.scatter [tilespmem:s19], [sflag:$0x2], $0xC380, $0x38;
	[tilespmem:$0x18E40] =	vst v63  }
0x143: {  	_ =	swait.ge [sflag:s20], $0xC380  }
0x144: {  	[sflag:s20] =	ssyncset.done $0x0  }
0x145: {  	s3 =	simm.s32 $0x0;
	s0 =	simm.s32 $0x40;
	[sflag:s20] =	ssyncadd.s32 $0xFFFF3C80  }
.LBB2_20:
0x146: {  	p0 =	sne.s32 s0, $0x30DC0;
	[tilespmem:s3+$0x640] =	vst v1;
	s3 =	smov.u32 s0;
	s0 =	sadd.s32 $0x40, s0  }
.Ltmp9:
0x147: {  	(pc) =	sbr.rel @p0 .LBB2_20-.Ltmp9, $2  }
0x148: {  	_ =	sdelay $0x2  }
0x149: {  	s3 =	sshra.s32 s3, $0x2  }
0x14a: {  	[tilespmem:s3+$0x640] =	vst v1  }
0x14b: {  	[bflag:$0x0] =	sbarrier.arrive $0xFFFF  }
0x14c: {  	[spmem:s12] =	stream.linear.scatter [tilespmem:s19], [sflag:$0x2], $0xC400, $0x38;
	[tilespmem:$0x18E40] =	vst v63  }
0x14d: {  	_ =	swait.ge [sflag:s20], $0xC400  }
0x14e: {  	[sflag:s20] =	ssyncset.done $0x0  }
0x14f: {  	[sflag:s20] =	ssyncadd.s32 $0xFFFF3C00  }
0x150: {  	s28 =	simm.s32 $0x0;
	s29 =	simm.s32 $0x0;
	[bflag:$0x0] =	sbarrier.arrive $0xFFFF  }
.LBB2_22:
0x151: {  	s0 =	sadd.s32 s11, s29  }
0x152: {  	s0 =	smul.u32 $0xA, s0;
	_ =	sdelay $0x1  }
0x153: {  	s3 =	sadd.s32 s9, s0  }
0x154: {  	[tilespmem:s28], [sflag:$0x2] =	stream.linear.gather [hbm4b:s3+s28], $0x50, $0x38;
	[tilespmem:$0x18E40] =	vst v63  }
0x155: {  	_ =	swait.ge [sflag:s20], $0x50  }
0x156: {  	[sflag:s20] =	ssyncset.done $0x0  }
0x157: {  	s4 =	sadd.s32 s10, s0;
	[sflag:s20] =	ssyncadd.s32 $0xFFFFFFB0  }
0x158: {  	[tilespmem:s21], [sflag:$0x2] =	stream.linear.gather [hbm4b:s4+s28], $0x50, $0x38;
	[tilespmem:$0x18E40] =	vst v63  }
0x159: {  	_ =	swait.ge [sflag:s20], $0x50  }
0x15a: {  	[sflag:s20] =	ssyncset.done $0x0  }
0x15b: {  	s0 =	sadd.s32 s1, s0;
	[sflag:s20] =	ssyncadd.s32 $0xFFFFFFB0  }
0x15c: {  	[tilespmem:s22], [sflag:$0x2] =	stream.linear.gather [hbm4b:s0+s28], $0x50, $0x38;
	[tilespmem:$0x18E40] =	vst v63  }
0x15d: {  	_ =	swait.ge [sflag:s20], $0x50  }
0x15e: {  	[sflag:s20] =	ssyncset.done $0x0  }
0x15f: {  	[sflag:s20] =	ssyncadd.s32 $0xFFFFFFB0  }
0x160: {  	[tilespmem:s23], [sflag:$0x1] =	stream.indirect.gather [hbm4b:s8+s21], $0x10, s28, s21, $0xb8;
	[tilespmem:$0x18E40] =	vst v63  }
0x161: {  	_ =	swait.ge [sflag:s24], $0x500  }
0x162: {  	[sflag:s24] =	ssyncset.done $0x0  }
0x163: {  	s3 =	simm.s32 $0x0;
	[sflag:s24] =	ssyncadd.s32 $0xFFFFFB00  }
0x164: {  	v2 =	vld [tilespmem:s3+$0xF0];
	_ =	sdelay $0x1  }
0x165: {  	v5 =	vld [tilespmem:s3+$0x50];
	_ =	sdelay $0x2  }
0x166: {  	s31 =	simm.s32 $0x1C0;
	s30 =	simm.s32 $0x1C0;
	s0 =	simm.s32 $0x40;
	v4 =	vbroadcast v2, $0x6;
	v3 =	vbroadcast v2, $0xB  }
.LBB2_23:
0x167: {  	p0 =	sne.s32 s0, $0x100  }
0x168: {  	v5 =	vsub.s32 v5, v0;
	v6 =	vbroadcast v2, $0x2;
	v7 =	vbroadcast v2, $0xA;
	s31 =	sadd.s32 $0x100, s31;
	s4 =	smov.u32 s0;
	s0 =	sadd.s32 $0x40, s0  }
0x169: {  	v8 =	vbroadcast v2, $0x3;
	v5 =	vmin.u32 v5, $0xC380  }
0x16a: {  	[tilespmem:s3+$0xA0] =	vst v5;
	v5 =	vbroadcast v2, $0x8  }
0x16b: {  	v9 =	vbroadcast v2, $0x5;
	v11 =	vbroadcast v2, $0xE;
	v10 =	vld [tilespmem:s30+$0x60]  }
0x16c: {  	v13 =	vbroadcast v2, $0x1;
	v14 =	vbroadcast v2, $0x7;
	v12 =	vld [tilespmem:s30+$0xFFFFFF80]  }
0x16d: {  	v16 =	vbroadcast v2, $0x4;
	v17 =	vbroadcast v2, $0xC;
	v15 =	vld [tilespmem:s30+$0xFFFFFF90]  }
0x16e: {  	v18 =	vbroadcast v2, $0x0;
	v20 =	vbroadcast v2, $0x9;
	v19 =	vld [tilespmem:s30+$0xFFFFFFA0]  }
0x16f: {  	v21 =	vld [tilespmem:s30+$0x10]  }
0x170: {  	v22 =	vld [tilespmem:s30+$0xFFFFFFC0];
	v10 =	vmul.f32 v10, v11  }
0x171: {  	v11 =	vmul.f32 v18, v12;
	v12 =	vld [tilespmem:s30+$0xFFFFFFD0]  }
0x172: {  	v13 =	vmul.f32 v15, v13;
	v15 =	vld [tilespmem:s30+$0xFFFFFFE0];
	[tilespmem:s30+$0x60] =	vst v10  }
0x173: {  	[tilespmem:s30+$0xFFFFFF80] =	vst v11;
	v6 =	vmul.f32 v19, v6;
	v10 =	vld [tilespmem:s30+$0xFFFFFFB0]  }
0x174: {  	[tilespmem:s30+$0xFFFFFF90] =	vst v13;
	v11 =	vld [tilespmem:s30+$0xFFFFFFF0];
	v13 =	vmul.f32 v21, v20  }
0x175: {  	[tilespmem:s30+$0xFFFFFFA0] =	vst v6;
	v6 =	vmul.f32 v22, v16;
	v16 =	vld [tilespmem:s30+$0x0]  }
0x176: {  	v9 =	vmul.f32 v12, v9;
	[tilespmem:s30+$0x10] =	vst v13;
	v12 =	vld [tilespmem:s30+$0x20]  }
0x177: {  	[tilespmem:s30+$0xFFFFFFC0] =	vst v6;
	v4 =	vmul.f32 v15, v4;
	v6 =	vld [tilespmem:s30+$0x30]  }
0x178: {  	s3 =	sshra.s32 s4, $0x2;
	v8 =	vmul.f32 v10, v8;
	[tilespmem:s30+$0xFFFFFFD0] =	vst v9;
	v9 =	vld [tilespmem:s30+$0x40]  }
0x179: {  	[tilespmem:s30+$0xFFFFFFE0] =	vst v4;
	v4 =	vmul.f32 v11, v14;
	v10 =	vld [tilespmem:s30+$0x50]  }
0x17a: {  	[tilespmem:s30+$0xFFFFFFB0] =	vst v8;
	v5 =	vmul.f32 v16, v5;
	v8 =	vld [tilespmem:s30+$0x70]  }
0x17b: {  	[tilespmem:s30+$0xFFFFFFF0] =	vst v4;
	v4 =	vmul.f32 v12, v7  }
0x17c: {  	[tilespmem:s30+$0x0] =	vst v5;
	v3 =	vmul.f32 v6, v3;
	v5 =	vbroadcast v2, $0xD  }
0x17d: {  	v2 =	vbroadcast v2, $0xF;
	[tilespmem:s30+$0x20] =	vst v4;
	v4 =	vmul.f32 v9, v17  }
0x17e: {  	[tilespmem:s30+$0x30] =	vst v3;
	v3 =	vmul.f32 v10, v5  }
0x17f: {  	[tilespmem:s30+$0x40] =	vst v4;
	v2 =	vmul.f32 v8, v2  }
0x180: {  	[tilespmem:s30+$0x50] =	vst v3  }
0x181: {  	[tilespmem:s30+$0x70] =	vst v2;
	s30 =	smov.u32 s31  }
0x182: {  	v2 =	vld [tilespmem:s3+$0xF0]  }
.Ltmp10:
0x183: {  	v5 =	vld [tilespmem:s3+$0x50];
	(pc) =	sbr.rel @p0 .LBB2_23-.Ltmp10, $2  }
0x184: {  	_ =	sdelay $0x2  }
0x185: {  	v4 =	vbroadcast v2, $0x6;
	v3 =	vbroadcast v2, $0xB  }
0x186: {  	v5 =	vsub.s32 v5, v0  }
0x187: {  	v5 =	vmin.u32 v5, $0xC380  }
0x188: {  	[tilespmem:s3+$0xA0] =	vst v5  }
0x189: {  	v5 =	vld [tilespmem:s30+$0xFFFFFF80]  }
0x18a: {  	v6 =	vld [tilespmem:s30+$0x60]  }
0x18b: {  	v7 =	vld [tilespmem:s30+$0xFFFFFF90]  }
0x18c: {  	v8 =	vbroadcast v2, $0x0;
	v10 =	vld [tilespmem:s30+$0x10]  }
0x18d: {  	v11 =	vbroadcast v2, $0xE;
	v41 =	vbroadcast v2, $0x1;
	v12 =	vld [tilespmem:s30+$0xFFFFFFC0]  }
0x18e: {  	v14 =	vbroadcast v2, $0x9;
	v13 =	vld [tilespmem:s30+$0xFFFFFFD0];
	v5 =	vmul.f32 v8, v5  }
0x18f: {  	v43 =	vbroadcast v2, $0x2;
	v42 =	vld [tilespmem:s30+$0xFFFFFFE0];
	v6 =	vmul.f32 v6, v11  }
0x190: {  	v15 =	vbroadcast v2, $0x4;
	v44 =	vld [tilespmem:s30+$0xFFFFFFB0];
	v7 =	vmul.f32 v7, v41;
	[tilespmem:s30+$0xFFFFFF80] =	vst v5  }
0x191: {  	v46 =	vbroadcast v2, $0x5;
	v45 =	vld [tilespmem:s30+$0xFFFFFFF0];
	v10 =	vmul.f32 v10, v14;
	[tilespmem:s30+$0x60] =	vst v6  }
0x192: {  	v49 =	vbroadcast v2, $0x3;
	v51 =	vld [tilespmem:s30+$0x20];
	v48 =	vmul.f32 v12, v15;
	[tilespmem:s30+$0xFFFFFF90] =	vst v7  }
0x193: {  	v52 =	vbroadcast v2, $0x7;
	v53 =	vld [tilespmem:s30+$0x30];
	v50 =	vmul.f32 v13, v46;
	[tilespmem:s30+$0x10] =	vst v10  }
0x194: {  	v54 =	vbroadcast v2, $0x8;
	v55 =	vld [tilespmem:s30+$0x40];
	v4 =	vmul.f32 v42, v4;
	[tilespmem:s30+$0xFFFFFFC0] =	vst v48  }
0x195: {  	v56 =	vbroadcast v2, $0xA;
	v59 =	vld [tilespmem:s30+$0x70];
	v8 =	vmul.f32 v44, v49;
	[tilespmem:s30+$0xFFFFFFD0] =	vst v50  }
0x196: {  	v60 =	vbroadcast v2, $0xC;
	v9 =	vld [tilespmem:s30+$0xFFFFFFA0];
	v57 =	vmul.f32 v45, v52;
	[tilespmem:s30+$0xFFFFFFE0] =	vst v4  }
0x197: {  	v62 =	vbroadcast v2, $0xD;
	v47 =	vld [tilespmem:s30+$0x0];
	v61 =	vmul.f32 v51, v56;
	[tilespmem:s30+$0xFFFFFFB0] =	vst v8  }
0x198: {  	v2 =	vbroadcast v2, $0xF;
	v58 =	vld [tilespmem:s30+$0x50];
	v3 =	vmul.f32 v53, v3;
	[tilespmem:s30+$0xFFFFFFF0] =	vst v57  }
0x199: {  	v63 =	vmul.f32 v55, v60;
	[tilespmem:s30+$0x20] =	vst v61  }
0x19a: {  	v2 =	vmul.f32 v59, v2;
	[tilespmem:s30+$0x30] =	vst v3  }
0x19b: {  	v5 =	vmul.f32 v9, v43;
	[tilespmem:s30+$0x40] =	vst v63  }
0x19c: {  	v7 =	vmul.f32 v47, v54;
	[tilespmem:s30+$0x70] =	vst v2  }
0x19d: {  	s29 =	sadd.s32 $0x1, s29;
	v3 =	vmul.f32 v58, v62;
	[tilespmem:s30+$0xFFFFFFA0] =	vst v5  }
0x19e: {  	p0 =	sne.s32 s29, $0x4E2;
	[tilespmem:s30+$0x0] =	vst v7  }
.Ltmp11:
0x19f: {  	[tilespmem:s30+$0x50] =	vst v3;
	(pc) =	sbr.rel @p0 .LBB2_22-.Ltmp11, $4  }
0x1a0: {  	[spmem:s2] =	stream.indirect.scatter.add.f32 [tilespmem:s23], [sflag:$0x2], $0x10, s25, s21, $0xb8;
	[tilespmem:$0x18E40] =	vst v63  }
0x1a1: {  	_ =	swait.ge [sflag:s20], $0x500  }
0x1a2: {  	[sflag:s20] =	ssyncset.done $0x0  }
0x1a3: {  	[sflag:s20] =	ssyncadd.s32 $0xFFFFFB00  }
0x1a4: {  	[bflag:$0x0] =	sbarrier.arrive $0xFFFF  }
0x1a5: {  	[tilespmem:s19], [sflag:$0x2] =	stream.linear.gather [spmem:s15], $0xC380, $0x38;
	[tilespmem:$0x18E40] =	vst v63  }
0x1a6: {  	s26 =	sadd.s32 $0x1, s26;
	_ =	swait.ge [sflag:s20], $0xC380  }
0x1a7: {  	p0 =	sne.s32 s26, s18;
	[sflag:s20] =	ssyncset.done $0x0  }
.Ltmp12:
0x1a8: {  	s0 =	simm.s32 $0x0;
	[sflag:s20] =	ssyncadd.s32 $0xFFFF3C80;
	(pc) =	sbr.rel @p0 .LBB2_1-.Ltmp12, $4  }
0x1a9: {  	[hbm4b:s17+s0] =	stream.linear.scatter [tilespmem:s19], [sflag:$0x2], $0xC380, $0x38;
	[tilespmem:$0x18E40] =	vst v63  }
0x1aa: {  	_ =	swait.ge [sflag:s20], $0xC380  }
0x1ab: {  	[sflag:s20] =	ssyncset.done $0x0  }
0x1ac: {  	[sflag:s20] =	ssyncadd.s32 $0xFFFF3C80  }
0x1ad: {  	_ =	sfence.sel $0x180000  }
0x1ae: {  	[bflag:$0x0] =	sbarrier.arrive $0xFFFF  }
0x1af: {  	_ =	strace $0x90000050  }
0x1b0: {  	s0 =	stileid.u32;
	[bflag:$0x2] =	sbarrier.arrive $0xFFFF  }
0x1b1: {  	p0 =	sne.s32 s0, $0x0;
	s0 =	rddreg [dreg:$0x3]  }
0x1b2: {  	s0 =	sadd.s32 @!p0 $0x100000, s0  }
0x1b3: {  	[sflag:s0] =	ssyncadd.tile.s32 @!p0 $0x1;
	_ =	shalt  }
.Lfunc_end2:
_tile_overlayer_lowered:
.L_overlay_start_2:
0x1b4: {  	(tag) =	ssettag $0x2  }
0x1b5: {  	s0 =	rddreg [dreg:$0x0];
	s2 =	stileid.u32  }
0x1b6: {  	s1 =	rddreg [dreg:$0x1];
	p0 =	sne.s32 s2, $0x0  }
0x1b7: {  	s3 =	rddreg [dreg:$0x2];
	[bflag:$0x3] =	sbarrier.arrive $0xFFFF;
	s2 =	simm.s32 @!p0 $0x1C02  }
0x1b8: {  	[timem:s3], [sflag:s2] =	dma.local @!p0 [hbm:s0], s1  }
0x1b9: {  	s0 =	simm.s32 @!p0 $0x2  }
0x1ba: {  	_ =	swait.ge @!p0 [sflag:s0], s1  }
0x1bb: {  	s1 =	ssub.s32 @!p0 $0x0, s1;
	[sflag:s0] =	ssyncset.done @!p0 $0x0  }
0x1bc: {  	[sflag:s0] =	ssyncadd.s32 @!p0 s1  }
0x1bd: {  	[bflag:$0x3] =	sbarrier.arrive $0xFFFF  }
0x1be: {  	_ =	shalt  }

</sc_bundles>
